<compile_context>
chip_gen: v7x
topology: tpu7x:2x2x1
jax: 0.10.2.dev20260603
libtpu: 0.0.44.dev20260713+nightly
codegen_flags: <defaults>
</compile_context>

<pallas_src>
import functools

import jax
import jax.numpy as jnp
from jax import lax
from jax.experimental import pallas as pl
from jax.experimental.pallas import tpu as pltpu
from jax.experimental.pallas import tpu_sc as plsc

N = 10000
E = 320000
D = 128

NC = 2
NS = 16
L = 16
L2 = 8
NW = NC * NS
EW = E // NW
C = 80
NCH = EW // C
NB = 5
NBG = 4
NA = 10240
DUMMY = N
ROWS_W = NA // NS

_mesh = None


def _get_mesh():
    global _mesh
    if _mesh is None:
        _mesh = plsc.VectorSubcoreMesh(core_axis_name="c", subcore_axis_name="s")
    return _mesh


def _deg_body(src_hbm, dst_hbm, zt_hbm, degp_hbm, dstp_hbm,
              srcv, dstv, dst16v, ones, deg_sh, lsems, ldsems, ssems, osems):
    c = lax.axis_index("c")
    s = lax.axis_index("s")
    wid = c * NS + s
    base_e = wid * EW

    for g in range(C // L):
        ones[pl.ds(g * L, L)] = jnp.full((L,), 1.0, jnp.float32)
    pltpu.sync_copy(zt_hbm, deg_sh.at[pl.ds(s * ROWS_W * L2, ROWS_W * L2)])
    plsc.subcore_barrier()

    def rounds(i, _):
        k0 = i * NB
        lds = []
        for b in range(NB):
            off = base_e + (k0 + b) * C
            lds.append((
                pltpu.async_copy(src_hbm.at[pl.ds(off, C)], srcv[b], lsems[b]),
                pltpu.async_copy(dst_hbm.at[pl.ds(off, C)], dstv[b], ldsems[b]),
            ))
        sds = []
        for b in range(NB):
            off = base_e + (k0 + b) * C
            lds[b][0].wait()
            lds[b][1].wait()
            for g in range(C // L):
                sv = srcv[b][pl.ds(g * L, L)]
                dv = dstv[b][pl.ds(g * L, L)]
                dm = jnp.where(sv != dv, dv, jnp.full((L,), DUMMY, jnp.int32))
                dstv[b][pl.ds(g * L, L)] = dm
                dst16v[b][pl.ds(g * L, L)] = dm * L2
            sds.append(pltpu.async_copy(ones, deg_sh.at[dst16v[b]], ssems[b],
                                        add=True))
            sds.append(pltpu.async_copy(dstv[b], dstp_hbm.at[pl.ds(off, C)],
                                        osems[b]))
        for sd in sds:
            sd.wait()
        return _

    lax.fori_loop(0, NCH // NB, rounds, None)
    plsc.subcore_barrier()
    pltpu.sync_copy(deg_sh.at[pl.ds(s * ROWS_W * L2, ROWS_W * L2)],
                    degp_hbm.at[pl.ds((c * NA + s * ROWS_W) * L2, ROWS_W * L2)])


def _sc_deg(src, dst, zt):
    def body(src_hbm, dst_hbm, zt_hbm, degp_hbm, dstp_hbm, *scr):
        srcv = list(scr[0:NB])
        dstv = list(scr[NB:2 * NB])
        dst16v = list(scr[2 * NB:3 * NB])
        ones, deg_sh = scr[3 * NB], scr[3 * NB + 1]
        sems = list(scr[3 * NB + 2:])
        lsems, ldsems = sems[0:NB], sems[NB:2 * NB]
        ssems, osems = sems[2 * NB:3 * NB], sems[3 * NB:4 * NB]
        _deg_body(src_hbm, dst_hbm, zt_hbm, degp_hbm, dstp_hbm,
                  srcv, dstv, dst16v, ones, deg_sh, lsems, ldsems, ssems, osems)

    scratch = (
        [pltpu.VMEM((C,), jnp.int32) for _ in range(3 * NB)]
        + [pltpu.VMEM((C,), jnp.float32),
           pltpu.VMEM_SHARED((NA * L2,), jnp.float32)]
        + [pltpu.SemaphoreType.DMA for _ in range(4 * NB)]
    )
    return pl.kernel(
        body,
        out_type=(
            jax.ShapeDtypeStruct((NC * NA * L2,), jnp.float32),
            jax.ShapeDtypeStruct((E,), jnp.int32),
        ),
        mesh=_get_mesh(),
        scratch_types=tuple(scratch),
    )(src, dst, zt)


def _gs_body(with_t, g_hbm, src_hbm, dstp_hbm, r_hbm, zc_hbm, zt_hbm,
             ap_hbm, tp_hbm, srcv, dstv, dst16v, rvals, grows, a_sh, t_sh,
             lsems, ldsems, gsems, rsems, ssems, tsems):
    c = lax.axis_index("c")
    s = lax.axis_index("s")
    wid = c * NS + s
    base_e = wid * EW

    if with_t:
        pltpu.sync_copy(zt_hbm, t_sh.at[pl.ds(s * ROWS_W * L2, ROWS_W * L2)])
    pltpu.sync_copy(zc_hbm, a_sh.at[pl.ds(s * ROWS_W, ROWS_W)])
    plsc.subcore_barrier()

    def run_batch(k0, nb):
        lds = []
        for b in range(nb):
            off = base_e + (k0 + b) * C
            lds.append((
                pltpu.async_copy(src_hbm.at[pl.ds(off, C)], srcv[b], lsems[b]),
                pltpu.async_copy(dstp_hbm.at[pl.ds(off, C)], dstv[b], ldsems[b]),
            ))
        gds = []
        for b in range(nb):
            lds[b][0].wait()
            lds[b][1].wait()
            gd = [pltpu.async_copy(g_hbm.at[srcv[b]], grows[b], gsems[b])]
            if with_t:
                gd.append(pltpu.async_copy(r_hbm.at[srcv[b]], rvals[b], rsems[b]))
                for g in range(C // L):
                    dst16v[b][pl.ds(g * L, L)] = dstv[b][pl.ds(g * L, L)] * L2
            gds.append(gd)
        sds = []
        for b in range(nb):
            for gd in gds[b]:
                gd.wait()
            sds.append(pltpu.async_copy(grows[b], a_sh.at[dstv[b]], ssems[b],
                                        add=True))
            if with_t:
                sds.append(pltpu.async_copy(rvals[b], t_sh.at[dst16v[b]],
                                            tsems[b], add=True))
        for sd in sds:
            sd.wait()

    def rounds(i, _):
        run_batch(i * NBG, NBG)
        return _

    lax.fori_loop(0, NCH // NBG, rounds, None)
    for kt in range(NCH - (NCH // NBG) * NBG):
        run_batch((NCH // NBG) * NBG + kt, 1)
    plsc.subcore_barrier()
    pltpu.sync_copy(a_sh.at[pl.ds(s * ROWS_W, ROWS_W)],
                    ap_hbm.at[pl.ds(c * NA + s * ROWS_W, ROWS_W)])
    if with_t:
        pltpu.sync_copy(t_sh.at[pl.ds(s * ROWS_W * L2, ROWS_W * L2)],
                        tp_hbm.at[pl.ds((c * NA + s * ROWS_W) * L2, ROWS_W * L2)])


def _sc_gs(gtab, src, dstp, rflat, zc, zt, with_t):
    out_type = [jax.ShapeDtypeStruct((NC * NA, D), jnp.float32)]
    if with_t:
        out_type.append(jax.ShapeDtypeStruct((NC * NA * L2,), jnp.float32))
    else:
        out_type.append(jax.ShapeDtypeStruct((8 * L,), jnp.float32))

    def body(g_hbm, src_hbm, dstp_hbm, r_hbm, zc_hbm, zt_hbm,
             ap_hbm, tp_hbm, *scr):
        srcv = list(scr[0:NBG])
        dstv = list(scr[NBG:2 * NBG])
        dst16v = list(scr[2 * NBG:3 * NBG])
        rvals = list(scr[3 * NBG:4 * NBG])
        grows = list(scr[4 * NBG:5 * NBG])
        a_sh, t_sh = scr[5 * NBG], scr[5 * NBG + 1]
        sems = list(scr[5 * NBG + 2:])
        lsems, ldsems = sems[0:NBG], sems[NBG:2 * NBG]
        gsems, rsems = sems[2 * NBG:3 * NBG], sems[3 * NBG:4 * NBG]
        ssems, tsems = sems[4 * NBG:5 * NBG], sems[5 * NBG:6 * NBG]
        _gs_body(with_t, g_hbm, src_hbm, dstp_hbm, r_hbm, zc_hbm, zt_hbm,
                 ap_hbm, tp_hbm, srcv, dstv, dst16v, rvals, grows, a_sh, t_sh,
                 lsems, ldsems, gsems, rsems, ssems, tsems)

    scratch = (
        [pltpu.VMEM((C,), jnp.int32) for _ in range(NBG)]
        + [pltpu.VMEM((C,), jnp.int32) for _ in range(NBG)]
        + [pltpu.VMEM((C,), jnp.int32) for _ in range(NBG)]
        + [pltpu.VMEM((C,), jnp.float32) for _ in range(NBG)]
        + [pltpu.VMEM((C, D), jnp.float32) for _ in range(NBG)]
        + [pltpu.VMEM_SHARED((NA, D), jnp.float32),
           pltpu.VMEM_SHARED((NA * L2,), jnp.float32)]
        + [pltpu.SemaphoreType.DMA for _ in range(6 * NBG)]
    )
    return pl.kernel(
        body,
        out_type=tuple(out_type),
        mesh=_get_mesh(),
        scratch_types=tuple(scratch),
    )(gtab, src, dstp, rflat, zc, zt)


BN = 256
GRID = NA // BN


def _prep_kernel(dega_ref, degb_ref, feat_ref, g0_ref, r16_ref, o384_ref):
    deg = (jnp.sum(dega_ref[...], axis=1, keepdims=True)
           + jnp.sum(degb_ref[...], axis=1, keepdims=True))
    r = lax.rsqrt(jnp.maximum(deg, 1.0))
    f = feat_ref[...]
    g0_ref[...] = r * f
    cols = lax.broadcasted_iota(jnp.int32, (BN, L), 1)
    r16_ref[...] = jnp.where(cols == 0, r, 0.0)
    o384_ref[...] = f


def _tc_prep(degp, feat):
    return pl.pallas_call(
        _prep_kernel,
        grid=(GRID,),
        in_specs=[
            pl.BlockSpec((BN, L2), lambda i: (i, 0)),
            pl.BlockSpec((BN, L2), lambda i: (i + GRID, 0)),
            pl.BlockSpec((BN, D), lambda i: (i, 0)),
        ],
        out_specs=[
            pl.BlockSpec((BN, D), lambda i: (i, 0)),
            pl.BlockSpec((BN, L), lambda i: (i, 0)),
            pl.BlockSpec((BN, D), lambda i: (i, 0)),
        ],
        out_shape=[
            jax.ShapeDtypeStruct((NA, D), jnp.float32),
            jax.ShapeDtypeStruct((NA, L), jnp.float32),
            jax.ShapeDtypeStruct((N, 3 * D), jnp.float32),
        ],
    )(degp, degp, feat)


def _dense_kernel(leaky, with_g, aa_ref, ab_ref, ta_ref, tb_ref, r16_ref,
                  h_ref, w1_ref, b1_ref, w2_ref, b2_ref, o384_in_ref,
                  *out_refs):
    del o384_in_ref
    r = jnp.sum(r16_ref[...], axis=1, keepdims=True)
    t = (jnp.sum(ta_ref[...], axis=1, keepdims=True)
         + jnp.sum(tb_ref[...], axis=1, keepdims=True))
    a = r * (aa_ref[...] + ab_ref[...])
    s = r * t
    h = h_ref[...]
    b1 = b1_ref[...]
    b2 = b2_ref[...]
    out = (jnp.dot(a + h, w1_ref[...], preferred_element_type=jnp.float32)
           + jnp.dot(a * h, w2_ref[...], preferred_element_type=jnp.float32)
           + b1 + s * (b1 + b2))
    if leaky:
        out = jnp.where(out > 0, out, 0.01 * out)
    out_refs[0][...] = out
    if with_g:
        out_refs[1][...] = out
        out_refs[2][...] = r * out


def _tc_dense(ap, tp, r16, h, w1, b1, w2, b2, o384, leaky, with_g, col):
    out_specs = [pl.BlockSpec((BN, D), lambda i, c=col: (i, c))]
    out_shape = [jax.ShapeDtypeStruct((N, 3 * D), jnp.float32)]
    if with_g:
        out_specs.append(pl.BlockSpec((BN, D), lambda i: (i, 0)))
        out_shape.append(jax.ShapeDtypeStruct((NA, D), jnp.float32))
        out_specs.append(pl.BlockSpec((BN, D), lambda i: (i, 0)))
        out_shape.append(jax.ShapeDtypeStruct((NA, D), jnp.float32))
    return pl.pallas_call(
        functools.partial(_dense_kernel, leaky, with_g),
        grid=(GRID,),
        in_specs=[
            pl.BlockSpec((BN, D), lambda i: (i, 0)),
            pl.BlockSpec((BN, D), lambda i: (i + GRID, 0)),
            pl.BlockSpec((BN, L2), lambda i: (i, 0)),
            pl.BlockSpec((BN, L2), lambda i: (i + GRID, 0)),
            pl.BlockSpec((BN, L), lambda i: (i, 0)),
            pl.BlockSpec((BN, D), lambda i: (i, 0)),
            pl.BlockSpec((D, D), lambda i: (0, 0)),
            pl.BlockSpec((1, D), lambda i: (0, 0)),
            pl.BlockSpec((D, D), lambda i: (0, 0)),
            pl.BlockSpec((1, D), lambda i: (0, 0)),
            pl.BlockSpec(memory_space=pl.ANY),
        ],
        out_specs=out_specs,
        out_shape=out_shape,
        input_output_aliases={10: 0},
    )(ap, ap, tp, tp, r16, h, w1, b1, w2, b2, o384)


def kernel(features, edge_index, W1_0, b1_0, W2_0, b2_0, W1_1, b1_1, W2_1, b2_1):
    src = edge_index[0]
    dst = edge_index[1]
    zc = jnp.zeros((ROWS_W, D), jnp.float32)
    zt = jnp.zeros((ROWS_W * L2,), jnp.float32)

    degp, dstp = _sc_deg(src, dst, zt)
    g0, r16, o384 = _tc_prep(degp.reshape(NC * NA, L2), features)
    rflat = r16[:, 0]

    ap0, tp = _sc_gs(g0, src, dstp, rflat, zc, zt, with_t=True)
    tp = tp.reshape(NC * NA, L2)
    o384, h1, g1 = _tc_dense(ap0, tp, r16, features,
                             W1_0, b1_0.reshape(1, D), W2_0, b2_0.reshape(1, D),
                             o384, leaky=True, with_g=True, col=1)
    ap1, _unused = _sc_gs(g1, src, dstp, rflat, zc, zt, with_t=False)
    (o384,) = _tc_dense(ap1, tp, r16, h1,
                        W1_1, b1_1.reshape(1, D), W2_1, b2_1.reshape(1, D),
                        o384, leaky=False, with_g=False, col=2)

    return o384

# --- scband reference (transcript-rebuilt; emitter-appended) ---
"""Pipeline reference for scband-ngcf-18726057411194 (READ-ONLY COPY).

The authoritative reference and input builder live on the scoring server;
editing this copy changes nothing except your own understanding.
"""

import jax, jax.numpy as jnp
import numpy as np

N = 10000
E = 320000
D = 128


def setup_inputs(seed: int = 0) -> dict:
    key = jax.random.key(seed)
    ks = jax.random.split(key, 12)
    features = jax.random.normal(ks[0], (N, D), dtype=jnp.float32)
    edge_index = jax.random.randint(ks[1], (2, E), 0, N, dtype=jnp.int32)
    s = 1.0 / np.sqrt(D)
    W1_0 = jax.random.normal(ks[2], (D, D), dtype=jnp.float32) * s
    b1_0 = jnp.zeros((D,), dtype=jnp.float32)
    W2_0 = jax.random.normal(ks[3], (D, D), dtype=jnp.float32) * s
    b2_0 = jnp.zeros((D,), dtype=jnp.float32)
    W1_1 = jax.random.normal(ks[4], (D, D), dtype=jnp.float32) * s
    b1_1 = jnp.zeros((D,), dtype=jnp.float32)
    W2_1 = jax.random.normal(ks[5], (D, D), dtype=jnp.float32) * s
    b2_1 = jnp.zeros((D,), dtype=jnp.float32)
    return {"features": features, "edge_index": edge_index,
            "W1_0": W1_0, "b1_0": b1_0, "W2_0": W2_0, "b2_0": b2_0,
            "W1_1": W1_1, "b1_1": b1_1, "W2_1": W2_1, "b2_1": b2_1}


def _leaky_relu(x):
    return jnp.where(x > 0, x, 0.01 * x)


def _ngcf_conv(h, src, dst, maskf, n_nodes, W1, b1, W2, b2, activation):
    # NGCF message: m_{j->i} = norm * (W1 h_j + W2 (h_j * h_i)); self: W1 h_i
    deg = jnp.zeros((n_nodes,), h.dtype).at[dst].add(maskf)
    deg = jnp.clip(deg, 1.0, None)
    norm = 1.0 / jnp.sqrt(deg[src] * deg[dst])
    hj = jnp.take(h, src, axis=0)
    hi = jnp.take(h, dst, axis=0)
    msg = (hj @ W1 + b1) + ((hj * hi) @ W2 + b2)
    msg = msg * (norm * maskf)[:, None]
    agg = jnp.zeros((n_nodes, W1.shape[1]), h.dtype).at[dst].add(msg)
    out = agg + (h @ W1 + b1)
    return activation(out)


def reference(features, edge_index, W1_0, b1_0, W2_0, b2_0, W1_1, b1_1, W2_1, b2_1):
    n_nodes = features.shape[0]
    src = edge_index[0]
    dst = edge_index[1]
    # dgl.remove_self_loop: drop edges where src == dst
    maskf = (src != dst).astype(features.dtype)
    outputs = [features]
    h = _ngcf_conv(features, src, dst, maskf, n_nodes, W1_0, b1_0, W2_0, b2_0, _leaky_relu)
    outputs.append(h)
    h = _ngcf_conv(h, src, dst, maskf, n_nodes, W1_1, b1_1, W2_1, b2_1, lambda x: x)
    outputs.append(h)
    return jnp.concatenate(outputs, axis=-1)

if __name__ == "__main__":
    import jax
    _d = setup_inputs()
    print(jax.jit(kernel)(*tuple(_d.values())))

</pallas_src>

<mosaic_0001>
#map = affine_map<(d0, d1) -> (0, 0)>
#map1 = affine_map<(d0, d1) -> (0)>
module attributes {stable_mosaic.version = 14 : i64} {
  func.func @body(%arg0: i32, %arg1: i32, %arg2: memref<10240x128xf32, #tpu.memory_space<hbm>>, %arg3: memref<320000xi32, #tpu.memory_space<hbm>>, %arg4: memref<320000xi32, #tpu.memory_space<hbm>>, %arg5: memref<10240xf32, #tpu.memory_space<hbm>>, %arg6: memref<640x128xf32, #tpu.memory_space<hbm>>, %arg7: memref<5120xf32, #tpu.memory_space<hbm>>, %arg8: memref<20480x128xf32, #tpu.memory_space<hbm>>, %arg9: memref<163840xf32, #tpu.memory_space<hbm>>, %arg10: memref<80xi32, #tpu.memory_space<vmem>>, %arg11: memref<80xi32, #tpu.memory_space<vmem>>, %arg12: memref<80xi32, #tpu.memory_space<vmem>>, %arg13: memref<80xi32, #tpu.memory_space<vmem>>, %arg14: memref<80xi32, #tpu.memory_space<vmem>>, %arg15: memref<80xi32, #tpu.memory_space<vmem>>, %arg16: memref<80xi32, #tpu.memory_space<vmem>>, %arg17: memref<80xi32, #tpu.memory_space<vmem>>, %arg18: memref<80xi32, #tpu.memory_space<vmem>>, %arg19: memref<80xi32, #tpu.memory_space<vmem>>, %arg20: memref<80xi32, #tpu.memory_space<vmem>>, %arg21: memref<80xi32, #tpu.memory_space<vmem>>, %arg22: memref<80xf32, #tpu.memory_space<vmem>>, %arg23: memref<80xf32, #tpu.memory_space<vmem>>, %arg24: memref<80xf32, #tpu.memory_space<vmem>>, %arg25: memref<80xf32, #tpu.memory_space<vmem>>, %arg26: memref<80x128xf32, #tpu.memory_space<vmem>>, %arg27: memref<80x128xf32, #tpu.memory_space<vmem>>, %arg28: memref<80x128xf32, #tpu.memory_space<vmem>>, %arg29: memref<80x128xf32, #tpu.memory_space<vmem>>, %arg30: memref<10240x128xf32, #tpu.memory_space<vmem_shared>>, %arg31: memref<81920xf32, #tpu.memory_space<vmem_shared>>, %arg32: memref<!tpu.dma_semaphore, #tpu.memory_space<semaphore_mem>>, %arg33: memref<!tpu.dma_semaphore, #tpu.memory_space<semaphore_mem>>, %arg34: memref<!tpu.dma_semaphore, #tpu.memory_space<semaphore_mem>>, %arg35: memref<!tpu.dma_semaphore, #tpu.memory_space<semaphore_mem>>, %arg36: memref<!tpu.dma_semaphore, #tpu.memory_space<semaphore_mem>>, %arg37: memref<!tpu.dma_semaphore, #tpu.memory_space<semaphore_mem>>, %arg38: memref<!tpu.dma_semaphore, #tpu.memory_space<semaphore_mem>>, %arg39: memref<!tpu.dma_semaphore, #tpu.memory_space<semaphore_mem>>, %arg40: memref<!tpu.dma_semaphore, #tpu.memory_space<semaphore_mem>>, %arg41: memref<!tpu.dma_semaphore, #tpu.memory_space<semaphore_mem>>, %arg42: memref<!tpu.dma_semaphore, #tpu.memory_space<semaphore_mem>>, %arg43: memref<!tpu.dma_semaphore, #tpu.memory_space<semaphore_mem>>, %arg44: memref<!tpu.dma_semaphore, #tpu.memory_space<semaphore_mem>>, %arg45: memref<!tpu.dma_semaphore, #tpu.memory_space<semaphore_mem>>, %arg46: memref<!tpu.dma_semaphore, #tpu.memory_space<semaphore_mem>>, %arg47: memref<!tpu.dma_semaphore, #tpu.memory_space<semaphore_mem>>, %arg48: memref<!tpu.dma_semaphore, #tpu.memory_space<semaphore_mem>>, %arg49: memref<!tpu.dma_semaphore, #tpu.memory_space<semaphore_mem>>, %arg50: memref<!tpu.dma_semaphore, #tpu.memory_space<semaphore_mem>>, %arg51: memref<!tpu.dma_semaphore, #tpu.memory_space<semaphore_mem>>, %arg52: memref<!tpu.dma_semaphore, #tpu.memory_space<semaphore_mem>>, %arg53: memref<!tpu.dma_semaphore, #tpu.memory_space<semaphore_mem>>, %arg54: memref<!tpu.dma_semaphore, #tpu.memory_space<semaphore_mem>>, %arg55: memref<!tpu.dma_semaphore, #tpu.memory_space<semaphore_mem>>) attributes {dimension_semantics = [#tpu.dimension_semantics<core_parallel>, #tpu.dimension_semantics<subcore_parallel>], iteration_bounds = array<i64: 2, 16>, scalar_prefetch = 0 : i64, scratch_operands = 46 : i64, tpu.core_type = #tpu.core_type<sc_vector_subcore>, window_params = [{transform_indices = #map}, {transform_indices = #map1}, {transform_indices = #map1}, {transform_indices = #map1}, {transform_indices = #map}, {transform_indices = #map1}, {transform_indices = #map}, {transform_indices = #map1}]} {
    %mul3A = arith.constant 16 : i32
    %mul3A_0 = arith.muli %arg0, %mul3A : i32
    %add3A = arith.addi %mul3A_0, %arg1 : i32
    %mul3A_1 = arith.constant 10000 : i32
    %mul3A_2 = arith.muli %add3A, %mul3A_1 : i32
    %mul3A_3 = arith.constant 640 : i32
    %mul3A_4 = arith.muli %arg1, %mul3A_3 : i32
    %mul3A_5 = arith.constant 8 : i32
    %mul3A_6 = arith.muli %mul3A_4, %mul3A_5 : i32
    "tpu.region"() ({
      %run_scoped3A = tpu.sem_alloc : memref<!tpu.dma_semaphore, #tpu.memory_space<semaphore_mem>>
      %dma_start3A_108 = tpu.memref_slice %arg31[%mul3A_6] : memref<81920xf32, #tpu.memory_space<vmem_shared>> -> memref<5120xf32, #tpu.memory_space<vmem_shared>>
      tpu.enqueue_dma source(%arg7 : memref<5120xf32, #tpu.memory_space<hbm>>) target(%dma_start3A_108 : memref<5120xf32, #tpu.memory_space<vmem_shared>>) target_semaphore(%run_scoped3A : memref<!tpu.dma_semaphore, #tpu.memory_space<semaphore_mem>>)
      %dma_wait3A_109 = tpu.memref_slice %arg31[%mul3A_6] : memref<81920xf32, #tpu.memory_space<vmem_shared>> -> memref<5120xf32, #tpu.memory_space<vmem_shared>>
      tpu.wait_dma2 semaphore(%run_scoped3A : memref<!tpu.dma_semaphore, #tpu.memory_space<semaphore_mem>>) src(%arg7 : memref<5120xf32, #tpu.memory_space<hbm>>) dst(%dma_wait3A_109 : memref<5120xf32, #tpu.memory_space<vmem_shared>>)
      tpu.yield
    }) : () -> ()
    %mul3A_7 = arith.constant 640 : i32
    %mul3A_8 = arith.muli %arg1, %mul3A_7 : i32
    "tpu.region"() ({
      %run_scoped3A = tpu.sem_alloc : memref<!tpu.dma_semaphore, #tpu.memory_space<semaphore_mem>>
      %dma_start3A_108 = arith.constant 0 : i32
      %dma_start3A_109 = tpu.memref_slice %arg30[%mul3A_8, %dma_start3A_108] : memref<10240x128xf32, #tpu.memory_space<vmem_shared>> -> memref<640x128xf32, #tpu.memory_space<vmem_shared>>
      tpu.enqueue_dma source(%arg6 : memref<640x128xf32, #tpu.memory_space<hbm>>) target(%dma_start3A_109 : memref<640x128xf32, #tpu.memory_space<vmem_shared>>) target_semaphore(%run_scoped3A : memref<!tpu.dma_semaphore, #tpu.memory_space<semaphore_mem>>)
      %dma_wait3A_110 = arith.constant 0 : i32
      %dma_wait3A_111 = tpu.memref_slice %arg30[%mul3A_8, %dma_wait3A_110] : memref<10240x128xf32, #tpu.memory_space<vmem_shared>> -> memref<640x128xf32, #tpu.memory_space<vmem_shared>>
      tpu.wait_dma2 semaphore(%run_scoped3A : memref<!tpu.dma_semaphore, #tpu.memory_space<semaphore_mem>>) src(%arg6 : memref<640x128xf32, #tpu.memory_space<hbm>>) dst(%dma_wait3A_111 : memref<640x128xf32, #tpu.memory_space<vmem_shared>>)
      tpu.yield
    }) : () -> ()
    %barrier3A = arith.constant 0 : index
    tpu.barrier barrier_id(%barrier3A)
    %scan3A = arith.constant 0 : i32
    %scan3A_9 = arith.constant 31 : i32
    %scan3A_10 = arith.addi %scan3A, %scan3A_9 : i32
    %scan3A_11 = arith.constant 1 : i32
    scf.for %scan3A_108 = %scan3A to %scan3A_10 step %scan3A_11  : i32 {
      %mul3A_109 = arith.constant 4 : i32
      %mul3A_110 = arith.muli %scan3A_108, %mul3A_109 : i32
      %add3A_111 = arith.constant 0 : i32
      %add3A_112 = arith.addi %mul3A_110, %add3A_111 : i32
      %mul3A_113 = arith.constant 80 : i32
      %mul3A_114 = arith.muli %add3A_112, %mul3A_113 : i32
      %add3A_115 = arith.addi %mul3A_2, %mul3A_114 : i32
      %dma_start3A_116 = tpu.memref_slice %arg3[%add3A_115] : memref<320000xi32, #tpu.memory_space<hbm>> -> memref<80xi32, #tpu.memory_space<hbm>>
      %dma_start3A_117 = tpu.memref_slice %arg3[%add3A_115] : memref<320000xi32, #tpu.memory_space<hbm>> -> memref<80xi32, #tpu.memory_space<hbm>>
      tpu.enqueue_dma source(%dma_start3A_117 : memref<80xi32, #tpu.memory_space<hbm>>) target(%arg10 : memref<80xi32, #tpu.memory_space<vmem>>) target_semaphore(%arg32 : memref<!tpu.dma_semaphore, #tpu.memory_space<semaphore_mem>>)
      %dma_start3A_118 = tpu.memref_slice %arg4[%add3A_115] : memref<320000xi32, #tpu.memory_space<hbm>> -> memref<80xi32, #tpu.memory_space<hbm>>
      %dma_start3A_119 = tpu.memref_slice %arg4[%add3A_115] : memref<320000xi32, #tpu.memory_space<hbm>> -> memref<80xi32, #tpu.memory_space<hbm>>
      tpu.enqueue_dma source(%dma_start3A_119 : memref<80xi32, #tpu.memory_space<hbm>>) target(%arg14 : memref<80xi32, #tpu.memory_space<vmem>>) target_semaphore(%arg36 : memref<!tpu.dma_semaphore, #tpu.memory_space<semaphore_mem>>)
      %add3A_120 = arith.constant 1 : i32
      %add3A_121 = arith.addi %mul3A_110, %add3A_120 : i32
      %mul3A_122 = arith.constant 80 : i32
      %mul3A_123 = arith.muli %add3A_121, %mul3A_122 : i32
      %add3A_124 = arith.addi %mul3A_2, %mul3A_123 : i32
      %dma_start3A_125 = tpu.memref_slice %arg3[%add3A_124] : memref<320000xi32, #tpu.memory_space<hbm>> -> memref<80xi32, #tpu.memory_space<hbm>>
      %dma_start3A_126 = tpu.memref_slice %arg3[%add3A_124] : memref<320000xi32, #tpu.memory_space<hbm>> -> memref<80xi32, #tpu.memory_space<hbm>>
      tpu.enqueue_dma source(%dma_start3A_126 : memref<80xi32, #tpu.memory_space<hbm>>) target(%arg11 : memref<80xi32, #tpu.memory_space<vmem>>) target_semaphore(%arg33 : memref<!tpu.dma_semaphore, #tpu.memory_space<semaphore_mem>>)
      %dma_start3A_127 = tpu.memref_slice %arg4[%add3A_124] : memref<320000xi32, #tpu.memory_space<hbm>> -> memref<80xi32, #tpu.memory_space<hbm>>
      %dma_start3A_128 = tpu.memref_slice %arg4[%add3A_124] : memref<320000xi32, #tpu.memory_space<hbm>> -> memref<80xi32, #tpu.memory_space<hbm>>
      tpu.enqueue_dma source(%dma_start3A_128 : memref<80xi32, #tpu.memory_space<hbm>>) target(%arg15 : memref<80xi32, #tpu.memory_space<vmem>>) target_semaphore(%arg37 : memref<!tpu.dma_semaphore, #tpu.memory_space<semaphore_mem>>)
      %add3A_129 = arith.constant 2 : i32
      %add3A_130 = arith.addi %mul3A_110, %add3A_129 : i32
      %mul3A_131 = arith.constant 80 : i32
      %mul3A_132 = arith.muli %add3A_130, %mul3A_131 : i32
      %add3A_133 = arith.addi %mul3A_2, %mul3A_132 : i32
      %dma_start3A_134 = tpu.memref_slice %arg3[%add3A_133] : memref<320000xi32, #tpu.memory_space<hbm>> -> memref<80xi32, #tpu.memory_space<hbm>>
      %dma_start3A_135 = tpu.memref_slice %arg3[%add3A_133] : memref<320000xi32, #tpu.memory_space<hbm>> -> memref<80xi32, #tpu.memory_space<hbm>>
      tpu.enqueue_dma source(%dma_start3A_135 : memref<80xi32, #tpu.memory_space<hbm>>) target(%arg12 : memref<80xi32, #tpu.memory_space<vmem>>) target_semaphore(%arg34 : memref<!tpu.dma_semaphore, #tpu.memory_space<semaphore_mem>>)
      %dma_start3A_136 = tpu.memref_slice %arg4[%add3A_133] : memref<320000xi32, #tpu.memory_space<hbm>> -> memref<80xi32, #tpu.memory_space<hbm>>
      %dma_start3A_137 = tpu.memref_slice %arg4[%add3A_133] : memref<320000xi32, #tpu.memory_space<hbm>> -> memref<80xi32, #tpu.memory_space<hbm>>
      tpu.enqueue_dma source(%dma_start3A_137 : memref<80xi32, #tpu.memory_space<hbm>>) target(%arg16 : memref<80xi32, #tpu.memory_space<vmem>>) target_semaphore(%arg38 : memref<!tpu.dma_semaphore, #tpu.memory_space<semaphore_mem>>)
      %add3A_138 = arith.constant 3 : i32
      %add3A_139 = arith.addi %mul3A_110, %add3A_138 : i32
      %mul3A_140 = arith.constant 80 : i32
      %mul3A_141 = arith.muli %add3A_139, %mul3A_140 : i32
      %add3A_142 = arith.addi %mul3A_2, %mul3A_141 : i32
      %dma_start3A_143 = tpu.memref_slice %arg3[%add3A_142] : memref<320000xi32, #tpu.memory_space<hbm>> -> memref<80xi32, #tpu.memory_space<hbm>>
      %dma_start3A_144 = tpu.memref_slice %arg3[%add3A_142] : memref<320000xi32, #tpu.memory_space<hbm>> -> memref<80xi32, #tpu.memory_space<hbm>>
      tpu.enqueue_dma source(%dma_start3A_144 : memref<80xi32, #tpu.memory_space<hbm>>) target(%arg13 : memref<80xi32, #tpu.memory_space<vmem>>) target_semaphore(%arg35 : memref<!tpu.dma_semaphore, #tpu.memory_space<semaphore_mem>>)
      %dma_start3A_145 = tpu.memref_slice %arg4[%add3A_142] : memref<320000xi32, #tpu.memory_space<hbm>> -> memref<80xi32, #tpu.memory_space<hbm>>
      %dma_start3A_146 = tpu.memref_slice %arg4[%add3A_142] : memref<320000xi32, #tpu.memory_space<hbm>> -> memref<80xi32, #tpu.memory_space<hbm>>
      tpu.enqueue_dma source(%dma_start3A_146 : memref<80xi32, #tpu.memory_space<hbm>>) target(%arg17 : memref<80xi32, #tpu.memory_space<vmem>>) target_semaphore(%arg39 : memref<!tpu.dma_semaphore, #tpu.memory_space<semaphore_mem>>)
      %dma_wait3A_147 = tpu.memref_slice %arg3[%add3A_115] : memref<320000xi32, #tpu.memory_space<hbm>> -> memref<80xi32, #tpu.memory_space<hbm>>
      %dma_wait3A_148 = tpu.memref_slice %arg3[%add3A_115] : memref<320000xi32, #tpu.memory_space<hbm>> -> memref<80xi32, #tpu.memory_space<hbm>>
      tpu.wait_dma2 semaphore(%arg32 : memref<!tpu.dma_semaphore, #tpu.memory_space<semaphore_mem>>) src(%dma_wait3A_148 : memref<80xi32, #tpu.memory_space<hbm>>) dst(%arg10 : memref<80xi32, #tpu.memory_space<vmem>>)
      %dma_wait3A_149 = tpu.memref_slice %arg4[%add3A_115] : memref<320000xi32, #tpu.memory_space<hbm>> -> memref<80xi32, #tpu.memory_space<hbm>>
      %dma_wait3A_150 = tpu.memref_slice %arg4[%add3A_115] : memref<320000xi32, #tpu.memory_space<hbm>> -> memref<80xi32, #tpu.memory_space<hbm>>
      tpu.wait_dma2 semaphore(%arg36 : memref<!tpu.dma_semaphore, #tpu.memory_space<semaphore_mem>>) src(%dma_wait3A_150 : memref<80xi32, #tpu.memory_space<hbm>>) dst(%arg14 : memref<80xi32, #tpu.memory_space<vmem>>)
      %dma_start3A_151 = arith.constant 0 : i32
      %dma_start3A_152 = arith.constant 0 : i32
      %dma_start3A_153 = tpu.memref_slice %arg2[%dma_start3A_151, %dma_start3A_152] : memref<10240x128xf32, #tpu.memory_space<hbm>> -> memref<10240x128xf32, #tpu.memory_space<hbm>>
      tpu.enqueue_indirect_dma source(%dma_start3A_153 : memref<10240x128xf32, #tpu.memory_space<hbm>>) target(%arg26 : memref<80x128xf32, #tpu.memory_space<vmem>>) offsets(%arg10 : memref<80xi32, #tpu.memory_space<vmem>>) semaphore(%arg40 : memref<!tpu.dma_semaphore, #tpu.memory_space<semaphore_mem>>)
      %dma_start3A_154 = arith.constant 0 : i32
      %dma_start3A_155 = tpu.memref_slice %arg5[%dma_start3A_154] : memref<10240xf32, #tpu.memory_space<hbm>> -> memref<10240xf32, #tpu.memory_space<hbm>>
      tpu.enqueue_indirect_dma source(%dma_start3A_155 : memref<10240xf32, #tpu.memory_space<hbm>>) target(%arg22 : memref<80xf32, #tpu.memory_space<vmem>>) offsets(%arg10 : memref<80xi32, #tpu.memory_space<vmem>>) semaphore(%arg44 : memref<!tpu.dma_semaphore, #tpu.memory_space<semaphore_mem>>)
      %get3A_156 = arith.constant 0 : index
      %get3A_157 = tpu.vector_load %arg14[%get3A_156] {strides = array<i32>} : memref<80xi32, #tpu.memory_space<vmem>>, vector<16xi32>,
      %get3A_158 = vector.shape_cast %get3A_157 : vector<16xi32> to vector<16xi32>
      %mul3A_159 = arith.constant 8 : i32
      %mul3A_160 = vector.broadcast %mul3A_159 : i32 to vector<16xi32>
      %mul3A_161 = arith.muli %get3A_158, %mul3A_160 : vector<16xi32>
      %swap3A_162 = arith.constant 0 : index
      %swap3A_163 = tpu.vector_load %arg18[%swap3A_162] {strides = array<i32>} : memref<80xi32, #tpu.memory_space<vmem>>, vector<16xi32>,
      %swap3A_164 = vector.shape_cast %swap3A_163 : vector<16xi32> to vector<16xi32>
      %swap3A_165 = vector.shape_cast %mul3A_161 : vector<16xi32> to vector<16xi32>
      tpu.vector_store %arg18[%swap3A_162], %swap3A_165 {strides = array<i32>} : memref<80xi32, #tpu.memory_space<vmem>>, vector<16xi32>,
      %get3A_166 = arith.constant 16 : index
      %get3A_167 = tpu.vector_load %arg14[%get3A_166] {strides = array<i32>} : memref<80xi32, #tpu.memory_space<vmem>>, vector<16xi32>,
      %get3A_168 = vector.shape_cast %get3A_167 : vector<16xi32> to vector<16xi32>
      %mul3A_169 = arith.constant 8 : i32
      %mul3A_170 = vector.broadcast %mul3A_169 : i32 to vector<16xi32>
      %mul3A_171 = arith.muli %get3A_168, %mul3A_170 : vector<16xi32>
      %swap3A_172 = arith.constant 16 : index
      %swap3A_173 = tpu.vector_load %arg18[%swap3A_172] {strides = array<i32>} : memref<80xi32, #tpu.memory_space<vmem>>, vector<16xi32>,
      %swap3A_174 = vector.shape_cast %swap3A_173 : vector<16xi32> to vector<16xi32>
      %swap3A_175 = vector.shape_cast %mul3A_171 : vector<16xi32> to vector<16xi32>
      tpu.vector_store %arg18[%swap3A_172], %swap3A_175 {strides = array<i32>} : memref<80xi32, #tpu.memory_space<vmem>>, vector<16xi32>,
      %get3A_176 = arith.constant 32 : index
      %get3A_177 = tpu.vector_load %arg14[%get3A_176] {strides = array<i32>} : memref<80xi32, #tpu.memory_space<vmem>>, vector<16xi32>,
      %get3A_178 = vector.shape_cast %get3A_177 : vector<16xi32> to vector<16xi32>
      %mul3A_179 = arith.constant 8 : i32
      %mul3A_180 = vector.broadcast %mul3A_179 : i32 to vector<16xi32>
      %mul3A_181 = arith.muli %get3A_178, %mul3A_180 : vector<16xi32>
      %swap3A_182 = arith.constant 32 : index
      %swap3A_183 = tpu.vector_load %arg18[%swap3A_182] {strides = array<i32>} : memref<80xi32, #tpu.memory_space<vmem>>, vector<16xi32>,
      %swap3A_184 = vector.shape_cast %swap3A_183 : vector<16xi32> to vector<16xi32>
      %swap3A_185 = vector.shape_cast %mul3A_181 : vector<16xi32> to vector<16xi32>
      tpu.vector_store %arg18[%swap3A_182], %swap3A_185 {strides = array<i32>} : memref<80xi32, #tpu.memory_space<vmem>>, vector<16xi32>,
      %get3A_186 = arith.constant 48 : index
      %get3A_187 = tpu.vector_load %arg14[%get3A_186] {strides = array<i32>} : memref<80xi32, #tpu.memory_space<vmem>>, vector<16xi32>,
      %get3A_188 = vector.shape_cast %get3A_187 : vector<16xi32> to vector<16xi32>
      %mul3A_189 = arith.constant 8 : i32
      %mul3A_190 = vector.broadcast %mul3A_189 : i32 to vector<16xi32>
      %mul3A_191 = arith.muli %get3A_188, %mul3A_190 : vector<16xi32>
      %swap3A_192 = arith.constant 48 : index
      %swap3A_193 = tpu.vector_load %arg18[%swap3A_192] {strides = array<i32>} : memref<80xi32, #tpu.memory_space<vmem>>, vector<16xi32>,
      %swap3A_194 = vector.shape_cast %swap3A_193 : vector<16xi32> to vector<16xi32>
      %swap3A_195 = vector.shape_cast %mul3A_191 : vector<16xi32> to vector<16xi32>
      tpu.vector_store %arg18[%swap3A_192], %swap3A_195 {strides = array<i32>} : memref<80xi32, #tpu.memory_space<vmem>>, vector<16xi32>,
      %get3A_196 = arith.constant 64 : index
      %get3A_197 = tpu.vector_load %arg14[%get3A_196] {strides = array<i32>} : memref<80xi32, #tpu.memory_space<vmem>>, vector<16xi32>,
      %get3A_198 = vector.shape_cast %get3A_197 : vector<16xi32> to vector<16xi32>
      %mul3A_199 = arith.constant 8 : i32
      %mul3A_200 = vector.broadcast %mul3A_199 : i32 to vector<16xi32>
      %mul3A_201 = arith.muli %get3A_198, %mul3A_200 : vector<16xi32>
      %swap3A_202 = arith.constant 64 : index
      %swap3A_203 = tpu.vector_load %arg18[%swap3A_202] {strides = array<i32>} : memref<80xi32, #tpu.memory_space<vmem>>, vector<16xi32>,
      %swap3A_204 = vector.shape_cast %swap3A_203 : vector<16xi32> to vector<16xi32>
      %swap3A_205 = vector.shape_cast %mul3A_201 : vector<16xi32> to vector<16xi32>
      tpu.vector_store %arg18[%swap3A_202], %swap3A_205 {strides = array<i32>} : memref<80xi32, #tpu.memory_space<vmem>>, vector<16xi32>,
      %dma_wait3A_206 = tpu.memref_slice %arg3[%add3A_124] : memref<320000xi32, #tpu.memory_space<hbm>> -> memref<80xi32, #tpu.memory_space<hbm>>
      %dma_wait3A_207 = tpu.memref_slice %arg3[%add3A_124] : memref<320000xi32, #tpu.memory_space<hbm>> -> memref<80xi32, #tpu.memory_space<hbm>>
      tpu.wait_dma2 semaphore(%arg33 : memref<!tpu.dma_semaphore, #tpu.memory_space<semaphore_mem>>) src(%dma_wait3A_207 : memref<80xi32, #tpu.memory_space<hbm>>) dst(%arg11 : memref<80xi32, #tpu.memory_space<vmem>>)
      %dma_wait3A_208 = tpu.memref_slice %arg4[%add3A_124] : memref<320000xi32, #tpu.memory_space<hbm>> -> memref<80xi32, #tpu.memory_space<hbm>>
      %dma_wait3A_209 = tpu.memref_slice %arg4[%add3A_124] : memref<320000xi32, #tpu.memory_space<hbm>> -> memref<80xi32, #tpu.memory_space<hbm>>
      tpu.wait_dma2 semaphore(%arg37 : memref<!tpu.dma_semaphore, #tpu.memory_space<semaphore_mem>>) src(%dma_wait3A_209 : memref<80xi32, #tpu.memory_space<hbm>>) dst(%arg15 : memref<80xi32, #tpu.memory_space<vmem>>)
      %dma_start3A_210 = arith.constant 0 : i32
      %dma_start3A_211 = arith.constant 0 : i32
      %dma_start3A_212 = tpu.memref_slice %arg2[%dma_start3A_210, %dma_start3A_211] : memref<10240x128xf32, #tpu.memory_space<hbm>> -> memref<10240x128xf32, #tpu.memory_space<hbm>>
      tpu.enqueue_indirect_dma source(%dma_start3A_212 : memref<10240x128xf32, #tpu.memory_space<hbm>>) target(%arg27 : memref<80x128xf32, #tpu.memory_space<vmem>>) offsets(%arg11 : memref<80xi32, #tpu.memory_space<vmem>>) semaphore(%arg41 : memref<!tpu.dma_semaphore, #tpu.memory_space<semaphore_mem>>)
      %dma_start3A_213 = arith.constant 0 : i32
      %dma_start3A_214 = tpu.memref_slice %arg5[%dma_start3A_213] : memref<10240xf32, #tpu.memory_space<hbm>> -> memref<10240xf32, #tpu.memory_space<hbm>>
      tpu.enqueue_indirect_dma source(%dma_start3A_214 : memref<10240xf32, #tpu.memory_space<hbm>>) target(%arg23 : memref<80xf32, #tpu.memory_space<vmem>>) offsets(%arg11 : memref<80xi32, #tpu.memory_space<vmem>>) semaphore(%arg45 : memref<!tpu.dma_semaphore, #tpu.memory_space<semaphore_mem>>)
      %get3A_215 = arith.constant 0 : index
      %get3A_216 = tpu.vector_load %arg15[%get3A_215] {strides = array<i32>} : memref<80xi32, #tpu.memory_space<vmem>>, vector<16xi32>,
      %get3A_217 = vector.shape_cast %get3A_216 : vector<16xi32> to vector<16xi32>
      %mul3A_218 = arith.constant 8 : i32
      %mul3A_219 = vector.broadcast %mul3A_218 : i32 to vector<16xi32>
      %mul3A_220 = arith.muli %get3A_217, %mul3A_219 : vector<16xi32>
      %swap3A_221 = arith.constant 0 : index
      %swap3A_222 = tpu.vector_load %arg19[%swap3A_221] {strides = array<i32>} : memref<80xi32, #tpu.memory_space<vmem>>, vector<16xi32>,
      %swap3A_223 = vector.shape_cast %swap3A_222 : vector<16xi32> to vector<16xi32>
      %swap3A_224 = vector.shape_cast %mul3A_220 : vector<16xi32> to vector<16xi32>
      tpu.vector_store %arg19[%swap3A_221], %swap3A_224 {strides = array<i32>} : memref<80xi32, #tpu.memory_space<vmem>>, vector<16xi32>,
      %get3A_225 = arith.constant 16 : index
      %get3A_226 = tpu.vector_load %arg15[%get3A_225] {strides = array<i32>} : memref<80xi32, #tpu.memory_space<vmem>>, vector<16xi32>,
      %get3A_227 = vector.shape_cast %get3A_226 : vector<16xi32> to vector<16xi32>
      %mul3A_228 = arith.constant 8 : i32
      %mul3A_229 = vector.broadcast %mul3A_228 : i32 to vector<16xi32>
      %mul3A_230 = arith.muli %get3A_227, %mul3A_229 : vector<16xi32>
      %swap3A_231 = arith.constant 16 : index
      %swap3A_232 = tpu.vector_load %arg19[%swap3A_231] {strides = array<i32>} : memref<80xi32, #tpu.memory_space<vmem>>, vector<16xi32>,
      %swap3A_233 = vector.shape_cast %swap3A_232 : vector<16xi32> to vector<16xi32>
      %swap3A_234 = vector.shape_cast %mul3A_230 : vector<16xi32> to vector<16xi32>
      tpu.vector_store %arg19[%swap3A_231], %swap3A_234 {strides = array<i32>} : memref<80xi32, #tpu.memory_space<vmem>>, vector<16xi32>,
      %get3A_235 = arith.constant 32 : index
      %get3A_236 = tpu.vector_load %arg15[%get3A_235] {strides = array<i32>} : memref<80xi32, #tpu.memory_space<vmem>>, vector<16xi32>,
      %get3A_237 = vector.shape_cast %get3A_236 : vector<16xi32> to vector<16xi32>
      %mul3A_238 = arith.constant 8 : i32
      %mul3A_239 = vector.broadcast %mul3A_238 : i32 to vector<16xi32>
      %mul3A_240 = arith.muli %get3A_237, %mul3A_239 : vector<16xi32>
      %swap3A_241 = arith.constant 32 : index
      %swap3A_242 = tpu.vector_load %arg19[%swap3A_241] {strides = array<i32>} : memref<80xi32, #tpu.memory_space<vmem>>, vector<16xi32>,
      %swap3A_243 = vector.shape_cast %swap3A_242 : vector<16xi32> to vector<16xi32>
      %swap3A_244 = vector.shape_cast %mul3A_240 : vector<16xi32> to vector<16xi32>
      tpu.vector_store %arg19[%swap3A_241], %swap3A_244 {strides = array<i32>} : memref<80xi32, #tpu.memory_space<vmem>>, vector<16xi32>,
      %get3A_245 = arith.constant 48 : index
      %get3A_246 = tpu.vector_load %arg15[%get3A_245] {strides = array<i32>} : memref<80xi32, #tpu.memory_space<vmem>>, vector<16xi32>,
      %get3A_247 = vector.shape_cast %get3A_246 : vector<16xi32> to vector<16xi32>
      %mul3A_248 = arith.constant 8 : i32
      %mul3A_249 = vector.broadcast %mul3A_248 : i32 to vector<16xi32>
      %mul3A_250 = arith.muli %get3A_247, %mul3A_249 : vector<16xi32>
      %swap3A_251 = arith.constant 48 : index
      %swap3A_252 = tpu.vector_load %arg19[%swap3A_251] {strides = array<i32>} : memref<80xi32, #tpu.memory_space<vmem>>, vector<16xi32>,
      %swap3A_253 = vector.shape_cast %swap3A_252 : vector<16xi32> to vector<16xi32>
      %swap3A_254 = vector.shape_cast %mul3A_250 : vector<16xi32> to vector<16xi32>
      tpu.vector_store %arg19[%swap3A_251], %swap3A_254 {strides = array<i32>} : memref<80xi32, #tpu.memory_space<vmem>>, vector<16xi32>,
      %get3A_255 = arith.constant 64 : index
      %get3A_256 = tpu.vector_load %arg15[%get3A_255] {strides = array<i32>} : memref<80xi32, #tpu.memory_space<vmem>>, vector<16xi32>,
      %get3A_257 = vector.shape_cast %get3A_256 : vector<16xi32> to vector<16xi32>
      %mul3A_258 = arith.constant 8 : i32
      %mul3A_259 = vector.broadcast %mul3A_258 : i32 to vector<16xi32>
      %mul3A_260 = arith.muli %get3A_257, %mul3A_259 : vector<16xi32>
      %swap3A_261 = arith.constant 64 : index
      %swap3A_262 = tpu.vector_load %arg19[%swap3A_261] {strides = array<i32>} : memref<80xi32, #tpu.memory_space<vmem>>, vector<16xi32>,
      %swap3A_263 = vector.shape_cast %swap3A_262 : vector<16xi32> to vector<16xi32>
      %swap3A_264 = vector.shape_cast %mul3A_260 : vector<16xi32> to vector<16xi32>
      tpu.vector_store %arg19[%swap3A_261], %swap3A_264 {strides = array<i32>} : memref<80xi32, #tpu.memory_space<vmem>>, vector<16xi32>,
      %dma_wait3A_265 = tpu.memref_slice %arg3[%add3A_133] : memref<320000xi32, #tpu.memory_space<hbm>> -> memref<80xi32, #tpu.memory_space<hbm>>
      %dma_wait3A_266 = tpu.memref_slice %arg3[%add3A_133] : memref<320000xi32, #tpu.memory_space<hbm>> -> memref<80xi32, #tpu.memory_space<hbm>>
      tpu.wait_dma2 semaphore(%arg34 : memref<!tpu.dma_semaphore, #tpu.memory_space<semaphore_mem>>) src(%dma_wait3A_266 : memref<80xi32, #tpu.memory_space<hbm>>) dst(%arg12 : memref<80xi32, #tpu.memory_space<vmem>>)
      %dma_wait3A_267 = tpu.memref_slice %arg4[%add3A_133] : memref<320000xi32, #tpu.memory_space<hbm>> -> memref<80xi32, #tpu.memory_space<hbm>>
      %dma_wait3A_268 = tpu.memref_slice %arg4[%add3A_133] : memref<320000xi32, #tpu.memory_space<hbm>> -> memref<80xi32, #tpu.memory_space<hbm>>
      tpu.wait_dma2 semaphore(%arg38 : memref<!tpu.dma_semaphore, #tpu.memory_space<semaphore_mem>>) src(%dma_wait3A_268 : memref<80xi32, #tpu.memory_space<hbm>>) dst(%arg16 : memref<80xi32, #tpu.memory_space<vmem>>)
      %dma_start3A_269 = arith.constant 0 : i32
      %dma_start3A_270 = arith.constant 0 : i32
      %dma_start3A_271 = tpu.memref_slice %arg2[%dma_start3A_269, %dma_start3A_270] : memref<10240x128xf32, #tpu.memory_space<hbm>> -> memref<10240x128xf32, #tpu.memory_space<hbm>>
      tpu.enqueue_indirect_dma source(%dma_start3A_271 : memref<10240x128xf32, #tpu.memory_space<hbm>>) target(%arg28 : memref<80x128xf32, #tpu.memory_space<vmem>>) offsets(%arg12 : memref<80xi32, #tpu.memory_space<vmem>>) semaphore(%arg42 : memref<!tpu.dma_semaphore, #tpu.memory_space<semaphore_mem>>)
      %dma_start3A_272 = arith.constant 0 : i32
      %dma_start3A_273 = tpu.memref_slice %arg5[%dma_start3A_272] : memref<10240xf32, #tpu.memory_space<hbm>> -> memref<10240xf32, #tpu.memory_space<hbm>>
      tpu.enqueue_indirect_dma source(%dma_start3A_273 : memref<10240xf32, #tpu.memory_space<hbm>>) target(%arg24 : memref<80xf32, #tpu.memory_space<vmem>>) offsets(%arg12 : memref<80xi32, #tpu.memory_space<vmem>>) semaphore(%arg46 : memref<!tpu.dma_semaphore, #tpu.memory_space<semaphore_mem>>)
      %get3A_274 = arith.constant 0 : index
      %get3A_275 = tpu.vector_load %arg16[%get3A_274] {strides = array<i32>} : memref<80xi32, #tpu.memory_space<vmem>>, vector<16xi32>,
      %get3A_276 = vector.shape_cast %get3A_275 : vector<16xi32> to vector<16xi32>
      %mul3A_277 = arith.constant 8 : i32
      %mul3A_278 = vector.broadcast %mul3A_277 : i32 to vector<16xi32>
      %mul3A_279 = arith.muli %get3A_276, %mul3A_278 : vector<16xi32>
      %swap3A_280 = arith.constant 0 : index
      %swap3A_281 = tpu.vector_load %arg20[%swap3A_280] {strides = array<i32>} : memref<80xi32, #tpu.memory_space<vmem>>, vector<16xi32>,
      %swap3A_282 = vector.shape_cast %swap3A_281 : vector<16xi32> to vector<16xi32>
      %swap3A_283 = vector.shape_cast %mul3A_279 : vector<16xi32> to vector<16xi32>
      tpu.vector_store %arg20[%swap3A_280], %swap3A_283 {strides = array<i32>} : memref<80xi32, #tpu.memory_space<vmem>>, vector<16xi32>,
      %get3A_284 = arith.constant 16 : index
      %get3A_285 = tpu.vector_load %arg16[%get3A_284] {strides = array<i32>} : memref<80xi32, #tpu.memory_space<vmem>>, vector<16xi32>,
      %get3A_286 = vector.shape_cast %get3A_285 : vector<16xi32> to vector<16xi32>
      %mul3A_287 = arith.constant 8 : i32
      %mul3A_288 = vector.broadcast %mul3A_287 : i32 to vector<16xi32>
      %mul3A_289 = arith.muli %get3A_286, %mul3A_288 : vector<16xi32>
      %swap3A_290 = arith.constant 16 : index
      %swap3A_291 = tpu.vector_load %arg20[%swap3A_290] {strides = array<i32>} : memref<80xi32, #tpu.memory_space<vmem>>, vector<16xi32>,
      %swap3A_292 = vector.shape_cast %swap3A_291 : vector<16xi32> to vector<16xi32>
      %swap3A_293 = vector.shape_cast %mul3A_289 : vector<16xi32> to vector<16xi32>
      tpu.vector_store %arg20[%swap3A_290], %swap3A_293 {strides = array<i32>} : memref<80xi32, #tpu.memory_space<vmem>>, vector<16xi32>,
      %get3A_294 = arith.constant 32 : index
      %get3A_295 = tpu.vector_load %arg16[%get3A_294] {strides = array<i32>} : memref<80xi32, #tpu.memory_space<vmem>>, vector<16xi32>,
      %get3A_296 = vector.shape_cast %get3A_295 : vector<16xi32> to vector<16xi32>
      %mul3A_297 = arith.constant 8 : i32
      %mul3A_298 = vector.broadcast %mul3A_297 : i32 to vector<16xi32>
      %mul3A_299 = arith.muli %get3A_296, %mul3A_298 : vector<16xi32>
      %swap3A_300 = arith.constant 32 : index
      %swap3A_301 = tpu.vector_load %arg20[%swap3A_300] {strides = array<i32>} : memref<80xi32, #tpu.memory_space<vmem>>, vector<16xi32>,
      %swap3A_302 = vector.shape_cast %swap3A_301 : vector<16xi32> to vector<16xi32>
      %swap3A_303 = vector.shape_cast %mul3A_299 : vector<16xi32> to vector<16xi32>
      tpu.vector_store %arg20[%swap3A_300], %swap3A_303 {strides = array<i32>} : memref<80xi32, #tpu.memory_space<vmem>>, vector<16xi32>,
      %get3A_304 = arith.constant 48 : index
      %get3A_305 = tpu.vector_load %arg16[%get3A_304] {strides = array<i32>} : memref<80xi32, #tpu.memory_space<vmem>>, vector<16xi32>,
      %get3A_306 = vector.shape_cast %get3A_305 : vector<16xi32> to vector<16xi32>
      %mul3A_307 = arith.constant 8 : i32
      %mul3A_308 = vector.broadcast %mul3A_307 : i32 to vector<16xi32>
      %mul3A_309 = arith.muli %get3A_306, %mul3A_308 : vector<16xi32>
      %swap3A_310 = arith.constant 48 : index
      %swap3A_311 = tpu.vector_load %arg20[%swap3A_310] {strides = array<i32>} : memref<80xi32, #tpu.memory_space<vmem>>, vector<16xi32>,
      %swap3A_312 = vector.shape_cast %swap3A_311 : vector<16xi32> to vector<16xi32>
      %swap3A_313 = vector.shape_cast %mul3A_309 : vector<16xi32> to vector<16xi32>
      tpu.vector_store %arg20[%swap3A_310], %swap3A_313 {strides = array<i32>} : memref<80xi32, #tpu.memory_space<vmem>>, vector<16xi32>,
      %get3A_314 = arith.constant 64 : index
      %get3A_315 = tpu.vector_load %arg16[%get3A_314] {strides = array<i32>} : memref<80xi32, #tpu.memory_space<vmem>>, vector<16xi32>,
      %get3A_316 = vector.shape_cast %get3A_315 : vector<16xi32> to vector<16xi32>
      %mul3A_317 = arith.constant 8 : i32
      %mul3A_318 = vector.broadcast %mul3A_317 : i32 to vector<16xi32>
      %mul3A_319 = arith.muli %get3A_316, %mul3A_318 : vector<16xi32>
      %swap3A_320 = arith.constant 64 : index
      %swap3A_321 = tpu.vector_load %arg20[%swap3A_320] {strides = array<i32>} : memref<80xi32, #tpu.memory_space<vmem>>, vector<16xi32>,
      %swap3A_322 = vector.shape_cast %swap3A_321 : vector<16xi32> to vector<16xi32>
      %swap3A_323 = vector.shape_cast %mul3A_319 : vector<16xi32> to vector<16xi32>
      tpu.vector_store %arg20[%swap3A_320], %swap3A_323 {strides = array<i32>} : memref<80xi32, #tpu.memory_space<vmem>>, vector<16xi32>,
      %dma_wait3A_324 = tpu.memref_slice %arg3[%add3A_142] : memref<320000xi32, #tpu.memory_space<hbm>> -> memref<80xi32, #tpu.memory_space<hbm>>
      %dma_wait3A_325 = tpu.memref_slice %arg3[%add3A_142] : memref<320000xi32, #tpu.memory_space<hbm>> -> memref<80xi32, #tpu.memory_space<hbm>>
      tpu.wait_dma2 semaphore(%arg35 : memref<!tpu.dma_semaphore, #tpu.memory_space<semaphore_mem>>) src(%dma_wait3A_325 : memref<80xi32, #tpu.memory_space<hbm>>) dst(%arg13 : memref<80xi32, #tpu.memory_space<vmem>>)
      %dma_wait3A_326 = tpu.memref_slice %arg4[%add3A_142] : memref<320000xi32, #tpu.memory_space<hbm>> -> memref<80xi32, #tpu.memory_space<hbm>>
      %dma_wait3A_327 = tpu.memref_slice %arg4[%add3A_142] : memref<320000xi32, #tpu.memory_space<hbm>> -> memref<80xi32, #tpu.memory_space<hbm>>
      tpu.wait_dma2 semaphore(%arg39 : memref<!tpu.dma_semaphore, #tpu.memory_space<semaphore_mem>>) src(%dma_wait3A_327 : memref<80xi32, #tpu.memory_space<hbm>>) dst(%arg17 : memref<80xi32, #tpu.memory_space<vmem>>)
      %dma_start3A_328 = arith.constant 0 : i32
      %dma_start3A_329 = arith.constant 0 : i32
      %dma_start3A_330 = tpu.memref_slice %arg2[%dma_start3A_328, %dma_start3A_329] : memref<10240x128xf32, #tpu.memory_space<hbm>> -> memref<10240x128xf32, #tpu.memory_space<hbm>>
      tpu.enqueue_indirect_dma source(%dma_start3A_330 : memref<10240x128xf32, #tpu.memory_space<hbm>>) target(%arg29 : memref<80x128xf32, #tpu.memory_space<vmem>>) offsets(%arg13 : memref<80xi32, #tpu.memory_space<vmem>>) semaphore(%arg43 : memref<!tpu.dma_semaphore, #tpu.memory_space<semaphore_mem>>)
      %dma_start3A_331 = arith.constant 0 : i32
      %dma_start3A_332 = tpu.memref_slice %arg5[%dma_start3A_331] : memref<10240xf32, #tpu.memory_space<hbm>> -> memref<10240xf32, #tpu.memory_space<hbm>>
      tpu.enqueue_indirect_dma source(%dma_start3A_332 : memref<10240xf32, #tpu.memory_space<hbm>>) target(%arg25 : memref<80xf32, #tpu.memory_space<vmem>>) offsets(%arg13 : memref<80xi32, #tpu.memory_space<vmem>>) semaphore(%arg47 : memref<!tpu.dma_semaphore, #tpu.memory_space<semaphore_mem>>)
      %get3A_333 = arith.constant 0 : index
      %get3A_334 = tpu.vector_load %arg17[%get3A_333] {strides = array<i32>} : memref<80xi32, #tpu.memory_space<vmem>>, vector<16xi32>,
      %get3A_335 = vector.shape_cast %get3A_334 : vector<16xi32> to vector<16xi32>
      %mul3A_336 = arith.constant 8 : i32
      %mul3A_337 = vector.broadcast %mul3A_336 : i32 to vector<16xi32>
      %mul3A_338 = arith.muli %get3A_335, %mul3A_337 : vector<16xi32>
      %swap3A_339 = arith.constant 0 : index
      %swap3A_340 = tpu.vector_load %arg21[%swap3A_339] {strides = array<i32>} : memref<80xi32, #tpu.memory_space<vmem>>, vector<16xi32>,
      %swap3A_341 = vector.shape_cast %swap3A_340 : vector<16xi32> to vector<16xi32>
      %swap3A_342 = vector.shape_cast %mul3A_338 : vector<16xi32> to vector<16xi32>
      tpu.vector_store %arg21[%swap3A_339], %swap3A_342 {strides = array<i32>} : memref<80xi32, #tpu.memory_space<vmem>>, vector<16xi32>,
      %get3A_343 = arith.constant 16 : index
      %get3A_344 = tpu.vector_load %arg17[%get3A_343] {strides = array<i32>} : memref<80xi32, #tpu.memory_space<vmem>>, vector<16xi32>,
      %get3A_345 = vector.shape_cast %get3A_344 : vector<16xi32> to vector<16xi32>
      %mul3A_346 = arith.constant 8 : i32
      %mul3A_347 = vector.broadcast %mul3A_346 : i32 to vector<16xi32>
      %mul3A_348 = arith.muli %get3A_345, %mul3A_347 : vector<16xi32>
      %swap3A_349 = arith.constant 16 : index
      %swap3A_350 = tpu.vector_load %arg21[%swap3A_349] {strides = array<i32>} : memref<80xi32, #tpu.memory_space<vmem>>, vector<16xi32>,
      %swap3A_351 = vector.shape_cast %swap3A_350 : vector<16xi32> to vector<16xi32>
      %swap3A_352 = vector.shape_cast %mul3A_348 : vector<16xi32> to vector<16xi32>
      tpu.vector_store %arg21[%swap3A_349], %swap3A_352 {strides = array<i32>} : memref<80xi32, #tpu.memory_space<vmem>>, vector<16xi32>,
      %get3A_353 = arith.constant 32 : index
      %get3A_354 = tpu.vector_load %arg17[%get3A_353] {strides = array<i32>} : memref<80xi32, #tpu.memory_space<vmem>>, vector<16xi32>,
      %get3A_355 = vector.shape_cast %get3A_354 : vector<16xi32> to vector<16xi32>
      %mul3A_356 = arith.constant 8 : i32
      %mul3A_357 = vector.broadcast %mul3A_356 : i32 to vector<16xi32>
      %mul3A_358 = arith.muli %get3A_355, %mul3A_357 : vector<16xi32>
      %swap3A_359 = arith.constant 32 : index
      %swap3A_360 = tpu.vector_load %arg21[%swap3A_359] {strides = array<i32>} : memref<80xi32, #tpu.memory_space<vmem>>, vector<16xi32>,
      %swap3A_361 = vector.shape_cast %swap3A_360 : vector<16xi32> to vector<16xi32>
      %swap3A_362 = vector.shape_cast %mul3A_358 : vector<16xi32> to vector<16xi32>
      tpu.vector_store %arg21[%swap3A_359], %swap3A_362 {strides = array<i32>} : memref<80xi32, #tpu.memory_space<vmem>>, vector<16xi32>,
      %get3A_363 = arith.constant 48 : index
      %get3A_364 = tpu.vector_load %arg17[%get3A_363] {strides = array<i32>} : memref<80xi32, #tpu.memory_space<vmem>>, vector<16xi32>,
      %get3A_365 = vector.shape_cast %get3A_364 : vector<16xi32> to vector<16xi32>
      %mul3A_366 = arith.constant 8 : i32
      %mul3A_367 = vector.broadcast %mul3A_366 : i32 to vector<16xi32>
      %mul3A_368 = arith.muli %get3A_365, %mul3A_367 : vector<16xi32>
      %swap3A_369 = arith.constant 48 : index
      %swap3A_370 = tpu.vector_load %arg21[%swap3A_369] {strides = array<i32>} : memref<80xi32, #tpu.memory_space<vmem>>, vector<16xi32>,
      %swap3A_371 = vector.shape_cast %swap3A_370 : vector<16xi32> to vector<16xi32>
      %swap3A_372 = vector.shape_cast %mul3A_368 : vector<16xi32> to vector<16xi32>
      tpu.vector_store %arg21[%swap3A_369], %swap3A_372 {strides = array<i32>} : memref<80xi32, #tpu.memory_space<vmem>>, vector<16xi32>,
      %get3A_373 = arith.constant 64 : index
      %get3A_374 = tpu.vector_load %arg17[%get3A_373] {strides = array<i32>} : memref<80xi32, #tpu.memory_space<vmem>>, vector<16xi32>,
      %get3A_375 = vector.shape_cast %get3A_374 : vector<16xi32> to vector<16xi32>
      %mul3A_376 = arith.constant 8 : i32
      %mul3A_377 = vector.broadcast %mul3A_376 : i32 to vector<16xi32>
      %mul3A_378 = arith.muli %get3A_375, %mul3A_377 : vector<16xi32>
      %swap3A_379 = arith.constant 64 : index
      %swap3A_380 = tpu.vector_load %arg21[%swap3A_379] {strides = array<i32>} : memref<80xi32, #tpu.memory_space<vmem>>, vector<16xi32>,
      %swap3A_381 = vector.shape_cast %swap3A_380 : vector<16xi32> to vector<16xi32>
      %swap3A_382 = vector.shape_cast %mul3A_378 : vector<16xi32> to vector<16xi32>
      tpu.vector_store %arg21[%swap3A_379], %swap3A_382 {strides = array<i32>} : memref<80xi32, #tpu.memory_space<vmem>>, vector<16xi32>,
      %dma_wait3A_383 = arith.constant 0 : i32
      %dma_wait3A_384 = arith.constant 0 : i32
      %dma_wait3A_385 = tpu.memref_slice %arg2[%dma_wait3A_383, %dma_wait3A_384] : memref<10240x128xf32, #tpu.memory_space<hbm>> -> memref<10240x128xf32, #tpu.memory_space<hbm>>
      tpu.wait_indirect_dma semaphore(%arg40 : memref<!tpu.dma_semaphore, #tpu.memory_space<semaphore_mem>>) src(%dma_wait3A_385 : memref<10240x128xf32, #tpu.memory_space<hbm>>) dst(%arg26 : memref<80x128xf32, #tpu.memory_space<vmem>>)
      %dma_wait3A_386 = arith.constant 0 : i32
      %dma_wait3A_387 = tpu.memref_slice %arg5[%dma_wait3A_386] : memref<10240xf32, #tpu.memory_space<hbm>> -> memref<10240xf32, #tpu.memory_space<hbm>>
      tpu.wait_indirect_dma semaphore(%arg44 : memref<!tpu.dma_semaphore, #tpu.memory_space<semaphore_mem>>) src(%dma_wait3A_387 : memref<10240xf32, #tpu.memory_space<hbm>>) dst(%arg22 : memref<80xf32, #tpu.memory_space<vmem>>)
      %dma_start3A_388 = arith.constant 0 : i32
      %dma_start3A_389 = arith.constant 0 : i32
      %dma_start3A_390 = tpu.memref_slice %arg30[%dma_start3A_388, %dma_start3A_389] : memref<10240x128xf32, #tpu.memory_space<vmem_shared>> -> memref<10240x128xf32, #tpu.memory_space<vmem_shared>>
      tpu.enqueue_indirect_dma source(%arg26 : memref<80x128xf32, #tpu.memory_space<vmem>>) target(%dma_start3A_390 : memref<10240x128xf32, #tpu.memory_space<vmem_shared>>) offsets(%arg14 : memref<80xi32, #tpu.memory_space<vmem>>) semaphore(%arg48 : memref<!tpu.dma_semaphore, #tpu.memory_space<semaphore_mem>>) {add = true}
      %dma_start3A_391 = arith.constant 0 : i32
      %dma_start3A_392 = tpu.memref_slice %arg31[%dma_start3A_391] : memref<81920xf32, #tpu.memory_space<vmem_shared>> -> memref<81920xf32, #tpu.memory_space<vmem_shared>>
      tpu.enqueue_indirect_dma source(%arg22 : memref<80xf32, #tpu.memory_space<vmem>>) target(%dma_start3A_392 : memref<81920xf32, #tpu.memory_space<vmem_shared>>) offsets(%arg18 : memref<80xi32, #tpu.memory_space<vmem>>) semaphore(%arg52 : memref<!tpu.dma_semaphore, #tpu.memory_space<semaphore_mem>>) {add = true}
      %dma_wait3A_393 = arith.constant 0 : i32
      %dma_wait3A_394 = arith.constant 0 : i32
      %dma_wait3A_395 = tpu.memref_slice %arg2[%dma_wait3A_393, %dma_wait3A_394] : memref<10240x128xf32, #tpu.memory_space<hbm>> -> memref<10240x128xf32, #tpu.memory_space<hbm>>
      tpu.wait_indirect_dma semaphore(%arg41 : memref<!tpu.dma_semaphore, #tpu.memory_space<semaphore_mem>>) src(%dma_wait3A_395 : memref<10240x128xf32, #tpu.memory_space<hbm>>) dst(%arg27 : memref<80x128xf32, #tpu.memory_space<vmem>>)
      %dma_wait3A_396 = arith.constant 0 : i32
      %dma_wait3A_397 = tpu.memref_slice %arg5[%dma_wait3A_396] : memref<10240xf32, #tpu.memory_space<hbm>> -> memref<10240xf32, #tpu.memory_space<hbm>>
      tpu.wait_indirect_dma semaphore(%arg45 : memref<!tpu.dma_semaphore, #tpu.memory_space<semaphore_mem>>) src(%dma_wait3A_397 : memref<10240xf32, #tpu.memory_space<hbm>>) dst(%arg23 : memref<80xf32, #tpu.memory_space<vmem>>)
      %dma_start3A_398 = arith.constant 0 : i32
      %dma_start3A_399 = arith.constant 0 : i32
      %dma_start3A_400 = tpu.memref_slice %arg30[%dma_start3A_398, %dma_start3A_399] : memref<10240x128xf32, #tpu.memory_space<vmem_shared>> -> memref<10240x128xf32, #tpu.memory_space<vmem_shared>>
      tpu.enqueue_indirect_dma source(%arg27 : memref<80x128xf32, #tpu.memory_space<vmem>>) target(%dma_start3A_400 : memref<10240x128xf32, #tpu.memory_space<vmem_shared>>) offsets(%arg15 : memref<80xi32, #tpu.memory_space<vmem>>) semaphore(%arg49 : memref<!tpu.dma_semaphore, #tpu.memory_space<semaphore_mem>>) {add = true}
      %dma_start3A_401 = arith.constant 0 : i32
      %dma_start3A_402 = tpu.memref_slice %arg31[%dma_start3A_401] : memref<81920xf32, #tpu.memory_space<vmem_shared>> -> memref<81920xf32, #tpu.memory_space<vmem_shared>>
      tpu.enqueue_indirect_dma source(%arg23 : memref<80xf32, #tpu.memory_space<vmem>>) target(%dma_start3A_402 : memref<81920xf32, #tpu.memory_space<vmem_shared>>) offsets(%arg19 : memref<80xi32, #tpu.memory_space<vmem>>) semaphore(%arg53 : memref<!tpu.dma_semaphore, #tpu.memory_space<semaphore_mem>>) {add = true}
      %dma_wait3A_403 = arith.constant 0 : i32
      %dma_wait3A_404 = arith.constant 0 : i32
      %dma_wait3A_405 = tpu.memref_slice %arg2[%dma_wait3A_403, %dma_wait3A_404] : memref<10240x128xf32, #tpu.memory_space<hbm>> -> memref<10240x128xf32, #tpu.memory_space<hbm>>
      tpu.wait_indirect_dma semaphore(%arg42 : memref<!tpu.dma_semaphore, #tpu.memory_space<semaphore_mem>>) src(%dma_wait3A_405 : memref<10240x128xf32, #tpu.memory_space<hbm>>) dst(%arg28 : memref<80x128xf32, #tpu.memory_space<vmem>>)
      %dma_wait3A_406 = arith.constant 0 : i32
      %dma_wait3A_407 = tpu.memref_slice %arg5[%dma_wait3A_406] : memref<10240xf32, #tpu.memory_space<hbm>> -> memref<10240xf32, #tpu.memory_space<hbm>>
      tpu.wait_indirect_dma semaphore(%arg46 : memref<!tpu.dma_semaphore, #tpu.memory_space<semaphore_mem>>) src(%dma_wait3A_407 : memref<10240xf32, #tpu.memory_space<hbm>>) dst(%arg24 : memref<80xf32, #tpu.memory_space<vmem>>)
      %dma_start3A_408 = arith.constant 0 : i32
      %dma_start3A_409 = arith.constant 0 : i32
      %dma_start3A_410 = tpu.memref_slice %arg30[%dma_start3A_408, %dma_start3A_409] : memref<10240x128xf32, #tpu.memory_space<vmem_shared>> -> memref<10240x128xf32, #tpu.memory_space<vmem_shared>>
      tpu.enqueue_indirect_dma source(%arg28 : memref<80x128xf32, #tpu.memory_space<vmem>>) target(%dma_start3A_410 : memref<10240x128xf32, #tpu.memory_space<vmem_shared>>) offsets(%arg16 : memref<80xi32, #tpu.memory_space<vmem>>) semaphore(%arg50 : memref<!tpu.dma_semaphore, #tpu.memory_space<semaphore_mem>>) {add = true}
      %dma_start3A_411 = arith.constant 0 : i32
      %dma_start3A_412 = tpu.memref_slice %arg31[%dma_start3A_411] : memref<81920xf32, #tpu.memory_space<vmem_shared>> -> memref<81920xf32, #tpu.memory_space<vmem_shared>>
      tpu.enqueue_indirect_dma source(%arg24 : memref<80xf32, #tpu.memory_space<vmem>>) target(%dma_start3A_412 : memref<81920xf32, #tpu.memory_space<vmem_shared>>) offsets(%arg20 : memref<80xi32, #tpu.memory_space<vmem>>) semaphore(%arg54 : memref<!tpu.dma_semaphore, #tpu.memory_space<semaphore_mem>>) {add = true}
      %dma_wait3A_413 = arith.constant 0 : i32
      %dma_wait3A_414 = arith.constant 0 : i32
      %dma_wait3A_415 = tpu.memref_slice %arg2[%dma_wait3A_413, %dma_wait3A_414] : memref<10240x128xf32, #tpu.memory_space<hbm>> -> memref<10240x128xf32, #tpu.memory_space<hbm>>
      tpu.wait_indirect_dma semaphore(%arg43 : memref<!tpu.dma_semaphore, #tpu.memory_space<semaphore_mem>>) src(%dma_wait3A_415 : memref<10240x128xf32, #tpu.memory_space<hbm>>) dst(%arg29 : memref<80x128xf32, #tpu.memory_space<vmem>>)
      %dma_wait3A_416 = arith.constant 0 : i32
      %dma_wait3A_417 = tpu.memref_slice %arg5[%dma_wait3A_416] : memref<10240xf32, #tpu.memory_space<hbm>> -> memref<10240xf32, #tpu.memory_space<hbm>>
      tpu.wait_indirect_dma semaphore(%arg47 : memref<!tpu.dma_semaphore, #tpu.memory_space<semaphore_mem>>) src(%dma_wait3A_417 : memref<10240xf32, #tpu.memory_space<hbm>>) dst(%arg25 : memref<80xf32, #tpu.memory_space<vmem>>)
      %dma_start3A_418 = arith.constant 0 : i32
      %dma_start3A_419 = arith.constant 0 : i32
      %dma_start3A_420 = tpu.memref_slice %arg30[%dma_start3A_418, %dma_start3A_419] : memref<10240x128xf32, #tpu.memory_space<vmem_shared>> -> memref<10240x128xf32, #tpu.memory_space<vmem_shared>>
      tpu.enqueue_indirect_dma source(%arg29 : memref<80x128xf32, #tpu.memory_space<vmem>>) target(%dma_start3A_420 : memref<10240x128xf32, #tpu.memory_space<vmem_shared>>) offsets(%arg17 : memref<80xi32, #tpu.memory_space<vmem>>) semaphore(%arg51 : memref<!tpu.dma_semaphore, #tpu.memory_space<semaphore_mem>>) {add = true}
      %dma_start3A_421 = arith.constant 0 : i32
      %dma_start3A_422 = tpu.memref_slice %arg31[%dma_start3A_421] : memref<81920xf32, #tpu.memory_space<vmem_shared>> -> memref<81920xf32, #tpu.memory_space<vmem_shared>>
      tpu.enqueue_indirect_dma source(%arg25 : memref<80xf32, #tpu.memory_space<vmem>>) target(%dma_start3A_422 : memref<81920xf32, #tpu.memory_space<vmem_shared>>) offsets(%arg21 : memref<80xi32, #tpu.memory_space<vmem>>) semaphore(%arg55 : memref<!tpu.dma_semaphore, #tpu.memory_space<semaphore_mem>>) {add = true}
      %dma_wait3A_423 = arith.constant 0 : i32
      %dma_wait3A_424 = arith.constant 0 : i32
      %dma_wait3A_425 = tpu.memref_slice %arg30[%dma_wait3A_423, %dma_wait3A_424] : memref<10240x128xf32, #tpu.memory_space<vmem_shared>> -> memref<10240x128xf32, #tpu.memory_space<vmem_shared>>
      tpu.wait_indirect_dma semaphore(%arg48 : memref<!tpu.dma_semaphore, #tpu.memory_space<semaphore_mem>>) src(%arg26 : memref<80x128xf32, #tpu.memory_space<vmem>>) dst(%dma_wait3A_425 : memref<10240x128xf32, #tpu.memory_space<vmem_shared>>)
      %dma_wait3A_426 = arith.constant 0 : i32
      %dma_wait3A_427 = tpu.memref_slice %arg31[%dma_wait3A_426] : memref<81920xf32, #tpu.memory_space<vmem_shared>> -> memref<81920xf32, #tpu.memory_space<vmem_shared>>
      tpu.wait_indirect_dma semaphore(%arg52 : memref<!tpu.dma_semaphore, #tpu.memory_space<semaphore_mem>>) src(%arg22 : memref<80xf32, #tpu.memory_space<vmem>>) dst(%dma_wait3A_427 : memref<81920xf32, #tpu.memory_space<vmem_shared>>)
      %dma_wait3A_428 = arith.constant 0 : i32
      %dma_wait3A_429 = arith.constant 0 : i32
      %dma_wait3A_430 = tpu.memref_slice %arg30[%dma_wait3A_428, %dma_wait3A_429] : memref<10240x128xf32, #tpu.memory_space<vmem_shared>> -> memref<10240x128xf32, #tpu.memory_space<vmem_shared>>
      tpu.wait_indirect_dma semaphore(%arg49 : memref<!tpu.dma_semaphore, #tpu.memory_space<semaphore_mem>>) src(%arg27 : memref<80x128xf32, #tpu.memory_space<vmem>>) dst(%dma_wait3A_430 : memref<10240x128xf32, #tpu.memory_space<vmem_shared>>)
      %dma_wait3A_431 = arith.constant 0 : i32
      %dma_wait3A_432 = tpu.memref_slice %arg31[%dma_wait3A_431] : memref<81920xf32, #tpu.memory_space<vmem_shared>> -> memref<81920xf32, #tpu.memory_space<vmem_shared>>
      tpu.wait_indirect_dma semaphore(%arg53 : memref<!tpu.dma_semaphore, #tpu.memory_space<semaphore_mem>>) src(%arg23 : memref<80xf32, #tpu.memory_space<vmem>>) dst(%dma_wait3A_432 : memref<81920xf32, #tpu.memory_space<vmem_shared>>)
      %dma_wait3A_433 = arith.constant 0 : i32
      %dma_wait3A_434 = arith.constant 0 : i32
      %dma_wait3A_435 = tpu.memref_slice %arg30[%dma_wait3A_433, %dma_wait3A_434] : memref<10240x128xf32, #tpu.memory_space<vmem_shared>> -> memref<10240x128xf32, #tpu.memory_space<vmem_shared>>
      tpu.wait_indirect_dma semaphore(%arg50 : memref<!tpu.dma_semaphore, #tpu.memory_space<semaphore_mem>>) src(%arg28 : memref<80x128xf32, #tpu.memory_space<vmem>>) dst(%dma_wait3A_435 : memref<10240x128xf32, #tpu.memory_space<vmem_shared>>)
      %dma_wait3A_436 = arith.constant 0 : i32
      %dma_wait3A_437 = tpu.memref_slice %arg31[%dma_wait3A_436] : memref<81920xf32, #tpu.memory_space<vmem_shared>> -> memref<81920xf32, #tpu.memory_space<vmem_shared>>
      tpu.wait_indirect_dma semaphore(%arg54 : memref<!tpu.dma_semaphore, #tpu.memory_space<semaphore_mem>>) src(%arg24 : memref<80xf32, #tpu.memory_space<vmem>>) dst(%dma_wait3A_437 : memref<81920xf32, #tpu.memory_space<vmem_shared>>)
      %dma_wait3A_438 = arith.constant 0 : i32
      %dma_wait3A_439 = arith.constant 0 : i32
      %dma_wait3A_440 = tpu.memref_slice %arg30[%dma_wait3A_438, %dma_wait3A_439] : memref<10240x128xf32, #tpu.memory_space<vmem_shared>> -> memref<10240x128xf32, #tpu.memory_space<vmem_shared>>
      tpu.wait_indirect_dma semaphore(%arg51 : memref<!tpu.dma_semaphore, #tpu.memory_space<semaphore_mem>>) src(%arg29 : memref<80x128xf32, #tpu.memory_space<vmem>>) dst(%dma_wait3A_440 : memref<10240x128xf32, #tpu.memory_space<vmem_shared>>)
      %dma_wait3A_441 = arith.constant 0 : i32
      %dma_wait3A_442 = tpu.memref_slice %arg31[%dma_wait3A_441] : memref<81920xf32, #tpu.memory_space<vmem_shared>> -> memref<81920xf32, #tpu.memory_space<vmem_shared>>
      tpu.wait_indirect_dma semaphore(%arg55 : memref<!tpu.dma_semaphore, #tpu.memory_space<semaphore_mem>>) src(%arg25 : memref<80xf32, #tpu.memory_space<vmem>>) dst(%dma_wait3A_442 : memref<81920xf32, #tpu.memory_space<vmem_shared>>)
    }
    %scan3A_12 = arith.constant 31 : i32
    %add3A_13 = arith.constant 9920 : i32
    %add3A_14 = arith.addi %mul3A_2, %add3A_13 : i32
    %dma_start3A = tpu.memref_slice %arg3[%add3A_14] : memref<320000xi32, #tpu.memory_space<hbm>> -> memref<80xi32, #tpu.memory_space<hbm>>
    %dma_start3A_15 = tpu.memref_slice %arg3[%add3A_14] : memref<320000xi32, #tpu.memory_space<hbm>> -> memref<80xi32, #tpu.memory_space<hbm>>
    tpu.enqueue_dma source(%dma_start3A_15 : memref<80xi32, #tpu.memory_space<hbm>>) target(%arg10 : memref<80xi32, #tpu.memory_space<vmem>>) target_semaphore(%arg32 : memref<!tpu.dma_semaphore, #tpu.memory_space<semaphore_mem>>)
    %dma_start3A_16 = tpu.memref_slice %arg4[%add3A_14] : memref<320000xi32, #tpu.memory_space<hbm>> -> memref<80xi32, #tpu.memory_space<hbm>>
    %dma_start3A_17 = tpu.memref_slice %arg4[%add3A_14] : memref<320000xi32, #tpu.memory_space<hbm>> -> memref<80xi32, #tpu.memory_space<hbm>>
    tpu.enqueue_dma source(%dma_start3A_17 : memref<80xi32, #tpu.memory_space<hbm>>) target(%arg14 : memref<80xi32, #tpu.memory_space<vmem>>) target_semaphore(%arg36 : memref<!tpu.dma_semaphore, #tpu.memory_space<semaphore_mem>>)
    %dma_wait3A = tpu.memref_slice %arg3[%add3A_14] : memref<320000xi32, #tpu.memory_space<hbm>> -> memref<80xi32, #tpu.memory_space<hbm>>
    %dma_wait3A_18 = tpu.memref_slice %arg3[%add3A_14] : memref<320000xi32, #tpu.memory_space<hbm>> -> memref<80xi32, #tpu.memory_space<hbm>>
    tpu.wait_dma2 semaphore(%arg32 : memref<!tpu.dma_semaphore, #tpu.memory_space<semaphore_mem>>) src(%dma_wait3A_18 : memref<80xi32, #tpu.memory_space<hbm>>) dst(%arg10 : memref<80xi32, #tpu.memory_space<vmem>>)
    %dma_wait3A_19 = tpu.memref_slice %arg4[%add3A_14] : memref<320000xi32, #tpu.memory_space<hbm>> -> memref<80xi32, #tpu.memory_space<hbm>>
    %dma_wait3A_20 = tpu.memref_slice %arg4[%add3A_14] : memref<320000xi32, #tpu.memory_space<hbm>> -> memref<80xi32, #tpu.memory_space<hbm>>
    tpu.wait_dma2 semaphore(%arg36 : memref<!tpu.dma_semaphore, #tpu.memory_space<semaphore_mem>>) src(%dma_wait3A_20 : memref<80xi32, #tpu.memory_space<hbm>>) dst(%arg14 : memref<80xi32, #tpu.memory_space<vmem>>)
    %dma_start3A_21 = arith.constant 0 : i32
    %dma_start3A_22 = arith.constant 0 : i32
    %dma_start3A_23 = tpu.memref_slice %arg2[%dma_start3A_21, %dma_start3A_22] : memref<10240x128xf32, #tpu.memory_space<hbm>> -> memref<10240x128xf32, #tpu.memory_space<hbm>>
    tpu.enqueue_indirect_dma source(%dma_start3A_23 : memref<10240x128xf32, #tpu.memory_space<hbm>>) target(%arg26 : memref<80x128xf32, #tpu.memory_space<vmem>>) offsets(%arg10 : memref<80xi32, #tpu.memory_space<vmem>>) semaphore(%arg40 : memref<!tpu.dma_semaphore, #tpu.memory_space<semaphore_mem>>)
    %dma_start3A_24 = arith.constant 0 : i32
    %dma_start3A_25 = tpu.memref_slice %arg5[%dma_start3A_24] : memref<10240xf32, #tpu.memory_space<hbm>> -> memref<10240xf32, #tpu.memory_space<hbm>>
    tpu.enqueue_indirect_dma source(%dma_start3A_25 : memref<10240xf32, #tpu.memory_space<hbm>>) target(%arg22 : memref<80xf32, #tpu.memory_space<vmem>>) offsets(%arg10 : memref<80xi32, #tpu.memory_space<vmem>>) semaphore(%arg44 : memref<!tpu.dma_semaphore, #tpu.memory_space<semaphore_mem>>)
    %get3A = arith.constant 0 : index
    %get3A_26 = tpu.vector_load %arg14[%get3A] {strides = array<i32>} : memref<80xi32, #tpu.memory_space<vmem>>, vector<16xi32>,
    %get3A_27 = vector.shape_cast %get3A_26 : vector<16xi32> to vector<16xi32>
    %mul3A_28 = arith.constant 8 : i32
    %mul3A_29 = vector.broadcast %mul3A_28 : i32 to vector<16xi32>
    %mul3A_30 = arith.muli %get3A_27, %mul3A_29 : vector<16xi32>
    %swap3A = arith.constant 0 : index
    %swap3A_31 = tpu.vector_load %arg18[%swap3A] {strides = array<i32>} : memref<80xi32, #tpu.memory_space<vmem>>, vector<16xi32>,
    %swap3A_32 = vector.shape_cast %swap3A_31 : vector<16xi32> to vector<16xi32>
    %swap3A_33 = vector.shape_cast %mul3A_30 : vector<16xi32> to vector<16xi32>
    tpu.vector_store %arg18[%swap3A], %swap3A_33 {strides = array<i32>} : memref<80xi32, #tpu.memory_space<vmem>>, vector<16xi32>,
    %get3A_34 = arith.constant 16 : index
    %get3A_35 = tpu.vector_load %arg14[%get3A_34] {strides = array<i32>} : memref<80xi32, #tpu.memory_space<vmem>>, vector<16xi32>,
    %get3A_36 = vector.shape_cast %get3A_35 : vector<16xi32> to vector<16xi32>
    %mul3A_37 = arith.constant 8 : i32
    %mul3A_38 = vector.broadcast %mul3A_37 : i32 to vector<16xi32>
    %mul3A_39 = arith.muli %get3A_36, %mul3A_38 : vector<16xi32>
    %swap3A_40 = arith.constant 16 : index
    %swap3A_41 = tpu.vector_load %arg18[%swap3A_40] {strides = array<i32>} : memref<80xi32, #tpu.memory_space<vmem>>, vector<16xi32>,
    %swap3A_42 = vector.shape_cast %swap3A_41 : vector<16xi32> to vector<16xi32>
    %swap3A_43 = vector.shape_cast %mul3A_39 : vector<16xi32> to vector<16xi32>
    tpu.vector_store %arg18[%swap3A_40], %swap3A_43 {strides = array<i32>} : memref<80xi32, #tpu.memory_space<vmem>>, vector<16xi32>,
    %get3A_44 = arith.constant 32 : index
    %get3A_45 = tpu.vector_load %arg14[%get3A_44] {strides = array<i32>} : memref<80xi32, #tpu.memory_space<vmem>>, vector<16xi32>,
    %get3A_46 = vector.shape_cast %get3A_45 : vector<16xi32> to vector<16xi32>
    %mul3A_47 = arith.constant 8 : i32
    %mul3A_48 = vector.broadcast %mul3A_47 : i32 to vector<16xi32>
    %mul3A_49 = arith.muli %get3A_46, %mul3A_48 : vector<16xi32>
    %swap3A_50 = arith.constant 32 : index
    %swap3A_51 = tpu.vector_load %arg18[%swap3A_50] {strides = array<i32>} : memref<80xi32, #tpu.memory_space<vmem>>, vector<16xi32>,
    %swap3A_52 = vector.shape_cast %swap3A_51 : vector<16xi32> to vector<16xi32>
    %swap3A_53 = vector.shape_cast %mul3A_49 : vector<16xi32> to vector<16xi32>
    tpu.vector_store %arg18[%swap3A_50], %swap3A_53 {strides = array<i32>} : memref<80xi32, #tpu.memory_space<vmem>>, vector<16xi32>,
    %get3A_54 = arith.constant 48 : index
    %get3A_55 = tpu.vector_load %arg14[%get3A_54] {strides = array<i32>} : memref<80xi32, #tpu.memory_space<vmem>>, vector<16xi32>,
    %get3A_56 = vector.shape_cast %get3A_55 : vector<16xi32> to vector<16xi32>
    %mul3A_57 = arith.constant 8 : i32
    %mul3A_58 = vector.broadcast %mul3A_57 : i32 to vector<16xi32>
    %mul3A_59 = arith.muli %get3A_56, %mul3A_58 : vector<16xi32>
    %swap3A_60 = arith.constant 48 : index
    %swap3A_61 = tpu.vector_load %arg18[%swap3A_60] {strides = array<i32>} : memref<80xi32, #tpu.memory_space<vmem>>, vector<16xi32>,
    %swap3A_62 = vector.shape_cast %swap3A_61 : vector<16xi32> to vector<16xi32>
    %swap3A_63 = vector.shape_cast %mul3A_59 : vector<16xi32> to vector<16xi32>
    tpu.vector_store %arg18[%swap3A_60], %swap3A_63 {strides = array<i32>} : memref<80xi32, #tpu.memory_space<vmem>>, vector<16xi32>,
    %get3A_64 = arith.constant 64 : index
    %get3A_65 = tpu.vector_load %arg14[%get3A_64] {strides = array<i32>} : memref<80xi32, #tpu.memory_space<vmem>>, vector<16xi32>,
    %get3A_66 = vector.shape_cast %get3A_65 : vector<16xi32> to vector<16xi32>
    %mul3A_67 = arith.constant 8 : i32
    %mul3A_68 = vector.broadcast %mul3A_67 : i32 to vector<16xi32>
    %mul3A_69 = arith.muli %get3A_66, %mul3A_68 : vector<16xi32>
    %swap3A_70 = arith.constant 64 : index
    %swap3A_71 = tpu.vector_load %arg18[%swap3A_70] {strides = array<i32>} : memref<80xi32, #tpu.memory_space<vmem>>, vector<16xi32>,
    %swap3A_72 = vector.shape_cast %swap3A_71 : vector<16xi32> to vector<16xi32>
    %swap3A_73 = vector.shape_cast %mul3A_69 : vector<16xi32> to vector<16xi32>
    tpu.vector_store %arg18[%swap3A_70], %swap3A_73 {strides = array<i32>} : memref<80xi32, #tpu.memory_space<vmem>>, vector<16xi32>,
    %dma_wait3A_74 = arith.constant 0 : i32
    %dma_wait3A_75 = arith.constant 0 : i32
    %dma_wait3A_76 = tpu.memref_slice %arg2[%dma_wait3A_74, %dma_wait3A_75] : memref<10240x128xf32, #tpu.memory_space<hbm>> -> memref<10240x128xf32, #tpu.memory_space<hbm>>
    tpu.wait_indirect_dma semaphore(%arg40 : memref<!tpu.dma_semaphore, #tpu.memory_space<semaphore_mem>>) src(%dma_wait3A_76 : memref<10240x128xf32, #tpu.memory_space<hbm>>) dst(%arg26 : memref<80x128xf32, #tpu.memory_space<vmem>>)
    %dma_wait3A_77 = arith.constant 0 : i32
    %dma_wait3A_78 = tpu.memref_slice %arg5[%dma_wait3A_77] : memref<10240xf32, #tpu.memory_space<hbm>> -> memref<10240xf32, #tpu.memory_space<hbm>>
    tpu.wait_indirect_dma semaphore(%arg44 : memref<!tpu.dma_semaphore, #tpu.memory_space<semaphore_mem>>) src(%dma_wait3A_78 : memref<10240xf32, #tpu.memory_space<hbm>>) dst(%arg22 : memref<80xf32, #tpu.memory_space<vmem>>)
    %dma_start3A_79 = arith.constant 0 : i32
    %dma_start3A_80 = arith.constant 0 : i32
    %dma_start3A_81 = tpu.memref_slice %arg30[%dma_start3A_79, %dma_start3A_80] : memref<10240x128xf32, #tpu.memory_space<vmem_shared>> -> memref<10240x128xf32, #tpu.memory_space<vmem_shared>>
    tpu.enqueue_indirect_dma source(%arg26 : memref<80x128xf32, #tpu.memory_space<vmem>>) target(%dma_start3A_81 : memref<10240x128xf32, #tpu.memory_space<vmem_shared>>) offsets(%arg14 : memref<80xi32, #tpu.memory_space<vmem>>) semaphore(%arg48 : memref<!tpu.dma_semaphore, #tpu.memory_space<semaphore_mem>>) {add = true}
    %dma_start3A_82 = arith.constant 0 : i32
    %dma_start3A_83 = tpu.memref_slice %arg31[%dma_start3A_82] : memref<81920xf32, #tpu.memory_space<vmem_shared>> -> memref<81920xf32, #tpu.memory_space<vmem_shared>>
    tpu.enqueue_indirect_dma source(%arg22 : memref<80xf32, #tpu.memory_space<vmem>>) target(%dma_start3A_83 : memref<81920xf32, #tpu.memory_space<vmem_shared>>) offsets(%arg18 : memref<80xi32, #tpu.memory_space<vmem>>) semaphore(%arg52 : memref<!tpu.dma_semaphore, #tpu.memory_space<semaphore_mem>>) {add = true}
    %dma_wait3A_84 = arith.constant 0 : i32
    %dma_wait3A_85 = arith.constant 0 : i32
    %dma_wait3A_86 = tpu.memref_slice %arg30[%dma_wait3A_84, %dma_wait3A_85] : memref<10240x128xf32, #tpu.memory_space<vmem_shared>> -> memref<10240x128xf32, #tpu.memory_space<vmem_shared>>
    tpu.wait_indirect_dma semaphore(%arg48 : memref<!tpu.dma_semaphore, #tpu.memory_space<semaphore_mem>>) src(%arg26 : memref<80x128xf32, #tpu.memory_space<vmem>>) dst(%dma_wait3A_86 : memref<10240x128xf32, #tpu.memory_space<vmem_shared>>)
    %dma_wait3A_87 = arith.constant 0 : i32
    %dma_wait3A_88 = tpu.memref_slice %arg31[%dma_wait3A_87] : memref<81920xf32, #tpu.memory_space<vmem_shared>> -> memref<81920xf32, #tpu.memory_space<vmem_shared>>
    tpu.wait_indirect_dma semaphore(%arg52 : memref<!tpu.dma_semaphore, #tpu.memory_space<semaphore_mem>>) src(%arg22 : memref<80xf32, #tpu.memory_space<vmem>>) dst(%dma_wait3A_88 : memref<81920xf32, #tpu.memory_space<vmem_shared>>)
    %barrier3A_89 = arith.constant 0 : index
    tpu.barrier barrier_id(%barrier3A_89)
    %mul3A_90 = arith.constant 640 : i32
    %mul3A_91 = arith.muli %arg1, %mul3A_90 : i32
    %mul3A_92 = arith.constant 10240 : i32
    %mul3A_93 = arith.muli %arg0, %mul3A_92 : i32
    %mul3A_94 = arith.constant 640 : i32
    %mul3A_95 = arith.muli %arg1, %mul3A_94 : i32
    %add3A_96 = arith.addi %mul3A_93, %mul3A_95 : i32
    "tpu.region"() ({
      %run_scoped3A = tpu.sem_alloc : memref<!tpu.dma_semaphore, #tpu.memory_space<semaphore_mem>>
      %dma_start3A_108 = arith.constant 0 : i32
      %dma_start3A_109 = tpu.memref_slice %arg8[%add3A_96, %dma_start3A_108] : memref<20480x128xf32, #tpu.memory_space<hbm>> -> memref<640x128xf32, #tpu.memory_space<hbm>>
      %dma_start3A_110 = arith.constant 0 : i32
      %dma_start3A_111 = tpu.memref_slice %arg30[%mul3A_91, %dma_start3A_110] : memref<10240x128xf32, #tpu.memory_space<vmem_shared>> -> memref<640x128xf32, #tpu.memory_space<vmem_shared>>
      tpu.enqueue_dma source(%dma_start3A_111 : memref<640x128xf32, #tpu.memory_space<vmem_shared>>) target(%dma_start3A_109 : memref<640x128xf32, #tpu.memory_space<hbm>>) target_semaphore(%run_scoped3A : memref<!tpu.dma_semaphore, #tpu.memory_space<semaphore_mem>>)
      %dma_wait3A_112 = arith.constant 0 : i32
      %dma_wait3A_113 = tpu.memref_slice %arg8[%add3A_96, %dma_wait3A_112] : memref<20480x128xf32, #tpu.memory_space<hbm>> -> memref<640x128xf32, #tpu.memory_space<hbm>>
      %dma_wait3A_114 = arith.constant 0 : i32
      %dma_wait3A_115 = tpu.memref_slice %arg30[%mul3A_91, %dma_wait3A_114] : memref<10240x128xf32, #tpu.memory_space<vmem_shared>> -> memref<640x128xf32, #tpu.memory_space<vmem_shared>>
      tpu.wait_dma2 semaphore(%run_scoped3A : memref<!tpu.dma_semaphore, #tpu.memory_space<semaphore_mem>>) src(%dma_wait3A_115 : memref<640x128xf32, #tpu.memory_space<vmem_shared>>) dst(%dma_wait3A_113 : memref<640x128xf32, #tpu.memory_space<hbm>>)
      tpu.yield
    }) : () -> ()
    %mul3A_97 = arith.constant 640 : i32
    %mul3A_98 = arith.muli %arg1, %mul3A_97 : i32
    %mul3A_99 = arith.constant 8 : i32
    %mul3A_100 = arith.muli %mul3A_98, %mul3A_99 : i32
    %mul3A_101 = arith.constant 10240 : i32
    %mul3A_102 = arith.muli %arg0, %mul3A_101 : i32
    %mul3A_103 = arith.constant 640 : i32
    %mul3A_104 = arith.muli %arg1, %mul3A_103 : i32
    %add3A_105 = arith.addi %mul3A_102, %mul3A_104 : i32
    %mul3A_106 = arith.constant 8 : i32
    %mul3A_107 = arith.muli %add3A_105, %mul3A_106 : i32
    "tpu.region"() ({
      %run_scoped3A = tpu.sem_alloc : memref<!tpu.dma_semaphore, #tpu.memory_space<semaphore_mem>>
      %dma_start3A_108 = tpu.memref_slice %arg9[%mul3A_107] : memref<163840xf32, #tpu.memory_space<hbm>> -> memref<5120xf32, #tpu.memory_space<hbm>>
      %dma_start3A_109 = tpu.memref_slice %arg31[%mul3A_100] : memref<81920xf32, #tpu.memory_space<vmem_shared>> -> memref<5120xf32, #tpu.memory_space<vmem_shared>>
      tpu.enqueue_dma source(%dma_start3A_109 : memref<5120xf32, #tpu.memory_space<vmem_shared>>) target(%dma_start3A_108 : memref<5120xf32, #tpu.memory_space<hbm>>) target_semaphore(%run_scoped3A : memref<!tpu.dma_semaphore, #tpu.memory_space<semaphore_mem>>)
      %dma_wait3A_110 = tpu.memref_slice %arg9[%mul3A_107] : memref<163840xf32, #tpu.memory_space<hbm>> -> memref<5120xf32, #tpu.memory_space<hbm>>
      %dma_wait3A_111 = tpu.memref_slice %arg31[%mul3A_100] : memref<81920xf32, #tpu.memory_space<vmem_shared>> -> memref<5120xf32, #tpu.memory_space<vmem_shared>>
      tpu.wait_dma2 semaphore(%run_scoped3A : memref<!tpu.dma_semaphore, #tpu.memory_space<semaphore_mem>>) src(%dma_wait3A_111 : memref<5120xf32, #tpu.memory_space<vmem_shared>>) dst(%dma_wait3A_110 : memref<5120xf32, #tpu.memory_space<hbm>>)
      tpu.yield
    }) : () -> ()
    return
  }
}

#map = affine_map<(d0, d1) -> (0)>
module attributes {stable_mosaic.version = 14 : i64} {
  func.func @body(%arg0: i32, %arg1: i32, %arg2: memref<320000xi32, #tpu.memory_space<hbm>>, %arg3: memref<320000xi32, #tpu.memory_space<hbm>>, %arg4: memref<5120xf32, #tpu.memory_space<hbm>>, %arg5: memref<163840xf32, #tpu.memory_space<hbm>>, %arg6: memref<320000xi32, #tpu.memory_space<hbm>>, %arg7: memref<80xi32, #tpu.memory_space<vmem>>, %arg8: memref<80xi32, #tpu.memory_space<vmem>>, %arg9: memref<80xi32, #tpu.memory_space<vmem>>, %arg10: memref<80xi32, #tpu.memory_space<vmem>>, %arg11: memref<80xi32, #tpu.memory_space<vmem>>, %arg12: memref<80xi32, #tpu.memory_space<vmem>>, %arg13: memref<80xi32, #tpu.memory_space<vmem>>, %arg14: memref<80xi32, #tpu.memory_space<vmem>>, %arg15: memref<80xi32, #tpu.memory_space<vmem>>, %arg16: memref<80xi32, #tpu.memory_space<vmem>>, %arg17: memref<80xi32, #tpu.memory_space<vmem>>, %arg18: memref<80xi32, #tpu.memory_space<vmem>>, %arg19: memref<80xi32, #tpu.memory_space<vmem>>, %arg20: memref<80xi32, #tpu.memory_space<vmem>>, %arg21: memref<80xi32, #tpu.memory_space<vmem>>, %arg22: memref<80xf32, #tpu.memory_space<vmem>>, %arg23: memref<81920xf32, #tpu.memory_space<vmem_shared>>, %arg24: memref<!tpu.dma_semaphore, #tpu.memory_space<semaphore_mem>>, %arg25: memref<!tpu.dma_semaphore, #tpu.memory_space<semaphore_mem>>, %arg26: memref<!tpu.dma_semaphore, #tpu.memory_space<semaphore_mem>>, %arg27: memref<!tpu.dma_semaphore, #tpu.memory_space<semaphore_mem>>, %arg28: memref<!tpu.dma_semaphore, #tpu.memory_space<semaphore_mem>>, %arg29: memref<!tpu.dma_semaphore, #tpu.memory_space<semaphore_mem>>, %arg30: memref<!tpu.dma_semaphore, #tpu.memory_space<semaphore_mem>>, %arg31: memref<!tpu.dma_semaphore, #tpu.memory_space<semaphore_mem>>, %arg32: memref<!tpu.dma_semaphore, #tpu.memory_space<semaphore_mem>>, %arg33: memref<!tpu.dma_semaphore, #tpu.memory_space<semaphore_mem>>, %arg34: memref<!tpu.dma_semaphore, #tpu.memory_space<semaphore_mem>>, %arg35: memref<!tpu.dma_semaphore, #tpu.memory_space<semaphore_mem>>, %arg36: memref<!tpu.dma_semaphore, #tpu.memory_space<semaphore_mem>>, %arg37: memref<!tpu.dma_semaphore, #tpu.memory_space<semaphore_mem>>, %arg38: memref<!tpu.dma_semaphore, #tpu.memory_space<semaphore_mem>>, %arg39: memref<!tpu.dma_semaphore, #tpu.memory_space<semaphore_mem>>, %arg40: memref<!tpu.dma_semaphore, #tpu.memory_space<semaphore_mem>>, %arg41: memref<!tpu.dma_semaphore, #tpu.memory_space<semaphore_mem>>, %arg42: memref<!tpu.dma_semaphore, #tpu.memory_space<semaphore_mem>>, %arg43: memref<!tpu.dma_semaphore, #tpu.memory_space<semaphore_mem>>) attributes {dimension_semantics = [#tpu.dimension_semantics<core_parallel>, #tpu.dimension_semantics<subcore_parallel>], iteration_bounds = array<i64: 2, 16>, scalar_prefetch = 0 : i64, scratch_operands = 37 : i64, tpu.core_type = #tpu.core_type<sc_vector_subcore>, window_params = [{transform_indices = #map}, {transform_indices = #map}, {transform_indices = #map}, {transform_indices = #map}, {transform_indices = #map}]} {
    %mul3A = arith.constant 16 : i32
    %mul3A_0 = arith.muli %arg0, %mul3A : i32
    %add3A = arith.addi %mul3A_0, %arg1 : i32
    %mul3A_1 = arith.constant 10000 : i32
    %mul3A_2 = arith.muli %add3A, %mul3A_1 : i32
    %broadcast_in_dim3A = arith.constant 1.000000e+00 : f32
    %broadcast_in_dim3A_3 = vector.broadcast %broadcast_in_dim3A : f32 to vector<16xf32>
    %swap3A = arith.constant 0 : index
    %swap3A_4 = tpu.vector_load %arg22[%swap3A] {strides = array<i32>} : memref<80xf32, #tpu.memory_space<vmem>>, vector<16xf32>,
    %swap3A_5 = vector.shape_cast %swap3A_4 : vector<16xf32> to vector<16xf32>
    %swap3A_6 = vector.shape_cast %broadcast_in_dim3A_3 : vector<16xf32> to vector<16xf32>
    tpu.vector_store %arg22[%swap3A], %swap3A_6 {strides = array<i32>} : memref<80xf32, #tpu.memory_space<vmem>>, vector<16xf32>,
    %broadcast_in_dim3A_7 = arith.constant 1.000000e+00 : f32
    %broadcast_in_dim3A_8 = vector.broadcast %broadcast_in_dim3A_7 : f32 to vector<16xf32>
    %swap3A_9 = arith.constant 16 : index
    %swap3A_10 = tpu.vector_load %arg22[%swap3A_9] {strides = array<i32>} : memref<80xf32, #tpu.memory_space<vmem>>, vector<16xf32>,
    %swap3A_11 = vector.shape_cast %swap3A_10 : vector<16xf32> to vector<16xf32>
    %swap3A_12 = vector.shape_cast %broadcast_in_dim3A_8 : vector<16xf32> to vector<16xf32>
    tpu.vector_store %arg22[%swap3A_9], %swap3A_12 {strides = array<i32>} : memref<80xf32, #tpu.memory_space<vmem>>, vector<16xf32>,
    %broadcast_in_dim3A_13 = arith.constant 1.000000e+00 : f32
    %broadcast_in_dim3A_14 = vector.broadcast %broadcast_in_dim3A_13 : f32 to vector<16xf32>
    %swap3A_15 = arith.constant 32 : index
    %swap3A_16 = tpu.vector_load %arg22[%swap3A_15] {strides = array<i32>} : memref<80xf32, #tpu.memory_space<vmem>>, vector<16xf32>,
    %swap3A_17 = vector.shape_cast %swap3A_16 : vector<16xf32> to vector<16xf32>
    %swap3A_18 = vector.shape_cast %broadcast_in_dim3A_14 : vector<16xf32> to vector<16xf32>
    tpu.vector_store %arg22[%swap3A_15], %swap3A_18 {strides = array<i32>} : memref<80xf32, #tpu.memory_space<vmem>>, vector<16xf32>,
    %broadcast_in_dim3A_19 = arith.constant 1.000000e+00 : f32
    %broadcast_in_dim3A_20 = vector.broadcast %broadcast_in_dim3A_19 : f32 to vector<16xf32>
    %swap3A_21 = arith.constant 48 : index
    %swap3A_22 = tpu.vector_load %arg22[%swap3A_21] {strides = array<i32>} : memref<80xf32, #tpu.memory_space<vmem>>, vector<16xf32>,
    %swap3A_23 = vector.shape_cast %swap3A_22 : vector<16xf32> to vector<16xf32>
    %swap3A_24 = vector.shape_cast %broadcast_in_dim3A_20 : vector<16xf32> to vector<16xf32>
    tpu.vector_store %arg22[%swap3A_21], %swap3A_24 {strides = array<i32>} : memref<80xf32, #tpu.memory_space<vmem>>, vector<16xf32>,
    %broadcast_in_dim3A_25 = arith.constant 1.000000e+00 : f32
    %broadcast_in_dim3A_26 = vector.broadcast %broadcast_in_dim3A_25 : f32 to vector<16xf32>
    %swap3A_27 = arith.constant 64 : index
    %swap3A_28 = tpu.vector_load %arg22[%swap3A_27] {strides = array<i32>} : memref<80xf32, #tpu.memory_space<vmem>>, vector<16xf32>,
    %swap3A_29 = vector.shape_cast %swap3A_28 : vector<16xf32> to vector<16xf32>
    %swap3A_30 = vector.shape_cast %broadcast_in_dim3A_26 : vector<16xf32> to vector<16xf32>
    tpu.vector_store %arg22[%swap3A_27], %swap3A_30 {strides = array<i32>} : memref<80xf32, #tpu.memory_space<vmem>>, vector<16xf32>,
    %mul3A_31 = arith.constant 640 : i32
    %mul3A_32 = arith.muli %arg1, %mul3A_31 : i32
    %mul3A_33 = arith.constant 8 : i32
    %mul3A_34 = arith.muli %mul3A_32, %mul3A_33 : i32
    "tpu.region"() ({
      %run_scoped3A = tpu.sem_alloc : memref<!tpu.dma_semaphore, #tpu.memory_space<semaphore_mem>>
      %dma_start3A = tpu.memref_slice %arg23[%mul3A_34] : memref<81920xf32, #tpu.memory_space<vmem_shared>> -> memref<5120xf32, #tpu.memory_space<vmem_shared>>
      tpu.enqueue_dma source(%arg4 : memref<5120xf32, #tpu.memory_space<hbm>>) target(%dma_start3A : memref<5120xf32, #tpu.memory_space<vmem_shared>>) target_semaphore(%run_scoped3A : memref<!tpu.dma_semaphore, #tpu.memory_space<semaphore_mem>>)
      %dma_wait3A = tpu.memref_slice %arg23[%mul3A_34] : memref<81920xf32, #tpu.memory_space<vmem_shared>> -> memref<5120xf32, #tpu.memory_space<vmem_shared>>
      tpu.wait_dma2 semaphore(%run_scoped3A : memref<!tpu.dma_semaphore, #tpu.memory_space<semaphore_mem>>) src(%arg4 : memref<5120xf32, #tpu.memory_space<hbm>>) dst(%dma_wait3A : memref<5120xf32, #tpu.memory_space<vmem_shared>>)
      tpu.yield
    }) : () -> ()
    %barrier3A = arith.constant 0 : index
    tpu.barrier barrier_id(%barrier3A)
    %scan3A = arith.constant 0 : i32
    %scan3A_35 = arith.constant 25 : i32
    %scan3A_36 = arith.addi %scan3A, %scan3A_35 : i32
    %scan3A_37 = arith.constant 1 : i32
    scf.for %scan3A_51 = %scan3A to %scan3A_36 step %scan3A_37  : i32 {
      %mul3A_52 = arith.constant 5 : i32
      %mul3A_53 = arith.muli %scan3A_51, %mul3A_52 : i32
      %add3A_54 = arith.constant 0 : i32
      %add3A_55 = arith.addi %mul3A_53, %add3A_54 : i32
      %mul3A_56 = arith.constant 80 : i32
      %mul3A_57 = arith.muli %add3A_55, %mul3A_56 : i32
      %add3A_58 = arith.addi %mul3A_2, %mul3A_57 : i32
      %dma_start3A = tpu.memref_slice %arg2[%add3A_58] : memref<320000xi32, #tpu.memory_space<hbm>> -> memref<80xi32, #tpu.memory_space<hbm>>
      %dma_start3A_59 = tpu.memref_slice %arg2[%add3A_58] : memref<320000xi32, #tpu.memory_space<hbm>> -> memref<80xi32, #tpu.memory_space<hbm>>
      tpu.enqueue_dma source(%dma_start3A_59 : memref<80xi32, #tpu.memory_space<hbm>>) target(%arg7 : memref<80xi32, #tpu.memory_space<vmem>>) target_semaphore(%arg24 : memref<!tpu.dma_semaphore, #tpu.memory_space<semaphore_mem>>)
      %dma_start3A_60 = tpu.memref_slice %arg3[%add3A_58] : memref<320000xi32, #tpu.memory_space<hbm>> -> memref<80xi32, #tpu.memory_space<hbm>>
      %dma_start3A_61 = tpu.memref_slice %arg3[%add3A_58] : memref<320000xi32, #tpu.memory_space<hbm>> -> memref<80xi32, #tpu.memory_space<hbm>>
      tpu.enqueue_dma source(%dma_start3A_61 : memref<80xi32, #tpu.memory_space<hbm>>) target(%arg12 : memref<80xi32, #tpu.memory_space<vmem>>) target_semaphore(%arg29 : memref<!tpu.dma_semaphore, #tpu.memory_space<semaphore_mem>>)
      %add3A_62 = arith.constant 1 : i32
      %add3A_63 = arith.addi %mul3A_53, %add3A_62 : i32
      %mul3A_64 = arith.constant 80 : i32
      %mul3A_65 = arith.muli %add3A_63, %mul3A_64 : i32
      %add3A_66 = arith.addi %mul3A_2, %mul3A_65 : i32
      %dma_start3A_67 = tpu.memref_slice %arg2[%add3A_66] : memref<320000xi32, #tpu.memory_space<hbm>> -> memref<80xi32, #tpu.memory_space<hbm>>
      %dma_start3A_68 = tpu.memref_slice %arg2[%add3A_66] : memref<320000xi32, #tpu.memory_space<hbm>> -> memref<80xi32, #tpu.memory_space<hbm>>
      tpu.enqueue_dma source(%dma_start3A_68 : memref<80xi32, #tpu.memory_space<hbm>>) target(%arg8 : memref<80xi32, #tpu.memory_space<vmem>>) target_semaphore(%arg25 : memref<!tpu.dma_semaphore, #tpu.memory_space<semaphore_mem>>)
      %dma_start3A_69 = tpu.memref_slice %arg3[%add3A_66] : memref<320000xi32, #tpu.memory_space<hbm>> -> memref<80xi32, #tpu.memory_space<hbm>>
      %dma_start3A_70 = tpu.memref_slice %arg3[%add3A_66] : memref<320000xi32, #tpu.memory_space<hbm>> -> memref<80xi32, #tpu.memory_space<hbm>>
      tpu.enqueue_dma source(%dma_start3A_70 : memref<80xi32, #tpu.memory_space<hbm>>) target(%arg13 : memref<80xi32, #tpu.memory_space<vmem>>) target_semaphore(%arg30 : memref<!tpu.dma_semaphore, #tpu.memory_space<semaphore_mem>>)
      %add3A_71 = arith.constant 2 : i32
      %add3A_72 = arith.addi %mul3A_53, %add3A_71 : i32
      %mul3A_73 = arith.constant 80 : i32
      %mul3A_74 = arith.muli %add3A_72, %mul3A_73 : i32
      %add3A_75 = arith.addi %mul3A_2, %mul3A_74 : i32
      %dma_start3A_76 = tpu.memref_slice %arg2[%add3A_75] : memref<320000xi32, #tpu.memory_space<hbm>> -> memref<80xi32, #tpu.memory_space<hbm>>
      %dma_start3A_77 = tpu.memref_slice %arg2[%add3A_75] : memref<320000xi32, #tpu.memory_space<hbm>> -> memref<80xi32, #tpu.memory_space<hbm>>
      tpu.enqueue_dma source(%dma_start3A_77 : memref<80xi32, #tpu.memory_space<hbm>>) target(%arg9 : memref<80xi32, #tpu.memory_space<vmem>>) target_semaphore(%arg26 : memref<!tpu.dma_semaphore, #tpu.memory_space<semaphore_mem>>)
      %dma_start3A_78 = tpu.memref_slice %arg3[%add3A_75] : memref<320000xi32, #tpu.memory_space<hbm>> -> memref<80xi32, #tpu.memory_space<hbm>>
      %dma_start3A_79 = tpu.memref_slice %arg3[%add3A_75] : memref<320000xi32, #tpu.memory_space<hbm>> -> memref<80xi32, #tpu.memory_space<hbm>>
      tpu.enqueue_dma source(%dma_start3A_79 : memref<80xi32, #tpu.memory_space<hbm>>) target(%arg14 : memref<80xi32, #tpu.memory_space<vmem>>) target_semaphore(%arg31 : memref<!tpu.dma_semaphore, #tpu.memory_space<semaphore_mem>>)
      %add3A_80 = arith.constant 3 : i32
      %add3A_81 = arith.addi %mul3A_53, %add3A_80 : i32
      %mul3A_82 = arith.constant 80 : i32
      %mul3A_83 = arith.muli %add3A_81, %mul3A_82 : i32
      %add3A_84 = arith.addi %mul3A_2, %mul3A_83 : i32
      %dma_start3A_85 = tpu.memref_slice %arg2[%add3A_84] : memref<320000xi32, #tpu.memory_space<hbm>> -> memref<80xi32, #tpu.memory_space<hbm>>
      %dma_start3A_86 = tpu.memref_slice %arg2[%add3A_84] : memref<320000xi32, #tpu.memory_space<hbm>> -> memref<80xi32, #tpu.memory_space<hbm>>
      tpu.enqueue_dma source(%dma_start3A_86 : memref<80xi32, #tpu.memory_space<hbm>>) target(%arg10 : memref<80xi32, #tpu.memory_space<vmem>>) target_semaphore(%arg27 : memref<!tpu.dma_semaphore, #tpu.memory_space<semaphore_mem>>)
      %dma_start3A_87 = tpu.memref_slice %arg3[%add3A_84] : memref<320000xi32, #tpu.memory_space<hbm>> -> memref<80xi32, #tpu.memory_space<hbm>>
      %dma_start3A_88 = tpu.memref_slice %arg3[%add3A_84] : memref<320000xi32, #tpu.memory_space<hbm>> -> memref<80xi32, #tpu.memory_space<hbm>>
      tpu.enqueue_dma source(%dma_start3A_88 : memref<80xi32, #tpu.memory_space<hbm>>) target(%arg15 : memref<80xi32, #tpu.memory_space<vmem>>) target_semaphore(%arg32 : memref<!tpu.dma_semaphore, #tpu.memory_space<semaphore_mem>>)
      %add3A_89 = arith.constant 4 : i32
      %add3A_90 = arith.addi %mul3A_53, %add3A_89 : i32
      %mul3A_91 = arith.constant 80 : i32
      %mul3A_92 = arith.muli %add3A_90, %mul3A_91 : i32
      %add3A_93 = arith.addi %mul3A_2, %mul3A_92 : i32
      %dma_start3A_94 = tpu.memref_slice %arg2[%add3A_93] : memref<320000xi32, #tpu.memory_space<hbm>> -> memref<80xi32, #tpu.memory_space<hbm>>
      %dma_start3A_95 = tpu.memref_slice %arg2[%add3A_93] : memref<320000xi32, #tpu.memory_space<hbm>> -> memref<80xi32, #tpu.memory_space<hbm>>
      tpu.enqueue_dma source(%dma_start3A_95 : memref<80xi32, #tpu.memory_space<hbm>>) target(%arg11 : memref<80xi32, #tpu.memory_space<vmem>>) target_semaphore(%arg28 : memref<!tpu.dma_semaphore, #tpu.memory_space<semaphore_mem>>)
      %dma_start3A_96 = tpu.memref_slice %arg3[%add3A_93] : memref<320000xi32, #tpu.memory_space<hbm>> -> memref<80xi32, #tpu.memory_space<hbm>>
      %dma_start3A_97 = tpu.memref_slice %arg3[%add3A_93] : memref<320000xi32, #tpu.memory_space<hbm>> -> memref<80xi32, #tpu.memory_space<hbm>>
      tpu.enqueue_dma source(%dma_start3A_97 : memref<80xi32, #tpu.memory_space<hbm>>) target(%arg16 : memref<80xi32, #tpu.memory_space<vmem>>) target_semaphore(%arg33 : memref<!tpu.dma_semaphore, #tpu.memory_space<semaphore_mem>>)
      %add3A_98 = arith.constant 0 : i32
      %add3A_99 = arith.addi %mul3A_53, %add3A_98 : i32
      %mul3A_100 = arith.constant 80 : i32
      %mul3A_101 = arith.muli %add3A_99, %mul3A_100 : i32
      %add3A_102 = arith.addi %mul3A_2, %mul3A_101 : i32
      %dma_wait3A = tpu.memref_slice %arg2[%add3A_58] : memref<320000xi32, #tpu.memory_space<hbm>> -> memref<80xi32, #tpu.memory_space<hbm>>
      %dma_wait3A_103 = tpu.memref_slice %arg2[%add3A_58] : memref<320000xi32, #tpu.memory_space<hbm>> -> memref<80xi32, #tpu.memory_space<hbm>>
      tpu.wait_dma2 semaphore(%arg24 : memref<!tpu.dma_semaphore, #tpu.memory_space<semaphore_mem>>) src(%dma_wait3A_103 : memref<80xi32, #tpu.memory_space<hbm>>) dst(%arg7 : memref<80xi32, #tpu.memory_space<vmem>>)
      %dma_wait3A_104 = tpu.memref_slice %arg3[%add3A_58] : memref<320000xi32, #tpu.memory_space<hbm>> -> memref<80xi32, #tpu.memory_space<hbm>>
      %dma_wait3A_105 = tpu.memref_slice %arg3[%add3A_58] : memref<320000xi32, #tpu.memory_space<hbm>> -> memref<80xi32, #tpu.memory_space<hbm>>
      tpu.wait_dma2 semaphore(%arg29 : memref<!tpu.dma_semaphore, #tpu.memory_space<semaphore_mem>>) src(%dma_wait3A_105 : memref<80xi32, #tpu.memory_space<hbm>>) dst(%arg12 : memref<80xi32, #tpu.memory_space<vmem>>)
      %get3A = arith.constant 0 : index
      %get3A_106 = tpu.vector_load %arg7[%get3A] {strides = array<i32>} : memref<80xi32, #tpu.memory_space<vmem>>, vector<16xi32>,
      %get3A_107 = vector.shape_cast %get3A_106 : vector<16xi32> to vector<16xi32>
      %get3A_108 = arith.constant 0 : index
      %get3A_109 = tpu.vector_load %arg12[%get3A_108] {strides = array<i32>} : memref<80xi32, #tpu.memory_space<vmem>>, vector<16xi32>,
      %get3A_110 = vector.shape_cast %get3A_109 : vector<16xi32> to vector<16xi32>
      %ne3A = arith.cmpi ne, %get3A_107, %get3A_110 : vector<16xi32>
      %broadcast_in_dim3A_111 = arith.constant 10000 : i32
      %broadcast_in_dim3A_112 = vector.broadcast %broadcast_in_dim3A_111 : i32 to vector<16xi32>
      %select_n3A = arith.select %ne3A, %get3A_110, %broadcast_in_dim3A_112 : vector<16xi1>, vector<16xi32>
      %swap3A_113 = arith.constant 0 : index
      %swap3A_114 = tpu.vector_load %arg12[%swap3A_113] {strides = array<i32>} : memref<80xi32, #tpu.memory_space<vmem>>, vector<16xi32>,
      %swap3A_115 = vector.shape_cast %swap3A_114 : vector<16xi32> to vector<16xi32>
      %swap3A_116 = vector.shape_cast %select_n3A : vector<16xi32> to vector<16xi32>
      tpu.vector_store %arg12[%swap3A_113], %swap3A_116 {strides = array<i32>} : memref<80xi32, #tpu.memory_space<vmem>>, vector<16xi32>,
      %mul3A_117 = arith.constant 8 : i32
      %mul3A_118 = vector.broadcast %mul3A_117 : i32 to vector<16xi32>
      %mul3A_119 = arith.muli %select_n3A, %mul3A_118 : vector<16xi32>
      %swap3A_120 = arith.constant 0 : index
      %swap3A_121 = tpu.vector_load %arg17[%swap3A_120] {strides = array<i32>} : memref<80xi32, #tpu.memory_space<vmem>>, vector<16xi32>,
      %swap3A_122 = vector.shape_cast %swap3A_121 : vector<16xi32> to vector<16xi32>
      %swap3A_123 = vector.shape_cast %mul3A_119 : vector<16xi32> to vector<16xi32>
      tpu.vector_store %arg17[%swap3A_120], %swap3A_123 {strides = array<i32>} : memref<80xi32, #tpu.memory_space<vmem>>, vector<16xi32>,
      %get3A_124 = arith.constant 16 : index
      %get3A_125 = tpu.vector_load %arg7[%get3A_124] {strides = array<i32>} : memref<80xi32, #tpu.memory_space<vmem>>, vector<16xi32>,
      %get3A_126 = vector.shape_cast %get3A_125 : vector<16xi32> to vector<16xi32>
      %get3A_127 = arith.constant 16 : index
      %get3A_128 = tpu.vector_load %arg12[%get3A_127] {strides = array<i32>} : memref<80xi32, #tpu.memory_space<vmem>>, vector<16xi32>,
      %get3A_129 = vector.shape_cast %get3A_128 : vector<16xi32> to vector<16xi32>
      %ne3A_130 = arith.cmpi ne, %get3A_126, %get3A_129 : vector<16xi32>
      %broadcast_in_dim3A_131 = arith.constant 10000 : i32
      %broadcast_in_dim3A_132 = vector.broadcast %broadcast_in_dim3A_131 : i32 to vector<16xi32>
      %select_n3A_133 = arith.select %ne3A_130, %get3A_129, %broadcast_in_dim3A_132 : vector<16xi1>, vector<16xi32>
      %swap3A_134 = arith.constant 16 : index
      %swap3A_135 = tpu.vector_load %arg12[%swap3A_134] {strides = array<i32>} : memref<80xi32, #tpu.memory_space<vmem>>, vector<16xi32>,
      %swap3A_136 = vector.shape_cast %swap3A_135 : vector<16xi32> to vector<16xi32>
      %swap3A_137 = vector.shape_cast %select_n3A_133 : vector<16xi32> to vector<16xi32>
      tpu.vector_store %arg12[%swap3A_134], %swap3A_137 {strides = array<i32>} : memref<80xi32, #tpu.memory_space<vmem>>, vector<16xi32>,
      %mul3A_138 = arith.constant 8 : i32
      %mul3A_139 = vector.broadcast %mul3A_138 : i32 to vector<16xi32>
      %mul3A_140 = arith.muli %select_n3A_133, %mul3A_139 : vector<16xi32>
      %swap3A_141 = arith.constant 16 : index
      %swap3A_142 = tpu.vector_load %arg17[%swap3A_141] {strides = array<i32>} : memref<80xi32, #tpu.memory_space<vmem>>, vector<16xi32>,
      %swap3A_143 = vector.shape_cast %swap3A_142 : vector<16xi32> to vector<16xi32>
      %swap3A_144 = vector.shape_cast %mul3A_140 : vector<16xi32> to vector<16xi32>
      tpu.vector_store %arg17[%swap3A_141], %swap3A_144 {strides = array<i32>} : memref<80xi32, #tpu.memory_space<vmem>>, vector<16xi32>,
      %get3A_145 = arith.constant 32 : index
      %get3A_146 = tpu.vector_load %arg7[%get3A_145] {strides = array<i32>} : memref<80xi32, #tpu.memory_space<vmem>>, vector<16xi32>,
      %get3A_147 = vector.shape_cast %get3A_146 : vector<16xi32> to vector<16xi32>
      %get3A_148 = arith.constant 32 : index
      %get3A_149 = tpu.vector_load %arg12[%get3A_148] {strides = array<i32>} : memref<80xi32, #tpu.memory_space<vmem>>, vector<16xi32>,
      %get3A_150 = vector.shape_cast %get3A_149 : vector<16xi32> to vector<16xi32>
      %ne3A_151 = arith.cmpi ne, %get3A_147, %get3A_150 : vector<16xi32>
      %broadcast_in_dim3A_152 = arith.constant 10000 : i32
      %broadcast_in_dim3A_153 = vector.broadcast %broadcast_in_dim3A_152 : i32 to vector<16xi32>
      %select_n3A_154 = arith.select %ne3A_151, %get3A_150, %broadcast_in_dim3A_153 : vector<16xi1>, vector<16xi32>
      %swap3A_155 = arith.constant 32 : index
      %swap3A_156 = tpu.vector_load %arg12[%swap3A_155] {strides = array<i32>} : memref<80xi32, #tpu.memory_space<vmem>>, vector<16xi32>,
      %swap3A_157 = vector.shape_cast %swap3A_156 : vector<16xi32> to vector<16xi32>
      %swap3A_158 = vector.shape_cast %select_n3A_154 : vector<16xi32> to vector<16xi32>
      tpu.vector_store %arg12[%swap3A_155], %swap3A_158 {strides = array<i32>} : memref<80xi32, #tpu.memory_space<vmem>>, vector<16xi32>,
      %mul3A_159 = arith.constant 8 : i32
      %mul3A_160 = vector.broadcast %mul3A_159 : i32 to vector<16xi32>
      %mul3A_161 = arith.muli %select_n3A_154, %mul3A_160 : vector<16xi32>
      %swap3A_162 = arith.constant 32 : index
      %swap3A_163 = tpu.vector_load %arg17[%swap3A_162] {strides = array<i32>} : memref<80xi32, #tpu.memory_space<vmem>>, vector<16xi32>,
      %swap3A_164 = vector.shape_cast %swap3A_163 : vector<16xi32> to vector<16xi32>
      %swap3A_165 = vector.shape_cast %mul3A_161 : vector<16xi32> to vector<16xi32>
      tpu.vector_store %arg17[%swap3A_162], %swap3A_165 {strides = array<i32>} : memref<80xi32, #tpu.memory_space<vmem>>, vector<16xi32>,
      %get3A_166 = arith.constant 48 : index
      %get3A_167 = tpu.vector_load %arg7[%get3A_166] {strides = array<i32>} : memref<80xi32, #tpu.memory_space<vmem>>, vector<16xi32>,
      %get3A_168 = vector.shape_cast %get3A_167 : vector<16xi32> to vector<16xi32>
      %get3A_169 = arith.constant 48 : index
      %get3A_170 = tpu.vector_load %arg12[%get3A_169] {strides = array<i32>} : memref<80xi32, #tpu.memory_space<vmem>>, vector<16xi32>,
      %get3A_171 = vector.shape_cast %get3A_170 : vector<16xi32> to vector<16xi32>
      %ne3A_172 = arith.cmpi ne, %get3A_168, %get3A_171 : vector<16xi32>
      %broadcast_in_dim3A_173 = arith.constant 10000 : i32
      %broadcast_in_dim3A_174 = vector.broadcast %broadcast_in_dim3A_173 : i32 to vector<16xi32>
      %select_n3A_175 = arith.select %ne3A_172, %get3A_171, %broadcast_in_dim3A_174 : vector<16xi1>, vector<16xi32>
      %swap3A_176 = arith.constant 48 : index
      %swap3A_177 = tpu.vector_load %arg12[%swap3A_176] {strides = array<i32>} : memref<80xi32, #tpu.memory_space<vmem>>, vector<16xi32>,
      %swap3A_178 = vector.shape_cast %swap3A_177 : vector<16xi32> to vector<16xi32>
      %swap3A_179 = vector.shape_cast %select_n3A_175 : vector<16xi32> to vector<16xi32>
      tpu.vector_store %arg12[%swap3A_176], %swap3A_179 {strides = array<i32>} : memref<80xi32, #tpu.memory_space<vmem>>, vector<16xi32>,
      %mul3A_180 = arith.constant 8 : i32
      %mul3A_181 = vector.broadcast %mul3A_180 : i32 to vector<16xi32>
      %mul3A_182 = arith.muli %select_n3A_175, %mul3A_181 : vector<16xi32>
      %swap3A_183 = arith.constant 48 : index
      %swap3A_184 = tpu.vector_load %arg17[%swap3A_183] {strides = array<i32>} : memref<80xi32, #tpu.memory_space<vmem>>, vector<16xi32>,
      %swap3A_185 = vector.shape_cast %swap3A_184 : vector<16xi32> to vector<16xi32>
      %swap3A_186 = vector.shape_cast %mul3A_182 : vector<16xi32> to vector<16xi32>
      tpu.vector_store %arg17[%swap3A_183], %swap3A_186 {strides = array<i32>} : memref<80xi32, #tpu.memory_space<vmem>>, vector<16xi32>,
      %get3A_187 = arith.constant 64 : index
      %get3A_188 = tpu.vector_load %arg7[%get3A_187] {strides = array<i32>} : memref<80xi32, #tpu.memory_space<vmem>>, vector<16xi32>,
      %get3A_189 = vector.shape_cast %get3A_188 : vector<16xi32> to vector<16xi32>
      %get3A_190 = arith.constant 64 : index
      %get3A_191 = tpu.vector_load %arg12[%get3A_190] {strides = array<i32>} : memref<80xi32, #tpu.memory_space<vmem>>, vector<16xi32>,
      %get3A_192 = vector.shape_cast %get3A_191 : vector<16xi32> to vector<16xi32>
      %ne3A_193 = arith.cmpi ne, %get3A_189, %get3A_192 : vector<16xi32>
      %broadcast_in_dim3A_194 = arith.constant 10000 : i32
      %broadcast_in_dim3A_195 = vector.broadcast %broadcast_in_dim3A_194 : i32 to vector<16xi32>
      %select_n3A_196 = arith.select %ne3A_193, %get3A_192, %broadcast_in_dim3A_195 : vector<16xi1>, vector<16xi32>
      %swap3A_197 = arith.constant 64 : index
      %swap3A_198 = tpu.vector_load %arg12[%swap3A_197] {strides = array<i32>} : memref<80xi32, #tpu.memory_space<vmem>>, vector<16xi32>,
      %swap3A_199 = vector.shape_cast %swap3A_198 : vector<16xi32> to vector<16xi32>
      %swap3A_200 = vector.shape_cast %select_n3A_196 : vector<16xi32> to vector<16xi32>
      tpu.vector_store %arg12[%swap3A_197], %swap3A_200 {strides = array<i32>} : memref<80xi32, #tpu.memory_space<vmem>>, vector<16xi32>,
      %mul3A_201 = arith.constant 8 : i32
      %mul3A_202 = vector.broadcast %mul3A_201 : i32 to vector<16xi32>
      %mul3A_203 = arith.muli %select_n3A_196, %mul3A_202 : vector<16xi32>
      %swap3A_204 = arith.constant 64 : index
      %swap3A_205 = tpu.vector_load %arg17[%swap3A_204] {strides = array<i32>} : memref<80xi32, #tpu.memory_space<vmem>>, vector<16xi32>,
      %swap3A_206 = vector.shape_cast %swap3A_205 : vector<16xi32> to vector<16xi32>
      %swap3A_207 = vector.shape_cast %mul3A_203 : vector<16xi32> to vector<16xi32>
      tpu.vector_store %arg17[%swap3A_204], %swap3A_207 {strides = array<i32>} : memref<80xi32, #tpu.memory_space<vmem>>, vector<16xi32>,
      %dma_start3A_208 = arith.constant 0 : i32
      %dma_start3A_209 = tpu.memref_slice %arg23[%dma_start3A_208] : memref<81920xf32, #tpu.memory_space<vmem_shared>> -> memref<81920xf32, #tpu.memory_space<vmem_shared>>
      tpu.enqueue_indirect_dma source(%arg22 : memref<80xf32, #tpu.memory_space<vmem>>) target(%dma_start3A_209 : memref<81920xf32, #tpu.memory_space<vmem_shared>>) offsets(%arg17 : memref<80xi32, #tpu.memory_space<vmem>>) semaphore(%arg34 : memref<!tpu.dma_semaphore, #tpu.memory_space<semaphore_mem>>) {add = true}
      %dma_start3A_210 = tpu.memref_slice %arg6[%add3A_102] : memref<320000xi32, #tpu.memory_space<hbm>> -> memref<80xi32, #tpu.memory_space<hbm>>
      %dma_start3A_211 = tpu.memref_slice %arg6[%add3A_102] : memref<320000xi32, #tpu.memory_space<hbm>> -> memref<80xi32, #tpu.memory_space<hbm>>
      tpu.enqueue_dma source(%arg12 : memref<80xi32, #tpu.memory_space<vmem>>) target(%dma_start3A_211 : memref<80xi32, #tpu.memory_space<hbm>>) target_semaphore(%arg39 : memref<!tpu.dma_semaphore, #tpu.memory_space<semaphore_mem>>)
      %add3A_212 = arith.constant 1 : i32
      %add3A_213 = arith.addi %mul3A_53, %add3A_212 : i32
      %mul3A_214 = arith.constant 80 : i32
      %mul3A_215 = arith.muli %add3A_213, %mul3A_214 : i32
      %add3A_216 = arith.addi %mul3A_2, %mul3A_215 : i32
      %dma_wait3A_217 = tpu.memref_slice %arg2[%add3A_66] : memref<320000xi32, #tpu.memory_space<hbm>> -> memref<80xi32, #tpu.memory_space<hbm>>
      %dma_wait3A_218 = tpu.memref_slice %arg2[%add3A_66] : memref<320000xi32, #tpu.memory_space<hbm>> -> memref<80xi32, #tpu.memory_space<hbm>>
      tpu.wait_dma2 semaphore(%arg25 : memref<!tpu.dma_semaphore, #tpu.memory_space<semaphore_mem>>) src(%dma_wait3A_218 : memref<80xi32, #tpu.memory_space<hbm>>) dst(%arg8 : memref<80xi32, #tpu.memory_space<vmem>>)
      %dma_wait3A_219 = tpu.memref_slice %arg3[%add3A_66] : memref<320000xi32, #tpu.memory_space<hbm>> -> memref<80xi32, #tpu.memory_space<hbm>>
      %dma_wait3A_220 = tpu.memref_slice %arg3[%add3A_66] : memref<320000xi32, #tpu.memory_space<hbm>> -> memref<80xi32, #tpu.memory_space<hbm>>
      tpu.wait_dma2 semaphore(%arg30 : memref<!tpu.dma_semaphore, #tpu.memory_space<semaphore_mem>>) src(%dma_wait3A_220 : memref<80xi32, #tpu.memory_space<hbm>>) dst(%arg13 : memref<80xi32, #tpu.memory_space<vmem>>)
      %get3A_221 = arith.constant 0 : index
      %get3A_222 = tpu.vector_load %arg8[%get3A_221] {strides = array<i32>} : memref<80xi32, #tpu.memory_space<vmem>>, vector<16xi32>,
      %get3A_223 = vector.shape_cast %get3A_222 : vector<16xi32> to vector<16xi32>
      %get3A_224 = arith.constant 0 : index
      %get3A_225 = tpu.vector_load %arg13[%get3A_224] {strides = array<i32>} : memref<80xi32, #tpu.memory_space<vmem>>, vector<16xi32>,
      %get3A_226 = vector.shape_cast %get3A_225 : vector<16xi32> to vector<16xi32>
      %ne3A_227 = arith.cmpi ne, %get3A_223, %get3A_226 : vector<16xi32>
      %broadcast_in_dim3A_228 = arith.constant 10000 : i32
      %broadcast_in_dim3A_229 = vector.broadcast %broadcast_in_dim3A_228 : i32 to vector<16xi32>
      %select_n3A_230 = arith.select %ne3A_227, %get3A_226, %broadcast_in_dim3A_229 : vector<16xi1>, vector<16xi32>
      %swap3A_231 = arith.constant 0 : index
      %swap3A_232 = tpu.vector_load %arg13[%swap3A_231] {strides = array<i32>} : memref<80xi32, #tpu.memory_space<vmem>>, vector<16xi32>,
      %swap3A_233 = vector.shape_cast %swap3A_232 : vector<16xi32> to vector<16xi32>
      %swap3A_234 = vector.shape_cast %select_n3A_230 : vector<16xi32> to vector<16xi32>
      tpu.vector_store %arg13[%swap3A_231], %swap3A_234 {strides = array<i32>} : memref<80xi32, #tpu.memory_space<vmem>>, vector<16xi32>,
      %mul3A_235 = arith.constant 8 : i32
      %mul3A_236 = vector.broadcast %mul3A_235 : i32 to vector<16xi32>
      %mul3A_237 = arith.muli %select_n3A_230, %mul3A_236 : vector<16xi32>
      %swap3A_238 = arith.constant 0 : index
      %swap3A_239 = tpu.vector_load %arg18[%swap3A_238] {strides = array<i32>} : memref<80xi32, #tpu.memory_space<vmem>>, vector<16xi32>,
      %swap3A_240 = vector.shape_cast %swap3A_239 : vector<16xi32> to vector<16xi32>
      %swap3A_241 = vector.shape_cast %mul3A_237 : vector<16xi32> to vector<16xi32>
      tpu.vector_store %arg18[%swap3A_238], %swap3A_241 {strides = array<i32>} : memref<80xi32, #tpu.memory_space<vmem>>, vector<16xi32>,
      %get3A_242 = arith.constant 16 : index
      %get3A_243 = tpu.vector_load %arg8[%get3A_242] {strides = array<i32>} : memref<80xi32, #tpu.memory_space<vmem>>, vector<16xi32>,
      %get3A_244 = vector.shape_cast %get3A_243 : vector<16xi32> to vector<16xi32>
      %get3A_245 = arith.constant 16 : index
      %get3A_246 = tpu.vector_load %arg13[%get3A_245] {strides = array<i32>} : memref<80xi32, #tpu.memory_space<vmem>>, vector<16xi32>,
      %get3A_247 = vector.shape_cast %get3A_246 : vector<16xi32> to vector<16xi32>
      %ne3A_248 = arith.cmpi ne, %get3A_244, %get3A_247 : vector<16xi32>
      %broadcast_in_dim3A_249 = arith.constant 10000 : i32
      %broadcast_in_dim3A_250 = vector.broadcast %broadcast_in_dim3A_249 : i32 to vector<16xi32>
      %select_n3A_251 = arith.select %ne3A_248, %get3A_247, %broadcast_in_dim3A_250 : vector<16xi1>, vector<16xi32>
      %swap3A_252 = arith.constant 16 : index
      %swap3A_253 = tpu.vector_load %arg13[%swap3A_252] {strides = array<i32>} : memref<80xi32, #tpu.memory_space<vmem>>, vector<16xi32>,
      %swap3A_254 = vector.shape_cast %swap3A_253 : vector<16xi32> to vector<16xi32>
      %swap3A_255 = vector.shape_cast %select_n3A_251 : vector<16xi32> to vector<16xi32>
      tpu.vector_store %arg13[%swap3A_252], %swap3A_255 {strides = array<i32>} : memref<80xi32, #tpu.memory_space<vmem>>, vector<16xi32>,
      %mul3A_256 = arith.constant 8 : i32
      %mul3A_257 = vector.broadcast %mul3A_256 : i32 to vector<16xi32>
      %mul3A_258 = arith.muli %select_n3A_251, %mul3A_257 : vector<16xi32>
      %swap3A_259 = arith.constant 16 : index
      %swap3A_260 = tpu.vector_load %arg18[%swap3A_259] {strides = array<i32>} : memref<80xi32, #tpu.memory_space<vmem>>, vector<16xi32>,
      %swap3A_261 = vector.shape_cast %swap3A_260 : vector<16xi32> to vector<16xi32>
      %swap3A_262 = vector.shape_cast %mul3A_258 : vector<16xi32> to vector<16xi32>
      tpu.vector_store %arg18[%swap3A_259], %swap3A_262 {strides = array<i32>} : memref<80xi32, #tpu.memory_space<vmem>>, vector<16xi32>,
      %get3A_263 = arith.constant 32 : index
      %get3A_264 = tpu.vector_load %arg8[%get3A_263] {strides = array<i32>} : memref<80xi32, #tpu.memory_space<vmem>>, vector<16xi32>,
      %get3A_265 = vector.shape_cast %get3A_264 : vector<16xi32> to vector<16xi32>
      %get3A_266 = arith.constant 32 : index
      %get3A_267 = tpu.vector_load %arg13[%get3A_266] {strides = array<i32>} : memref<80xi32, #tpu.memory_space<vmem>>, vector<16xi32>,
      %get3A_268 = vector.shape_cast %get3A_267 : vector<16xi32> to vector<16xi32>
      %ne3A_269 = arith.cmpi ne, %get3A_265, %get3A_268 : vector<16xi32>
      %broadcast_in_dim3A_270 = arith.constant 10000 : i32
      %broadcast_in_dim3A_271 = vector.broadcast %broadcast_in_dim3A_270 : i32 to vector<16xi32>
      %select_n3A_272 = arith.select %ne3A_269, %get3A_268, %broadcast_in_dim3A_271 : vector<16xi1>, vector<16xi32>
      %swap3A_273 = arith.constant 32 : index
      %swap3A_274 = tpu.vector_load %arg13[%swap3A_273] {strides = array<i32>} : memref<80xi32, #tpu.memory_space<vmem>>, vector<16xi32>,
      %swap3A_275 = vector.shape_cast %swap3A_274 : vector<16xi32> to vector<16xi32>
      %swap3A_276 = vector.shape_cast %select_n3A_272 : vector<16xi32> to vector<16xi32>
      tpu.vector_store %arg13[%swap3A_273], %swap3A_276 {strides = array<i32>} : memref<80xi32, #tpu.memory_space<vmem>>, vector<16xi32>,
      %mul3A_277 = arith.constant 8 : i32
      %mul3A_278 = vector.broadcast %mul3A_277 : i32 to vector<16xi32>
      %mul3A_279 = arith.muli %select_n3A_272, %mul3A_278 : vector<16xi32>
      %swap3A_280 = arith.constant 32 : index
      %swap3A_281 = tpu.vector_load %arg18[%swap3A_280] {strides = array<i32>} : memref<80xi32, #tpu.memory_space<vmem>>, vector<16xi32>,
      %swap3A_282 = vector.shape_cast %swap3A_281 : vector<16xi32> to vector<16xi32>
      %swap3A_283 = vector.shape_cast %mul3A_279 : vector<16xi32> to vector<16xi32>
      tpu.vector_store %arg18[%swap3A_280], %swap3A_283 {strides = array<i32>} : memref<80xi32, #tpu.memory_space<vmem>>, vector<16xi32>,
      %get3A_284 = arith.constant 48 : index
      %get3A_285 = tpu.vector_load %arg8[%get3A_284] {strides = array<i32>} : memref<80xi32, #tpu.memory_space<vmem>>, vector<16xi32>,
      %get3A_286 = vector.shape_cast %get3A_285 : vector<16xi32> to vector<16xi32>
      %get3A_287 = arith.constant 48 : index
      %get3A_288 = tpu.vector_load %arg13[%get3A_287] {strides = array<i32>} : memref<80xi32, #tpu.memory_space<vmem>>, vector<16xi32>,
      %get3A_289 = vector.shape_cast %get3A_288 : vector<16xi32> to vector<16xi32>
      %ne3A_290 = arith.cmpi ne, %get3A_286, %get3A_289 : vector<16xi32>
      %broadcast_in_dim3A_291 = arith.constant 10000 : i32
      %broadcast_in_dim3A_292 = vector.broadcast %broadcast_in_dim3A_291 : i32 to vector<16xi32>
      %select_n3A_293 = arith.select %ne3A_290, %get3A_289, %broadcast_in_dim3A_292 : vector<16xi1>, vector<16xi32>
      %swap3A_294 = arith.constant 48 : index
      %swap3A_295 = tpu.vector_load %arg13[%swap3A_294] {strides = array<i32>} : memref<80xi32, #tpu.memory_space<vmem>>, vector<16xi32>,
      %swap3A_296 = vector.shape_cast %swap3A_295 : vector<16xi32> to vector<16xi32>
      %swap3A_297 = vector.shape_cast %select_n3A_293 : vector<16xi32> to vector<16xi32>
      tpu.vector_store %arg13[%swap3A_294], %swap3A_297 {strides = array<i32>} : memref<80xi32, #tpu.memory_space<vmem>>, vector<16xi32>,
      %mul3A_298 = arith.constant 8 : i32
      %mul3A_299 = vector.broadcast %mul3A_298 : i32 to vector<16xi32>
      %mul3A_300 = arith.muli %select_n3A_293, %mul3A_299 : vector<16xi32>
      %swap3A_301 = arith.constant 48 : index
      %swap3A_302 = tpu.vector_load %arg18[%swap3A_301] {strides = array<i32>} : memref<80xi32, #tpu.memory_space<vmem>>, vector<16xi32>,
      %swap3A_303 = vector.shape_cast %swap3A_302 : vector<16xi32> to vector<16xi32>
      %swap3A_304 = vector.shape_cast %mul3A_300 : vector<16xi32> to vector<16xi32>
      tpu.vector_store %arg18[%swap3A_301], %swap3A_304 {strides = array<i32>} : memref<80xi32, #tpu.memory_space<vmem>>, vector<16xi32>,
      %get3A_305 = arith.constant 64 : index
      %get3A_306 = tpu.vector_load %arg8[%get3A_305] {strides = array<i32>} : memref<80xi32, #tpu.memory_space<vmem>>, vector<16xi32>,
      %get3A_307 = vector.shape_cast %get3A_306 : vector<16xi32> to vector<16xi32>
      %get3A_308 = arith.constant 64 : index
      %get3A_309 = tpu.vector_load %arg13[%get3A_308] {strides = array<i32>} : memref<80xi32, #tpu.memory_space<vmem>>, vector<16xi32>,
      %get3A_310 = vector.shape_cast %get3A_309 : vector<16xi32> to vector<16xi32>
      %ne3A_311 = arith.cmpi ne, %get3A_307, %get3A_310 : vector<16xi32>
      %broadcast_in_dim3A_312 = arith.constant 10000 : i32
      %broadcast_in_dim3A_313 = vector.broadcast %broadcast_in_dim3A_312 : i32 to vector<16xi32>
      %select_n3A_314 = arith.select %ne3A_311, %get3A_310, %broadcast_in_dim3A_313 : vector<16xi1>, vector<16xi32>
      %swap3A_315 = arith.constant 64 : index
      %swap3A_316 = tpu.vector_load %arg13[%swap3A_315] {strides = array<i32>} : memref<80xi32, #tpu.memory_space<vmem>>, vector<16xi32>,
      %swap3A_317 = vector.shape_cast %swap3A_316 : vector<16xi32> to vector<16xi32>
      %swap3A_318 = vector.shape_cast %select_n3A_314 : vector<16xi32> to vector<16xi32>
      tpu.vector_store %arg13[%swap3A_315], %swap3A_318 {strides = array<i32>} : memref<80xi32, #tpu.memory_space<vmem>>, vector<16xi32>,
      %mul3A_319 = arith.constant 8 : i32
      %mul3A_320 = vector.broadcast %mul3A_319 : i32 to vector<16xi32>
      %mul3A_321 = arith.muli %select_n3A_314, %mul3A_320 : vector<16xi32>
      %swap3A_322 = arith.constant 64 : index
      %swap3A_323 = tpu.vector_load %arg18[%swap3A_322] {strides = array<i32>} : memref<80xi32, #tpu.memory_space<vmem>>, vector<16xi32>,
      %swap3A_324 = vector.shape_cast %swap3A_323 : vector<16xi32> to vector<16xi32>
      %swap3A_325 = vector.shape_cast %mul3A_321 : vector<16xi32> to vector<16xi32>
      tpu.vector_store %arg18[%swap3A_322], %swap3A_325 {strides = array<i32>} : memref<80xi32, #tpu.memory_space<vmem>>, vector<16xi32>,
      %dma_start3A_326 = arith.constant 0 : i32
      %dma_start3A_327 = tpu.memref_slice %arg23[%dma_start3A_326] : memref<81920xf32, #tpu.memory_space<vmem_shared>> -> memref<81920xf32, #tpu.memory_space<vmem_shared>>
      tpu.enqueue_indirect_dma source(%arg22 : memref<80xf32, #tpu.memory_space<vmem>>) target(%dma_start3A_327 : memref<81920xf32, #tpu.memory_space<vmem_shared>>) offsets(%arg18 : memref<80xi32, #tpu.memory_space<vmem>>) semaphore(%arg35 : memref<!tpu.dma_semaphore, #tpu.memory_space<semaphore_mem>>) {add = true}
      %dma_start3A_328 = tpu.memref_slice %arg6[%add3A_216] : memref<320000xi32, #tpu.memory_space<hbm>> -> memref<80xi32, #tpu.memory_space<hbm>>
      %dma_start3A_329 = tpu.memref_slice %arg6[%add3A_216] : memref<320000xi32, #tpu.memory_space<hbm>> -> memref<80xi32, #tpu.memory_space<hbm>>
      tpu.enqueue_dma source(%arg13 : memref<80xi32, #tpu.memory_space<vmem>>) target(%dma_start3A_329 : memref<80xi32, #tpu.memory_space<hbm>>) target_semaphore(%arg40 : memref<!tpu.dma_semaphore, #tpu.memory_space<semaphore_mem>>)
      %add3A_330 = arith.constant 2 : i32
      %add3A_331 = arith.addi %mul3A_53, %add3A_330 : i32
      %mul3A_332 = arith.constant 80 : i32
      %mul3A_333 = arith.muli %add3A_331, %mul3A_332 : i32
      %add3A_334 = arith.addi %mul3A_2, %mul3A_333 : i32
      %dma_wait3A_335 = tpu.memref_slice %arg2[%add3A_75] : memref<320000xi32, #tpu.memory_space<hbm>> -> memref<80xi32, #tpu.memory_space<hbm>>
      %dma_wait3A_336 = tpu.memref_slice %arg2[%add3A_75] : memref<320000xi32, #tpu.memory_space<hbm>> -> memref<80xi32, #tpu.memory_space<hbm>>
      tpu.wait_dma2 semaphore(%arg26 : memref<!tpu.dma_semaphore, #tpu.memory_space<semaphore_mem>>) src(%dma_wait3A_336 : memref<80xi32, #tpu.memory_space<hbm>>) dst(%arg9 : memref<80xi32, #tpu.memory_space<vmem>>)
      %dma_wait3A_337 = tpu.memref_slice %arg3[%add3A_75] : memref<320000xi32, #tpu.memory_space<hbm>> -> memref<80xi32, #tpu.memory_space<hbm>>
      %dma_wait3A_338 = tpu.memref_slice %arg3[%add3A_75] : memref<320000xi32, #tpu.memory_space<hbm>> -> memref<80xi32, #tpu.memory_space<hbm>>
      tpu.wait_dma2 semaphore(%arg31 : memref<!tpu.dma_semaphore, #tpu.memory_space<semaphore_mem>>) src(%dma_wait3A_338 : memref<80xi32, #tpu.memory_space<hbm>>) dst(%arg14 : memref<80xi32, #tpu.memory_space<vmem>>)
      %get3A_339 = arith.constant 0 : index
      %get3A_340 = tpu.vector_load %arg9[%get3A_339] {strides = array<i32>} : memref<80xi32, #tpu.memory_space<vmem>>, vector<16xi32>,
      %get3A_341 = vector.shape_cast %get3A_340 : vector<16xi32> to vector<16xi32>
      %get3A_342 = arith.constant 0 : index
      %get3A_343 = tpu.vector_load %arg14[%get3A_342] {strides = array<i32>} : memref<80xi32, #tpu.memory_space<vmem>>, vector<16xi32>,
      %get3A_344 = vector.shape_cast %get3A_343 : vector<16xi32> to vector<16xi32>
      %ne3A_345 = arith.cmpi ne, %get3A_341, %get3A_344 : vector<16xi32>
      %broadcast_in_dim3A_346 = arith.constant 10000 : i32
      %broadcast_in_dim3A_347 = vector.broadcast %broadcast_in_dim3A_346 : i32 to vector<16xi32>
      %select_n3A_348 = arith.select %ne3A_345, %get3A_344, %broadcast_in_dim3A_347 : vector<16xi1>, vector<16xi32>
      %swap3A_349 = arith.constant 0 : index
      %swap3A_350 = tpu.vector_load %arg14[%swap3A_349] {strides = array<i32>} : memref<80xi32, #tpu.memory_space<vmem>>, vector<16xi32>,
      %swap3A_351 = vector.shape_cast %swap3A_350 : vector<16xi32> to vector<16xi32>
      %swap3A_352 = vector.shape_cast %select_n3A_348 : vector<16xi32> to vector<16xi32>
      tpu.vector_store %arg14[%swap3A_349], %swap3A_352 {strides = array<i32>} : memref<80xi32, #tpu.memory_space<vmem>>, vector<16xi32>,
      %mul3A_353 = arith.constant 8 : i32
      %mul3A_354 = vector.broadcast %mul3A_353 : i32 to vector<16xi32>
      %mul3A_355 = arith.muli %select_n3A_348, %mul3A_354 : vector<16xi32>
      %swap3A_356 = arith.constant 0 : index
      %swap3A_357 = tpu.vector_load %arg19[%swap3A_356] {strides = array<i32>} : memref<80xi32, #tpu.memory_space<vmem>>, vector<16xi32>,
      %swap3A_358 = vector.shape_cast %swap3A_357 : vector<16xi32> to vector<16xi32>
      %swap3A_359 = vector.shape_cast %mul3A_355 : vector<16xi32> to vector<16xi32>
      tpu.vector_store %arg19[%swap3A_356], %swap3A_359 {strides = array<i32>} : memref<80xi32, #tpu.memory_space<vmem>>, vector<16xi32>,
      %get3A_360 = arith.constant 16 : index
      %get3A_361 = tpu.vector_load %arg9[%get3A_360] {strides = array<i32>} : memref<80xi32, #tpu.memory_space<vmem>>, vector<16xi32>,
      %get3A_362 = vector.shape_cast %get3A_361 : vector<16xi32> to vector<16xi32>
      %get3A_363 = arith.constant 16 : index
      %get3A_364 = tpu.vector_load %arg14[%get3A_363] {strides = array<i32>} : memref<80xi32, #tpu.memory_space<vmem>>, vector<16xi32>,
      %get3A_365 = vector.shape_cast %get3A_364 : vector<16xi32> to vector<16xi32>
      %ne3A_366 = arith.cmpi ne, %get3A_362, %get3A_365 : vector<16xi32>
      %broadcast_in_dim3A_367 = arith.constant 10000 : i32
      %broadcast_in_dim3A_368 = vector.broadcast %broadcast_in_dim3A_367 : i32 to vector<16xi32>
      %select_n3A_369 = arith.select %ne3A_366, %get3A_365, %broadcast_in_dim3A_368 : vector<16xi1>, vector<16xi32>
      %swap3A_370 = arith.constant 16 : index
      %swap3A_371 = tpu.vector_load %arg14[%swap3A_370] {strides = array<i32>} : memref<80xi32, #tpu.memory_space<vmem>>, vector<16xi32>,
      %swap3A_372 = vector.shape_cast %swap3A_371 : vector<16xi32> to vector<16xi32>
      %swap3A_373 = vector.shape_cast %select_n3A_369 : vector<16xi32> to vector<16xi32>
      tpu.vector_store %arg14[%swap3A_370], %swap3A_373 {strides = array<i32>} : memref<80xi32, #tpu.memory_space<vmem>>, vector<16xi32>,
      %mul3A_374 = arith.constant 8 : i32
      %mul3A_375 = vector.broadcast %mul3A_374 : i32 to vector<16xi32>
      %mul3A_376 = arith.muli %select_n3A_369, %mul3A_375 : vector<16xi32>
      %swap3A_377 = arith.constant 16 : index
      %swap3A_378 = tpu.vector_load %arg19[%swap3A_377] {strides = array<i32>} : memref<80xi32, #tpu.memory_space<vmem>>, vector<16xi32>,
      %swap3A_379 = vector.shape_cast %swap3A_378 : vector<16xi32> to vector<16xi32>
      %swap3A_380 = vector.shape_cast %mul3A_376 : vector<16xi32> to vector<16xi32>
      tpu.vector_store %arg19[%swap3A_377], %swap3A_380 {strides = array<i32>} : memref<80xi32, #tpu.memory_space<vmem>>, vector<16xi32>,
      %get3A_381 = arith.constant 32 : index
      %get3A_382 = tpu.vector_load %arg9[%get3A_381] {strides = array<i32>} : memref<80xi32, #tpu.memory_space<vmem>>, vector<16xi32>,
      %get3A_383 = vector.shape_cast %get3A_382 : vector<16xi32> to vector<16xi32>
      %get3A_384 = arith.constant 32 : index
      %get3A_385 = tpu.vector_load %arg14[%get3A_384] {strides = array<i32>} : memref<80xi32, #tpu.memory_space<vmem>>, vector<16xi32>,
      %get3A_386 = vector.shape_cast %get3A_385 : vector<16xi32> to vector<16xi32>
      %ne3A_387 = arith.cmpi ne, %get3A_383, %get3A_386 : vector<16xi32>
      %broadcast_in_dim3A_388 = arith.constant 10000 : i32
      %broadcast_in_dim3A_389 = vector.broadcast %broadcast_in_dim3A_388 : i32 to vector<16xi32>
      %select_n3A_390 = arith.select %ne3A_387, %get3A_386, %broadcast_in_dim3A_389 : vector<16xi1>, vector<16xi32>
      %swap3A_391 = arith.constant 32 : index
      %swap3A_392 = tpu.vector_load %arg14[%swap3A_391] {strides = array<i32>} : memref<80xi32, #tpu.memory_space<vmem>>, vector<16xi32>,
      %swap3A_393 = vector.shape_cast %swap3A_392 : vector<16xi32> to vector<16xi32>
      %swap3A_394 = vector.shape_cast %select_n3A_390 : vector<16xi32> to vector<16xi32>
      tpu.vector_store %arg14[%swap3A_391], %swap3A_394 {strides = array<i32>} : memref<80xi32, #tpu.memory_space<vmem>>, vector<16xi32>,
      %mul3A_395 = arith.constant 8 : i32
      %mul3A_396 = vector.broadcast %mul3A_395 : i32 to vector<16xi32>
      %mul3A_397 = arith.muli %select_n3A_390, %mul3A_396 : vector<16xi32>
      %swap3A_398 = arith.constant 32 : index
      %swap3A_399 = tpu.vector_load %arg19[%swap3A_398] {strides = array<i32>} : memref<80xi32, #tpu.memory_space<vmem>>, vector<16xi32>,
      %swap3A_400 = vector.shape_cast %swap3A_399 : vector<16xi32> to vector<16xi32>
      %swap3A_401 = vector.shape_cast %mul3A_397 : vector<16xi32> to vector<16xi32>
      tpu.vector_store %arg19[%swap3A_398], %swap3A_401 {strides = array<i32>} : memref<80xi32, #tpu.memory_space<vmem>>, vector<16xi32>,
      %get3A_402 = arith.constant 48 : index
      %get3A_403 = tpu.vector_load %arg9[%get3A_402] {strides = array<i32>} : memref<80xi32, #tpu.memory_space<vmem>>, vector<16xi32>,
      %get3A_404 = vector.shape_cast %get3A_403 : vector<16xi32> to vector<16xi32>
      %get3A_405 = arith.constant 48 : index
      %get3A_406 = tpu.vector_load %arg14[%get3A_405] {strides = array<i32>} : memref<80xi32, #tpu.memory_space<vmem>>, vector<16xi32>,
      %get3A_407 = vector.shape_cast %get3A_406 : vector<16xi32> to vector<16xi32>
      %ne3A_408 = arith.cmpi ne, %get3A_404, %get3A_407 : vector<16xi32>
      %broadcast_in_dim3A_409 = arith.constant 10000 : i32
      %broadcast_in_dim3A_410 = vector.broadcast %broadcast_in_dim3A_409 : i32 to vector<16xi32>
      %select_n3A_411 = arith.select %ne3A_408, %get3A_407, %broadcast_in_dim3A_410 : vector<16xi1>, vector<16xi32>
      %swap3A_412 = arith.constant 48 : index
      %swap3A_413 = tpu.vector_load %arg14[%swap3A_412] {strides = array<i32>} : memref<80xi32, #tpu.memory_space<vmem>>, vector<16xi32>,
      %swap3A_414 = vector.shape_cast %swap3A_413 : vector<16xi32> to vector<16xi32>
      %swap3A_415 = vector.shape_cast %select_n3A_411 : vector<16xi32> to vector<16xi32>
      tpu.vector_store %arg14[%swap3A_412], %swap3A_415 {strides = array<i32>} : memref<80xi32, #tpu.memory_space<vmem>>, vector<16xi32>,
      %mul3A_416 = arith.constant 8 : i32
      %mul3A_417 = vector.broadcast %mul3A_416 : i32 to vector<16xi32>
      %mul3A_418 = arith.muli %select_n3A_411, %mul3A_417 : vector<16xi32>
      %swap3A_419 = arith.constant 48 : index
      %swap3A_420 = tpu.vector_load %arg19[%swap3A_419] {strides = array<i32>} : memref<80xi32, #tpu.memory_space<vmem>>, vector<16xi32>,
      %swap3A_421 = vector.shape_cast %swap3A_420 : vector<16xi32> to vector<16xi32>
      %swap3A_422 = vector.shape_cast %mul3A_418 : vector<16xi32> to vector<16xi32>
      tpu.vector_store %arg19[%swap3A_419], %swap3A_422 {strides = array<i32>} : memref<80xi32, #tpu.memory_space<vmem>>, vector<16xi32>,
      %get3A_423 = arith.constant 64 : index
      %get3A_424 = tpu.vector_load %arg9[%get3A_423] {strides = array<i32>} : memref<80xi32, #tpu.memory_space<vmem>>, vector<16xi32>,
      %get3A_425 = vector.shape_cast %get3A_424 : vector<16xi32> to vector<16xi32>
      %get3A_426 = arith.constant 64 : index
      %get3A_427 = tpu.vector_load %arg14[%get3A_426] {strides = array<i32>} : memref<80xi32, #tpu.memory_space<vmem>>, vector<16xi32>,
      %get3A_428 = vector.shape_cast %get3A_427 : vector<16xi32> to vector<16xi32>
      %ne3A_429 = arith.cmpi ne, %get3A_425, %get3A_428 : vector<16xi32>
      %broadcast_in_dim3A_430 = arith.constant 10000 : i32
      %broadcast_in_dim3A_431 = vector.broadcast %broadcast_in_dim3A_430 : i32 to vector<16xi32>
      %select_n3A_432 = arith.select %ne3A_429, %get3A_428, %broadcast_in_dim3A_431 : vector<16xi1>, vector<16xi32>
      %swap3A_433 = arith.constant 64 : index
      %swap3A_434 = tpu.vector_load %arg14[%swap3A_433] {strides = array<i32>} : memref<80xi32, #tpu.memory_space<vmem>>, vector<16xi32>,
      %swap3A_435 = vector.shape_cast %swap3A_434 : vector<16xi32> to vector<16xi32>
      %swap3A_436 = vector.shape_cast %select_n3A_432 : vector<16xi32> to vector<16xi32>
      tpu.vector_store %arg14[%swap3A_433], %swap3A_436 {strides = array<i32>} : memref<80xi32, #tpu.memory_space<vmem>>, vector<16xi32>,
      %mul3A_437 = arith.constant 8 : i32
      %mul3A_438 = vector.broadcast %mul3A_437 : i32 to vector<16xi32>
      %mul3A_439 = arith.muli %select_n3A_432, %mul3A_438 : vector<16xi32>
      %swap3A_440 = arith.constant 64 : index
      %swap3A_441 = tpu.vector_load %arg19[%swap3A_440] {strides = array<i32>} : memref<80xi32, #tpu.memory_space<vmem>>, vector<16xi32>,
      %swap3A_442 = vector.shape_cast %swap3A_441 : vector<16xi32> to vector<16xi32>
      %swap3A_443 = vector.shape_cast %mul3A_439 : vector<16xi32> to vector<16xi32>
      tpu.vector_store %arg19[%swap3A_440], %swap3A_443 {strides = array<i32>} : memref<80xi32, #tpu.memory_space<vmem>>, vector<16xi32>,
      %dma_start3A_444 = arith.constant 0 : i32
      %dma_start3A_445 = tpu.memref_slice %arg23[%dma_start3A_444] : memref<81920xf32, #tpu.memory_space<vmem_shared>> -> memref<81920xf32, #tpu.memory_space<vmem_shared>>
      tpu.enqueue_indirect_dma source(%arg22 : memref<80xf32, #tpu.memory_space<vmem>>) target(%dma_start3A_445 : memref<81920xf32, #tpu.memory_space<vmem_shared>>) offsets(%arg19 : memref<80xi32, #tpu.memory_space<vmem>>) semaphore(%arg36 : memref<!tpu.dma_semaphore, #tpu.memory_space<semaphore_mem>>) {add = true}
      %dma_start3A_446 = tpu.memref_slice %arg6[%add3A_334] : memref<320000xi32, #tpu.memory_space<hbm>> -> memref<80xi32, #tpu.memory_space<hbm>>
      %dma_start3A_447 = tpu.memref_slice %arg6[%add3A_334] : memref<320000xi32, #tpu.memory_space<hbm>> -> memref<80xi32, #tpu.memory_space<hbm>>
      tpu.enqueue_dma source(%arg14 : memref<80xi32, #tpu.memory_space<vmem>>) target(%dma_start3A_447 : memref<80xi32, #tpu.memory_space<hbm>>) target_semaphore(%arg41 : memref<!tpu.dma_semaphore, #tpu.memory_space<semaphore_mem>>)
      %add3A_448 = arith.constant 3 : i32
      %add3A_449 = arith.addi %mul3A_53, %add3A_448 : i32
      %mul3A_450 = arith.constant 80 : i32
      %mul3A_451 = arith.muli %add3A_449, %mul3A_450 : i32
      %add3A_452 = arith.addi %mul3A_2, %mul3A_451 : i32
      %dma_wait3A_453 = tpu.memref_slice %arg2[%add3A_84] : memref<320000xi32, #tpu.memory_space<hbm>> -> memref<80xi32, #tpu.memory_space<hbm>>
      %dma_wait3A_454 = tpu.memref_slice %arg2[%add3A_84] : memref<320000xi32, #tpu.memory_space<hbm>> -> memref<80xi32, #tpu.memory_space<hbm>>
      tpu.wait_dma2 semaphore(%arg27 : memref<!tpu.dma_semaphore, #tpu.memory_space<semaphore_mem>>) src(%dma_wait3A_454 : memref<80xi32, #tpu.memory_space<hbm>>) dst(%arg10 : memref<80xi32, #tpu.memory_space<vmem>>)
      %dma_wait3A_455 = tpu.memref_slice %arg3[%add3A_84] : memref<320000xi32, #tpu.memory_space<hbm>> -> memref<80xi32, #tpu.memory_space<hbm>>
      %dma_wait3A_456 = tpu.memref_slice %arg3[%add3A_84] : memref<320000xi32, #tpu.memory_space<hbm>> -> memref<80xi32, #tpu.memory_space<hbm>>
      tpu.wait_dma2 semaphore(%arg32 : memref<!tpu.dma_semaphore, #tpu.memory_space<semaphore_mem>>) src(%dma_wait3A_456 : memref<80xi32, #tpu.memory_space<hbm>>) dst(%arg15 : memref<80xi32, #tpu.memory_space<vmem>>)
      %get3A_457 = arith.constant 0 : index
      %get3A_458 = tpu.vector_load %arg10[%get3A_457] {strides = array<i32>} : memref<80xi32, #tpu.memory_space<vmem>>, vector<16xi32>,
      %get3A_459 = vector.shape_cast %get3A_458 : vector<16xi32> to vector<16xi32>
      %get3A_460 = arith.constant 0 : index
      %get3A_461 = tpu.vector_load %arg15[%get3A_460] {strides = array<i32>} : memref<80xi32, #tpu.memory_space<vmem>>, vector<16xi32>,
      %get3A_462 = vector.shape_cast %get3A_461 : vector<16xi32> to vector<16xi32>
      %ne3A_463 = arith.cmpi ne, %get3A_459, %get3A_462 : vector<16xi32>
      %broadcast_in_dim3A_464 = arith.constant 10000 : i32
      %broadcast_in_dim3A_465 = vector.broadcast %broadcast_in_dim3A_464 : i32 to vector<16xi32>
      %select_n3A_466 = arith.select %ne3A_463, %get3A_462, %broadcast_in_dim3A_465 : vector<16xi1>, vector<16xi32>
      %swap3A_467 = arith.constant 0 : index
      %swap3A_468 = tpu.vector_load %arg15[%swap3A_467] {strides = array<i32>} : memref<80xi32, #tpu.memory_space<vmem>>, vector<16xi32>,
      %swap3A_469 = vector.shape_cast %swap3A_468 : vector<16xi32> to vector<16xi32>
      %swap3A_470 = vector.shape_cast %select_n3A_466 : vector<16xi32> to vector<16xi32>
      tpu.vector_store %arg15[%swap3A_467], %swap3A_470 {strides = array<i32>} : memref<80xi32, #tpu.memory_space<vmem>>, vector<16xi32>,
      %mul3A_471 = arith.constant 8 : i32
      %mul3A_472 = vector.broadcast %mul3A_471 : i32 to vector<16xi32>
      %mul3A_473 = arith.muli %select_n3A_466, %mul3A_472 : vector<16xi32>
      %swap3A_474 = arith.constant 0 : index
      %swap3A_475 = tpu.vector_load %arg20[%swap3A_474] {strides = array<i32>} : memref<80xi32, #tpu.memory_space<vmem>>, vector<16xi32>,
      %swap3A_476 = vector.shape_cast %swap3A_475 : vector<16xi32> to vector<16xi32>
      %swap3A_477 = vector.shape_cast %mul3A_473 : vector<16xi32> to vector<16xi32>
      tpu.vector_store %arg20[%swap3A_474], %swap3A_477 {strides = array<i32>} : memref<80xi32, #tpu.memory_space<vmem>>, vector<16xi32>,
      %get3A_478 = arith.constant 16 : index
      %get3A_479 = tpu.vector_load %arg10[%get3A_478] {strides = array<i32>} : memref<80xi32, #tpu.memory_space<vmem>>, vector<16xi32>,
      %get3A_480 = vector.shape_cast %get3A_479 : vector<16xi32> to vector<16xi32>
      %get3A_481 = arith.constant 16 : index
      %get3A_482 = tpu.vector_load %arg15[%get3A_481] {strides = array<i32>} : memref<80xi32, #tpu.memory_space<vmem>>, vector<16xi32>,
      %get3A_483 = vector.shape_cast %get3A_482 : vector<16xi32> to vector<16xi32>
      %ne3A_484 = arith.cmpi ne, %get3A_480, %get3A_483 : vector<16xi32>
      %broadcast_in_dim3A_485 = arith.constant 10000 : i32
      %broadcast_in_dim3A_486 = vector.broadcast %broadcast_in_dim3A_485 : i32 to vector<16xi32>
      %select_n3A_487 = arith.select %ne3A_484, %get3A_483, %broadcast_in_dim3A_486 : vector<16xi1>, vector<16xi32>
      %swap3A_488 = arith.constant 16 : index
      %swap3A_489 = tpu.vector_load %arg15[%swap3A_488] {strides = array<i32>} : memref<80xi32, #tpu.memory_space<vmem>>, vector<16xi32>,
      %swap3A_490 = vector.shape_cast %swap3A_489 : vector<16xi32> to vector<16xi32>
      %swap3A_491 = vector.shape_cast %select_n3A_487 : vector<16xi32> to vector<16xi32>
      tpu.vector_store %arg15[%swap3A_488], %swap3A_491 {strides = array<i32>} : memref<80xi32, #tpu.memory_space<vmem>>, vector<16xi32>,
      %mul3A_492 = arith.constant 8 : i32
      %mul3A_493 = vector.broadcast %mul3A_492 : i32 to vector<16xi32>
      %mul3A_494 = arith.muli %select_n3A_487, %mul3A_493 : vector<16xi32>
      %swap3A_495 = arith.constant 16 : index
      %swap3A_496 = tpu.vector_load %arg20[%swap3A_495] {strides = array<i32>} : memref<80xi32, #tpu.memory_space<vmem>>, vector<16xi32>,
      %swap3A_497 = vector.shape_cast %swap3A_496 : vector<16xi32> to vector<16xi32>
      %swap3A_498 = vector.shape_cast %mul3A_494 : vector<16xi32> to vector<16xi32>
      tpu.vector_store %arg20[%swap3A_495], %swap3A_498 {strides = array<i32>} : memref<80xi32, #tpu.memory_space<vmem>>, vector<16xi32>,
      %get3A_499 = arith.constant 32 : index
      %get3A_500 = tpu.vector_load %arg10[%get3A_499] {strides = array<i32>} : memref<80xi32, #tpu.memory_space<vmem>>, vector<16xi32>,
      %get3A_501 = vector.shape_cast %get3A_500 : vector<16xi32> to vector<16xi32>
      %get3A_502 = arith.constant 32 : index
      %get3A_503 = tpu.vector_load %arg15[%get3A_502] {strides = array<i32>} : memref<80xi32, #tpu.memory_space<vmem>>, vector<16xi32>,
      %get3A_504 = vector.shape_cast %get3A_503 : vector<16xi32> to vector<16xi32>
      %ne3A_505 = arith.cmpi ne, %get3A_501, %get3A_504 : vector<16xi32>
      %broadcast_in_dim3A_506 = arith.constant 10000 : i32
      %broadcast_in_dim3A_507 = vector.broadcast %broadcast_in_dim3A_506 : i32 to vector<16xi32>
      %select_n3A_508 = arith.select %ne3A_505, %get3A_504, %broadcast_in_dim3A_507 : vector<16xi1>, vector<16xi32>
      %swap3A_509 = arith.constant 32 : index
      %swap3A_510 = tpu.vector_load %arg15[%swap3A_509] {strides = array<i32>} : memref<80xi32, #tpu.memory_space<vmem>>, vector<16xi32>,
      %swap3A_511 = vector.shape_cast %swap3A_510 : vector<16xi32> to vector<16xi32>
      %swap3A_512 = vector.shape_cast %select_n3A_508 : vector<16xi32> to vector<16xi32>
      tpu.vector_store %arg15[%swap3A_509], %swap3A_512 {strides = array<i32>} : memref<80xi32, #tpu.memory_space<vmem>>, vector<16xi32>,
      %mul3A_513 = arith.constant 8 : i32
      %mul3A_514 = vector.broadcast %mul3A_513 : i32 to vector<16xi32>
      %mul3A_515 = arith.muli %select_n3A_508, %mul3A_514 : vector<16xi32>
      %swap3A_516 = arith.constant 32 : index
      %swap3A_517 = tpu.vector_load %arg20[%swap3A_516] {strides = array<i32>} : memref<80xi32, #tpu.memory_space<vmem>>, vector<16xi32>,
      %swap3A_518 = vector.shape_cast %swap3A_517 : vector<16xi32> to vector<16xi32>
      %swap3A_519 = vector.shape_cast %mul3A_515 : vector<16xi32> to vector<16xi32>
      tpu.vector_store %arg20[%swap3A_516], %swap3A_519 {strides = array<i32>} : memref<80xi32, #tpu.memory_space<vmem>>, vector<16xi32>,
      %get3A_520 = arith.constant 48 : index
      %get3A_521 = tpu.vector_load %arg10[%get3A_520] {strides = array<i32>} : memref<80xi32, #tpu.memory_space<vmem>>, vector<16xi32>,
      %get3A_522 = vector.shape_cast %get3A_521 : vector<16xi32> to vector<16xi32>
      %get3A_523 = arith.constant 48 : index
      %get3A_524 = tpu.vector_load %arg15[%get3A_523] {strides = array<i32>} : memref<80xi32, #tpu.memory_space<vmem>>, vector<16xi32>,
      %get3A_525 = vector.shape_cast %get3A_524 : vector<16xi32> to vector<16xi32>
      %ne3A_526 = arith.cmpi ne, %get3A_522, %get3A_525 : vector<16xi32>
      %broadcast_in_dim3A_527 = arith.constant 10000 : i32
      %broadcast_in_dim3A_528 = vector.broadcast %broadcast_in_dim3A_527 : i32 to vector<16xi32>
      %select_n3A_529 = arith.select %ne3A_526, %get3A_525, %broadcast_in_dim3A_528 : vector<16xi1>, vector<16xi32>
      %swap3A_530 = arith.constant 48 : index
      %swap3A_531 = tpu.vector_load %arg15[%swap3A_530] {strides = array<i32>} : memref<80xi32, #tpu.memory_space<vmem>>, vector<16xi32>,
      %swap3A_532 = vector.shape_cast %swap3A_531 : vector<16xi32> to vector<16xi32>
      %swap3A_533 = vector.shape_cast %select_n3A_529 : vector<16xi32> to vector<16xi32>
      tpu.vector_store %arg15[%swap3A_530], %swap3A_533 {strides = array<i32>} : memref<80xi32, #tpu.memory_space<vmem>>, vector<16xi32>,
      %mul3A_534 = arith.constant 8 : i32
      %mul3A_535 = vector.broadcast %mul3A_534 : i32 to vector<16xi32>
      %mul3A_536 = arith.muli %select_n3A_529, %mul3A_535 : vector<16xi32>
      %swap3A_537 = arith.constant 48 : index
      %swap3A_538 = tpu.vector_load %arg20[%swap3A_537] {strides = array<i32>} : memref<80xi32, #tpu.memory_space<vmem>>, vector<16xi32>,
      %swap3A_539 = vector.shape_cast %swap3A_538 : vector<16xi32> to vector<16xi32>
      %swap3A_540 = vector.shape_cast %mul3A_536 : vector<16xi32> to vector<16xi32>
      tpu.vector_store %arg20[%swap3A_537], %swap3A_540 {strides = array<i32>} : memref<80xi32, #tpu.memory_space<vmem>>, vector<16xi32>,
      %get3A_541 = arith.constant 64 : index
      %get3A_542 = tpu.vector_load %arg10[%get3A_541] {strides = array<i32>} : memref<80xi32, #tpu.memory_space<vmem>>, vector<16xi32>,
      %get3A_543 = vector.shape_cast %get3A_542 : vector<16xi32> to vector<16xi32>
      %get3A_544 = arith.constant 64 : index
      %get3A_545 = tpu.vector_load %arg15[%get3A_544] {strides = array<i32>} : memref<80xi32, #tpu.memory_space<vmem>>, vector<16xi32>,
      %get3A_546 = vector.shape_cast %get3A_545 : vector<16xi32> to vector<16xi32>
      %ne3A_547 = arith.cmpi ne, %get3A_543, %get3A_546 : vector<16xi32>
      %broadcast_in_dim3A_548 = arith.constant 10000 : i32
      %broadcast_in_dim3A_549 = vector.broadcast %broadcast_in_dim3A_548 : i32 to vector<16xi32>
      %select_n3A_550 = arith.select %ne3A_547, %get3A_546, %broadcast_in_dim3A_549 : vector<16xi1>, vector<16xi32>
      %swap3A_551 = arith.constant 64 : index
      %swap3A_552 = tpu.vector_load %arg15[%swap3A_551] {strides = array<i32>} : memref<80xi32, #tpu.memory_space<vmem>>, vector<16xi32>,
      %swap3A_553 = vector.shape_cast %swap3A_552 : vector<16xi32> to vector<16xi32>
      %swap3A_554 = vector.shape_cast %select_n3A_550 : vector<16xi32> to vector<16xi32>
      tpu.vector_store %arg15[%swap3A_551], %swap3A_554 {strides = array<i32>} : memref<80xi32, #tpu.memory_space<vmem>>, vector<16xi32>,
      %mul3A_555 = arith.constant 8 : i32
      %mul3A_556 = vector.broadcast %mul3A_555 : i32 to vector<16xi32>
      %mul3A_557 = arith.muli %select_n3A_550, %mul3A_556 : vector<16xi32>
      %swap3A_558 = arith.constant 64 : index
      %swap3A_559 = tpu.vector_load %arg20[%swap3A_558] {strides = array<i32>} : memref<80xi32, #tpu.memory_space<vmem>>, vector<16xi32>,
      %swap3A_560 = vector.shape_cast %swap3A_559 : vector<16xi32> to vector<16xi32>
      %swap3A_561 = vector.shape_cast %mul3A_557 : vector<16xi32> to vector<16xi32>
      tpu.vector_store %arg20[%swap3A_558], %swap3A_561 {strides = array<i32>} : memref<80xi32, #tpu.memory_space<vmem>>, vector<16xi32>,
      %dma_start3A_562 = arith.constant 0 : i32
      %dma_start3A_563 = tpu.memref_slice %arg23[%dma_start3A_562] : memref<81920xf32, #tpu.memory_space<vmem_shared>> -> memref<81920xf32, #tpu.memory_space<vmem_shared>>
      tpu.enqueue_indirect_dma source(%arg22 : memref<80xf32, #tpu.memory_space<vmem>>) target(%dma_start3A_563 : memref<81920xf32, #tpu.memory_space<vmem_shared>>) offsets(%arg20 : memref<80xi32, #tpu.memory_space<vmem>>) semaphore(%arg37 : memref<!tpu.dma_semaphore, #tpu.memory_space<semaphore_mem>>) {add = true}
      %dma_start3A_564 = tpu.memref_slice %arg6[%add3A_452] : memref<320000xi32, #tpu.memory_space<hbm>> -> memref<80xi32, #tpu.memory_space<hbm>>
      %dma_start3A_565 = tpu.memref_slice %arg6[%add3A_452] : memref<320000xi32, #tpu.memory_space<hbm>> -> memref<80xi32, #tpu.memory_space<hbm>>
      tpu.enqueue_dma source(%arg15 : memref<80xi32, #tpu.memory_space<vmem>>) target(%dma_start3A_565 : memref<80xi32, #tpu.memory_space<hbm>>) target_semaphore(%arg42 : memref<!tpu.dma_semaphore, #tpu.memory_space<semaphore_mem>>)
      %add3A_566 = arith.constant 4 : i32
      %add3A_567 = arith.addi %mul3A_53, %add3A_566 : i32
      %mul3A_568 = arith.constant 80 : i32
      %mul3A_569 = arith.muli %add3A_567, %mul3A_568 : i32
      %add3A_570 = arith.addi %mul3A_2, %mul3A_569 : i32
      %dma_wait3A_571 = tpu.memref_slice %arg2[%add3A_93] : memref<320000xi32, #tpu.memory_space<hbm>> -> memref<80xi32, #tpu.memory_space<hbm>>
      %dma_wait3A_572 = tpu.memref_slice %arg2[%add3A_93] : memref<320000xi32, #tpu.memory_space<hbm>> -> memref<80xi32, #tpu.memory_space<hbm>>
      tpu.wait_dma2 semaphore(%arg28 : memref<!tpu.dma_semaphore, #tpu.memory_space<semaphore_mem>>) src(%dma_wait3A_572 : memref<80xi32, #tpu.memory_space<hbm>>) dst(%arg11 : memref<80xi32, #tpu.memory_space<vmem>>)
      %dma_wait3A_573 = tpu.memref_slice %arg3[%add3A_93] : memref<320000xi32, #tpu.memory_space<hbm>> -> memref<80xi32, #tpu.memory_space<hbm>>
      %dma_wait3A_574 = tpu.memref_slice %arg3[%add3A_93] : memref<320000xi32, #tpu.memory_space<hbm>> -> memref<80xi32, #tpu.memory_space<hbm>>
      tpu.wait_dma2 semaphore(%arg33 : memref<!tpu.dma_semaphore, #tpu.memory_space<semaphore_mem>>) src(%dma_wait3A_574 : memref<80xi32, #tpu.memory_space<hbm>>) dst(%arg16 : memref<80xi32, #tpu.memory_space<vmem>>)
      %get3A_575 = arith.constant 0 : index
      %get3A_576 = tpu.vector_load %arg11[%get3A_575] {strides = array<i32>} : memref<80xi32, #tpu.memory_space<vmem>>, vector<16xi32>,
      %get3A_577 = vector.shape_cast %get3A_576 : vector<16xi32> to vector<16xi32>
      %get3A_578 = arith.constant 0 : index
      %get3A_579 = tpu.vector_load %arg16[%get3A_578] {strides = array<i32>} : memref<80xi32, #tpu.memory_space<vmem>>, vector<16xi32>,
      %get3A_580 = vector.shape_cast %get3A_579 : vector<16xi32> to vector<16xi32>
      %ne3A_581 = arith.cmpi ne, %get3A_577, %get3A_580 : vector<16xi32>
      %broadcast_in_dim3A_582 = arith.constant 10000 : i32
      %broadcast_in_dim3A_583 = vector.broadcast %broadcast_in_dim3A_582 : i32 to vector<16xi32>
      %select_n3A_584 = arith.select %ne3A_581, %get3A_580, %broadcast_in_dim3A_583 : vector<16xi1>, vector<16xi32>
      %swap3A_585 = arith.constant 0 : index
      %swap3A_586 = tpu.vector_load %arg16[%swap3A_585] {strides = array<i32>} : memref<80xi32, #tpu.memory_space<vmem>>, vector<16xi32>,
      %swap3A_587 = vector.shape_cast %swap3A_586 : vector<16xi32> to vector<16xi32>
      %swap3A_588 = vector.shape_cast %select_n3A_584 : vector<16xi32> to vector<16xi32>
      tpu.vector_store %arg16[%swap3A_585], %swap3A_588 {strides = array<i32>} : memref<80xi32, #tpu.memory_space<vmem>>, vector<16xi32>,
      %mul3A_589 = arith.constant 8 : i32
      %mul3A_590 = vector.broadcast %mul3A_589 : i32 to vector<16xi32>
      %mul3A_591 = arith.muli %select_n3A_584, %mul3A_590 : vector<16xi32>
      %swap3A_592 = arith.constant 0 : index
      %swap3A_593 = tpu.vector_load %arg21[%swap3A_592] {strides = array<i32>} : memref<80xi32, #tpu.memory_space<vmem>>, vector<16xi32>,
      %swap3A_594 = vector.shape_cast %swap3A_593 : vector<16xi32> to vector<16xi32>
      %swap3A_595 = vector.shape_cast %mul3A_591 : vector<16xi32> to vector<16xi32>
      tpu.vector_store %arg21[%swap3A_592], %swap3A_595 {strides = array<i32>} : memref<80xi32, #tpu.memory_space<vmem>>, vector<16xi32>,
      %get3A_596 = arith.constant 16 : index
      %get3A_597 = tpu.vector_load %arg11[%get3A_596] {strides = array<i32>} : memref<80xi32, #tpu.memory_space<vmem>>, vector<16xi32>,
      %get3A_598 = vector.shape_cast %get3A_597 : vector<16xi32> to vector<16xi32>
      %get3A_599 = arith.constant 16 : index
      %get3A_600 = tpu.vector_load %arg16[%get3A_599] {strides = array<i32>} : memref<80xi32, #tpu.memory_space<vmem>>, vector<16xi32>,
      %get3A_601 = vector.shape_cast %get3A_600 : vector<16xi32> to vector<16xi32>
      %ne3A_602 = arith.cmpi ne, %get3A_598, %get3A_601 : vector<16xi32>
      %broadcast_in_dim3A_603 = arith.constant 10000 : i32
      %broadcast_in_dim3A_604 = vector.broadcast %broadcast_in_dim3A_603 : i32 to vector<16xi32>
      %select_n3A_605 = arith.select %ne3A_602, %get3A_601, %broadcast_in_dim3A_604 : vector<16xi1>, vector<16xi32>
      %swap3A_606 = arith.constant 16 : index
      %swap3A_607 = tpu.vector_load %arg16[%swap3A_606] {strides = array<i32>} : memref<80xi32, #tpu.memory_space<vmem>>, vector<16xi32>,
      %swap3A_608 = vector.shape_cast %swap3A_607 : vector<16xi32> to vector<16xi32>
      %swap3A_609 = vector.shape_cast %select_n3A_605 : vector<16xi32> to vector<16xi32>
      tpu.vector_store %arg16[%swap3A_606], %swap3A_609 {strides = array<i32>} : memref<80xi32, #tpu.memory_space<vmem>>, vector<16xi32>,
      %mul3A_610 = arith.constant 8 : i32
      %mul3A_611 = vector.broadcast %mul3A_610 : i32 to vector<16xi32>
      %mul3A_612 = arith.muli %select_n3A_605, %mul3A_611 : vector<16xi32>
      %swap3A_613 = arith.constant 16 : index
      %swap3A_614 = tpu.vector_load %arg21[%swap3A_613] {strides = array<i32>} : memref<80xi32, #tpu.memory_space<vmem>>, vector<16xi32>,
      %swap3A_615 = vector.shape_cast %swap3A_614 : vector<16xi32> to vector<16xi32>
      %swap3A_616 = vector.shape_cast %mul3A_612 : vector<16xi32> to vector<16xi32>
      tpu.vector_store %arg21[%swap3A_613], %swap3A_616 {strides = array<i32>} : memref<80xi32, #tpu.memory_space<vmem>>, vector<16xi32>,
      %get3A_617 = arith.constant 32 : index
      %get3A_618 = tpu.vector_load %arg11[%get3A_617] {strides = array<i32>} : memref<80xi32, #tpu.memory_space<vmem>>, vector<16xi32>,
      %get3A_619 = vector.shape_cast %get3A_618 : vector<16xi32> to vector<16xi32>
      %get3A_620 = arith.constant 32 : index
      %get3A_621 = tpu.vector_load %arg16[%get3A_620] {strides = array<i32>} : memref<80xi32, #tpu.memory_space<vmem>>, vector<16xi32>,
      %get3A_622 = vector.shape_cast %get3A_621 : vector<16xi32> to vector<16xi32>
      %ne3A_623 = arith.cmpi ne, %get3A_619, %get3A_622 : vector<16xi32>
      %broadcast_in_dim3A_624 = arith.constant 10000 : i32
      %broadcast_in_dim3A_625 = vector.broadcast %broadcast_in_dim3A_624 : i32 to vector<16xi32>
      %select_n3A_626 = arith.select %ne3A_623, %get3A_622, %broadcast_in_dim3A_625 : vector<16xi1>, vector<16xi32>
      %swap3A_627 = arith.constant 32 : index
      %swap3A_628 = tpu.vector_load %arg16[%swap3A_627] {strides = array<i32>} : memref<80xi32, #tpu.memory_space<vmem>>, vector<16xi32>,
      %swap3A_629 = vector.shape_cast %swap3A_628 : vector<16xi32> to vector<16xi32>
      %swap3A_630 = vector.shape_cast %select_n3A_626 : vector<16xi32> to vector<16xi32>
      tpu.vector_store %arg16[%swap3A_627], %swap3A_630 {strides = array<i32>} : memref<80xi32, #tpu.memory_space<vmem>>, vector<16xi32>,
      %mul3A_631 = arith.constant 8 : i32
      %mul3A_632 = vector.broadcast %mul3A_631 : i32 to vector<16xi32>
      %mul3A_633 = arith.muli %select_n3A_626, %mul3A_632 : vector<16xi32>
      %swap3A_634 = arith.constant 32 : index
      %swap3A_635 = tpu.vector_load %arg21[%swap3A_634] {strides = array<i32>} : memref<80xi32, #tpu.memory_space<vmem>>, vector<16xi32>,
      %swap3A_636 = vector.shape_cast %swap3A_635 : vector<16xi32> to vector<16xi32>
      %swap3A_637 = vector.shape_cast %mul3A_633 : vector<16xi32> to vector<16xi32>
      tpu.vector_store %arg21[%swap3A_634], %swap3A_637 {strides = array<i32>} : memref<80xi32, #tpu.memory_space<vmem>>, vector<16xi32>,
      %get3A_638 = arith.constant 48 : index
      %get3A_639 = tpu.vector_load %arg11[%get3A_638] {strides = array<i32>} : memref<80xi32, #tpu.memory_space<vmem>>, vector<16xi32>,
      %get3A_640 = vector.shape_cast %get3A_639 : vector<16xi32> to vector<16xi32>
      %get3A_641 = arith.constant 48 : index
      %get3A_642 = tpu.vector_load %arg16[%get3A_641] {strides = array<i32>} : memref<80xi32, #tpu.memory_space<vmem>>, vector<16xi32>,
      %get3A_643 = vector.shape_cast %get3A_642 : vector<16xi32> to vector<16xi32>
      %ne3A_644 = arith.cmpi ne, %get3A_640, %get3A_643 : vector<16xi32>
      %broadcast_in_dim3A_645 = arith.constant 10000 : i32
      %broadcast_in_dim3A_646 = vector.broadcast %broadcast_in_dim3A_645 : i32 to vector<16xi32>
      %select_n3A_647 = arith.select %ne3A_644, %get3A_643, %broadcast_in_dim3A_646 : vector<16xi1>, vector<16xi32>
      %swap3A_648 = arith.constant 48 : index
      %swap3A_649 = tpu.vector_load %arg16[%swap3A_648] {strides = array<i32>} : memref<80xi32, #tpu.memory_space<vmem>>, vector<16xi32>,
      %swap3A_650 = vector.shape_cast %swap3A_649 : vector<16xi32> to vector<16xi32>
      %swap3A_651 = vector.shape_cast %select_n3A_647 : vector<16xi32> to vector<16xi32>
      tpu.vector_store %arg16[%swap3A_648], %swap3A_651 {strides = array<i32>} : memref<80xi32, #tpu.memory_space<vmem>>, vector<16xi32>,
      %mul3A_652 = arith.constant 8 : i32
      %mul3A_653 = vector.broadcast %mul3A_652 : i32 to vector<16xi32>
      %mul3A_654 = arith.muli %select_n3A_647, %mul3A_653 : vector<16xi32>
      %swap3A_655 = arith.constant 48 : index
      %swap3A_656 = tpu.vector_load %arg21[%swap3A_655] {strides = array<i32>} : memref<80xi32, #tpu.memory_space<vmem>>, vector<16xi32>,
      %swap3A_657 = vector.shape_cast %swap3A_656 : vector<16xi32> to vector<16xi32>
      %swap3A_658 = vector.shape_cast %mul3A_654 : vector<16xi32> to vector<16xi32>
      tpu.vector_store %arg21[%swap3A_655], %swap3A_658 {strides = array<i32>} : memref<80xi32, #tpu.memory_space<vmem>>, vector<16xi32>,
      %get3A_659 = arith.constant 64 : index
      %get3A_660 = tpu.vector_load %arg11[%get3A_659] {strides = array<i32>} : memref<80xi32, #tpu.memory_space<vmem>>, vector<16xi32>,
      %get3A_661 = vector.shape_cast %get3A_660 : vector<16xi32> to vector<16xi32>
      %get3A_662 = arith.constant 64 : index
      %get3A_663 = tpu.vector_load %arg16[%get3A_662] {strides = array<i32>} : memref<80xi32, #tpu.memory_space<vmem>>, vector<16xi32>,
      %get3A_664 = vector.shape_cast %get3A_663 : vector<16xi32> to vector<16xi32>
      %ne3A_665 = arith.cmpi ne, %get3A_661, %get3A_664 : vector<16xi32>
      %broadcast_in_dim3A_666 = arith.constant 10000 : i32
      %broadcast_in_dim3A_667 = vector.broadcast %broadcast_in_dim3A_666 : i32 to vector<16xi32>
      %select_n3A_668 = arith.select %ne3A_665, %get3A_664, %broadcast_in_dim3A_667 : vector<16xi1>, vector<16xi32>
      %swap3A_669 = arith.constant 64 : index
      %swap3A_670 = tpu.vector_load %arg16[%swap3A_669] {strides = array<i32>} : memref<80xi32, #tpu.memory_space<vmem>>, vector<16xi32>,
      %swap3A_671 = vector.shape_cast %swap3A_670 : vector<16xi32> to vector<16xi32>
      %swap3A_672 = vector.shape_cast %select_n3A_668 : vector<16xi32> to vector<16xi32>
      tpu.vector_store %arg16[%swap3A_669], %swap3A_672 {strides = array<i32>} : memref<80xi32, #tpu.memory_space<vmem>>, vector<16xi32>,
      %mul3A_673 = arith.constant 8 : i32
      %mul3A_674 = vector.broadcast %mul3A_673 : i32 to vector<16xi32>
      %mul3A_675 = arith.muli %select_n3A_668, %mul3A_674 : vector<16xi32>
      %swap3A_676 = arith.constant 64 : index
      %swap3A_677 = tpu.vector_load %arg21[%swap3A_676] {strides = array<i32>} : memref<80xi32, #tpu.memory_space<vmem>>, vector<16xi32>,
      %swap3A_678 = vector.shape_cast %swap3A_677 : vector<16xi32> to vector<16xi32>
      %swap3A_679 = vector.shape_cast %mul3A_675 : vector<16xi32> to vector<16xi32>
      tpu.vector_store %arg21[%swap3A_676], %swap3A_679 {strides = array<i32>} : memref<80xi32, #tpu.memory_space<vmem>>, vector<16xi32>,
      %dma_start3A_680 = arith.constant 0 : i32
      %dma_start3A_681 = tpu.memref_slice %arg23[%dma_start3A_680] : memref<81920xf32, #tpu.memory_space<vmem_shared>> -> memref<81920xf32, #tpu.memory_space<vmem_shared>>
      tpu.enqueue_indirect_dma source(%arg22 : memref<80xf32, #tpu.memory_space<vmem>>) target(%dma_start3A_681 : memref<81920xf32, #tpu.memory_space<vmem_shared>>) offsets(%arg21 : memref<80xi32, #tpu.memory_space<vmem>>) semaphore(%arg38 : memref<!tpu.dma_semaphore, #tpu.memory_space<semaphore_mem>>) {add = true}
      %dma_start3A_682 = tpu.memref_slice %arg6[%add3A_570] : memref<320000xi32, #tpu.memory_space<hbm>> -> memref<80xi32, #tpu.memory_space<hbm>>
      %dma_start3A_683 = tpu.memref_slice %arg6[%add3A_570] : memref<320000xi32, #tpu.memory_space<hbm>> -> memref<80xi32, #tpu.memory_space<hbm>>
      tpu.enqueue_dma source(%arg16 : memref<80xi32, #tpu.memory_space<vmem>>) target(%dma_start3A_683 : memref<80xi32, #tpu.memory_space<hbm>>) target_semaphore(%arg43 : memref<!tpu.dma_semaphore, #tpu.memory_space<semaphore_mem>>)
      %dma_wait3A_684 = arith.constant 0 : i32
      %dma_wait3A_685 = tpu.memref_slice %arg23[%dma_wait3A_684] : memref<81920xf32, #tpu.memory_space<vmem_shared>> -> memref<81920xf32, #tpu.memory_space<vmem_shared>>
      tpu.wait_indirect_dma semaphore(%arg34 : memref<!tpu.dma_semaphore, #tpu.memory_space<semaphore_mem>>) src(%arg22 : memref<80xf32, #tpu.memory_space<vmem>>) dst(%dma_wait3A_685 : memref<81920xf32, #tpu.memory_space<vmem_shared>>)
      %dma_wait3A_686 = tpu.memref_slice %arg6[%add3A_102] : memref<320000xi32, #tpu.memory_space<hbm>> -> memref<80xi32, #tpu.memory_space<hbm>>
      %dma_wait3A_687 = tpu.memref_slice %arg6[%add3A_102] : memref<320000xi32, #tpu.memory_space<hbm>> -> memref<80xi32, #tpu.memory_space<hbm>>
      tpu.wait_dma2 semaphore(%arg39 : memref<!tpu.dma_semaphore, #tpu.memory_space<semaphore_mem>>) src(%arg12 : memref<80xi32, #tpu.memory_space<vmem>>) dst(%dma_wait3A_687 : memref<80xi32, #tpu.memory_space<hbm>>)
      %dma_wait3A_688 = arith.constant 0 : i32
      %dma_wait3A_689 = tpu.memref_slice %arg23[%dma_wait3A_688] : memref<81920xf32, #tpu.memory_space<vmem_shared>> -> memref<81920xf32, #tpu.memory_space<vmem_shared>>
      tpu.wait_indirect_dma semaphore(%arg35 : memref<!tpu.dma_semaphore, #tpu.memory_space<semaphore_mem>>) src(%arg22 : memref<80xf32, #tpu.memory_space<vmem>>) dst(%dma_wait3A_689 : memref<81920xf32, #tpu.memory_space<vmem_shared>>)
      %dma_wait3A_690 = tpu.memref_slice %arg6[%add3A_216] : memref<320000xi32, #tpu.memory_space<hbm>> -> memref<80xi32, #tpu.memory_space<hbm>>
      %dma_wait3A_691 = tpu.memref_slice %arg6[%add3A_216] : memref<320000xi32, #tpu.memory_space<hbm>> -> memref<80xi32, #tpu.memory_space<hbm>>
      tpu.wait_dma2 semaphore(%arg40 : memref<!tpu.dma_semaphore, #tpu.memory_space<semaphore_mem>>) src(%arg13 : memref<80xi32, #tpu.memory_space<vmem>>) dst(%dma_wait3A_691 : memref<80xi32, #tpu.memory_space<hbm>>)
      %dma_wait3A_692 = arith.constant 0 : i32
      %dma_wait3A_693 = tpu.memref_slice %arg23[%dma_wait3A_692] : memref<81920xf32, #tpu.memory_space<vmem_shared>> -> memref<81920xf32, #tpu.memory_space<vmem_shared>>
      tpu.wait_indirect_dma semaphore(%arg36 : memref<!tpu.dma_semaphore, #tpu.memory_space<semaphore_mem>>) src(%arg22 : memref<80xf32, #tpu.memory_space<vmem>>) dst(%dma_wait3A_693 : memref<81920xf32, #tpu.memory_space<vmem_shared>>)
      %dma_wait3A_694 = tpu.memref_slice %arg6[%add3A_334] : memref<320000xi32, #tpu.memory_space<hbm>> -> memref<80xi32, #tpu.memory_space<hbm>>
      %dma_wait3A_695 = tpu.memref_slice %arg6[%add3A_334] : memref<320000xi32, #tpu.memory_space<hbm>> -> memref<80xi32, #tpu.memory_space<hbm>>
      tpu.wait_dma2 semaphore(%arg41 : memref<!tpu.dma_semaphore, #tpu.memory_space<semaphore_mem>>) src(%arg14 : memref<80xi32, #tpu.memory_space<vmem>>) dst(%dma_wait3A_695 : memref<80xi32, #tpu.memory_space<hbm>>)
      %dma_wait3A_696 = arith.constant 0 : i32
      %dma_wait3A_697 = tpu.memref_slice %arg23[%dma_wait3A_696] : memref<81920xf32, #tpu.memory_space<vmem_shared>> -> memref<81920xf32, #tpu.memory_space<vmem_shared>>
      tpu.wait_indirect_dma semaphore(%arg37 : memref<!tpu.dma_semaphore, #tpu.memory_space<semaphore_mem>>) src(%arg22 : memref<80xf32, #tpu.memory_space<vmem>>) dst(%dma_wait3A_697 : memref<81920xf32, #tpu.memory_space<vmem_shared>>)
      %dma_wait3A_698 = tpu.memref_slice %arg6[%add3A_452] : memref<320000xi32, #tpu.memory_space<hbm>> -> memref<80xi32, #tpu.memory_space<hbm>>
      %dma_wait3A_699 = tpu.memref_slice %arg6[%add3A_452] : memref<320000xi32, #tpu.memory_space<hbm>> -> memref<80xi32, #tpu.memory_space<hbm>>
      tpu.wait_dma2 semaphore(%arg42 : memref<!tpu.dma_semaphore, #tpu.memory_space<semaphore_mem>>) src(%arg15 : memref<80xi32, #tpu.memory_space<vmem>>) dst(%dma_wait3A_699 : memref<80xi32, #tpu.memory_space<hbm>>)
      %dma_wait3A_700 = arith.constant 0 : i32
      %dma_wait3A_701 = tpu.memref_slice %arg23[%dma_wait3A_700] : memref<81920xf32, #tpu.memory_space<vmem_shared>> -> memref<81920xf32, #tpu.memory_space<vmem_shared>>
      tpu.wait_indirect_dma semaphore(%arg38 : memref<!tpu.dma_semaphore, #tpu.memory_space<semaphore_mem>>) src(%arg22 : memref<80xf32, #tpu.memory_space<vmem>>) dst(%dma_wait3A_701 : memref<81920xf32, #tpu.memory_space<vmem_shared>>)
      %dma_wait3A_702 = tpu.memref_slice %arg6[%add3A_570] : memref<320000xi32, #tpu.memory_space<hbm>> -> memref<80xi32, #tpu.memory_space<hbm>>
      %dma_wait3A_703 = tpu.memref_slice %arg6[%add3A_570] : memref<320000xi32, #tpu.memory_space<hbm>> -> memref<80xi32, #tpu.memory_space<hbm>>
      tpu.wait_dma2 semaphore(%arg43 : memref<!tpu.dma_semaphore, #tpu.memory_space<semaphore_mem>>) src(%arg16 : memref<80xi32, #tpu.memory_space<vmem>>) dst(%dma_wait3A_703 : memref<80xi32, #tpu.memory_space<hbm>>)
    }
    %scan3A_38 = arith.constant 25 : i32
    %barrier3A_39 = arith.constant 0 : index
    tpu.barrier barrier_id(%barrier3A_39)
    %mul3A_40 = arith.constant 640 : i32
    %mul3A_41 = arith.muli %arg1, %mul3A_40 : i32
    %mul3A_42 = arith.constant 8 : i32
    %mul3A_43 = arith.muli %mul3A_41, %mul3A_42 : i32
    %mul3A_44 = arith.constant 10240 : i32
    %mul3A_45 = arith.muli %arg0, %mul3A_44 : i32
    %mul3A_46 = arith.constant 640 : i32
    %mul3A_47 = arith.muli %arg1, %mul3A_46 : i32
    %add3A_48 = arith.addi %mul3A_45, %mul3A_47 : i32
    %mul3A_49 = arith.constant 8 : i32
    %mul3A_50 = arith.muli %add3A_48, %mul3A_49 : i32
    "tpu.region"() ({
      %run_scoped3A = tpu.sem_alloc : memref<!tpu.dma_semaphore, #tpu.memory_space<semaphore_mem>>
      %dma_start3A = tpu.memref_slice %arg5[%mul3A_50] : memref<163840xf32, #tpu.memory_space<hbm>> -> memref<5120xf32, #tpu.memory_space<hbm>>
      %dma_start3A_51 = tpu.memref_slice %arg23[%mul3A_43] : memref<81920xf32, #tpu.memory_space<vmem_shared>> -> memref<5120xf32, #tpu.memory_space<vmem_shared>>
      tpu.enqueue_dma source(%dma_start3A_51 : memref<5120xf32, #tpu.memory_space<vmem_shared>>) target(%dma_start3A : memref<5120xf32, #tpu.memory_space<hbm>>) target_semaphore(%run_scoped3A : memref<!tpu.dma_semaphore, #tpu.memory_space<semaphore_mem>>)
      %dma_wait3A = tpu.memref_slice %arg5[%mul3A_50] : memref<163840xf32, #tpu.memory_space<hbm>> -> memref<5120xf32, #tpu.memory_space<hbm>>
      %dma_wait3A_52 = tpu.memref_slice %arg23[%mul3A_43] : memref<81920xf32, #tpu.memory_space<vmem_shared>> -> memref<5120xf32, #tpu.memory_space<vmem_shared>>
      tpu.wait_dma2 semaphore(%run_scoped3A : memref<!tpu.dma_semaphore, #tpu.memory_space<semaphore_mem>>) src(%dma_wait3A_52 : memref<5120xf32, #tpu.memory_space<vmem_shared>>) dst(%dma_wait3A : memref<5120xf32, #tpu.memory_space<hbm>>)
      tpu.yield
    }) : () -> ()
    return
  }
}

#map = affine_map<(d0, d1) -> (0, 0)>
#map1 = affine_map<(d0, d1) -> (0)>
module attributes {stable_mosaic.version = 14 : i64} {
  func.func @body(%arg0: i32, %arg1: i32, %arg2: memref<10240x128xf32, #tpu.memory_space<hbm>>, %arg3: memref<320000xi32, #tpu.memory_space<hbm>>, %arg4: memref<320000xi32, #tpu.memory_space<hbm>>, %arg5: memref<10240xf32, #tpu.memory_space<hbm>>, %arg6: memref<640x128xf32, #tpu.memory_space<hbm>>, %arg7: memref<5120xf32, #tpu.memory_space<hbm>>, %arg8: memref<20480x128xf32, #tpu.memory_space<hbm>>, %arg9: memref<128xf32, #tpu.memory_space<hbm>>, %arg10: memref<80xi32, #tpu.memory_space<vmem>>, %arg11: memref<80xi32, #tpu.memory_space<vmem>>, %arg12: memref<80xi32, #tpu.memory_space<vmem>>, %arg13: memref<80xi32, #tpu.memory_space<vmem>>, %arg14: memref<80xi32, #tpu.memory_space<vmem>>, %arg15: memref<80xi32, #tpu.memory_space<vmem>>, %arg16: memref<80xi32, #tpu.memory_space<vmem>>, %arg17: memref<80xi32, #tpu.memory_space<vmem>>, %arg18: memref<80xi32, #tpu.memory_space<vmem>>, %arg19: memref<80xi32, #tpu.memory_space<vmem>>, %arg20: memref<80xi32, #tpu.memory_space<vmem>>, %arg21: memref<80xi32, #tpu.memory_space<vmem>>, %arg22: memref<80xf32, #tpu.memory_space<vmem>>, %arg23: memref<80xf32, #tpu.memory_space<vmem>>, %arg24: memref<80xf32, #tpu.memory_space<vmem>>, %arg25: memref<80xf32, #tpu.memory_space<vmem>>, %arg26: memref<80x128xf32, #tpu.memory_space<vmem>>, %arg27: memref<80x128xf32, #tpu.memory_space<vmem>>, %arg28: memref<80x128xf32, #tpu.memory_space<vmem>>, %arg29: memref<80x128xf32, #tpu.memory_space<vmem>>, %arg30: memref<10240x128xf32, #tpu.memory_space<vmem_shared>>, %arg31: memref<81920xf32, #tpu.memory_space<vmem_shared>>, %arg32: memref<!tpu.dma_semaphore, #tpu.memory_space<semaphore_mem>>, %arg33: memref<!tpu.dma_semaphore, #tpu.memory_space<semaphore_mem>>, %arg34: memref<!tpu.dma_semaphore, #tpu.memory_space<semaphore_mem>>, %arg35: memref<!tpu.dma_semaphore, #tpu.memory_space<semaphore_mem>>, %arg36: memref<!tpu.dma_semaphore, #tpu.memory_space<semaphore_mem>>, %arg37: memref<!tpu.dma_semaphore, #tpu.memory_space<semaphore_mem>>, %arg38: memref<!tpu.dma_semaphore, #tpu.memory_space<semaphore_mem>>, %arg39: memref<!tpu.dma_semaphore, #tpu.memory_space<semaphore_mem>>, %arg40: memref<!tpu.dma_semaphore, #tpu.memory_space<semaphore_mem>>, %arg41: memref<!tpu.dma_semaphore, #tpu.memory_space<semaphore_mem>>, %arg42: memref<!tpu.dma_semaphore, #tpu.memory_space<semaphore_mem>>, %arg43: memref<!tpu.dma_semaphore, #tpu.memory_space<semaphore_mem>>, %arg44: memref<!tpu.dma_semaphore, #tpu.memory_space<semaphore_mem>>, %arg45: memref<!tpu.dma_semaphore, #tpu.memory_space<semaphore_mem>>, %arg46: memref<!tpu.dma_semaphore, #tpu.memory_space<semaphore_mem>>, %arg47: memref<!tpu.dma_semaphore, #tpu.memory_space<semaphore_mem>>, %arg48: memref<!tpu.dma_semaphore, #tpu.memory_space<semaphore_mem>>, %arg49: memref<!tpu.dma_semaphore, #tpu.memory_space<semaphore_mem>>, %arg50: memref<!tpu.dma_semaphore, #tpu.memory_space<semaphore_mem>>, %arg51: memref<!tpu.dma_semaphore, #tpu.memory_space<semaphore_mem>>, %arg52: memref<!tpu.dma_semaphore, #tpu.memory_space<semaphore_mem>>, %arg53: memref<!tpu.dma_semaphore, #tpu.memory_space<semaphore_mem>>, %arg54: memref<!tpu.dma_semaphore, #tpu.memory_space<semaphore_mem>>, %arg55: memref<!tpu.dma_semaphore, #tpu.memory_space<semaphore_mem>>) attributes {dimension_semantics = [#tpu.dimension_semantics<core_parallel>, #tpu.dimension_semantics<subcore_parallel>], iteration_bounds = array<i64: 2, 16>, scalar_prefetch = 0 : i64, scratch_operands = 46 : i64, tpu.core_type = #tpu.core_type<sc_vector_subcore>, window_params = [{transform_indices = #map}, {transform_indices = #map1}, {transform_indices = #map1}, {transform_indices = #map1}, {transform_indices = #map}, {transform_indices = #map1}, {transform_indices = #map}, {transform_indices = #map1}]} {
    %mul3A = arith.constant 16 : i32
    %mul3A_0 = arith.muli %arg0, %mul3A : i32
    %add3A = arith.addi %mul3A_0, %arg1 : i32
    %mul3A_1 = arith.constant 10000 : i32
    %mul3A_2 = arith.muli %add3A, %mul3A_1 : i32
    %mul3A_3 = arith.constant 640 : i32
    %mul3A_4 = arith.muli %arg1, %mul3A_3 : i32
    "tpu.region"() ({
      %run_scoped3A = tpu.sem_alloc : memref<!tpu.dma_semaphore, #tpu.memory_space<semaphore_mem>>
      %dma_start3A_37 = arith.constant 0 : i32
      %dma_start3A_38 = tpu.memref_slice %arg30[%mul3A_4, %dma_start3A_37] : memref<10240x128xf32, #tpu.memory_space<vmem_shared>> -> memref<640x128xf32, #tpu.memory_space<vmem_shared>>
      tpu.enqueue_dma source(%arg6 : memref<640x128xf32, #tpu.memory_space<hbm>>) target(%dma_start3A_38 : memref<640x128xf32, #tpu.memory_space<vmem_shared>>) target_semaphore(%run_scoped3A : memref<!tpu.dma_semaphore, #tpu.memory_space<semaphore_mem>>)
      %dma_wait3A_39 = arith.constant 0 : i32
      %dma_wait3A_40 = tpu.memref_slice %arg30[%mul3A_4, %dma_wait3A_39] : memref<10240x128xf32, #tpu.memory_space<vmem_shared>> -> memref<640x128xf32, #tpu.memory_space<vmem_shared>>
      tpu.wait_dma2 semaphore(%run_scoped3A : memref<!tpu.dma_semaphore, #tpu.memory_space<semaphore_mem>>) src(%arg6 : memref<640x128xf32, #tpu.memory_space<hbm>>) dst(%dma_wait3A_40 : memref<640x128xf32, #tpu.memory_space<vmem_shared>>)
      tpu.yield
    }) : () -> ()
    %barrier3A = arith.constant 0 : index
    tpu.barrier barrier_id(%barrier3A)
    %scan3A = arith.constant 0 : i32
    %scan3A_5 = arith.constant 31 : i32
    %scan3A_6 = arith.addi %scan3A, %scan3A_5 : i32
    %scan3A_7 = arith.constant 1 : i32
    scf.for %scan3A_37 = %scan3A to %scan3A_6 step %scan3A_7  : i32 {
      %mul3A_38 = arith.constant 4 : i32
      %mul3A_39 = arith.muli %scan3A_37, %mul3A_38 : i32
      %add3A_40 = arith.constant 0 : i32
      %add3A_41 = arith.addi %mul3A_39, %add3A_40 : i32
      %mul3A_42 = arith.constant 80 : i32
      %mul3A_43 = arith.muli %add3A_41, %mul3A_42 : i32
      %add3A_44 = arith.addi %mul3A_2, %mul3A_43 : i32
      %dma_start3A_45 = tpu.memref_slice %arg3[%add3A_44] : memref<320000xi32, #tpu.memory_space<hbm>> -> memref<80xi32, #tpu.memory_space<hbm>>
      %dma_start3A_46 = tpu.memref_slice %arg3[%add3A_44] : memref<320000xi32, #tpu.memory_space<hbm>> -> memref<80xi32, #tpu.memory_space<hbm>>
      tpu.enqueue_dma source(%dma_start3A_46 : memref<80xi32, #tpu.memory_space<hbm>>) target(%arg10 : memref<80xi32, #tpu.memory_space<vmem>>) target_semaphore(%arg32 : memref<!tpu.dma_semaphore, #tpu.memory_space<semaphore_mem>>)
      %dma_start3A_47 = tpu.memref_slice %arg4[%add3A_44] : memref<320000xi32, #tpu.memory_space<hbm>> -> memref<80xi32, #tpu.memory_space<hbm>>
      %dma_start3A_48 = tpu.memref_slice %arg4[%add3A_44] : memref<320000xi32, #tpu.memory_space<hbm>> -> memref<80xi32, #tpu.memory_space<hbm>>
      tpu.enqueue_dma source(%dma_start3A_48 : memref<80xi32, #tpu.memory_space<hbm>>) target(%arg14 : memref<80xi32, #tpu.memory_space<vmem>>) target_semaphore(%arg36 : memref<!tpu.dma_semaphore, #tpu.memory_space<semaphore_mem>>)
      %add3A_49 = arith.constant 1 : i32
      %add3A_50 = arith.addi %mul3A_39, %add3A_49 : i32
      %mul3A_51 = arith.constant 80 : i32
      %mul3A_52 = arith.muli %add3A_50, %mul3A_51 : i32
      %add3A_53 = arith.addi %mul3A_2, %mul3A_52 : i32
      %dma_start3A_54 = tpu.memref_slice %arg3[%add3A_53] : memref<320000xi32, #tpu.memory_space<hbm>> -> memref<80xi32, #tpu.memory_space<hbm>>
      %dma_start3A_55 = tpu.memref_slice %arg3[%add3A_53] : memref<320000xi32, #tpu.memory_space<hbm>> -> memref<80xi32, #tpu.memory_space<hbm>>
      tpu.enqueue_dma source(%dma_start3A_55 : memref<80xi32, #tpu.memory_space<hbm>>) target(%arg11 : memref<80xi32, #tpu.memory_space<vmem>>) target_semaphore(%arg33 : memref<!tpu.dma_semaphore, #tpu.memory_space<semaphore_mem>>)
      %dma_start3A_56 = tpu.memref_slice %arg4[%add3A_53] : memref<320000xi32, #tpu.memory_space<hbm>> -> memref<80xi32, #tpu.memory_space<hbm>>
      %dma_start3A_57 = tpu.memref_slice %arg4[%add3A_53] : memref<320000xi32, #tpu.memory_space<hbm>> -> memref<80xi32, #tpu.memory_space<hbm>>
      tpu.enqueue_dma source(%dma_start3A_57 : memref<80xi32, #tpu.memory_space<hbm>>) target(%arg15 : memref<80xi32, #tpu.memory_space<vmem>>) target_semaphore(%arg37 : memref<!tpu.dma_semaphore, #tpu.memory_space<semaphore_mem>>)
      %add3A_58 = arith.constant 2 : i32
      %add3A_59 = arith.addi %mul3A_39, %add3A_58 : i32
      %mul3A_60 = arith.constant 80 : i32
      %mul3A_61 = arith.muli %add3A_59, %mul3A_60 : i32
      %add3A_62 = arith.addi %mul3A_2, %mul3A_61 : i32
      %dma_start3A_63 = tpu.memref_slice %arg3[%add3A_62] : memref<320000xi32, #tpu.memory_space<hbm>> -> memref<80xi32, #tpu.memory_space<hbm>>
      %dma_start3A_64 = tpu.memref_slice %arg3[%add3A_62] : memref<320000xi32, #tpu.memory_space<hbm>> -> memref<80xi32, #tpu.memory_space<hbm>>
      tpu.enqueue_dma source(%dma_start3A_64 : memref<80xi32, #tpu.memory_space<hbm>>) target(%arg12 : memref<80xi32, #tpu.memory_space<vmem>>) target_semaphore(%arg34 : memref<!tpu.dma_semaphore, #tpu.memory_space<semaphore_mem>>)
      %dma_start3A_65 = tpu.memref_slice %arg4[%add3A_62] : memref<320000xi32, #tpu.memory_space<hbm>> -> memref<80xi32, #tpu.memory_space<hbm>>
      %dma_start3A_66 = tpu.memref_slice %arg4[%add3A_62] : memref<320000xi32, #tpu.memory_space<hbm>> -> memref<80xi32, #tpu.memory_space<hbm>>
      tpu.enqueue_dma source(%dma_start3A_66 : memref<80xi32, #tpu.memory_space<hbm>>) target(%arg16 : memref<80xi32, #tpu.memory_space<vmem>>) target_semaphore(%arg38 : memref<!tpu.dma_semaphore, #tpu.memory_space<semaphore_mem>>)
      %add3A_67 = arith.constant 3 : i32
      %add3A_68 = arith.addi %mul3A_39, %add3A_67 : i32
      %mul3A_69 = arith.constant 80 : i32
      %mul3A_70 = arith.muli %add3A_68, %mul3A_69 : i32
      %add3A_71 = arith.addi %mul3A_2, %mul3A_70 : i32
      %dma_start3A_72 = tpu.memref_slice %arg3[%add3A_71] : memref<320000xi32, #tpu.memory_space<hbm>> -> memref<80xi32, #tpu.memory_space<hbm>>
      %dma_start3A_73 = tpu.memref_slice %arg3[%add3A_71] : memref<320000xi32, #tpu.memory_space<hbm>> -> memref<80xi32, #tpu.memory_space<hbm>>
      tpu.enqueue_dma source(%dma_start3A_73 : memref<80xi32, #tpu.memory_space<hbm>>) target(%arg13 : memref<80xi32, #tpu.memory_space<vmem>>) target_semaphore(%arg35 : memref<!tpu.dma_semaphore, #tpu.memory_space<semaphore_mem>>)
      %dma_start3A_74 = tpu.memref_slice %arg4[%add3A_71] : memref<320000xi32, #tpu.memory_space<hbm>> -> memref<80xi32, #tpu.memory_space<hbm>>
      %dma_start3A_75 = tpu.memref_slice %arg4[%add3A_71] : memref<320000xi32, #tpu.memory_space<hbm>> -> memref<80xi32, #tpu.memory_space<hbm>>
      tpu.enqueue_dma source(%dma_start3A_75 : memref<80xi32, #tpu.memory_space<hbm>>) target(%arg17 : memref<80xi32, #tpu.memory_space<vmem>>) target_semaphore(%arg39 : memref<!tpu.dma_semaphore, #tpu.memory_space<semaphore_mem>>)
      %dma_wait3A_76 = tpu.memref_slice %arg3[%add3A_44] : memref<320000xi32, #tpu.memory_space<hbm>> -> memref<80xi32, #tpu.memory_space<hbm>>
      %dma_wait3A_77 = tpu.memref_slice %arg3[%add3A_44] : memref<320000xi32, #tpu.memory_space<hbm>> -> memref<80xi32, #tpu.memory_space<hbm>>
      tpu.wait_dma2 semaphore(%arg32 : memref<!tpu.dma_semaphore, #tpu.memory_space<semaphore_mem>>) src(%dma_wait3A_77 : memref<80xi32, #tpu.memory_space<hbm>>) dst(%arg10 : memref<80xi32, #tpu.memory_space<vmem>>)
      %dma_wait3A_78 = tpu.memref_slice %arg4[%add3A_44] : memref<320000xi32, #tpu.memory_space<hbm>> -> memref<80xi32, #tpu.memory_space<hbm>>
      %dma_wait3A_79 = tpu.memref_slice %arg4[%add3A_44] : memref<320000xi32, #tpu.memory_space<hbm>> -> memref<80xi32, #tpu.memory_space<hbm>>
      tpu.wait_dma2 semaphore(%arg36 : memref<!tpu.dma_semaphore, #tpu.memory_space<semaphore_mem>>) src(%dma_wait3A_79 : memref<80xi32, #tpu.memory_space<hbm>>) dst(%arg14 : memref<80xi32, #tpu.memory_space<vmem>>)
      %dma_start3A_80 = arith.constant 0 : i32
      %dma_start3A_81 = arith.constant 0 : i32
      %dma_start3A_82 = tpu.memref_slice %arg2[%dma_start3A_80, %dma_start3A_81] : memref<10240x128xf32, #tpu.memory_space<hbm>> -> memref<10240x128xf32, #tpu.memory_space<hbm>>
      tpu.enqueue_indirect_dma source(%dma_start3A_82 : memref<10240x128xf32, #tpu.memory_space<hbm>>) target(%arg26 : memref<80x128xf32, #tpu.memory_space<vmem>>) offsets(%arg10 : memref<80xi32, #tpu.memory_space<vmem>>) semaphore(%arg40 : memref<!tpu.dma_semaphore, #tpu.memory_space<semaphore_mem>>)
      %dma_wait3A_83 = tpu.memref_slice %arg3[%add3A_53] : memref<320000xi32, #tpu.memory_space<hbm>> -> memref<80xi32, #tpu.memory_space<hbm>>
      %dma_wait3A_84 = tpu.memref_slice %arg3[%add3A_53] : memref<320000xi32, #tpu.memory_space<hbm>> -> memref<80xi32, #tpu.memory_space<hbm>>
      tpu.wait_dma2 semaphore(%arg33 : memref<!tpu.dma_semaphore, #tpu.memory_space<semaphore_mem>>) src(%dma_wait3A_84 : memref<80xi32, #tpu.memory_space<hbm>>) dst(%arg11 : memref<80xi32, #tpu.memory_space<vmem>>)
      %dma_wait3A_85 = tpu.memref_slice %arg4[%add3A_53] : memref<320000xi32, #tpu.memory_space<hbm>> -> memref<80xi32, #tpu.memory_space<hbm>>
      %dma_wait3A_86 = tpu.memref_slice %arg4[%add3A_53] : memref<320000xi32, #tpu.memory_space<hbm>> -> memref<80xi32, #tpu.memory_space<hbm>>
      tpu.wait_dma2 semaphore(%arg37 : memref<!tpu.dma_semaphore, #tpu.memory_space<semaphore_mem>>) src(%dma_wait3A_86 : memref<80xi32, #tpu.memory_space<hbm>>) dst(%arg15 : memref<80xi32, #tpu.memory_space<vmem>>)
      %dma_start3A_87 = arith.constant 0 : i32
      %dma_start3A_88 = arith.constant 0 : i32
      %dma_start3A_89 = tpu.memref_slice %arg2[%dma_start3A_87, %dma_start3A_88] : memref<10240x128xf32, #tpu.memory_space<hbm>> -> memref<10240x128xf32, #tpu.memory_space<hbm>>
      tpu.enqueue_indirect_dma source(%dma_start3A_89 : memref<10240x128xf32, #tpu.memory_space<hbm>>) target(%arg27 : memref<80x128xf32, #tpu.memory_space<vmem>>) offsets(%arg11 : memref<80xi32, #tpu.memory_space<vmem>>) semaphore(%arg41 : memref<!tpu.dma_semaphore, #tpu.memory_space<semaphore_mem>>)
      %dma_wait3A_90 = tpu.memref_slice %arg3[%add3A_62] : memref<320000xi32, #tpu.memory_space<hbm>> -> memref<80xi32, #tpu.memory_space<hbm>>
      %dma_wait3A_91 = tpu.memref_slice %arg3[%add3A_62] : memref<320000xi32, #tpu.memory_space<hbm>> -> memref<80xi32, #tpu.memory_space<hbm>>
      tpu.wait_dma2 semaphore(%arg34 : memref<!tpu.dma_semaphore, #tpu.memory_space<semaphore_mem>>) src(%dma_wait3A_91 : memref<80xi32, #tpu.memory_space<hbm>>) dst(%arg12 : memref<80xi32, #tpu.memory_space<vmem>>)
      %dma_wait3A_92 = tpu.memref_slice %arg4[%add3A_62] : memref<320000xi32, #tpu.memory_space<hbm>> -> memref<80xi32, #tpu.memory_space<hbm>>
      %dma_wait3A_93 = tpu.memref_slice %arg4[%add3A_62] : memref<320000xi32, #tpu.memory_space<hbm>> -> memref<80xi32, #tpu.memory_space<hbm>>
      tpu.wait_dma2 semaphore(%arg38 : memref<!tpu.dma_semaphore, #tpu.memory_space<semaphore_mem>>) src(%dma_wait3A_93 : memref<80xi32, #tpu.memory_space<hbm>>) dst(%arg16 : memref<80xi32, #tpu.memory_space<vmem>>)
      %dma_start3A_94 = arith.constant 0 : i32
      %dma_start3A_95 = arith.constant 0 : i32
      %dma_start3A_96 = tpu.memref_slice %arg2[%dma_start3A_94, %dma_start3A_95] : memref<10240x128xf32, #tpu.memory_space<hbm>> -> memref<10240x128xf32, #tpu.memory_space<hbm>>
      tpu.enqueue_indirect_dma source(%dma_start3A_96 : memref<10240x128xf32, #tpu.memory_space<hbm>>) target(%arg28 : memref<80x128xf32, #tpu.memory_space<vmem>>) offsets(%arg12 : memref<80xi32, #tpu.memory_space<vmem>>) semaphore(%arg42 : memref<!tpu.dma_semaphore, #tpu.memory_space<semaphore_mem>>)
      %dma_wait3A_97 = tpu.memref_slice %arg3[%add3A_71] : memref<320000xi32, #tpu.memory_space<hbm>> -> memref<80xi32, #tpu.memory_space<hbm>>
      %dma_wait3A_98 = tpu.memref_slice %arg3[%add3A_71] : memref<320000xi32, #tpu.memory_space<hbm>> -> memref<80xi32, #tpu.memory_space<hbm>>
      tpu.wait_dma2 semaphore(%arg35 : memref<!tpu.dma_semaphore, #tpu.memory_space<semaphore_mem>>) src(%dma_wait3A_98 : memref<80xi32, #tpu.memory_space<hbm>>) dst(%arg13 : memref<80xi32, #tpu.memory_space<vmem>>)
      %dma_wait3A_99 = tpu.memref_slice %arg4[%add3A_71] : memref<320000xi32, #tpu.memory_space<hbm>> -> memref<80xi32, #tpu.memory_space<hbm>>
      %dma_wait3A_100 = tpu.memref_slice %arg4[%add3A_71] : memref<320000xi32, #tpu.memory_space<hbm>> -> memref<80xi32, #tpu.memory_space<hbm>>
      tpu.wait_dma2 semaphore(%arg39 : memref<!tpu.dma_semaphore, #tpu.memory_space<semaphore_mem>>) src(%dma_wait3A_100 : memref<80xi32, #tpu.memory_space<hbm>>) dst(%arg17 : memref<80xi32, #tpu.memory_space<vmem>>)
      %dma_start3A_101 = arith.constant 0 : i32
      %dma_start3A_102 = arith.constant 0 : i32
      %dma_start3A_103 = tpu.memref_slice %arg2[%dma_start3A_101, %dma_start3A_102] : memref<10240x128xf32, #tpu.memory_space<hbm>> -> memref<10240x128xf32, #tpu.memory_space<hbm>>
      tpu.enqueue_indirect_dma source(%dma_start3A_103 : memref<10240x128xf32, #tpu.memory_space<hbm>>) target(%arg29 : memref<80x128xf32, #tpu.memory_space<vmem>>) offsets(%arg13 : memref<80xi32, #tpu.memory_space<vmem>>) semaphore(%arg43 : memref<!tpu.dma_semaphore, #tpu.memory_space<semaphore_mem>>)
      %dma_wait3A_104 = arith.constant 0 : i32
      %dma_wait3A_105 = arith.constant 0 : i32
      %dma_wait3A_106 = tpu.memref_slice %arg2[%dma_wait3A_104, %dma_wait3A_105] : memref<10240x128xf32, #tpu.memory_space<hbm>> -> memref<10240x128xf32, #tpu.memory_space<hbm>>
      tpu.wait_indirect_dma semaphore(%arg40 : memref<!tpu.dma_semaphore, #tpu.memory_space<semaphore_mem>>) src(%dma_wait3A_106 : memref<10240x128xf32, #tpu.memory_space<hbm>>) dst(%arg26 : memref<80x128xf32, #tpu.memory_space<vmem>>)
      %dma_start3A_107 = arith.constant 0 : i32
      %dma_start3A_108 = arith.constant 0 : i32
      %dma_start3A_109 = tpu.memref_slice %arg30[%dma_start3A_107, %dma_start3A_108] : memref<10240x128xf32, #tpu.memory_space<vmem_shared>> -> memref<10240x128xf32, #tpu.memory_space<vmem_shared>>
      tpu.enqueue_indirect_dma source(%arg26 : memref<80x128xf32, #tpu.memory_space<vmem>>) target(%dma_start3A_109 : memref<10240x128xf32, #tpu.memory_space<vmem_shared>>) offsets(%arg14 : memref<80xi32, #tpu.memory_space<vmem>>) semaphore(%arg48 : memref<!tpu.dma_semaphore, #tpu.memory_space<semaphore_mem>>) {add = true}
      %dma_wait3A_110 = arith.constant 0 : i32
      %dma_wait3A_111 = arith.constant 0 : i32
      %dma_wait3A_112 = tpu.memref_slice %arg2[%dma_wait3A_110, %dma_wait3A_111] : memref<10240x128xf32, #tpu.memory_space<hbm>> -> memref<10240x128xf32, #tpu.memory_space<hbm>>
      tpu.wait_indirect_dma semaphore(%arg41 : memref<!tpu.dma_semaphore, #tpu.memory_space<semaphore_mem>>) src(%dma_wait3A_112 : memref<10240x128xf32, #tpu.memory_space<hbm>>) dst(%arg27 : memref<80x128xf32, #tpu.memory_space<vmem>>)
      %dma_start3A_113 = arith.constant 0 : i32
      %dma_start3A_114 = arith.constant 0 : i32
      %dma_start3A_115 = tpu.memref_slice %arg30[%dma_start3A_113, %dma_start3A_114] : memref<10240x128xf32, #tpu.memory_space<vmem_shared>> -> memref<10240x128xf32, #tpu.memory_space<vmem_shared>>
      tpu.enqueue_indirect_dma source(%arg27 : memref<80x128xf32, #tpu.memory_space<vmem>>) target(%dma_start3A_115 : memref<10240x128xf32, #tpu.memory_space<vmem_shared>>) offsets(%arg15 : memref<80xi32, #tpu.memory_space<vmem>>) semaphore(%arg49 : memref<!tpu.dma_semaphore, #tpu.memory_space<semaphore_mem>>) {add = true}
      %dma_wait3A_116 = arith.constant 0 : i32
      %dma_wait3A_117 = arith.constant 0 : i32
      %dma_wait3A_118 = tpu.memref_slice %arg2[%dma_wait3A_116, %dma_wait3A_117] : memref<10240x128xf32, #tpu.memory_space<hbm>> -> memref<10240x128xf32, #tpu.memory_space<hbm>>
      tpu.wait_indirect_dma semaphore(%arg42 : memref<!tpu.dma_semaphore, #tpu.memory_space<semaphore_mem>>) src(%dma_wait3A_118 : memref<10240x128xf32, #tpu.memory_space<hbm>>) dst(%arg28 : memref<80x128xf32, #tpu.memory_space<vmem>>)
      %dma_start3A_119 = arith.constant 0 : i32
      %dma_start3A_120 = arith.constant 0 : i32
      %dma_start3A_121 = tpu.memref_slice %arg30[%dma_start3A_119, %dma_start3A_120] : memref<10240x128xf32, #tpu.memory_space<vmem_shared>> -> memref<10240x128xf32, #tpu.memory_space<vmem_shared>>
      tpu.enqueue_indirect_dma source(%arg28 : memref<80x128xf32, #tpu.memory_space<vmem>>) target(%dma_start3A_121 : memref<10240x128xf32, #tpu.memory_space<vmem_shared>>) offsets(%arg16 : memref<80xi32, #tpu.memory_space<vmem>>) semaphore(%arg50 : memref<!tpu.dma_semaphore, #tpu.memory_space<semaphore_mem>>) {add = true}
      %dma_wait3A_122 = arith.constant 0 : i32
      %dma_wait3A_123 = arith.constant 0 : i32
      %dma_wait3A_124 = tpu.memref_slice %arg2[%dma_wait3A_122, %dma_wait3A_123] : memref<10240x128xf32, #tpu.memory_space<hbm>> -> memref<10240x128xf32, #tpu.memory_space<hbm>>
      tpu.wait_indirect_dma semaphore(%arg43 : memref<!tpu.dma_semaphore, #tpu.memory_space<semaphore_mem>>) src(%dma_wait3A_124 : memref<10240x128xf32, #tpu.memory_space<hbm>>) dst(%arg29 : memref<80x128xf32, #tpu.memory_space<vmem>>)
      %dma_start3A_125 = arith.constant 0 : i32
      %dma_start3A_126 = arith.constant 0 : i32
      %dma_start3A_127 = tpu.memref_slice %arg30[%dma_start3A_125, %dma_start3A_126] : memref<10240x128xf32, #tpu.memory_space<vmem_shared>> -> memref<10240x128xf32, #tpu.memory_space<vmem_shared>>
      tpu.enqueue_indirect_dma source(%arg29 : memref<80x128xf32, #tpu.memory_space<vmem>>) target(%dma_start3A_127 : memref<10240x128xf32, #tpu.memory_space<vmem_shared>>) offsets(%arg17 : memref<80xi32, #tpu.memory_space<vmem>>) semaphore(%arg51 : memref<!tpu.dma_semaphore, #tpu.memory_space<semaphore_mem>>) {add = true}
      %dma_wait3A_128 = arith.constant 0 : i32
      %dma_wait3A_129 = arith.constant 0 : i32
      %dma_wait3A_130 = tpu.memref_slice %arg30[%dma_wait3A_128, %dma_wait3A_129] : memref<10240x128xf32, #tpu.memory_space<vmem_shared>> -> memref<10240x128xf32, #tpu.memory_space<vmem_shared>>
      tpu.wait_indirect_dma semaphore(%arg48 : memref<!tpu.dma_semaphore, #tpu.memory_space<semaphore_mem>>) src(%arg26 : memref<80x128xf32, #tpu.memory_space<vmem>>) dst(%dma_wait3A_130 : memref<10240x128xf32, #tpu.memory_space<vmem_shared>>)
      %dma_wait3A_131 = arith.constant 0 : i32
      %dma_wait3A_132 = arith.constant 0 : i32
      %dma_wait3A_133 = tpu.memref_slice %arg30[%dma_wait3A_131, %dma_wait3A_132] : memref<10240x128xf32, #tpu.memory_space<vmem_shared>> -> memref<10240x128xf32, #tpu.memory_space<vmem_shared>>
      tpu.wait_indirect_dma semaphore(%arg49 : memref<!tpu.dma_semaphore, #tpu.memory_space<semaphore_mem>>) src(%arg27 : memref<80x128xf32, #tpu.memory_space<vmem>>) dst(%dma_wait3A_133 : memref<10240x128xf32, #tpu.memory_space<vmem_shared>>)
      %dma_wait3A_134 = arith.constant 0 : i32
      %dma_wait3A_135 = arith.constant 0 : i32
      %dma_wait3A_136 = tpu.memref_slice %arg30[%dma_wait3A_134, %dma_wait3A_135] : memref<10240x128xf32, #tpu.memory_space<vmem_shared>> -> memref<10240x128xf32, #tpu.memory_space<vmem_shared>>
      tpu.wait_indirect_dma semaphore(%arg50 : memref<!tpu.dma_semaphore, #tpu.memory_space<semaphore_mem>>) src(%arg28 : memref<80x128xf32, #tpu.memory_space<vmem>>) dst(%dma_wait3A_136 : memref<10240x128xf32, #tpu.memory_space<vmem_shared>>)
      %dma_wait3A_137 = arith.constant 0 : i32
      %dma_wait3A_138 = arith.constant 0 : i32
      %dma_wait3A_139 = tpu.memref_slice %arg30[%dma_wait3A_137, %dma_wait3A_138] : memref<10240x128xf32, #tpu.memory_space<vmem_shared>> -> memref<10240x128xf32, #tpu.memory_space<vmem_shared>>
      tpu.wait_indirect_dma semaphore(%arg51 : memref<!tpu.dma_semaphore, #tpu.memory_space<semaphore_mem>>) src(%arg29 : memref<80x128xf32, #tpu.memory_space<vmem>>) dst(%dma_wait3A_139 : memref<10240x128xf32, #tpu.memory_space<vmem_shared>>)
    }
    %scan3A_8 = arith.constant 31 : i32
    %add3A_9 = arith.constant 9920 : i32
    %add3A_10 = arith.addi %mul3A_2, %add3A_9 : i32
    %dma_start3A = tpu.memref_slice %arg3[%add3A_10] : memref<320000xi32, #tpu.memory_space<hbm>> -> memref<80xi32, #tpu.memory_space<hbm>>
    %dma_start3A_11 = tpu.memref_slice %arg3[%add3A_10] : memref<320000xi32, #tpu.memory_space<hbm>> -> memref<80xi32, #tpu.memory_space<hbm>>
    tpu.enqueue_dma source(%dma_start3A_11 : memref<80xi32, #tpu.memory_space<hbm>>) target(%arg10 : memref<80xi32, #tpu.memory_space<vmem>>) target_semaphore(%arg32 : memref<!tpu.dma_semaphore, #tpu.memory_space<semaphore_mem>>)
    %dma_start3A_12 = tpu.memref_slice %arg4[%add3A_10] : memref<320000xi32, #tpu.memory_space<hbm>> -> memref<80xi32, #tpu.memory_space<hbm>>
    %dma_start3A_13 = tpu.memref_slice %arg4[%add3A_10] : memref<320000xi32, #tpu.memory_space<hbm>> -> memref<80xi32, #tpu.memory_space<hbm>>
    tpu.enqueue_dma source(%dma_start3A_13 : memref<80xi32, #tpu.memory_space<hbm>>) target(%arg14 : memref<80xi32, #tpu.memory_space<vmem>>) target_semaphore(%arg36 : memref<!tpu.dma_semaphore, #tpu.memory_space<semaphore_mem>>)
    %dma_wait3A = tpu.memref_slice %arg3[%add3A_10] : memref<320000xi32, #tpu.memory_space<hbm>> -> memref<80xi32, #tpu.memory_space<hbm>>
    %dma_wait3A_14 = tpu.memref_slice %arg3[%add3A_10] : memref<320000xi32, #tpu.memory_space<hbm>> -> memref<80xi32, #tpu.memory_space<hbm>>
    tpu.wait_dma2 semaphore(%arg32 : memref<!tpu.dma_semaphore, #tpu.memory_space<semaphore_mem>>) src(%dma_wait3A_14 : memref<80xi32, #tpu.memory_space<hbm>>) dst(%arg10 : memref<80xi32, #tpu.memory_space<vmem>>)
    %dma_wait3A_15 = tpu.memref_slice %arg4[%add3A_10] : memref<320000xi32, #tpu.memory_space<hbm>> -> memref<80xi32, #tpu.memory_space<hbm>>
    %dma_wait3A_16 = tpu.memref_slice %arg4[%add3A_10] : memref<320000xi32, #tpu.memory_space<hbm>> -> memref<80xi32, #tpu.memory_space<hbm>>
    tpu.wait_dma2 semaphore(%arg36 : memref<!tpu.dma_semaphore, #tpu.memory_space<semaphore_mem>>) src(%dma_wait3A_16 : memref<80xi32, #tpu.memory_space<hbm>>) dst(%arg14 : memref<80xi32, #tpu.memory_space<vmem>>)
    %dma_start3A_17 = arith.constant 0 : i32
    %dma_start3A_18 = arith.constant 0 : i32
    %dma_start3A_19 = tpu.memref_slice %arg2[%dma_start3A_17, %dma_start3A_18] : memref<10240x128xf32, #tpu.memory_space<hbm>> -> memref<10240x128xf32, #tpu.memory_space<hbm>>
    tpu.enqueue_indirect_dma source(%dma_start3A_19 : memref<10240x128xf32, #tpu.memory_space<hbm>>) target(%arg26 : memref<80x128xf32, #tpu.memory_space<vmem>>) offsets(%arg10 : memref<80xi32, #tpu.memory_space<vmem>>) semaphore(%arg40 : memref<!tpu.dma_semaphore, #tpu.memory_space<semaphore_mem>>)
    %dma_wait3A_20 = arith.constant 0 : i32
    %dma_wait3A_21 = arith.constant 0 : i32
    %dma_wait3A_22 = tpu.memref_slice %arg2[%dma_wait3A_20, %dma_wait3A_21] : memref<10240x128xf32, #tpu.memory_space<hbm>> -> memref<10240x128xf32, #tpu.memory_space<hbm>>
    tpu.wait_indirect_dma semaphore(%arg40 : memref<!tpu.dma_semaphore, #tpu.memory_space<semaphore_mem>>) src(%dma_wait3A_22 : memref<10240x128xf32, #tpu.memory_space<hbm>>) dst(%arg26 : memref<80x128xf32, #tpu.memory_space<vmem>>)
    %dma_start3A_23 = arith.constant 0 : i32
    %dma_start3A_24 = arith.constant 0 : i32
    %dma_start3A_25 = tpu.memref_slice %arg30[%dma_start3A_23, %dma_start3A_24] : memref<10240x128xf32, #tpu.memory_space<vmem_shared>> -> memref<10240x128xf32, #tpu.memory_space<vmem_shared>>
    tpu.enqueue_indirect_dma source(%arg26 : memref<80x128xf32, #tpu.memory_space<vmem>>) target(%dma_start3A_25 : memref<10240x128xf32, #tpu.memory_space<vmem_shared>>) offsets(%arg14 : memref<80xi32, #tpu.memory_space<vmem>>) semaphore(%arg48 : memref<!tpu.dma_semaphore, #tpu.memory_space<semaphore_mem>>) {add = true}
    %dma_wait3A_26 = arith.constant 0 : i32
    %dma_wait3A_27 = arith.constant 0 : i32
    %dma_wait3A_28 = tpu.memref_slice %arg30[%dma_wait3A_26, %dma_wait3A_27] : memref<10240x128xf32, #tpu.memory_space<vmem_shared>> -> memref<10240x128xf32, #tpu.memory_space<vmem_shared>>
    tpu.wait_indirect_dma semaphore(%arg48 : memref<!tpu.dma_semaphore, #tpu.memory_space<semaphore_mem>>) src(%arg26 : memref<80x128xf32, #tpu.memory_space<vmem>>) dst(%dma_wait3A_28 : memref<10240x128xf32, #tpu.memory_space<vmem_shared>>)
    %barrier3A_29 = arith.constant 0 : index
    tpu.barrier barrier_id(%barrier3A_29)
    %mul3A_30 = arith.constant 640 : i32
    %mul3A_31 = arith.muli %arg1, %mul3A_30 : i32
    %mul3A_32 = arith.constant 10240 : i32
    %mul3A_33 = arith.muli %arg0, %mul3A_32 : i32
    %mul3A_34 = arith.constant 640 : i32
    %mul3A_35 = arith.muli %arg1, %mul3A_34 : i32
    %add3A_36 = arith.addi %mul3A_33, %mul3A_35 : i32
    "tpu.region"() ({
      %run_scoped3A = tpu.sem_alloc : memref<!tpu.dma_semaphore, #tpu.memory_space<semaphore_mem>>
      %dma_start3A_37 = arith.constant 0 : i32
      %dma_start3A_38 = tpu.memref_slice %arg8[%add3A_36, %dma_start3A_37] : memref<20480x128xf32, #tpu.memory_space<hbm>> -> memref<640x128xf32, #tpu.memory_space<hbm>>
      %dma_start3A_39 = arith.constant 0 : i32
      %dma_start3A_40 = tpu.memref_slice %arg30[%mul3A_31, %dma_start3A_39] : memref<10240x128xf32, #tpu.memory_space<vmem_shared>> -> memref<640x128xf32, #tpu.memory_space<vmem_shared>>
      tpu.enqueue_dma source(%dma_start3A_40 : memref<640x128xf32, #tpu.memory_space<vmem_shared>>) target(%dma_start3A_38 : memref<640x128xf32, #tpu.memory_space<hbm>>) target_semaphore(%run_scoped3A : memref<!tpu.dma_semaphore, #tpu.memory_space<semaphore_mem>>)
      %dma_wait3A_41 = arith.constant 0 : i32
      %dma_wait3A_42 = tpu.memref_slice %arg8[%add3A_36, %dma_wait3A_41] : memref<20480x128xf32, #tpu.memory_space<hbm>> -> memref<640x128xf32, #tpu.memory_space<hbm>>
      %dma_wait3A_43 = arith.constant 0 : i32
      %dma_wait3A_44 = tpu.memref_slice %arg30[%mul3A_31, %dma_wait3A_43] : memref<10240x128xf32, #tpu.memory_space<vmem_shared>> -> memref<640x128xf32, #tpu.memory_space<vmem_shared>>
      tpu.wait_dma2 semaphore(%run_scoped3A : memref<!tpu.dma_semaphore, #tpu.memory_space<semaphore_mem>>) src(%dma_wait3A_44 : memref<640x128xf32, #tpu.memory_space<vmem_shared>>) dst(%dma_wait3A_42 : memref<640x128xf32, #tpu.memory_space<hbm>>)
      tpu.yield
    }) : () -> ()
    return
  }
}

module attributes {stable_mosaic.version = 14 : i64} {
  func.func @_prep_kernel(%arg0: i32, %arg1: memref<256x8xf32, #tpu.memory_space<vmem>>, %arg2: memref<256x8xf32, #tpu.memory_space<vmem>>, %arg3: memref<256x128xf32, #tpu.memory_space<vmem>>, %arg4: memref<256x128xf32, #tpu.memory_space<vmem>>, %arg5: memref<256x16xf32, #tpu.memory_space<vmem>>, %arg6: memref<256x128xf32, #tpu.memory_space<vmem>>) attributes {dimension_semantics = [#tpu.dimension_semantics<arbitrary>], iteration_bounds = array<i64: 40>, scalar_prefetch = 0 : i64, scratch_operands = 0 : i64, tpu.core_type = #tpu.core_type<tc>, window_params = [{transform_indices = @transform_0, window_bounds = array<i64: 256, 8>}, {transform_indices = @transform_1, window_bounds = array<i64: 256, 8>}, {transform_indices = @transform_2, window_bounds = array<i64: 256, 128>}, {transform_indices = @transform_3, window_bounds = array<i64: 256, 128>}, {transform_indices = @transform_4, window_bounds = array<i64: 256, 16>}, {transform_indices = @transform_5, window_bounds = array<i64: 256, 128>}]} {
    %get3A = arith.constant 0 : index
    %get3A_0 = arith.constant 0 : index
    %get3A_1 = vector.load %arg1[%get3A, %get3A_0] : memref<256x8xf32, #tpu.memory_space<vmem>>, vector<256x8xf32>
    %reduce_sum3A = arith.constant dense<0.000000e+00> : vector<256xf32>
    %reduce_sum3A_2 = vector.multi_reduction <add>, %get3A_1, %reduce_sum3A [1] : vector<256x8xf32> to vector<256xf32>
    %broadcast_in_dim3A = vector.shape_cast %reduce_sum3A_2 : vector<256xf32> to vector<256x1xf32>
    %get3A_3 = arith.constant 0 : index
    %get3A_4 = arith.constant 0 : index
    %get3A_5 = vector.load %arg2[%get3A_3, %get3A_4] : memref<256x8xf32, #tpu.memory_space<vmem>>, vector<256x8xf32>
    %reduce_sum3A_6 = arith.constant dense<0.000000e+00> : vector<256xf32>
    %reduce_sum3A_7 = vector.multi_reduction <add>, %get3A_5, %reduce_sum3A_6 [1] : vector<256x8xf32> to vector<256xf32>
    %broadcast_in_dim3A_8 = vector.shape_cast %reduce_sum3A_7 : vector<256xf32> to vector<256x1xf32>
    %add3A = arith.addf %broadcast_in_dim3A, %broadcast_in_dim3A_8 : vector<256x1xf32>
    %max3A = arith.constant 1.000000e+00 : f32
    %max3A_9 = vector.broadcast %max3A : f32 to vector<256x1xf32>
    %max3A_10 = arith.maximumf %add3A, %max3A_9 : vector<256x1xf32>
    %rsqrt3A = math.rsqrt %max3A_10 : vector<256x1xf32>
    %get3A_11 = arith.constant 0 : index
    %get3A_12 = arith.constant 0 : index
    %get3A_13 = vector.load %arg3[%get3A_11, %get3A_12] : memref<256x128xf32, #tpu.memory_space<vmem>>, vector<256x128xf32>
    %mul3A = vector.broadcast %rsqrt3A : vector<256x1xf32> to vector<256x128xf32>
    %mul3A_14 = arith.mulf %mul3A, %get3A_13 : vector<256x128xf32>
    %swap3A = arith.constant 0 : index
    %swap3A_15 = arith.constant 0 : index
    %swap3A_16 = vector.load %arg4[%swap3A, %swap3A_15] : memref<256x128xf32, #tpu.memory_space<vmem>>, vector<256x128xf32>
    tpu.vector_store %arg4[%swap3A, %swap3A_15], %mul3A_14 {strides = array<i32>} : memref<256x128xf32, #tpu.memory_space<vmem>>, vector<256x128xf32>,
    %iota3A = tpu.iota {dimensions = array<i32: 1>} : vector<256x16xi32>
    %eq3A = arith.constant 0 : i32
    %eq3A_17 = vector.broadcast %eq3A : i32 to vector<256x16xi32>
    %eq3A_18 = arith.cmpi eq, %iota3A, %eq3A_17 : vector<256x16xi32>
    %jit3A = arith.constant 0.000000e+00 : f32
    %broadcast_in_dim3A_19 = vector.shape_cast %rsqrt3A : vector<256x1xf32> to vector<256x1xf32>
    %broadcast_in_dim3A_20 = vector.broadcast %broadcast_in_dim3A_19 : vector<256x1xf32> to vector<256x16xf32>
    %broadcast_in_dim3A_21 = vector.broadcast %jit3A : f32 to vector<256x16xf32>
    %select_n3A = arith.select %eq3A_18, %broadcast_in_dim3A_20, %broadcast_in_dim3A_21 : vector<256x16xi1>, vector<256x16xf32>
    %swap3A_22 = arith.constant 0 : index
    %swap3A_23 = arith.constant 0 : index
    %swap3A_24 = vector.load %arg5[%swap3A_22, %swap3A_23] : memref<256x16xf32, #tpu.memory_space<vmem>>, vector<256x16xf32>
    tpu.vector_store %arg5[%swap3A_22, %swap3A_23], %select_n3A {strides = array<i32>} : memref<256x16xf32, #tpu.memory_space<vmem>>, vector<256x16xf32>,
    %swap3A_25 = arith.constant 0 : index
    %swap3A_26 = arith.constant 0 : index
    %swap3A_27 = vector.load %arg6[%swap3A_25, %swap3A_26] : memref<256x128xf32, #tpu.memory_space<vmem>>, vector<256x128xf32>
    tpu.vector_store %arg6[%swap3A_25, %swap3A_26], %get3A_13 {strides = array<i32>} : memref<256x128xf32, #tpu.memory_space<vmem>>, vector<256x128xf32>,
    return
  }
  func.func @transform_0(%arg0: i32) -> (i32, i32) {
    %c0_i32 = arith.constant 0 : i32
    %c0_i32_0 = arith.constant 0 : i32
    return %arg0, %c0_i32 : i32, i32
  }
  func.func @transform_1(%arg0: i32) -> (i32, i32) {
    %add3A = arith.constant 40 : i32
    %add3A_0 = arith.addi %arg0, %add3A : i32
    %c0_i32 = arith.constant 0 : i32
    %c0_i32_1 = arith.constant 0 : i32
    return %add3A_0, %c0_i32 : i32, i32
  }
  func.func @transform_2(%arg0: i32) -> (i32, i32) {
    %c0_i32 = arith.constant 0 : i32
    %c0_i32_0 = arith.constant 0 : i32
    return %arg0, %c0_i32 : i32, i32
  }
  func.func @transform_3(%arg0: i32) -> (i32, i32) {
    %c0_i32 = arith.constant 0 : i32
    %c0_i32_0 = arith.constant 0 : i32
    return %arg0, %c0_i32 : i32, i32
  }
  func.func @transform_4(%arg0: i32) -> (i32, i32) {
    %c0_i32 = arith.constant 0 : i32
    %c0_i32_0 = arith.constant 0 : i32
    return %arg0, %c0_i32 : i32, i32
  }
  func.func @transform_5(%arg0: i32) -> (i32, i32) {
    %c0_i32 = arith.constant 0 : i32
    %c0_i32_0 = arith.constant 0 : i32
    return %arg0, %c0_i32 : i32, i32
  }
}

module attributes {stable_mosaic.version = 14 : i64} {
  func.func @_dense_kernel(%arg0: i32, %arg1: memref<256x128xf32, #tpu.memory_space<vmem>>, %arg2: memref<256x128xf32, #tpu.memory_space<vmem>>, %arg3: memref<256x8xf32, #tpu.memory_space<vmem>>, %arg4: memref<256x8xf32, #tpu.memory_space<vmem>>, %arg5: memref<256x16xf32, #tpu.memory_space<vmem>>, %arg6: memref<256x128xf32, #tpu.memory_space<vmem>>, %arg7: memref<128x128xf32, #tpu.memory_space<vmem>>, %arg8: memref<1x128xf32, #tpu.memory_space<vmem>>, %arg9: memref<128x128xf32, #tpu.memory_space<vmem>>, %arg10: memref<1x128xf32, #tpu.memory_space<vmem>>, %arg11: memref<10000x384xf32, #tpu.memory_space<any>>, %arg12: memref<256x128xf32, #tpu.memory_space<vmem>>, %arg13: memref<256x128xf32, #tpu.memory_space<vmem>>, %arg14: memref<256x128xf32, #tpu.memory_space<vmem>>) attributes {dimension_semantics = [#tpu.dimension_semantics<arbitrary>], iteration_bounds = array<i64: 40>, scalar_prefetch = 0 : i64, scratch_operands = 0 : i64, tpu.core_type = #tpu.core_type<tc>, window_params = [{transform_indices = @transform_0, window_bounds = array<i64: 256, 128>}, {transform_indices = @transform_1, window_bounds = array<i64: 256, 128>}, {transform_indices = @transform_2, window_bounds = array<i64: 256, 8>}, {transform_indices = @transform_3, window_bounds = array<i64: 256, 8>}, {transform_indices = @transform_4, window_bounds = array<i64: 256, 16>}, {transform_indices = @transform_5, window_bounds = array<i64: 256, 128>}, {pipeline_mode = #tpu.pipeline_mode<synchronous>, transform_indices = @transform_6, window_bounds = array<i64: 128, 128>}, {pipeline_mode = #tpu.pipeline_mode<synchronous>, transform_indices = @transform_7, window_bounds = array<i64: 1, 128>}, {pipeline_mode = #tpu.pipeline_mode<synchronous>, transform_indices = @transform_8, window_bounds = array<i64: 128, 128>}, {pipeline_mode = #tpu.pipeline_mode<synchronous>, transform_indices = @transform_9, window_bounds = array<i64: 1, 128>}, {}, {transform_indices = @transform_11, window_bounds = array<i64: 256, 128>}, {transform_indices = @transform_12, window_bounds = array<i64: 256, 128>}, {transform_indices = @transform_13, window_bounds = array<i64: 256, 128>}]} {
    %get3A = arith.constant 0 : index
    %get3A_0 = arith.constant 0 : index
    %get3A_1 = vector.load %arg5[%get3A, %get3A_0] : memref<256x16xf32, #tpu.memory_space<vmem>>, vector<256x16xf32>
    %reduce_sum3A = arith.constant dense<0.000000e+00> : vector<256xf32>
    %reduce_sum3A_2 = vector.multi_reduction <add>, %get3A_1, %reduce_sum3A [1] : vector<256x16xf32> to vector<256xf32>
    %broadcast_in_dim3A = vector.shape_cast %reduce_sum3A_2 : vector<256xf32> to vector<256x1xf32>
    %get3A_3 = arith.constant 0 : index
    %get3A_4 = arith.constant 0 : index
    %get3A_5 = vector.load %arg3[%get3A_3, %get3A_4] : memref<256x8xf32, #tpu.memory_space<vmem>>, vector<256x8xf32>
    %reduce_sum3A_6 = arith.constant dense<0.000000e+00> : vector<256xf32>
    %reduce_sum3A_7 = vector.multi_reduction <add>, %get3A_5, %reduce_sum3A_6 [1] : vector<256x8xf32> to vector<256xf32>
    %broadcast_in_dim3A_8 = vector.shape_cast %reduce_sum3A_7 : vector<256xf32> to vector<256x1xf32>
    %get3A_9 = arith.constant 0 : index
    %get3A_10 = arith.constant 0 : index
    %get3A_11 = vector.load %arg4[%get3A_9, %get3A_10] : memref<256x8xf32, #tpu.memory_space<vmem>>, vector<256x8xf32>
    %reduce_sum3A_12 = arith.constant dense<0.000000e+00> : vector<256xf32>
    %reduce_sum3A_13 = vector.multi_reduction <add>, %get3A_11, %reduce_sum3A_12 [1] : vector<256x8xf32> to vector<256xf32>
    %broadcast_in_dim3A_14 = vector.shape_cast %reduce_sum3A_13 : vector<256xf32> to vector<256x1xf32>
    %add3A = arith.addf %broadcast_in_dim3A_8, %broadcast_in_dim3A_14 : vector<256x1xf32>
    %get3A_15 = arith.constant 0 : index
    %get3A_16 = arith.constant 0 : index
    %get3A_17 = vector.load %arg1[%get3A_15, %get3A_16] : memref<256x128xf32, #tpu.memory_space<vmem>>, vector<256x128xf32>
    %get3A_18 = arith.constant 0 : index
    %get3A_19 = arith.constant 0 : index
    %get3A_20 = vector.load %arg2[%get3A_18, %get3A_19] : memref<256x128xf32, #tpu.memory_space<vmem>>, vector<256x128xf32>
    %add3A_21 = arith.addf %get3A_17, %get3A_20 : vector<256x128xf32>
    %mul3A = vector.broadcast %broadcast_in_dim3A : vector<256x1xf32> to vector<256x128xf32>
    %mul3A_22 = arith.mulf %mul3A, %add3A_21 : vector<256x128xf32>
    %mul3A_23 = arith.mulf %broadcast_in_dim3A, %add3A : vector<256x1xf32>
    %get3A_24 = arith.constant 0 : index
    %get3A_25 = arith.constant 0 : index
    %get3A_26 = vector.load %arg6[%get3A_24, %get3A_25] : memref<256x128xf32, #tpu.memory_space<vmem>>, vector<256x128xf32>
    %get3A_27 = arith.constant 0 : index
    %get3A_28 = arith.constant 0 : index
    %get3A_29 = vector.load %arg8[%get3A_27, %get3A_28] : memref<1x128xf32, #tpu.memory_space<vmem>>, vector<1x128xf32>
    %get3A_30 = arith.constant 0 : index
    %get3A_31 = arith.constant 0 : index
    %get3A_32 = vector.load %arg10[%get3A_30, %get3A_31] : memref<1x128xf32, #tpu.memory_space<vmem>>, vector<1x128xf32>
    %add3A_33 = arith.addf %mul3A_22, %get3A_26 : vector<256x128xf32>
    %get3A_34 = arith.constant 0 : index
    %get3A_35 = arith.constant 0 : index
    %get3A_36 = vector.load %arg7[%get3A_34, %get3A_35] : memref<128x128xf32, #tpu.memory_space<vmem>>, vector<128x128xf32>
    %dot_general3A = arith.constant dense<0.000000e+00> : vector<256x128xf32>
    %dot_general3A_37 = tpu.matmul %add3A_33, %get3A_36, %dot_general3A {dimension_numbers = #tpu.dot_dimension_numbers<[1], [0], [0], [1], [0, 0, 1, 1], [], []>, transpose_lhs_hint = false} : vector<256x128xf32>, vector<128x128xf32>, vector<256x128xf32> -> vector<256x128xf32>
    %mul3A_38 = arith.mulf %mul3A_22, %get3A_26 : vector<256x128xf32>
    %get3A_39 = arith.constant 0 : index
    %get3A_40 = arith.constant 0 : index
    %get3A_41 = vector.load %arg9[%get3A_39, %get3A_40] : memref<128x128xf32, #tpu.memory_space<vmem>>, vector<128x128xf32>
    %dot_general3A_42 = arith.constant dense<0.000000e+00> : vector<256x128xf32>
    %dot_general3A_43 = tpu.matmul %mul3A_38, %get3A_41, %dot_general3A_42 {dimension_numbers = #tpu.dot_dimension_numbers<[1], [0], [0], [1], [0, 0, 1, 1], [], []>, transpose_lhs_hint = false} : vector<256x128xf32>, vector<128x128xf32>, vector<256x128xf32> -> vector<256x128xf32>
    %add3A_44 = arith.addf %dot_general3A_37, %dot_general3A_43 : vector<256x128xf32>
    %add3A_45 = vector.broadcast %get3A_29 : vector<1x128xf32> to vector<256x128xf32>
    %add3A_46 = arith.addf %add3A_44, %add3A_45 : vector<256x128xf32>
    %add3A_47 = arith.addf %get3A_29, %get3A_32 : vector<1x128xf32>
    %mul3A_48 = vector.broadcast %mul3A_23 : vector<256x1xf32> to vector<256x128xf32>
    %mul3A_49 = vector.broadcast %add3A_47 : vector<1x128xf32> to vector<256x128xf32>
    %mul3A_50 = arith.mulf %mul3A_48, %mul3A_49 : vector<256x128xf32>
    %add3A_51 = arith.addf %add3A_46, %mul3A_50 : vector<256x128xf32>
    %gt3A = arith.constant 0.000000e+00 : f32
    %gt3A_52 = vector.broadcast %gt3A : f32 to vector<256x128xf32>
    %gt3A_53 = arith.cmpf ogt, %add3A_51, %gt3A_52 : vector<256x128xf32>
    %mul3A_54 = arith.constant 0.00999999977 : f32
    %mul3A_55 = vector.broadcast %mul3A_54 : f32 to vector<256x128xf32>
    %mul3A_56 = arith.mulf %mul3A_55, %add3A_51 : vector<256x128xf32>
    %select_n3A = arith.select %gt3A_53, %add3A_51, %mul3A_56 : vector<256x128xi1>, vector<256x128xf32>
    %swap3A = arith.constant 0 : index
    %swap3A_57 = arith.constant 0 : index
    %swap3A_58 = vector.load %arg12[%swap3A, %swap3A_57] : memref<256x128xf32, #tpu.memory_space<vmem>>, vector<256x128xf32>
    tpu.vector_store %arg12[%swap3A, %swap3A_57], %select_n3A {strides = array<i32>} : memref<256x128xf32, #tpu.memory_space<vmem>>, vector<256x128xf32>,
    %swap3A_59 = arith.constant 0 : index
    %swap3A_60 = arith.constant 0 : index
    %swap3A_61 = vector.load %arg13[%swap3A_59, %swap3A_60] : memref<256x128xf32, #tpu.memory_space<vmem>>, vector<256x128xf32>
    tpu.vector_store %arg13[%swap3A_59, %swap3A_60], %select_n3A {strides = array<i32>} : memref<256x128xf32, #tpu.memory_space<vmem>>, vector<256x128xf32>,
    %mul3A_62 = vector.broadcast %broadcast_in_dim3A : vector<256x1xf32> to vector<256x128xf32>
    %mul3A_63 = arith.mulf %mul3A_62, %select_n3A : vector<256x128xf32>
    %swap3A_64 = arith.constant 0 : index
    %swap3A_65 = arith.constant 0 : index
    %swap3A_66 = vector.load %arg14[%swap3A_64, %swap3A_65] : memref<256x128xf32, #tpu.memory_space<vmem>>, vector<256x128xf32>
    tpu.vector_store %arg14[%swap3A_64, %swap3A_65], %mul3A_63 {strides = array<i32>} : memref<256x128xf32, #tpu.memory_space<vmem>>, vector<256x128xf32>,
    return
  }
  func.func @transform_0(%arg0: i32) -> (i32, i32) {
    %c0_i32 = arith.constant 0 : i32
    %c0_i32_0 = arith.constant 0 : i32
    return %arg0, %c0_i32 : i32, i32
  }
  func.func @transform_1(%arg0: i32) -> (i32, i32) {
    %add3A = arith.constant 40 : i32
    %add3A_0 = arith.addi %arg0, %add3A : i32
    %c0_i32 = arith.constant 0 : i32
    %c0_i32_1 = arith.constant 0 : i32
    return %add3A_0, %c0_i32 : i32, i32
  }
  func.func @transform_2(%arg0: i32) -> (i32, i32) {
    %c0_i32 = arith.constant 0 : i32
    %c0_i32_0 = arith.constant 0 : i32
    return %arg0, %c0_i32 : i32, i32
  }
  func.func @transform_3(%arg0: i32) -> (i32, i32) {
    %add3A = arith.constant 40 : i32
    %add3A_0 = arith.addi %arg0, %add3A : i32
    %c0_i32 = arith.constant 0 : i32
    %c0_i32_1 = arith.constant 0 : i32
    return %add3A_0, %c0_i32 : i32, i32
  }
  func.func @transform_4(%arg0: i32) -> (i32, i32) {
    %c0_i32 = arith.constant 0 : i32
    %c0_i32_0 = arith.constant 0 : i32
    return %arg0, %c0_i32 : i32, i32
  }
  func.func @transform_5(%arg0: i32) -> (i32, i32) {
    %c0_i32 = arith.constant 0 : i32
    %c0_i32_0 = arith.constant 0 : i32
    return %arg0, %c0_i32 : i32, i32
  }
  func.func @transform_6(%arg0: i32) -> (i32, i32) {
    %c0_i32 = arith.constant 0 : i32
    %c0_i32_0 = arith.constant 0 : i32
    %c0_i32_1 = arith.constant 0 : i32
    return %c0_i32, %c0_i32_0 : i32, i32
  }
  func.func @transform_7(%arg0: i32) -> (i32, i32) {
    %c0_i32 = arith.constant 0 : i32
    %c0_i32_0 = arith.constant 0 : i32
    %c0_i32_1 = arith.constant 0 : i32
    return %c0_i32, %c0_i32_0 : i32, i32
  }
  func.func @transform_8(%arg0: i32) -> (i32, i32) {
    %c0_i32 = arith.constant 0 : i32
    %c0_i32_0 = arith.constant 0 : i32
    %c0_i32_1 = arith.constant 0 : i32
    return %c0_i32, %c0_i32_0 : i32, i32
  }
  func.func @transform_9(%arg0: i32) -> (i32, i32) {
    %c0_i32 = arith.constant 0 : i32
    %c0_i32_0 = arith.constant 0 : i32
    %c0_i32_1 = arith.constant 0 : i32
    return %c0_i32, %c0_i32_0 : i32, i32
  }
  func.func @transform_11(%arg0: i32) -> (i32, i32) {
    %c1_i32 = arith.constant 1 : i32
    %c0_i32 = arith.constant 0 : i32
    return %arg0, %c1_i32 : i32, i32
  }
  func.func @transform_12(%arg0: i32) -> (i32, i32) {
    %c0_i32 = arith.constant 0 : i32
    %c0_i32_0 = arith.constant 0 : i32
    return %arg0, %c0_i32 : i32, i32
  }
  func.func @transform_13(%arg0: i32) -> (i32, i32) {
    %c0_i32 = arith.constant 0 : i32
    %c0_i32_0 = arith.constant 0 : i32
    return %arg0, %c0_i32 : i32, i32
  }
}

module attributes {stable_mosaic.version = 14 : i64} {
  func.func @_dense_kernel(%arg0: i32, %arg1: memref<256x128xf32, #tpu.memory_space<vmem>>, %arg2: memref<256x128xf32, #tpu.memory_space<vmem>>, %arg3: memref<256x8xf32, #tpu.memory_space<vmem>>, %arg4: memref<256x8xf32, #tpu.memory_space<vmem>>, %arg5: memref<256x16xf32, #tpu.memory_space<vmem>>, %arg6: memref<256x128xf32, #tpu.memory_space<vmem>>, %arg7: memref<128x128xf32, #tpu.memory_space<vmem>>, %arg8: memref<1x128xf32, #tpu.memory_space<vmem>>, %arg9: memref<128x128xf32, #tpu.memory_space<vmem>>, %arg10: memref<1x128xf32, #tpu.memory_space<vmem>>, %arg11: memref<10000x384xf32, #tpu.memory_space<any>>, %arg12: memref<256x128xf32, #tpu.memory_space<vmem>>) attributes {dimension_semantics = [#tpu.dimension_semantics<arbitrary>], iteration_bounds = array<i64: 40>, scalar_prefetch = 0 : i64, scratch_operands = 0 : i64, tpu.core_type = #tpu.core_type<tc>, window_params = [{transform_indices = @transform_0, window_bounds = array<i64: 256, 128>}, {transform_indices = @transform_1, window_bounds = array<i64: 256, 128>}, {transform_indices = @transform_2, window_bounds = array<i64: 256, 8>}, {transform_indices = @transform_3, window_bounds = array<i64: 256, 8>}, {transform_indices = @transform_4, window_bounds = array<i64: 256, 16>}, {transform_indices = @transform_5, window_bounds = array<i64: 256, 128>}, {pipeline_mode = #tpu.pipeline_mode<synchronous>, transform_indices = @transform_6, window_bounds = array<i64: 128, 128>}, {pipeline_mode = #tpu.pipeline_mode<synchronous>, transform_indices = @transform_7, window_bounds = array<i64: 1, 128>}, {pipeline_mode = #tpu.pipeline_mode<synchronous>, transform_indices = @transform_8, window_bounds = array<i64: 128, 128>}, {pipeline_mode = #tpu.pipeline_mode<synchronous>, transform_indices = @transform_9, window_bounds = array<i64: 1, 128>}, {}, {transform_indices = @transform_11, window_bounds = array<i64: 256, 128>}]} {
    %get3A = arith.constant 0 : index
    %get3A_0 = arith.constant 0 : index
    %get3A_1 = vector.load %arg5[%get3A, %get3A_0] : memref<256x16xf32, #tpu.memory_space<vmem>>, vector<256x16xf32>
    %reduce_sum3A = arith.constant dense<0.000000e+00> : vector<256xf32>
    %reduce_sum3A_2 = vector.multi_reduction <add>, %get3A_1, %reduce_sum3A [1] : vector<256x16xf32> to vector<256xf32>
    %broadcast_in_dim3A = vector.shape_cast %reduce_sum3A_2 : vector<256xf32> to vector<256x1xf32>
    %get3A_3 = arith.constant 0 : index
    %get3A_4 = arith.constant 0 : index
    %get3A_5 = vector.load %arg3[%get3A_3, %get3A_4] : memref<256x8xf32, #tpu.memory_space<vmem>>, vector<256x8xf32>
    %reduce_sum3A_6 = arith.constant dense<0.000000e+00> : vector<256xf32>
    %reduce_sum3A_7 = vector.multi_reduction <add>, %get3A_5, %reduce_sum3A_6 [1] : vector<256x8xf32> to vector<256xf32>
    %broadcast_in_dim3A_8 = vector.shape_cast %reduce_sum3A_7 : vector<256xf32> to vector<256x1xf32>
    %get3A_9 = arith.constant 0 : index
    %get3A_10 = arith.constant 0 : index
    %get3A_11 = vector.load %arg4[%get3A_9, %get3A_10] : memref<256x8xf32, #tpu.memory_space<vmem>>, vector<256x8xf32>
    %reduce_sum3A_12 = arith.constant dense<0.000000e+00> : vector<256xf32>
    %reduce_sum3A_13 = vector.multi_reduction <add>, %get3A_11, %reduce_sum3A_12 [1] : vector<256x8xf32> to vector<256xf32>
    %broadcast_in_dim3A_14 = vector.shape_cast %reduce_sum3A_13 : vector<256xf32> to vector<256x1xf32>
    %add3A = arith.addf %broadcast_in_dim3A_8, %broadcast_in_dim3A_14 : vector<256x1xf32>
    %get3A_15 = arith.constant 0 : index
    %get3A_16 = arith.constant 0 : index
    %get3A_17 = vector.load %arg1[%get3A_15, %get3A_16] : memref<256x128xf32, #tpu.memory_space<vmem>>, vector<256x128xf32>
    %get3A_18 = arith.constant 0 : index
    %get3A_19 = arith.constant 0 : index
    %get3A_20 = vector.load %arg2[%get3A_18, %get3A_19] : memref<256x128xf32, #tpu.memory_space<vmem>>, vector<256x128xf32>
    %add3A_21 = arith.addf %get3A_17, %get3A_20 : vector<256x128xf32>
    %mul3A = vector.broadcast %broadcast_in_dim3A : vector<256x1xf32> to vector<256x128xf32>
    %mul3A_22 = arith.mulf %mul3A, %add3A_21 : vector<256x128xf32>
    %mul3A_23 = arith.mulf %broadcast_in_dim3A, %add3A : vector<256x1xf32>
    %get3A_24 = arith.constant 0 : index
    %get3A_25 = arith.constant 0 : index
    %get3A_26 = vector.load %arg6[%get3A_24, %get3A_25] : memref<256x128xf32, #tpu.memory_space<vmem>>, vector<256x128xf32>
    %get3A_27 = arith.constant 0 : index
    %get3A_28 = arith.constant 0 : index
    %get3A_29 = vector.load %arg8[%get3A_27, %get3A_28] : memref<1x128xf32, #tpu.memory_space<vmem>>, vector<1x128xf32>
    %get3A_30 = arith.constant 0 : index
    %get3A_31 = arith.constant 0 : index
    %get3A_32 = vector.load %arg10[%get3A_30, %get3A_31] : memref<1x128xf32, #tpu.memory_space<vmem>>, vector<1x128xf32>
    %add3A_33 = arith.addf %mul3A_22, %get3A_26 : vector<256x128xf32>
    %get3A_34 = arith.constant 0 : index
    %get3A_35 = arith.constant 0 : index
    %get3A_36 = vector.load %arg7[%get3A_34, %get3A_35] : memref<128x128xf32, #tpu.memory_space<vmem>>, vector<128x128xf32>
    %dot_general3A = arith.constant dense<0.000000e+00> : vector<256x128xf32>
    %dot_general3A_37 = tpu.matmul %add3A_33, %get3A_36, %dot_general3A {dimension_numbers = #tpu.dot_dimension_numbers<[1], [0], [0], [1], [0, 0, 1, 1], [], []>, transpose_lhs_hint = false} : vector<256x128xf32>, vector<128x128xf32>, vector<256x128xf32> -> vector<256x128xf32>
    %mul3A_38 = arith.mulf %mul3A_22, %get3A_26 : vector<256x128xf32>
    %get3A_39 = arith.constant 0 : index
    %get3A_40 = arith.constant 0 : index
    %get3A_41 = vector.load %arg9[%get3A_39, %get3A_40] : memref<128x128xf32, #tpu.memory_space<vmem>>, vector<128x128xf32>
    %dot_general3A_42 = arith.constant dense<0.000000e+00> : vector<256x128xf32>
    %dot_general3A_43 = tpu.matmul %mul3A_38, %get3A_41, %dot_general3A_42 {dimension_numbers = #tpu.dot_dimension_numbers<[1], [0], [0], [1], [0, 0, 1, 1], [], []>, transpose_lhs_hint = false} : vector<256x128xf32>, vector<128x128xf32>, vector<256x128xf32> -> vector<256x128xf32>
    %add3A_44 = arith.addf %dot_general3A_37, %dot_general3A_43 : vector<256x128xf32>
    %add3A_45 = vector.broadcast %get3A_29 : vector<1x128xf32> to vector<256x128xf32>
    %add3A_46 = arith.addf %add3A_44, %add3A_45 : vector<256x128xf32>
    %add3A_47 = arith.addf %get3A_29, %get3A_32 : vector<1x128xf32>
    %mul3A_48 = vector.broadcast %mul3A_23 : vector<256x1xf32> to vector<256x128xf32>
    %mul3A_49 = vector.broadcast %add3A_47 : vector<1x128xf32> to vector<256x128xf32>
    %mul3A_50 = arith.mulf %mul3A_48, %mul3A_49 : vector<256x128xf32>
    %add3A_51 = arith.addf %add3A_46, %mul3A_50 : vector<256x128xf32>
    %swap3A = arith.constant 0 : index
    %swap3A_52 = arith.constant 0 : index
    %swap3A_53 = vector.load %arg12[%swap3A, %swap3A_52] : memref<256x128xf32, #tpu.memory_space<vmem>>, vector<256x128xf32>
    tpu.vector_store %arg12[%swap3A, %swap3A_52], %add3A_51 {strides = array<i32>} : memref<256x128xf32, #tpu.memory_space<vmem>>, vector<256x128xf32>,
    return
  }
  func.func @transform_0(%arg0: i32) -> (i32, i32) {
    %c0_i32 = arith.constant 0 : i32
    %c0_i32_0 = arith.constant 0 : i32
    return %arg0, %c0_i32 : i32, i32
  }
  func.func @transform_1(%arg0: i32) -> (i32, i32) {
    %add3A = arith.constant 40 : i32
    %add3A_0 = arith.addi %arg0, %add3A : i32
    %c0_i32 = arith.constant 0 : i32
    %c0_i32_1 = arith.constant 0 : i32
    return %add3A_0, %c0_i32 : i32, i32
  }
  func.func @transform_2(%arg0: i32) -> (i32, i32) {
    %c0_i32 = arith.constant 0 : i32
    %c0_i32_0 = arith.constant 0 : i32
    return %arg0, %c0_i32 : i32, i32
  }
  func.func @transform_3(%arg0: i32) -> (i32, i32) {
    %add3A = arith.constant 40 : i32
    %add3A_0 = arith.addi %arg0, %add3A : i32
    %c0_i32 = arith.constant 0 : i32
    %c0_i32_1 = arith.constant 0 : i32
    return %add3A_0, %c0_i32 : i32, i32
  }
  func.func @transform_4(%arg0: i32) -> (i32, i32) {
    %c0_i32 = arith.constant 0 : i32
    %c0_i32_0 = arith.constant 0 : i32
    return %arg0, %c0_i32 : i32, i32
  }
  func.func @transform_5(%arg0: i32) -> (i32, i32) {
    %c0_i32 = arith.constant 0 : i32
    %c0_i32_0 = arith.constant 0 : i32
    return %arg0, %c0_i32 : i32, i32
  }
  func.func @transform_6(%arg0: i32) -> (i32, i32) {
    %c0_i32 = arith.constant 0 : i32
    %c0_i32_0 = arith.constant 0 : i32
    %c0_i32_1 = arith.constant 0 : i32
    return %c0_i32, %c0_i32_0 : i32, i32
  }
  func.func @transform_7(%arg0: i32) -> (i32, i32) {
    %c0_i32 = arith.constant 0 : i32
    %c0_i32_0 = arith.constant 0 : i32
    %c0_i32_1 = arith.constant 0 : i32
    return %c0_i32, %c0_i32_0 : i32, i32
  }
  func.func @transform_8(%arg0: i32) -> (i32, i32) {
    %c0_i32 = arith.constant 0 : i32
    %c0_i32_0 = arith.constant 0 : i32
    %c0_i32_1 = arith.constant 0 : i32
    return %c0_i32, %c0_i32_0 : i32, i32
  }
  func.func @transform_9(%arg0: i32) -> (i32, i32) {
    %c0_i32 = arith.constant 0 : i32
    %c0_i32_0 = arith.constant 0 : i32
    %c0_i32_1 = arith.constant 0 : i32
    return %c0_i32, %c0_i32_0 : i32, i32
  }
  func.func @transform_11(%arg0: i32) -> (i32, i32) {
    %c2_i32 = arith.constant 2 : i32
    %c0_i32 = arith.constant 0 : i32
    return %arg0, %c2_i32 : i32, i32
  }
}

</mosaic_0001>

<sc_bundles>
// kernel: kernel.11.cloned.1.call-start
scs
__scs_entry_jumppad:
0x0: {  	(pc) =	sbr.rel $0x88, $3  }
0x1: {  	(tag) =	ssettag $0x0;
	lr =	simm.s32 $0x1  }
0x2: {  	[smem:$0x3F97] =	sst lr;
	_ =	strace $0xD0000000  }
0x3: {  	_ = 	snop  }
0x4: {  	_ = 	snop  }
0x5: {  	_ = 	snop  }
0x6: {  	_ = 	snop  }
0x7: {  	_ = 	snop  }
__scs_overlays_trampoline_lowered:
0x8: {  	[smem:$0x3FA6] =	sst s0  }
0x9: {  	[smem:$0x3FA7] =	sst s1  }
0xa: {  	[smem:$0x3FA8] =	sst s2  }
0xb: {  	[smem:$0x3FA9] =	sst s3  }
0xc: {  	[smem:$0x3FAA] =	sst s4  }
0xd: {  	[smem:$0x3FAB] =	sst s5  }
0xe: {  	[smem:$0x3FAC] =	sst s6  }
0xf: {  	[smem:$0x3FAD] =	sst s7  }
0x10: {  	[smem:$0x3FAE] =	sst s8  }
0x11: {  	[smem:$0x3FAF] =	sst s9;
	s0 =	simm.s32 @!p0 $0x0  }
0x12: {  	s1 =	sld [smem:$0x3F95];
	s0 =	simm.s32 @p0 $0x1  }
0x13: {  	[smem:$0x3FB0] =	sst s0;
	s0 =	simm.s32 @!p1 $0x0  }
0x14: {  	s2 =	sld [smem:$0x3F94];
	s0 =	simm.s32 @p1 $0x1  }
0x15: {  	[smem:$0x3FB1] =	sst s0;
	s0 =	simm.s32 @!p2 $0x0  }
0x16: {  	s3 =	sld [smem:$0x3FDB];
	s0 =	simm.s32 @p2 $0x1  }
0x17: {  	s4 =	simm.s32 $0x1BF5;
	[smem:$0x3FB3] =	sst s0  }
0x18: {  	s0 =	sld [smem:$0x3F96];
	_ =	swait.ge [sflag:s4], $0x0  }
0x19: {  	s7 =	sld [smem:$0x3F97]  }
0x1a: {  	s8 =	sadd.s32 $0xFFFFE003, lr  }
0x1b: {  	s9 =	sadd.s32 $0xFFFFFEF7, lr;
	s5 =	simm.s32 $0xFFFFFFFF;
	p2 =	slt.u32 s8, $0xFFFFF086  }
0x1c: {  	p1 =	slt.u32 s9, $0xF7A;
	s5 =	simm.s32 @!p2 $0x0  }
0x1d: {  	s5 =	simm.s32 @p1 $0x1;
	p0 =	seq.s32 s7, s2  }
0x1e: {  	s7 =	smul.u32 @!p0 $0xF7A, s2;
	p2 =	seq.s32 @!p0 s5, $0x0  }
0x1f: {  	s9 =	smul.u32 $0xF7A, s1;
	s8 =	simm.s32 @!p0 $0x1BF5;
	p2 =	por !p2, p0  }
0x20: {  	[sflag:s8] =	ssyncset.s32 @!p0 $0xFFFFF086;
	s6 =	sadd.s32 @!p0 s3, s7;
	s7 =	simm.s32 @!p0 $0x108  }
0x21: {  	s3 =	sadd.s32 s3, s9;
	s6 =	sadd.s32 @!p0 $0x88, s6;
	s7 =	simm.s32 @p2 $0x1082  }
0x22: {  	[simem:s7], [sflag:s8] =	dma.local @!p0 [hbm:s6], $0xF7A  }
0x23: {  	s9 =	sor.u32 $0xD0000000, s2;
	s6 =	simm.s32 $0x108;
	_ =	swait.ge @!p0 [sflag:s8], $0x0  }
0x24: {  	s3 =	sadd.s32 $0x88, s3;
	s6 =	simm.s32 @!p1 $0x1082;
	[sflag:s4] =	ssyncset.s32 $0xFFFFF086  }
0x25: {  	[simem:s6], [sflag:s4] =	dma.local [hbm:s3], $0xF7A  }
0x26: {  	[smem:$0x3F97] =	sst s1;
	(tag) =	ssettag s2;
	_ =	strace s9  }
0x27: {  	s1 =	sld [smem:$0x3FA7]  }
0x28: {  	s2 =	sld [smem:$0x3FA8]  }
0x29: {  	s4 =	sld [smem:$0x3FAA]  }
0x2a: {  	p0 =	seq.s32 s5, $0x0;
	s5 =	sld [smem:$0x3FAB]  }
0x2b: {  	s6 =	sld [smem:$0x3FAC]  }
0x2c: {  	s7 =	sld [smem:$0x3FAD]  }
0x2d: {  	s3 =	simm.s32 $0x108;
	s8 =	sld [smem:$0x3FAE]  }
0x2e: {  	s3 =	simm.s32 @!p0 $0x1082;
	s9 =	sld [smem:$0x3FAF]  }
0x2f: {  	lr =	sadd.s32 s0, s3;
	s0 =	sld [smem:$0x3FA6]  }
0x30: {  	s3 =	sld [smem:$0x3FA9]  }
0x31: {  	[smem:$0x3FB2] =	sst s10  }
0x32: {  	s10 =	sld [smem:$0x3FB0];
	_ =	sdelay $0x3  }
0x33: {  	p0 =	seq.s32 s10, $0x1;
	s10 =	sld [smem:$0x3FB2];
	_ =	sdelay $0x3  }
0x34: {  	[smem:$0x3FB2] =	sst s10  }
0x35: {  	s10 =	sld [smem:$0x3FB1];
	_ =	sdelay $0x3  }
0x36: {  	p1 =	seq.s32 s10, $0x1;
	s10 =	sld [smem:$0x3FB2];
	_ =	sdelay $0x3  }
0x37: {  	[smem:$0x3FB2] =	sst s10  }
0x38: {  	s10 =	sld [smem:$0x3FB3]  }
0x39: {  	_ = 	snop;
	(pc) =	sbr.ind lr, $3  }
0x3a: {  	_ = 	snop  }
0x3b: {  	_ = 	snop  }
0x3c: {  	p2 =	seq.s32 s10, $0x1;
	s10 =	sld [smem:$0x3FB2]  }
0x3d: {  	_ =	shalt  }
0x3e: {  	_ =	shalt  }
0x3f: {  	_ =	shalt  }
0x40: {  	_ =	shalt  }
0x41: {  	_ =	shalt  }
0x42: {  	_ =	shalt  }
0x43: {  	_ =	shalt  }
0x44: {  	_ =	shalt  }
0x45: {  	_ =	shalt  }
0x46: {  	_ =	shalt  }
0x47: {  	_ =	shalt  }
0x48: {  	_ =	shalt  }
0x49: {  	_ =	shalt  }
0x4a: {  	_ =	shalt  }
0x4b: {  	_ =	shalt  }
0x4c: {  	_ =	shalt  }
0x4d: {  	_ =	shalt  }
0x4e: {  	_ =	shalt  }
0x4f: {  	_ =	shalt  }
0x50: {  	_ =	shalt  }
0x51: {  	_ =	shalt  }
0x52: {  	_ =	shalt  }
0x53: {  	_ =	shalt  }
0x54: {  	_ =	shalt  }
0x55: {  	_ =	shalt  }
0x56: {  	_ =	shalt  }
0x57: {  	_ =	shalt  }
0x58: {  	_ =	shalt  }
0x59: {  	_ =	shalt  }
0x5a: {  	_ =	shalt  }
0x5b: {  	_ =	shalt  }
0x5c: {  	_ =	shalt  }
0x5d: {  	_ =	shalt  }
0x5e: {  	_ =	shalt  }
0x5f: {  	_ =	shalt  }
0x60: {  	_ =	shalt  }
0x61: {  	_ =	shalt  }
0x62: {  	_ =	shalt  }
0x63: {  	_ =	shalt  }
0x64: {  	_ =	shalt  }
0x65: {  	_ =	shalt  }
0x66: {  	_ =	shalt  }
0x67: {  	_ =	shalt  }
0x68: {  	_ =	shalt  }
0x69: {  	_ =	shalt  }
0x6a: {  	_ =	shalt  }
0x6b: {  	_ =	shalt  }
0x6c: {  	_ =	shalt  }
0x6d: {  	_ =	shalt  }
0x6e: {  	_ =	shalt  }
0x6f: {  	_ =	shalt  }
0x70: {  	_ =	shalt  }
0x71: {  	_ =	shalt  }
0x72: {  	_ =	shalt  }
0x73: {  	_ =	shalt  }
0x74: {  	_ =	shalt  }
0x75: {  	_ =	shalt  }
0x76: {  	_ =	shalt  }
0x77: {  	_ =	shalt  }
0x78: {  	_ =	shalt  }
0x79: {  	_ =	shalt  }
0x7a: {  	_ =	shalt  }
0x7b: {  	_ =	shalt  }
0x7c: {  	_ =	shalt  }
0x7d: {  	_ =	shalt  }
0x7e: {  	_ =	shalt  }
0x7f: {  	_ =	shalt  }
0x80: {  	_ =	shalt  }
0x81: {  	_ =	shalt  }
0x82: {  	_ =	shalt  }
0x83: {  	_ =	shalt  }
0x84: {  	_ =	shalt  }
0x85: {  	_ =	shalt  }
0x86: {  	_ =	shalt  }
0x87: {  	_ =	shalt  }
.Lfunc_end0:
.L_simem_size_0:
called_computation.1_lowered:
.L_overlay_start_0:
0x88: {  	s2 =	sld [smem:$0x3FD9]  }
0x89: {  	s3 =	sld [smem:$0x3FFE];
	_ =	sdelay $0x1  }
0x8a: {  	s1 =	srdreg.scid  }
0x8b: {  	s0 =	sand.u32 $0x1, s1  }
0x8c: {  	s16 =	sshll.u32 s0, $0xA;
	s2 =	sadd.s32 s3, s2  }
0x8d: {  	s2 =	sadd.s32 s2, s16  }
0x8e: {  	[smem:$0x3FBE] =	sst s2  }
0x8f: {  	_ = 	snop  }
0x90: {  	(tm) =	ssettm $0x1  }
0x91: {  	s17 =	sld [smem:$0x3FFB];
	_ =	sdelay $0x3  }
0x92: {  	_ =	strace s17  }
0x93: {  	s2 =	sld [smem:$0x3FFC];
	_ =	sdelay $0x3  }
0x94: {  	_ =	strace s2  }
0x95: {  	s2 =	sld [smem:$0x3FFD];
	_ =	sdelay $0x3  }
0x96: {  	_ =	strace s2  }
0x97: {  	_ =	strace $0x8FFFFFFF  }
0x98: {  	s18 =	sld [smem:$0x3FDB];
	_ =	sdelay $0x1  }
0x99: {  	s19 =	simm.s32 $_scs_section_size  }
0x9a: {  	s4 =	simm.s32 $_size__tile_overlayer_lowered;
	s5 =	simm.s32 $_tile_overlayer_lowered  }
0x9b: {  	s22 =	simm.s32 $0x1BFF;
	s21 =	sshll.u32 s5, $0x1;
	s2 =	sadd.s32 s19, s18  }
0x9c: {  	s6 =	simm.s32 $0x0;
	s20 =	sshll.u32 s4, $0x1;
	s4 =	sadd.s32 s21, s2  }
0x9d: {  	[timem:s6], [sflag:s22] =	dma.local [hbm:s4], s20  }
0x9e: {  	_ =	swait.ge [sflag:s22], s20  }
0x9f: {  	s3 =	ssub.s32 $0x0, s20;
	[sflag:s22] =	ssyncset.done $0x0  }
0xa0: {  	[sflag:s22] =	ssyncadd.s32 s3;
	_ =	sdelay $0x1  }
0xa1: {  	s23 =	simm.s32 $0x1B8B  }
0xa2: {  	_ =	swait.ge [sflag:s23], $0x1  }
0xa3: {  	[sflag:s23] =	ssyncset.done $0x0  }
0xa4: {  	s25 =	simm.s32 $0x1B8E;
	s24 =	sld [smem:$0x3FFE];
	[sflag:s23] =	ssyncadd.s32 $0xFFFFFFFF  }
0xa5: {  	s26 =	simm.s32 $execute0_lowered;
	[smem:$0x3FD2] =	sst s25  }
0xa6: {  	s4 =	sshll.u32 s26, $0x1;
	_ =	strace $0x80000049;
	[dreg:$0x1] =	wrdreg $0xFFFFFFFF  }
0xa7: {  	s28 =	simm.s32 $_size_execute0_lowered;
	s2 =	sadd.s32 s2, s4;
	[dreg:$0x0] =	wrdreg $0x0  }
0xa8: {  	s4 =	sshll.u32 s28, $0x1;
	[dreg:$0x2] =	wrdreg s2  }
0xa9: {  	[dreg:$0x3] =	wrdreg s4  }
0xaa: {  	[dreg:$0x4] =	wrdreg $0xC0  }
0xab: {  	_ =	task [dreg:s6], $0x5FFFF  }
0xac: {  	[dreg:$0x1] =	wrdreg $0xFFFFFFFF  }
0xad: {  	[dreg:$0x0] =	wrdreg $0x60  }
0xae: {  	[dreg:$0x2] =	wrdreg s24  }
0xaf: {  	[dreg:$0x3] =	wrdreg $0xA8000  }
0xb0: {  	[dreg:$0x4] =	wrdreg $0x1E8000  }
0xb1: {  	[dreg:$0x5] =	wrdreg $0x9  }
0xb2: {  	_ =	task.clear_ibuf [dreg:s6], $0x6FFFF;
	_ =	strace $0x90000049  }
0xb3: {  	s29 =	simm.s32 $0x9;
	_ =	strace $0x8000004B  }
0xb4: {  	_ =	swait.ge [sflag:s29], $0x1  }
0xb5: {  	[sflag:s29] =	ssyncadd.s32 $0xFFFFFFFF  }
0xb6: {  	_ =	strace $0x9000004B  }
0xb7: {  	_ =	sfence  }
0xb8: {  	s30 =	sld [smem:$0x0];
	_ =	sdelay $0x2  }
0xb9: {  	s31 =	sshll.u32 s1, $0xD;
	s1 =	sshrl.u32 s1, $0x2  }
0xba: {  	s3 =	sand.u32 $0x4000, s31;
	s1 =	sadd.s32 s1, s30  }
0xbb: {  	s0 =	sor.u32 s3, s0;
	s1 =	sshll.u32 s1, $0x11  }
0xbc: {  	s0 =	sor.u32 s1, s0  }
0xbd: {  	s0 =	sadd.s32 $0x8F2B, s0  }
0xbe: {  	[sflag:s0] =	ssyncadd.remote.s32 $0x1  }
0xbf: {  	_ =	sfence.sel $0xFFFF  }
0xc0: {  	[dreg:$0x0] =	wrdreg $0xFFFFFFFF;
	(pc) =	sbr.abs _section_cstart, $3  }
0xc1: {  	[dreg:$0x1] =	wrdreg $0xFFFFFFFF  }
0xc2: {  	_ =	task.clear_ibuf [dreg:s6], $0x2FFFF;
	_ =	strace $0x9FFFFFFF  }
0xc3: {  	(tm) =	ssettm $0x7FFFFFFF  }
tec
execute0_lowered:
.L_overlay_start_1:
0x0: {  	(tag) =	ssettag $0x1  }
0x1: {  	s0 =	rddreg [dreg:$0x0]  }
0x2: {  	s1 =	rddreg [dreg:$0x1]  }
0x3: {  	s2 =	rddreg [dreg:$0x2];
	s3 =	simm.s32 $0x0;
	s4 =	srdreg.scid  }
0x4: {  	s15 =	stileid.u32;
	s31 =	simm.s32 $0x380;
	s28 =	simm.s32 $0x50  }
0x5: {  	s30 =	simm.s32 $0xA;
	s29 =	simm.s32 $0x780;
	[smem:$0x7FF] =	sst s3  }
0x6: {  	s5 =	sadd.s32 $0x1BC00, s0;
	s7 =	sadd.s32 $0x2C00, s0;
	s4 =	sand.u32 $0x1, s4  }
0x7: {  	s8 =	smul.u32 $0x280, s15;
	s9 =	sadd.s32 $0x11E00, s0;
	s6 =	sadd.s32 $0xCE00, s0  }
0x8: {  	s12 =	sadd.s32 $0xD400, s0;
	s25 =	sadd.s32 $0xCA00, s0;
	s13 =	smul.u32 $0x5000, s15  }
0x9: {  	s17 =	smul.u32 $0x2710, s15;
	s18 =	sshll.u32 s15, $0x6;
	_ =	strace $0x8000004A  }
0xa: {  	s10 =	smul.u32 $0x2800, s4;
	s11 =	sshll.u32 s4, $0x4;
	[dreg:$0xf] =	wrdreg s12  }
0xb: {  	[dreg:$0x10] =	wrdreg s25;
	s16 =	ssub.s32 $0x2, s4;
	s4 =	smul.u32 $0x27100, s4  }
0xc: {  	s23 =	sor.u32 $0x1C19, s18;
	s11 =	sor.u32 s15, s11;
	s13 =	sshrl.u32 s13, $0x2  }
0xd: {  	s15 =	smul.u32 $0x50000, s15;
	[dreg:$0x12] =	wrdreg s23;
	s8 =	sadd.s32 s8, s10  }
0xe: {  	s26 =	smul.u32 $0x2710, s11;
	s13 =	sadd.s32 s13, s2;
	s4 =	sadd.s32 s17, s4  }
0xf: {  	s14 =	sshll.u32 s8, $0x4;
	[dreg:$0x11] =	wrdreg s13;
	s19 =	sshrl.u32 s15, $0x2  }
0x10: {  	s20 =	sadd.s32 $0xF0, s4;
	s25 =	sadd.s32 $0xA0, s4;
	s2 =	sadd.s32 $0x50, s4  }
0x11: {  	s4 =	sshrl.u32 s4, $0x3;
	s13 =	simm.s32 $0x100;
	s11 =	sadd.s32 s14, s0  }
0x12: {  	s14 =	sshrl.u32 s16, $0x1;
	s0 =	sadd.s32 s8, s0;
	s12 =	sadd.s32 s19, s1  }
0x13: {  	s21 =	sshrl.u32 s20, $0x3;
	s19 =	sadd.s32 s4, s7;
	[dreg:$0x13] =	wrdreg s12  }
0x14: {  	s10 =	sshrl.u32 s26, $0x3;
	s24 =	sadd.s32 s21, s9;
	[dreg:$0xb] =	wrdreg s19  }
0x15: {  	s26 =	sshrl.u32 s25, $0x3;
	s12 =	sadd.s32 s21, s7;
	[dreg:$0x4] =	wrdreg s24  }
0x16: {  	s25 =	simm.s32 $0x19;
	s1 =	sadd.s32 s26, s9;
	[dreg:$0x5] =	wrdreg s12  }
0x17: {  	s8 =	ssub.s32 s16, s14;
	s15 =	sadd.s32 s26, s7;
	[dreg:$0x6] =	wrdreg s1  }
0x18: {  	s10 =	sadd.s32 $0x4D8, s10;
	s11 =	sadd.s32 $0x48C00, s11;
	[dreg:$0x7] =	wrdreg s15  }
0x19: {  	s16 =	sshrl.u32 s2, $0x3;
	s0 =	sadd.s32 $0x43C00, s0;
	[dreg:$0x16] =	wrdreg s11  }
0x1a: {  	s21 =	simm.s32 $0x480;
	s26 =	simm.s32 $0x180;
	[dreg:$0x17] =	wrdreg s0  }
0x1b: {  	s19 =	simm.s32 $0x16;
	s22 =	sadd.s32 s7, s10;
	[dreg:$0xc] =	wrdreg s21  }
0x1c: {  	s10 =	sadd.s32 s9, s10;
	s17 =	sadd.s32 s16, s9;
	[dreg:$0x14] =	wrdreg s22  }
0x1d: {  	s18 =	sadd.s32 s16, s7;
	s9 =	sadd.s32 s4, s9;
	[dreg:$0x15] =	wrdreg s10  }
0x1e: {  	s20 =	smax.u32 s8, $0x1;
	s8 =	simm.s32 $0x80;
	[dreg:$0x8] =	wrdreg s17  }
0x1f: {  	s12 =	simm.s32 $0x300;
	s24 =	simm.s32 $0x580;
	[dreg:$0x9] =	wrdreg s18  }
0x20: {  	s1 =	simm.s32 $0x0;
	s16 =	simm.s32 $0x12;
	[dreg:$0xa] =	wrdreg s9  }
0x21: {  	s21 =	simm.s32 $0x13;
	s4 =	simm.s32 $0xE;
	[dreg:$0x18] =	wrdreg s20  }
0x22: {  	s9 =	simm.s32 $0x280;
	s22 =	simm.s32 $0x500;
	[dreg:$0xe] =	wrdreg s24  }
0x23: {  	s24 =	simm.s32 $0x8000;
	[dreg:$0xd] =	wrdreg s22;
	s22 =	simm.s32 $0x700  }
.LBB2_1:
0x24: {  	[dreg:$0x19] =	wrdreg s1  }
0x25: {  	s0 =	rddreg [dreg:$0x11]  }
0x26: {  	s20 =	rddreg [dreg:$0x10];
	s18 =	sshrl.u32 s0, $0x3  }
0x27: {  	[dreg:$0x1a] =	wrdreg s18  }
0x28: {  	[spmem:s18], [sflag:s23] =	dma.local [hbm:s20], $0x280  }
0x29: {  	_ =	swait.ge [sflag:s25], $0x280  }
0x2a: {  	s2 =	rddreg [dreg:$0x13]  }
0x2b: {  	[sflag:s25] =	ssyncset.done $0x0;
	s10 =	rddreg [dreg:$0xf];
	s7 =	sshrl.u32 s2, $0x3  }
0x2c: {  	[sflag:s25] =	ssyncadd.s32 $0xFFFFFD80;
	[dreg:$0x1b] =	wrdreg s7  }
0x2d: {  	[spmem:s7], [sflag:s23] =	dma.local [hbm:s10], $0x2800  }
0x2e: {  	_ =	swait.ge [sflag:s25], $0x2800  }
0x2f: {  	[sflag:s25] =	ssyncset.done $0x0  }
0x30: {  	[sflag:s25] =	ssyncadd.s32 $0xFFFFD800  }
0x31: {  	[bflag:$0x0] =	sbarrier.arrive $0xFFFF  }
0x32: {  	s11 =	rddreg [dreg:$0xb]  }
0x33: {  	s14 =	rddreg [dreg:$0xa];
	s23 =	sadd.s32 $0x0, s11  }
0x34: {  	[tilespmem:s3], [sflag:$0x1] =	stream.linear.gather [hbm4b:s23+s3], $0x50, $0x38;
	[tilespmem:$0x1FC00] =	vst v63  }
0x35: {  	s0 =	simm.s32 $0x200;
	s15 =	rddreg [dreg:$0x9];
	s25 =	sadd.s32 $0x0, s14  }
0x36: {  	[tilespmem:s0], [sflag:$0x5] =	stream.linear.gather [hbm4b:s25+s3], $0x50, $0x38;
	[tilespmem:$0x1FC00] =	vst v63  }
0x37: {  	s17 =	rddreg [dreg:$0x8];
	s23 =	sadd.s32 $0x0, s15  }
0x38: {  	[tilespmem:s8], [sflag:$0x2] =	stream.linear.gather [hbm4b:s23+s3], $0x50, $0x38;
	[tilespmem:$0x1FC00] =	vst v63  }
0x39: {  	s18 =	rddreg [dreg:$0x7];
	s25 =	sadd.s32 $0x0, s17  }
0x3a: {  	[tilespmem:s9], [sflag:$0x6] =	stream.linear.gather [hbm4b:s25+s3], $0x50, $0x38;
	[tilespmem:$0x1FC00] =	vst v63  }
0x3b: {  	s20 =	rddreg [dreg:$0x6];
	s23 =	sadd.s32 $0x0, s18  }
0x3c: {  	[tilespmem:s13], [sflag:$0x3] =	stream.linear.gather [hbm4b:s23+s3], $0x50, $0x38;
	[tilespmem:$0x1FC00] =	vst v63  }
0x3d: {  	s1 =	rddreg [dreg:$0x5];
	s25 =	sadd.s32 $0x0, s20  }
0x3e: {  	[tilespmem:s12], [sflag:$0x7] =	stream.linear.gather [hbm4b:s25+s3], $0x50, $0x38;
	[tilespmem:$0x1FC00] =	vst v63  }
0x3f: {  	s2 =	rddreg [dreg:$0x4];
	s23 =	sadd.s32 $0x0, s1  }
0x40: {  	[tilespmem:s26], [sflag:$0x4] =	stream.linear.gather [hbm4b:s23+s3], $0x50, $0x38;
	[tilespmem:$0x1FC00] =	vst v63  }
0x41: {  	s7 =	sadd.s32 $0x0, s2;
	s14 =	simm.s32 $0x1  }
0x42: {  	[tilespmem:s31], [sflag:$0x8] =	stream.linear.gather [hbm4b:s7+s3], $0x50, $0x38;
	[tilespmem:$0x1FC00] =	vst v63  }
0x43: {  	_ =	swait.ge [sflag:s14], $0x50  }
0x44: {  	[sflag:s14] =	ssyncset.done $0x0  }
0x45: {  	s10 =	simm.s32 $0x5;
	[sflag:s14] =	ssyncadd.s32 $0xFFFFFFB0  }
0x46: {  	_ =	swait.ge [sflag:s10], $0x50  }
0x47: {  	[sflag:s10] =	ssyncset.done $0x0  }
0x48: {  	s14 =	simm.s32 $0x800;
	[sflag:s10] =	ssyncadd.s32 $0xFFFFFFB0  }
0x49: {  	[tilespmem:s14], [sflag:$0x9] =	stream.indirect.gather [hbm4b:s5+s28], $0x80, s3, s28, $0xb8;
	[tilespmem:$0x1FC00] =	vst v63  }
0x4a: {  	s23 =	simm.s32 $0x600  }
0x4b: {  	[tilespmem:s23], [sflag:$0xD] =	stream.indirect.gather [hbm4b:s6+s28], $0x1, s3, s28, $0xb8;
	[tilespmem:$0x1FC00] =	vst v63  }
0x4c: {  	v0 =	vld [tilespmem:$0x240]  }
0x4d: {  	v1 =	vld [tilespmem:$0x230]  }
0x4e: {  	v2 =	vld [tilespmem:$0x220]  }
0x4f: {  	v3 =	vld [tilespmem:$0x210]  }
0x50: {  	v4 =	vld [tilespmem:$0x200]  }
0x51: {  	v0 =	vshll.u32 v0, $0x3  }
0x52: {  	v1 =	vshll.u32 v1, $0x3;
	[tilespmem:$0x440] =	vst v0  }
0x53: {  	v35 =	vshll.u32 v2, $0x3;
	[tilespmem:$0x430] =	vst v1  }
0x54: {  	v36 =	vshll.u32 v3, $0x3;
	[tilespmem:$0x420] =	vst v35  }
0x55: {  	v37 =	vshll.u32 v4, $0x3;
	[tilespmem:$0x410] =	vst v36  }
0x56: {  	s11 =	simm.s32 $0x2;
	[tilespmem:$0x400] =	vst v37  }
0x57: {  	_ =	swait.ge [sflag:s11], $0x50  }
0x58: {  	[sflag:s11] =	ssyncset.done $0x0  }
0x59: {  	s15 =	simm.s32 $0x6;
	[sflag:s11] =	ssyncadd.s32 $0xFFFFFFB0  }
0x5a: {  	_ =	swait.ge [sflag:s15], $0x50  }
0x5b: {  	[sflag:s15] =	ssyncset.done $0x0  }
0x5c: {  	s7 =	simm.s32 $0x3000;
	[sflag:s15] =	ssyncadd.s32 $0xFFFFFFB0  }
0x5d: {  	[tilespmem:s7], [sflag:$0xA] =	stream.indirect.gather [hbm4b:s5+s28], $0x80, s8, s28, $0xb8;
	[tilespmem:$0x1FC00] =	vst v63  }
0x5e: {  	s11 =	simm.s32 $0x680  }
0x5f: {  	[tilespmem:s11], [sflag:$0xE] =	stream.indirect.gather [hbm4b:s6+s28], $0x1, s8, s28, $0xb8;
	[tilespmem:$0x1FC00] =	vst v63  }
0x60: {  	v38 =	vld [tilespmem:$0x2C0]  }
0x61: {  	v39 =	vld [tilespmem:$0x280]  }
0x62: {  	v40 =	vld [tilespmem:$0x290]  }
0x63: {  	v41 =	vld [tilespmem:$0x2B0]  }
0x64: {  	v42 =	vld [tilespmem:$0x2A0]  }
0x65: {  	v0 =	vshll.u32 v38, $0x3  }
0x66: {  	v1 =	vshll.u32 v39, $0x3;
	[tilespmem:$0x4C0] =	vst v0  }
0x67: {  	v43 =	vshll.u32 v40, $0x3;
	[tilespmem:$0x480] =	vst v1  }
0x68: {  	v44 =	vshll.u32 v41, $0x3;
	[tilespmem:$0x490] =	vst v43  }
0x69: {  	v45 =	vshll.u32 v42, $0x3;
	[tilespmem:$0x4B0] =	vst v44  }
0x6a: {  	s17 =	simm.s32 $0x3;
	[tilespmem:$0x4A0] =	vst v45  }
0x6b: {  	_ =	swait.ge [sflag:s17], $0x50  }
0x6c: {  	[sflag:s17] =	ssyncset.done $0x0  }
0x6d: {  	s18 =	simm.s32 $0x7;
	[sflag:s17] =	ssyncadd.s32 $0xFFFFFFB0  }
0x6e: {  	_ =	swait.ge [sflag:s18], $0x50  }
0x6f: {  	[sflag:s18] =	ssyncset.done $0x0  }
0x70: {  	s15 =	simm.s32 $0x5800;
	[sflag:s18] =	ssyncadd.s32 $0xFFFFFFB0  }
0x71: {  	[tilespmem:s15], [sflag:$0xB] =	stream.indirect.gather [hbm4b:s5+s28], $0x80, s13, s28, $0xb8;
	[tilespmem:$0x1FC00] =	vst v63  }
0x72: {  	s17 =	simm.s32 $0x700  }
0x73: {  	[tilespmem:s17], [sflag:$0xF] =	stream.indirect.gather [hbm4b:s6+s28], $0x1, s13, s28, $0xb8;
	[tilespmem:$0x1FC00] =	vst v63  }
0x74: {  	v46 =	vld [tilespmem:$0x300]  }
0x75: {  	v47 =	vld [tilespmem:$0x310]  }
0x76: {  	v48 =	vld [tilespmem:$0x320]  }
0x77: {  	v49 =	vld [tilespmem:$0x330]  }
0x78: {  	v50 =	vld [tilespmem:$0x340]  }
0x79: {  	v0 =	vshll.u32 v46, $0x3  }
0x7a: {  	v51 =	vshll.u32 v47, $0x3;
	[tilespmem:$0x500] =	vst v0  }
0x7b: {  	v52 =	vshll.u32 v48, $0x3;
	[tilespmem:$0x510] =	vst v51  }
0x7c: {  	v53 =	vshll.u32 v49, $0x3;
	[tilespmem:$0x520] =	vst v52  }
0x7d: {  	v54 =	vshll.u32 v50, $0x3;
	[tilespmem:$0x530] =	vst v53  }
0x7e: {  	s20 =	simm.s32 $0x4;
	[tilespmem:$0x540] =	vst v54  }
0x7f: {  	_ =	swait.ge [sflag:s20], $0x50  }
0x80: {  	[sflag:s20] =	ssyncset.done $0x0  }
0x81: {  	s25 =	simm.s32 $0x8;
	[sflag:s20] =	ssyncadd.s32 $0xFFFFFFB0  }
0x82: {  	_ =	swait.ge [sflag:s25], $0x50  }
0x83: {  	[sflag:s25] =	ssyncset.done $0x0  }
0x84: {  	s18 =	simm.s32 $0x8000;
	[sflag:s25] =	ssyncadd.s32 $0xFFFFFFB0  }
0x85: {  	[tilespmem:s18], [sflag:$0xC] =	stream.indirect.gather [hbm4b:s5+s28], $0x80, s26, s28, $0xb8;
	[tilespmem:$0x1FC00] =	vst v63  }
0x86: {  	s20 =	simm.s32 $0x780  }
0x87: {  	[tilespmem:s20], [sflag:$0x10] =	stream.indirect.gather [hbm4b:s6+s28], $0x1, s26, s28, $0xb8;
	[tilespmem:$0x1FC00] =	vst v63  }
0x88: {  	v55 =	vld [tilespmem:$0x380]  }
0x89: {  	v56 =	vld [tilespmem:$0x3C0]  }
0x8a: {  	v57 =	vld [tilespmem:$0x3B0]  }
0x8b: {  	v58 =	vld [tilespmem:$0x3A0]  }
0x8c: {  	v59 =	vld [tilespmem:$0x390]  }
0x8d: {  	v0 =	vshll.u32 v55, $0x3  }
0x8e: {  	v60 =	vshll.u32 v56, $0x3;
	[tilespmem:$0x580] =	vst v0  }
0x8f: {  	v61 =	vshll.u32 v57, $0x3;
	[tilespmem:$0x5C0] =	vst v60  }
0x90: {  	v62 =	vshll.u32 v58, $0x3;
	[tilespmem:$0x5B0] =	vst v61  }
0x91: {  	v63 =	vshll.u32 v59, $0x3;
	[tilespmem:$0x5A0] =	vst v62  }
0x92: {  	s2 =	simm.s32 $0x9;
	[tilespmem:$0x590] =	vst v63  }
0x93: {  	_ =	swait.ge [sflag:s2], $0x2800  }
0x94: {  	[sflag:s2] =	ssyncset.done $0x0  }
0x95: {  	s10 =	simm.s32 $0xD;
	[sflag:s2] =	ssyncadd.s32 $0xFFFFD800  }
0x96: {  	_ =	swait.ge [sflag:s10], $0x50  }
0x97: {  	[sflag:s10] =	ssyncset.done $0x0  }
0x98: {  	[sflag:s10] =	ssyncadd.s32 $0xFFFFFFB0  }
0x99: {  	s2 =	rddreg [dreg:$0x1]  }
0x9a: {  	[spmem:s2] =	stream.indirect.scatter.add.f32 [tilespmem:s14], [sflag:$0x11], $0x80, s0, s28, $0xb8;
	[tilespmem:$0x1FC00] =	vst v63  }
0x9b: {  	s13 =	simm.s32 $0x400;
	s8 =	rddreg [dreg:$0x2]  }
0x9c: {  	[spmem:s8] =	stream.indirect.scatter.add.f32 [tilespmem:s23], [sflag:$0x15], $0x1, s13, s28, $0xb8;
	[tilespmem:$0x1FC00] =	vst v63  }
0x9d: {  	_ =	swait.ge [sflag:s30], $0x2800  }
0x9e: {  	[sflag:s30] =	ssyncset.done $0x0  }
0x9f: {  	[sflag:s30] =	ssyncadd.s32 $0xFFFFD800  }
0xa0: {  	_ =	swait.ge [sflag:s4], $0x50  }
0xa1: {  	[sflag:s4] =	ssyncset.done $0x0  }
0xa2: {  	[sflag:s4] =	ssyncadd.s32 $0xFFFFFFB0  }
0xa3: {  	[spmem:s2] =	stream.indirect.scatter.add.f32 [tilespmem:s7], [sflag:$0x12], $0x80, s9, s28, $0xb8;
	[tilespmem:$0x1FC00] =	vst v63  }
0xa4: {  	s14 =	rddreg [dreg:$0xc];
	s7 =	simm.s32 $0xB  }
0xa5: {  	[spmem:s8] =	stream.indirect.scatter.add.f32 [tilespmem:s11], [sflag:$0x16], $0x1, s14, s28, $0xb8;
	[tilespmem:$0x1FC00] =	vst v63  }
0xa6: {  	_ =	swait.ge [sflag:s7], $0x2800  }
0xa7: {  	[sflag:s7] =	ssyncset.done $0x0  }
0xa8: {  	s11 =	simm.s32 $0xF;
	[sflag:s7] =	ssyncadd.s32 $0xFFFFD800  }
0xa9: {  	_ =	swait.ge [sflag:s11], $0x50  }
0xaa: {  	[sflag:s11] =	ssyncset.done $0x0  }
0xab: {  	[sflag:s11] =	ssyncadd.s32 $0xFFFFFFB0  }
0xac: {  	[spmem:s2] =	stream.indirect.scatter.add.f32 [tilespmem:s15], [sflag:$0x13], $0x80, s12, s28, $0xb8;
	[tilespmem:$0x1FC00] =	vst v63  }
0xad: {  	s25 =	rddreg [dreg:$0xd];
	s12 =	simm.s32 $0xC  }
0xae: {  	[spmem:s8] =	stream.indirect.scatter.add.f32 [tilespmem:s17], [sflag:$0x17], $0x1, s25, s28, $0xb8;
	[tilespmem:$0x1FC00] =	vst v63  }
0xaf: {  	_ =	swait.ge [sflag:s12], $0x2800  }
0xb0: {  	[sflag:s12] =	ssyncset.done $0x0  }
0xb1: {  	s15 =	simm.s32 $0x10;
	[sflag:s12] =	ssyncadd.s32 $0xFFFFD800  }
0xb2: {  	_ =	swait.ge [sflag:s15], $0x50  }
0xb3: {  	[sflag:s15] =	ssyncset.done $0x0  }
0xb4: {  	[sflag:s15] =	ssyncadd.s32 $0xFFFFFFB0  }
0xb5: {  	[spmem:s2] =	stream.indirect.scatter.add.f32 [tilespmem:s18], [sflag:$0x14], $0x80, s31, s28, $0xb8;
	[tilespmem:$0x1FC00] =	vst v63  }
0xb6: {  	s30 =	simm.s32 $0x11;
	s26 =	rddreg [dreg:$0xe]  }
0xb7: {  	[spmem:s8] =	stream.indirect.scatter.add.f32 [tilespmem:s20], [sflag:$0x18], $0x1, s26, s28, $0xb8;
	[tilespmem:$0x1FC00] =	vst v63  }
0xb8: {  	_ =	swait.ge [sflag:s30], $0x2800  }
0xb9: {  	[sflag:s30] =	ssyncset.done $0x0  }
0xba: {  	s31 =	simm.s32 $0x15;
	[sflag:s30] =	ssyncadd.s32 $0xFFFFD800  }
0xbb: {  	_ =	swait.ge [sflag:s31], $0x50  }
0xbc: {  	s10 =	simm.s32 $0x17;
	s23 =	simm.s32 $0x28;
	[sflag:s31] =	ssyncset.done $0x0  }
0xbd: {  	s9 =	simm.s32 $0x80;
	s14 =	simm.s32 $0x100;
	[sflag:s31] =	ssyncadd.s32 $0xFFFFFFB0  }
.LBB2_2:
0xbe: {  	_ =	swait.ge [sflag:s16], $0x2800  }
0xbf: {  	[sflag:s16] =	ssyncset.done $0x0  }
0xc0: {  	[sflag:s16] =	ssyncadd.s32 $0xFFFFD800  }
0xc1: {  	_ =	swait.ge [sflag:s19], $0x50  }
0xc2: {  	[sflag:s19] =	ssyncset.done $0x0  }
0xc3: {  	[sflag:s19] =	ssyncadd.s32 $0xFFFFFFB0  }
0xc4: {  	_ =	swait.ge [sflag:s21], $0x2800  }
0xc5: {  	[sflag:s21] =	ssyncset.done $0x0  }
0xc6: {  	[sflag:s21] =	ssyncadd.s32 $0xFFFFD800  }
0xc7: {  	_ =	swait.ge [sflag:s10], $0x50  }
0xc8: {  	[sflag:s10] =	ssyncset.done $0x0  }
0xc9: {  	s0 =	simm.s32 $0x14;
	[sflag:s10] =	ssyncadd.s32 $0xFFFFFFB0  }
0xca: {  	_ =	swait.ge [sflag:s0], $0x2800  }
0xcb: {  	[sflag:s0] =	ssyncset.done $0x0  }
0xcc: {  	s13 =	simm.s32 $0x18;
	[sflag:s0] =	ssyncadd.s32 $0xFFFFD800  }
0xcd: {  	_ =	swait.ge [sflag:s13], $0x50  }
0xce: {  	s25 =	smov.u32 s23;
	s26 =	rddreg [dreg:$0xb];
	[sflag:s13] =	ssyncset.done $0x0  }
0xcf: {  	s31 =	rddreg [dreg:$0xa];
	[sflag:s13] =	ssyncadd.s32 $0xFFFFFFB0;
	s26 =	sadd.s32 s25, s26  }
0xd0: {  	[tilespmem:s3], [sflag:$0x1] =	stream.linear.gather [hbm4b:s26+s3], $0x50, $0x38;
	[tilespmem:$0x1FC00] =	vst v63  }
0xd1: {  	s8 =	simm.s32 $0x200;
	s17 =	rddreg [dreg:$0x9];
	s18 =	sadd.s32 s25, s31  }
0xd2: {  	[tilespmem:s8], [sflag:$0x5] =	stream.linear.gather [hbm4b:s18+s3], $0x50, $0x38;
	[tilespmem:$0x1FC00] =	vst v63  }
0xd3: {  	s31 =	rddreg [dreg:$0x8];
	s0 =	sadd.s32 s25, s17  }
0xd4: {  	[tilespmem:s9], [sflag:$0x2] =	stream.linear.gather [hbm4b:s0+s3], $0x50, $0x38;
	[tilespmem:$0x1FC00] =	vst v63  }
0xd5: {  	s20 =	rddreg [dreg:$0x7];
	s13 =	simm.s32 $0x280;
	s1 =	sadd.s32 s25, s31  }
0xd6: {  	[tilespmem:s13], [sflag:$0x6] =	stream.linear.gather [hbm4b:s1+s3], $0x50, $0x38;
	[tilespmem:$0x1FC00] =	vst v63  }
0xd7: {  	s2 =	sadd.s32 s25, s20;
	s31 =	rddreg [dreg:$0x6]  }
0xd8: {  	[tilespmem:s14], [sflag:$0x3] =	stream.linear.gather [hbm4b:s2+s3], $0x50, $0x38;
	[tilespmem:$0x1FC00] =	vst v63  }
0xd9: {  	s17 =	rddreg [dreg:$0x5];
	s18 =	sadd.s32 s25, s31;
	s1 =	simm.s32 $0x300  }
0xda: {  	[tilespmem:s1], [sflag:$0x7] =	stream.linear.gather [hbm4b:s18+s3], $0x50, $0x38;
	[tilespmem:$0x1FC00] =	vst v63  }
0xdb: {  	s20 =	sadd.s32 s25, s17;
	s26 =	simm.s32 $0x180;
	s31 =	rddreg [dreg:$0x4]  }
0xdc: {  	[tilespmem:s26], [sflag:$0x4] =	stream.linear.gather [hbm4b:s20+s3], $0x50, $0x38;
	[tilespmem:$0x1FC00] =	vst v63  }
0xdd: {  	s25 =	sadd.s32 s25, s31;
	s31 =	simm.s32 $0x380;
	s2 =	simm.s32 $0x1  }
0xde: {  	[tilespmem:s31], [sflag:$0x8] =	stream.linear.gather [hbm4b:s25+s3], $0x50, $0x38;
	[tilespmem:$0x1FC00] =	vst v63  }
0xdf: {  	_ =	swait.ge [sflag:s2], $0x50  }
0xe0: {  	[sflag:s2] =	ssyncset.done $0x0  }
0xe1: {  	s17 =	simm.s32 $0x5;
	[sflag:s2] =	ssyncadd.s32 $0xFFFFFFB0  }
0xe2: {  	_ =	swait.ge [sflag:s17], $0x50  }
0xe3: {  	[sflag:s17] =	ssyncset.done $0x0  }
0xe4: {  	s0 =	simm.s32 $0x800;
	[sflag:s17] =	ssyncadd.s32 $0xFFFFFFB0  }
0xe5: {  	[tilespmem:s0], [sflag:$0x9] =	stream.indirect.gather [hbm4b:s5+s28], $0x80, s3, s28, $0xb8;
	[tilespmem:$0x1FC00] =	vst v63  }
0xe6: {  	s25 =	simm.s32 $0x600  }
0xe7: {  	[tilespmem:s25], [sflag:$0xD] =	stream.indirect.gather [hbm4b:s6+s28], $0x1, s3, s28, $0xb8;
	[tilespmem:$0x1FC00] =	vst v63  }
0xe8: {  	v0 =	vld [tilespmem:$0x240]  }
0xe9: {  	v1 =	vld [tilespmem:$0x230]  }
0xea: {  	v2 =	vld [tilespmem:$0x220]  }
0xeb: {  	v3 =	vld [tilespmem:$0x210]  }
0xec: {  	v4 =	vld [tilespmem:$0x200]  }
0xed: {  	v0 =	vshll.u32 v0, $0x3  }
0xee: {  	v1 =	vshll.u32 v1, $0x3;
	[tilespmem:$0x440] =	vst v0  }
0xef: {  	v35 =	vshll.u32 v2, $0x3;
	[tilespmem:$0x430] =	vst v1  }
0xf0: {  	v36 =	vshll.u32 v3, $0x3;
	[tilespmem:$0x420] =	vst v35  }
0xf1: {  	v37 =	vshll.u32 v4, $0x3;
	[tilespmem:$0x410] =	vst v36  }
0xf2: {  	s2 =	simm.s32 $0x2;
	[tilespmem:$0x400] =	vst v37  }
0xf3: {  	_ =	swait.ge [sflag:s2], $0x50  }
0xf4: {  	[sflag:s2] =	ssyncset.done $0x0  }
0xf5: {  	s18 =	simm.s32 $0x6;
	[sflag:s2] =	ssyncadd.s32 $0xFFFFFFB0  }
0xf6: {  	_ =	swait.ge [sflag:s18], $0x50  }
0xf7: {  	[sflag:s18] =	ssyncset.done $0x0  }
0xf8: {  	s17 =	simm.s32 $0x3000;
	[sflag:s18] =	ssyncadd.s32 $0xFFFFFFB0  }
0xf9: {  	[tilespmem:s17], [sflag:$0xA] =	stream.indirect.gather [hbm4b:s5+s28], $0x80, s9, s28, $0xb8;
	[tilespmem:$0x1FC00] =	vst v63  }
0xfa: {  	s18 =	simm.s32 $0x680  }
0xfb: {  	[tilespmem:s18], [sflag:$0xE] =	stream.indirect.gather [hbm4b:s6+s28], $0x1, s9, s28, $0xb8;
	[tilespmem:$0x1FC00] =	vst v63  }
0xfc: {  	v38 =	vld [tilespmem:$0x2C0]  }
0xfd: {  	v39 =	vld [tilespmem:$0x280]  }
0xfe: {  	v40 =	vld [tilespmem:$0x290]  }
0xff: {  	v41 =	vld [tilespmem:$0x2B0]  }
0x100: {  	v42 =	vld [tilespmem:$0x2A0]  }
0x101: {  	v0 =	vshll.u32 v38, $0x3  }
0x102: {  	v1 =	vshll.u32 v39, $0x3;
	[tilespmem:$0x4C0] =	vst v0  }
0x103: {  	v43 =	vshll.u32 v40, $0x3;
	[tilespmem:$0x480] =	vst v1  }
0x104: {  	v44 =	vshll.u32 v41, $0x3;
	[tilespmem:$0x490] =	vst v43  }
0x105: {  	v45 =	vshll.u32 v42, $0x3;
	[tilespmem:$0x4B0] =	vst v44  }
0x106: {  	s20 =	simm.s32 $0x3;
	[tilespmem:$0x4A0] =	vst v45  }
0x107: {  	_ =	swait.ge [sflag:s20], $0x50  }
0x108: {  	[sflag:s20] =	ssyncset.done $0x0  }
0x109: {  	[sflag:s20] =	ssyncadd.s32 $0xFFFFFFB0;
	s20 =	simm.s32 $0x7  }
0x10a: {  	_ =	swait.ge [sflag:s20], $0x50  }
0x10b: {  	[sflag:s20] =	ssyncset.done $0x0  }
0x10c: {  	[sflag:s20] =	ssyncadd.s32 $0xFFFFFFB0;
	s20 =	simm.s32 $0x5800  }
0x10d: {  	[tilespmem:s20], [sflag:$0xB] =	stream.indirect.gather [hbm4b:s5+s28], $0x80, s14, s28, $0xb8;
	[tilespmem:$0x1FC00] =	vst v63  }
0x10e: {  	_ = 	snop  }
0x10f: {  	[tilespmem:s22], [sflag:$0xF] =	stream.indirect.gather [hbm4b:s6+s28], $0x1, s14, s28, $0xb8;
	[tilespmem:$0x1FC00] =	vst v63  }
0x110: {  	v46 =	vld [tilespmem:$0x300]  }
0x111: {  	v47 =	vld [tilespmem:$0x310]  }
0x112: {  	v48 =	vld [tilespmem:$0x320]  }
0x113: {  	v49 =	vld [tilespmem:$0x330]  }
0x114: {  	v50 =	vld [tilespmem:$0x340]  }
0x115: {  	v0 =	vshll.u32 v46, $0x3  }
0x116: {  	v51 =	vshll.u32 v47, $0x3;
	[tilespmem:$0x500] =	vst v0  }
0x117: {  	v52 =	vshll.u32 v48, $0x3;
	[tilespmem:$0x510] =	vst v51  }
0x118: {  	v53 =	vshll.u32 v49, $0x3;
	[tilespmem:$0x520] =	vst v52  }
0x119: {  	v54 =	vshll.u32 v50, $0x3;
	[tilespmem:$0x530] =	vst v53  }
0x11a: {  	s2 =	simm.s32 $0x4;
	[tilespmem:$0x540] =	vst v54  }
0x11b: {  	_ =	swait.ge [sflag:s2], $0x50  }
0x11c: {  	[sflag:s2] =	ssyncset.done $0x0  }
0x11d: {  	[sflag:s2] =	ssyncadd.s32 $0xFFFFFFB0;
	s2 =	simm.s32 $0x8  }
0x11e: {  	_ =	swait.ge [sflag:s2], $0x50  }
0x11f: {  	[sflag:s2] =	ssyncset.done $0x0  }
0x120: {  	[sflag:s2] =	ssyncadd.s32 $0xFFFFFFB0  }
0x121: {  	[tilespmem:s24], [sflag:$0xC] =	stream.indirect.gather [hbm4b:s5+s28], $0x80, s26, s28, $0xb8;
	[tilespmem:$0x1FC00] =	vst v63  }
0x122: {  	_ = 	snop  }
0x123: {  	[tilespmem:s29], [sflag:$0x10] =	stream.indirect.gather [hbm4b:s6+s28], $0x1, s26, s28, $0xb8;
	[tilespmem:$0x1FC00] =	vst v63  }
0x124: {  	v55 =	vld [tilespmem:$0x380]  }
0x125: {  	v56 =	vld [tilespmem:$0x3C0]  }
0x126: {  	v57 =	vld [tilespmem:$0x3B0]  }
0x127: {  	v58 =	vld [tilespmem:$0x3A0]  }
0x128: {  	v59 =	vld [tilespmem:$0x390]  }
0x129: {  	v0 =	vshll.u32 v55, $0x3  }
0x12a: {  	v60 =	vshll.u32 v56, $0x3;
	[tilespmem:$0x580] =	vst v0  }
0x12b: {  	v61 =	vshll.u32 v57, $0x3;
	[tilespmem:$0x5C0] =	vst v60  }
0x12c: {  	v62 =	vshll.u32 v58, $0x3;
	[tilespmem:$0x5B0] =	vst v61  }
0x12d: {  	v63 =	vshll.u32 v59, $0x3;
	[tilespmem:$0x5A0] =	vst v62  }
0x12e: {  	s30 =	simm.s32 $0x9;
	[tilespmem:$0x590] =	vst v63  }
0x12f: {  	_ =	swait.ge [sflag:s30], $0x2800  }
0x130: {  	[sflag:s30] =	ssyncset.done $0x0  }
0x131: {  	[sflag:s30] =	ssyncadd.s32 $0xFFFFD800;
	s30 =	simm.s32 $0xD  }
0x132: {  	_ =	swait.ge [sflag:s30], $0x50  }
0x133: {  	[sflag:s30] =	ssyncset.done $0x0  }
0x134: {  	[sflag:s30] =	ssyncadd.s32 $0xFFFFFFB0  }
0x135: {  	s2 =	rddreg [dreg:$0x1]  }
0x136: {  	[spmem:s2] =	stream.indirect.scatter.add.f32 [tilespmem:s0], [sflag:$0x11], $0x80, s8, s28, $0xb8;
	[tilespmem:$0x1FC00] =	vst v63  }
0x137: {  	s30 =	simm.s32 $0xA;
	s0 =	simm.s32 $0x400;
	s8 =	rddreg [dreg:$0x2]  }
0x138: {  	[spmem:s8] =	stream.indirect.scatter.add.f32 [tilespmem:s25], [sflag:$0x15], $0x1, s0, s28, $0xb8;
	[tilespmem:$0x1FC00] =	vst v63  }
0x139: {  	_ =	swait.ge [sflag:s30], $0x2800  }
0x13a: {  	[sflag:s30] =	ssyncset.done $0x0  }
0x13b: {  	[sflag:s30] =	ssyncadd.s32 $0xFFFFD800  }
0x13c: {  	_ =	swait.ge [sflag:s4], $0x50  }
0x13d: {  	[sflag:s4] =	ssyncset.done $0x0  }
0x13e: {  	[sflag:s4] =	ssyncadd.s32 $0xFFFFFFB0  }
0x13f: {  	[spmem:s2] =	stream.indirect.scatter.add.f32 [tilespmem:s17], [sflag:$0x12], $0x80, s13, s28, $0xb8;
	[tilespmem:$0x1FC00] =	vst v63  }
0x140: {  	s25 =	rddreg [dreg:$0xc]  }
0x141: {  	[spmem:s8] =	stream.indirect.scatter.add.f32 [tilespmem:s18], [sflag:$0x16], $0x1, s25, s28, $0xb8;
	[tilespmem:$0x1FC00] =	vst v63  }
0x142: {  	_ =	swait.ge [sflag:s7], $0x2800  }
0x143: {  	[sflag:s7] =	ssyncset.done $0x0  }
0x144: {  	[sflag:s7] =	ssyncadd.s32 $0xFFFFD800  }
0x145: {  	_ =	swait.ge [sflag:s11], $0x50  }
0x146: {  	[sflag:s11] =	ssyncset.done $0x0  }
0x147: {  	[sflag:s11] =	ssyncadd.s32 $0xFFFFFFB0  }
0x148: {  	[spmem:s2] =	stream.indirect.scatter.add.f32 [tilespmem:s20], [sflag:$0x13], $0x80, s1, s28, $0xb8;
	[tilespmem:$0x1FC00] =	vst v63  }
0x149: {  	s17 =	rddreg [dreg:$0xd]  }
0x14a: {  	[spmem:s8] =	stream.indirect.scatter.add.f32 [tilespmem:s22], [sflag:$0x17], $0x1, s17, s28, $0xb8;
	[tilespmem:$0x1FC00] =	vst v63  }
0x14b: {  	_ =	swait.ge [sflag:s12], $0x2800  }
0x14c: {  	[sflag:s12] =	ssyncset.done $0x0  }
0x14d: {  	[sflag:s12] =	ssyncadd.s32 $0xFFFFD800  }
0x14e: {  	_ =	swait.ge [sflag:s15], $0x50  }
0x14f: {  	[sflag:s15] =	ssyncset.done $0x0  }
0x150: {  	[sflag:s15] =	ssyncadd.s32 $0xFFFFFFB0  }
0x151: {  	[spmem:s2] =	stream.indirect.scatter.add.f32 [tilespmem:s24], [sflag:$0x14], $0x80, s31, s28, $0xb8;
	[tilespmem:$0x1FC00] =	vst v63  }
0x152: {  	s20 =	simm.s32 $0x11;
	s18 =	rddreg [dreg:$0xe]  }
0x153: {  	[spmem:s8] =	stream.indirect.scatter.add.f32 [tilespmem:s29], [sflag:$0x18], $0x1, s18, s28, $0xb8;
	[tilespmem:$0x1FC00] =	vst v63  }
0x154: {  	p0 =	sne.s32 s23, $0x4B0;
	_ =	swait.ge [sflag:s20], $0x2800  }
.Ltmp0:
0x155: {  	[sflag:s20] =	ssyncset.done $0x0;
	(pc) =	sbr.rel @p0 .LBB2_2-.Ltmp0, $4  }
0x156: {  	s25 =	simm.s32 $0x15;
	[sflag:s20] =	ssyncadd.s32 $0xFFFFD800  }
0x157: {  	_ =	swait.ge [sflag:s25], $0x50  }
0x158: {  	[sflag:s25] =	ssyncset.done $0x0  }
0x159: {  	s23 =	sadd.s32 $0x28, s23;
	[sflag:s25] =	ssyncadd.s32 $0xFFFFFFB0  }
0x15a: {  	_ =	swait.ge [sflag:s16], $0x2800  }
0x15b: {  	[sflag:s16] =	ssyncset.done $0x0  }
0x15c: {  	[sflag:s16] =	ssyncadd.s32 $0xFFFFD800  }
0x15d: {  	_ =	swait.ge [sflag:s19], $0x50  }
0x15e: {  	[sflag:s19] =	ssyncset.done $0x0  }
0x15f: {  	[sflag:s19] =	ssyncadd.s32 $0xFFFFFFB0  }
0x160: {  	_ =	swait.ge [sflag:s21], $0x2800  }
0x161: {  	[sflag:s21] =	ssyncset.done $0x0  }
0x162: {  	[sflag:s21] =	ssyncadd.s32 $0xFFFFD800  }
0x163: {  	_ =	swait.ge [sflag:s10], $0x50  }
0x164: {  	[sflag:s10] =	ssyncset.done $0x0  }
0x165: {  	s0 =	simm.s32 $0x14;
	[sflag:s10] =	ssyncadd.s32 $0xFFFFFFB0  }
0x166: {  	_ =	swait.ge [sflag:s0], $0x2800  }
0x167: {  	[sflag:s0] =	ssyncset.done $0x0  }
0x168: {  	s15 =	simm.s32 $0x18;
	[sflag:s0] =	ssyncadd.s32 $0xFFFFD800  }
0x169: {  	_ =	swait.ge [sflag:s15], $0x50  }
0x16a: {  	[sflag:s15] =	ssyncset.done $0x0  }
0x16b: {  	s17 =	rddreg [dreg:$0x14];
	[sflag:s15] =	ssyncadd.s32 $0xFFFFFFB0  }
0x16c: {  	[tilespmem:s3], [sflag:$0x1] =	stream.linear.gather [hbm4b:s17+s3], $0x50, $0x38;
	[tilespmem:$0x1FC00] =	vst v63  }
0x16d: {  	s8 =	simm.s32 $0x200;
	s20 =	simm.s32 $0x1;
	s18 =	rddreg [dreg:$0x15]  }
0x16e: {  	[tilespmem:s8], [sflag:$0x5] =	stream.linear.gather [hbm4b:s18+s3], $0x50, $0x38;
	[tilespmem:$0x1FC00] =	vst v63  }
0x16f: {  	_ =	swait.ge [sflag:s20], $0x50  }
0x170: {  	[sflag:s20] =	ssyncset.done $0x0  }
0x171: {  	s23 =	simm.s32 $0x5;
	[sflag:s20] =	ssyncadd.s32 $0xFFFFFFB0  }
0x172: {  	_ =	swait.ge [sflag:s23], $0x50  }
0x173: {  	[sflag:s23] =	ssyncset.done $0x0  }
0x174: {  	s25 =	simm.s32 $0x800;
	[sflag:s23] =	ssyncadd.s32 $0xFFFFFFB0  }
0x175: {  	[tilespmem:s25], [sflag:$0x9] =	stream.indirect.gather [hbm4b:s5+s28], $0x80, s3, s28, $0xb8;
	[tilespmem:$0x1FC00] =	vst v63  }
0x176: {  	s9 =	simm.s32 $0x600  }
0x177: {  	[tilespmem:s9], [sflag:$0xD] =	stream.indirect.gather [hbm4b:s6+s28], $0x1, s3, s28, $0xb8;
	[tilespmem:$0x1FC00] =	vst v63  }
0x178: {  	v0 =	vld [tilespmem:$0x200]  }
0x179: {  	v1 =	vld [tilespmem:$0x210]  }
0x17a: {  	v2 =	vld [tilespmem:$0x220]  }
0x17b: {  	v3 =	vld [tilespmem:$0x230]  }
0x17c: {  	v4 =	vld [tilespmem:$0x240]  }
0x17d: {  	v0 =	vshll.u32 v0, $0x3  }
0x17e: {  	v60 =	vshll.u32 v1, $0x3;
	[tilespmem:$0x400] =	vst v0  }
0x17f: {  	v61 =	vshll.u32 v2, $0x3;
	[tilespmem:$0x410] =	vst v60  }
0x180: {  	v62 =	vshll.u32 v3, $0x3;
	[tilespmem:$0x420] =	vst v61  }
0x181: {  	v63 =	vshll.u32 v4, $0x3;
	[tilespmem:$0x430] =	vst v62  }
0x182: {  	s2 =	simm.s32 $0x9;
	[tilespmem:$0x440] =	vst v63  }
0x183: {  	_ =	swait.ge [sflag:s2], $0x2800  }
0x184: {  	[sflag:s2] =	ssyncset.done $0x0  }
0x185: {  	s7 =	simm.s32 $0xD;
	[sflag:s2] =	ssyncadd.s32 $0xFFFFD800  }
0x186: {  	_ =	swait.ge [sflag:s7], $0x50  }
0x187: {  	[sflag:s7] =	ssyncset.done $0x0  }
0x188: {  	[sflag:s7] =	ssyncadd.s32 $0xFFFFFFB0  }
0x189: {  	s1 =	rddreg [dreg:$0x1]  }
0x18a: {  	[spmem:s1] =	stream.indirect.scatter.add.f32 [tilespmem:s25], [sflag:$0x11], $0x80, s8, s28, $0xb8;
	[tilespmem:$0x1FC00] =	vst v63  }
0x18b: {  	s11 =	simm.s32 $0x11;
	s10 =	rddreg [dreg:$0x2];
	s8 =	simm.s32 $0x400  }
0x18c: {  	[spmem:s10] =	stream.indirect.scatter.add.f32 [tilespmem:s9], [sflag:$0x15], $0x1, s8, s28, $0xb8;
	[tilespmem:$0x1FC00] =	vst v63  }
0x18d: {  	_ =	swait.ge [sflag:s11], $0x2800  }
0x18e: {  	[sflag:s11] =	ssyncset.done $0x0  }
0x18f: {  	s12 =	simm.s32 $0x15;
	[sflag:s11] =	ssyncadd.s32 $0xFFFFD800  }
0x190: {  	_ =	swait.ge [sflag:s12], $0x50  }
0x191: {  	[sflag:s12] =	ssyncset.done $0x0  }
0x192: {  	[sflag:s12] =	ssyncadd.s32 $0xFFFFFFB0  }
0x193: {  	[bflag:$0x0] =	sbarrier.arrive $0xFFFF  }
0x194: {  	s23 =	rddreg [dreg:$0x12]  }
0x195: {  	s13 =	rddreg [dreg:$0x16]  }
0x196: {  	s25 =	simm.s32 $0x19;
	s14 =	rddreg [dreg:$0x1b]  }
0x197: {  	[hbm:s13], [sflag:s23] =	dma.local [spmem:s14], $0x2800  }
0x198: {  	_ =	swait.ge [sflag:s25], $0x2800  }
0x199: {  	[sflag:s25] =	ssyncset.done $0x0;
	s15 =	rddreg [dreg:$0x17]  }
0x19a: {  	s17 =	rddreg [dreg:$0x1a];
	[sflag:s25] =	ssyncadd.s32 $0xFFFFD800  }
0x19b: {  	[hbm:s15], [sflag:s23] =	dma.local [spmem:s17], $0x280  }
0x19c: {  	_ =	swait.ge [sflag:s25], $0x280  }
0x19d: {  	s18 =	rddreg [dreg:$0x19]  }
0x19e: {  	s20 =	rddreg [dreg:$0x18];
	s1 =	sadd.s32 $0x1, s18  }
0x19f: {  	p0 =	sne.s32 s1, s20  }
.Ltmp1:
0x1a0: {  	_ = 	snop;
	(pc) =	sbr.rel @p0 .LBB2_1-.Ltmp1, $3  }
0x1a1: {  	_ =	sdelay $0x1  }
0x1a2: {  	s8 =	simm.s32 $0x80;
	s9 =	simm.s32 $0x280;
	[sflag:s25] =	ssyncset.done $0x0  }
0x1a3: {  	s12 =	simm.s32 $0x300;
	s13 =	simm.s32 $0x100;
	[sflag:s25] =	ssyncadd.s32 $0xFFFFFD80  }
0x1a4: {  	_ =	sfence.sel $0x180000  }
0x1a5: {  	[bflag:$0x0] =	sbarrier.arrive $0xFFFF  }
0x1a6: {  	_ =	strace $0x9000004A  }
0x1a7: {  	s0 =	stileid.u32;
	[bflag:$0x2] =	sbarrier.arrive $0xFFFF  }
0x1a8: {  	p0 =	sne.s32 s0, $0x0;
	s0 =	rddreg [dreg:$0x3]  }
0x1a9: {  	s0 =	sadd.s32 @!p0 $0x100000, s0  }
0x1aa: {  	[sflag:s0] =	ssyncadd.tile.s32 @!p0 $0x1;
	_ =	shalt  }
.Lfunc_end2:
_tile_overlayer_lowered:
.L_overlay_start_2:
0x1ab: {  	(tag) =	ssettag $0x2  }
0x1ac: {  	s0 =	rddreg [dreg:$0x0];
	s2 =	stileid.u32  }
0x1ad: {  	s1 =	rddreg [dreg:$0x1];
	p0 =	sne.s32 s2, $0x0  }
0x1ae: {  	s3 =	rddreg [dreg:$0x2];
	[bflag:$0x3] =	sbarrier.arrive $0xFFFF;
	s2 =	simm.s32 @!p0 $0x1C19  }
0x1af: {  	[timem:s3], [sflag:s2] =	dma.local @!p0 [hbm:s0], s1  }
0x1b0: {  	s0 =	simm.s32 @!p0 $0x19  }
0x1b1: {  	_ =	swait.ge @!p0 [sflag:s0], s1  }
0x1b2: {  	s1 =	ssub.s32 @!p0 $0x0, s1;
	[sflag:s0] =	ssyncset.done @!p0 $0x0  }
0x1b3: {  	[sflag:s0] =	ssyncadd.s32 @!p0 s1  }
0x1b4: {  	[bflag:$0x3] =	sbarrier.arrive $0xFFFF  }
0x1b5: {  	_ =	shalt  }

// kernel: kernel.14.cloned.1.call-start
scs
__scs_entry_jumppad:
0x0: {  	(pc) =	sbr.rel $0x88, $3  }
0x1: {  	(tag) =	ssettag $0x0;
	lr =	simm.s32 $0x1  }
0x2: {  	[smem:$0x3F97] =	sst lr;
	_ =	strace $0xD0000000  }
0x3: {  	_ = 	snop  }
0x4: {  	_ = 	snop  }
0x5: {  	_ = 	snop  }
0x6: {  	_ = 	snop  }
0x7: {  	_ = 	snop  }
__scs_overlays_trampoline_lowered:
0x8: {  	[smem:$0x3FA6] =	sst s0  }
0x9: {  	[smem:$0x3FA7] =	sst s1  }
0xa: {  	[smem:$0x3FA8] =	sst s2  }
0xb: {  	[smem:$0x3FA9] =	sst s3  }
0xc: {  	[smem:$0x3FAA] =	sst s4  }
0xd: {  	[smem:$0x3FAB] =	sst s5  }
0xe: {  	[smem:$0x3FAC] =	sst s6  }
0xf: {  	[smem:$0x3FAD] =	sst s7  }
0x10: {  	[smem:$0x3FAE] =	sst s8  }
0x11: {  	[smem:$0x3FAF] =	sst s9;
	s0 =	simm.s32 @!p0 $0x0  }
0x12: {  	s1 =	sld [smem:$0x3F95];
	s0 =	simm.s32 @p0 $0x1  }
0x13: {  	[smem:$0x3FB0] =	sst s0;
	s0 =	simm.s32 @!p1 $0x0  }
0x14: {  	s2 =	sld [smem:$0x3F94];
	s0 =	simm.s32 @p1 $0x1  }
0x15: {  	[smem:$0x3FB1] =	sst s0;
	s0 =	simm.s32 @!p2 $0x0  }
0x16: {  	s3 =	sld [smem:$0x3FDB];
	s0 =	simm.s32 @p2 $0x1  }
0x17: {  	s4 =	simm.s32 $0x1BF5;
	[smem:$0x3FB3] =	sst s0  }
0x18: {  	s0 =	sld [smem:$0x3F96];
	_ =	swait.ge [sflag:s4], $0x0  }
0x19: {  	s7 =	sld [smem:$0x3F97]  }
0x1a: {  	s8 =	sadd.s32 $0xFFFFE003, lr  }
0x1b: {  	s9 =	sadd.s32 $0xFFFFFEF7, lr;
	s5 =	simm.s32 $0xFFFFFFFF;
	p2 =	slt.u32 s8, $0xFFFFF086  }
0x1c: {  	p1 =	slt.u32 s9, $0xF7A;
	s5 =	simm.s32 @!p2 $0x0  }
0x1d: {  	s5 =	simm.s32 @p1 $0x1;
	p0 =	seq.s32 s7, s2  }
0x1e: {  	s7 =	smul.u32 @!p0 $0xF7A, s2;
	p2 =	seq.s32 @!p0 s5, $0x0  }
0x1f: {  	s9 =	smul.u32 $0xF7A, s1;
	s8 =	simm.s32 @!p0 $0x1BF5;
	p2 =	por !p2, p0  }
0x20: {  	[sflag:s8] =	ssyncset.s32 @!p0 $0xFFFFF086;
	s6 =	sadd.s32 @!p0 s3, s7;
	s7 =	simm.s32 @!p0 $0x108  }
0x21: {  	s3 =	sadd.s32 s3, s9;
	s6 =	sadd.s32 @!p0 $0x88, s6;
	s7 =	simm.s32 @p2 $0x1082  }
0x22: {  	[simem:s7], [sflag:s8] =	dma.local @!p0 [hbm:s6], $0xF7A  }
0x23: {  	s9 =	sor.u32 $0xD0000000, s2;
	s6 =	simm.s32 $0x108;
	_ =	swait.ge @!p0 [sflag:s8], $0x0  }
0x24: {  	s3 =	sadd.s32 $0x88, s3;
	s6 =	simm.s32 @!p1 $0x1082;
	[sflag:s4] =	ssyncset.s32 $0xFFFFF086  }
0x25: {  	[simem:s6], [sflag:s4] =	dma.local [hbm:s3], $0xF7A  }
0x26: {  	[smem:$0x3F97] =	sst s1;
	(tag) =	ssettag s2;
	_ =	strace s9  }
0x27: {  	s1 =	sld [smem:$0x3FA7]  }
0x28: {  	s2 =	sld [smem:$0x3FA8]  }
0x29: {  	s4 =	sld [smem:$0x3FAA]  }
0x2a: {  	p0 =	seq.s32 s5, $0x0;
	s5 =	sld [smem:$0x3FAB]  }
0x2b: {  	s6 =	sld [smem:$0x3FAC]  }
0x2c: {  	s7 =	sld [smem:$0x3FAD]  }
0x2d: {  	s3 =	simm.s32 $0x108;
	s8 =	sld [smem:$0x3FAE]  }
0x2e: {  	s3 =	simm.s32 @!p0 $0x1082;
	s9 =	sld [smem:$0x3FAF]  }
0x2f: {  	lr =	sadd.s32 s0, s3;
	s0 =	sld [smem:$0x3FA6]  }
0x30: {  	s3 =	sld [smem:$0x3FA9]  }
0x31: {  	[smem:$0x3FB2] =	sst s10  }
0x32: {  	s10 =	sld [smem:$0x3FB0];
	_ =	sdelay $0x3  }
0x33: {  	p0 =	seq.s32 s10, $0x1;
	s10 =	sld [smem:$0x3FB2];
	_ =	sdelay $0x3  }
0x34: {  	[smem:$0x3FB2] =	sst s10  }
0x35: {  	s10 =	sld [smem:$0x3FB1];
	_ =	sdelay $0x3  }
0x36: {  	p1 =	seq.s32 s10, $0x1;
	s10 =	sld [smem:$0x3FB2];
	_ =	sdelay $0x3  }
0x37: {  	[smem:$0x3FB2] =	sst s10  }
0x38: {  	s10 =	sld [smem:$0x3FB3]  }
0x39: {  	_ = 	snop;
	(pc) =	sbr.ind lr, $3  }
0x3a: {  	_ = 	snop  }
0x3b: {  	_ = 	snop  }
0x3c: {  	p2 =	seq.s32 s10, $0x1;
	s10 =	sld [smem:$0x3FB2]  }
0x3d: {  	_ =	shalt  }
0x3e: {  	_ =	shalt  }
0x3f: {  	_ =	shalt  }
0x40: {  	_ =	shalt  }
0x41: {  	_ =	shalt  }
0x42: {  	_ =	shalt  }
0x43: {  	_ =	shalt  }
0x44: {  	_ =	shalt  }
0x45: {  	_ =	shalt  }
0x46: {  	_ =	shalt  }
0x47: {  	_ =	shalt  }
0x48: {  	_ =	shalt  }
0x49: {  	_ =	shalt  }
0x4a: {  	_ =	shalt  }
0x4b: {  	_ =	shalt  }
0x4c: {  	_ =	shalt  }
0x4d: {  	_ =	shalt  }
0x4e: {  	_ =	shalt  }
0x4f: {  	_ =	shalt  }
0x50: {  	_ =	shalt  }
0x51: {  	_ =	shalt  }
0x52: {  	_ =	shalt  }
0x53: {  	_ =	shalt  }
0x54: {  	_ =	shalt  }
0x55: {  	_ =	shalt  }
0x56: {  	_ =	shalt  }
0x57: {  	_ =	shalt  }
0x58: {  	_ =	shalt  }
0x59: {  	_ =	shalt  }
0x5a: {  	_ =	shalt  }
0x5b: {  	_ =	shalt  }
0x5c: {  	_ =	shalt  }
0x5d: {  	_ =	shalt  }
0x5e: {  	_ =	shalt  }
0x5f: {  	_ =	shalt  }
0x60: {  	_ =	shalt  }
0x61: {  	_ =	shalt  }
0x62: {  	_ =	shalt  }
0x63: {  	_ =	shalt  }
0x64: {  	_ =	shalt  }
0x65: {  	_ =	shalt  }
0x66: {  	_ =	shalt  }
0x67: {  	_ =	shalt  }
0x68: {  	_ =	shalt  }
0x69: {  	_ =	shalt  }
0x6a: {  	_ =	shalt  }
0x6b: {  	_ =	shalt  }
0x6c: {  	_ =	shalt  }
0x6d: {  	_ =	shalt  }
0x6e: {  	_ =	shalt  }
0x6f: {  	_ =	shalt  }
0x70: {  	_ =	shalt  }
0x71: {  	_ =	shalt  }
0x72: {  	_ =	shalt  }
0x73: {  	_ =	shalt  }
0x74: {  	_ =	shalt  }
0x75: {  	_ =	shalt  }
0x76: {  	_ =	shalt  }
0x77: {  	_ =	shalt  }
0x78: {  	_ =	shalt  }
0x79: {  	_ =	shalt  }
0x7a: {  	_ =	shalt  }
0x7b: {  	_ =	shalt  }
0x7c: {  	_ =	shalt  }
0x7d: {  	_ =	shalt  }
0x7e: {  	_ =	shalt  }
0x7f: {  	_ =	shalt  }
0x80: {  	_ =	shalt  }
0x81: {  	_ =	shalt  }
0x82: {  	_ =	shalt  }
0x83: {  	_ =	shalt  }
0x84: {  	_ =	shalt  }
0x85: {  	_ =	shalt  }
0x86: {  	_ =	shalt  }
0x87: {  	_ =	shalt  }
.Lfunc_end0:
.L_simem_size_0:
called_computation.2_lowered:
.L_overlay_start_0:
0x88: {  	s2 =	sld [smem:$0x3FD9]  }
0x89: {  	s3 =	sld [smem:$0x3FFE];
	_ =	sdelay $0x1  }
0x8a: {  	s1 =	srdreg.scid  }
0x8b: {  	s0 =	sand.u32 $0x1, s1  }
0x8c: {  	s16 =	sshll.u32 s0, $0xA;
	s2 =	sadd.s32 s3, s2  }
0x8d: {  	s2 =	sadd.s32 s2, s16  }
0x8e: {  	[smem:$0x3FBE] =	sst s2  }
0x8f: {  	_ = 	snop  }
0x90: {  	(tm) =	ssettm $0x1  }
0x91: {  	s17 =	sld [smem:$0x3FFB];
	_ =	sdelay $0x3  }
0x92: {  	_ =	strace s17  }
0x93: {  	s2 =	sld [smem:$0x3FFC];
	_ =	sdelay $0x3  }
0x94: {  	_ =	strace s2  }
0x95: {  	s2 =	sld [smem:$0x3FFD];
	_ =	sdelay $0x3  }
0x96: {  	_ =	strace s2  }
0x97: {  	_ =	strace $0x8FFFFFFF  }
0x98: {  	s18 =	sld [smem:$0x3FDB];
	_ =	sdelay $0x1  }
0x99: {  	s19 =	simm.s32 $_scs_section_size  }
0x9a: {  	s4 =	simm.s32 $_size__tile_overlayer_lowered;
	s5 =	simm.s32 $_tile_overlayer_lowered  }
0x9b: {  	s22 =	simm.s32 $0x1BFF;
	s21 =	sshll.u32 s5, $0x1;
	s2 =	sadd.s32 s19, s18  }
0x9c: {  	s6 =	simm.s32 $0x0;
	s20 =	sshll.u32 s4, $0x1;
	s4 =	sadd.s32 s21, s2  }
0x9d: {  	[timem:s6], [sflag:s22] =	dma.local [hbm:s4], s20  }
0x9e: {  	_ =	swait.ge [sflag:s22], s20  }
0x9f: {  	s3 =	ssub.s32 $0x0, s20;
	[sflag:s22] =	ssyncset.done $0x0  }
0xa0: {  	[sflag:s22] =	ssyncadd.s32 s3;
	_ =	sdelay $0x1  }
0xa1: {  	s23 =	simm.s32 $0x1B8B  }
0xa2: {  	_ =	swait.ge [sflag:s23], $0x1  }
0xa3: {  	[sflag:s23] =	ssyncset.done $0x0  }
0xa4: {  	s25 =	simm.s32 $0x1B8E;
	s24 =	sld [smem:$0x3FFE];
	[sflag:s23] =	ssyncadd.s32 $0xFFFFFFFF  }
0xa5: {  	s26 =	simm.s32 $execute0_lowered;
	[smem:$0x3FD2] =	sst s25  }
0xa6: {  	s4 =	sshll.u32 s26, $0x1;
	_ =	strace $0x8000004C;
	[dreg:$0x1] =	wrdreg $0xFFFFFFFF  }
0xa7: {  	s28 =	simm.s32 $_size_execute0_lowered;
	s2 =	sadd.s32 s2, s4;
	[dreg:$0x0] =	wrdreg $0x0  }
0xa8: {  	s4 =	sshll.u32 s28, $0x1;
	[dreg:$0x2] =	wrdreg s2  }
0xa9: {  	[dreg:$0x3] =	wrdreg s4  }
0xaa: {  	[dreg:$0x4] =	wrdreg $0xC0  }
0xab: {  	_ =	task [dreg:s6], $0x5FFFF  }
0xac: {  	[dreg:$0x1] =	wrdreg $0xFFFFFFFF  }
0xad: {  	[dreg:$0x0] =	wrdreg $0x60  }
0xae: {  	[dreg:$0x2] =	wrdreg s24  }
0xaf: {  	[dreg:$0x3] =	wrdreg $0xA4000  }
0xb0: {  	[dreg:$0x4] =	wrdreg $0x9  }
0xb1: {  	_ =	task.clear_ibuf [dreg:s6], $0x5FFFF;
	_ =	strace $0x9000004C  }
0xb2: {  	s29 =	simm.s32 $0x9;
	_ =	strace $0x8000004E  }
0xb3: {  	_ =	swait.ge [sflag:s29], $0x1  }
0xb4: {  	[sflag:s29] =	ssyncadd.s32 $0xFFFFFFFF  }
0xb5: {  	_ =	strace $0x9000004E  }
0xb6: {  	_ =	sfence  }
0xb7: {  	s30 =	sld [smem:$0x0];
	_ =	sdelay $0x2  }
0xb8: {  	s31 =	sshll.u32 s1, $0xD;
	s1 =	sshrl.u32 s1, $0x2  }
0xb9: {  	s3 =	sand.u32 $0x4000, s31;
	s1 =	sadd.s32 s1, s30  }
0xba: {  	s0 =	sor.u32 s3, s0;
	s1 =	sshll.u32 s1, $0x11  }
0xbb: {  	s0 =	sor.u32 s1, s0  }
0xbc: {  	s0 =	sadd.s32 $0x8F2B, s0  }
0xbd: {  	[sflag:s0] =	ssyncadd.remote.s32 $0x1  }
0xbe: {  	_ =	sfence.sel $0xFFFF  }
0xbf: {  	[dreg:$0x0] =	wrdreg $0xFFFFFFFF;
	(pc) =	sbr.abs _section_cstart, $3  }
0xc0: {  	[dreg:$0x1] =	wrdreg $0xFFFFFFFF  }
0xc1: {  	_ =	task.clear_ibuf [dreg:s6], $0x2FFFF;
	_ =	strace $0x9FFFFFFF  }
0xc2: {  	(tm) =	ssettm $0x7FFFFFFF  }
0xc3: {  	_ =	shalt  }
tec
execute0_lowered:
.L_overlay_start_1:
0x0: {  	(tag) =	ssettag $0x1  }
0x1: {  	s0 =	rddreg [dreg:$0x0]  }
0x2: {  	s2 =	rddreg [dreg:$0x1]  }
0x3: {  	s1 =	srdreg.scid;
	s12 =	stileid.u32;
	s3 =	simm.s32 $0x0  }
0x4: {  	s28 =	simm.s32 $0x3;
	s29 =	simm.s32 $0x7;
	s31 =	simm.s32 $0x4  }
0x5: {  	s1 =	sand.u32 $0x1, s1;
	s5 =	smul.u32 $0x2800, s12;
	[smem:$0x7FF] =	sst s3  }
0x6: {  	s4 =	sadd.s32 $0x1BC00, s0;
	s7 =	sadd.s32 $0x2C00, s0;
	s9 =	smul.u32 $0x2710, s12  }
0x7: {  	s8 =	sadd.s32 $0x11E00, s0;
	s25 =	sadd.s32 $0xD400, s0;
	s11 =	smul.u32 $0x50000, s12  }
0x8: {  	s6 =	smul.u32 $0x28000, s1;
	_ =	strace $0x8000004D;
	[dreg:$0xb] =	wrdreg s25  }
0x9: {  	s26 =	smul.u32 $0x27100, s1;
	s30 =	ssub.s32 $0x2, s1;
	s1 =	sshll.u32 s1, $0x4  }
0xa: {  	s10 =	sshrl.u32 s30, $0x1;
	s1 =	sor.u32 s12, s1;
	s5 =	sadd.s32 s5, s6  }
0xb: {  	s6 =	ssub.s32 s30, s10;
	s1 =	smul.u32 $0x2710, s1;
	s10 =	sshrl.u32 s11, $0x2  }
0xc: {  	s11 =	sshll.u32 s12, $0x6;
	s0 =	sadd.s32 s5, s0;
	s5 =	sadd.s32 s9, s26  }
0xd: {  	s9 =	sadd.s32 s10, s2;
	s14 =	sor.u32 $0x1C11, s11;
	s30 =	smax.u32 s6, $0x1  }
0xe: {  	s6 =	simm.s32 $0xA;
	s10 =	simm.s32 $0xD;
	s11 =	simm.s32 $0xE  }
0xf: {  	s12 =	sadd.s32 $0xF0, s5;
	[dreg:$0xc] =	wrdreg s9;
	s1 =	sshrl.u32 s1, $0x3  }
0x10: {  	s16 =	sadd.s32 $0xA0, s5;
	s19 =	sadd.s32 $0x50, s5;
	[dreg:$0x11] =	wrdreg s30  }
0x11: {  	s5 =	sshrl.u32 s5, $0x3;
	s0 =	sadd.s32 $0x43C00, s0;
	[dreg:$0xd] =	wrdreg s14  }
0x12: {  	s13 =	sshrl.u32 s12, $0x3;
	s25 =	sadd.s32 s5, s8;
	[dreg:$0x10] =	wrdreg s0  }
0x13: {  	s17 =	sshrl.u32 s16, $0x3;
	s26 =	sadd.s32 s5, s7;
	[dreg:$0x9] =	wrdreg s25  }
0x14: {  	s21 =	sshrl.u32 s19, $0x3;
	s15 =	sadd.s32 s13, s8;
	[dreg:$0xa] =	wrdreg s26  }
0x15: {  	s1 =	sadd.s32 $0x4D8, s1;
	s9 =	sadd.s32 s13, s7;
	[dreg:$0x3] =	wrdreg s15  }
0x16: {  	s0 =	simm.s32 $0x8;
	s18 =	sadd.s32 s17, s8;
	[dreg:$0x4] =	wrdreg s9  }
0x17: {  	s5 =	simm.s32 $0x9;
	s20 =	sadd.s32 s17, s7;
	[dreg:$0x5] =	wrdreg s18  }
0x18: {  	s12 =	simm.s32 $0x10;
	s22 =	sadd.s32 s21, s8;
	[dreg:$0x6] =	wrdreg s20  }
0x19: {  	s23 =	sadd.s32 s21, s7;
	s24 =	sadd.s32 s7, s1;
	[dreg:$0x7] =	wrdreg s22  }
0x1a: {  	s1 =	sadd.s32 s8, s1;
	s21 =	simm.s32 $0x5;
	[dreg:$0xe] =	wrdreg s24  }
0x1b: {  	s25 =	simm.s32 $0x6;
	s8 =	simm.s32 $0xB;
	[dreg:$0x8] =	wrdreg s23  }
0x1c: {  	s7 =	simm.s32 $0xF;
	s26 =	simm.s32 $0x280;
	[dreg:$0xf] =	wrdreg s1  }
0x1d: {  	s15 =	simm.s32 $0x11;
	s20 =	simm.s32 $0x1;
	s22 =	simm.s32 $0x50  }
0x1e: {  	s24 =	simm.s32 $0x2;
	s9 =	simm.s32 $0xC;
	s1 =	simm.s32 $0x0  }
.LBB2_1:
0x1f: {  	[dreg:$0x12] =	wrdreg s1  }
0x20: {  	s13 =	rddreg [dreg:$0xc]  }
0x21: {  	s19 =	rddreg [dreg:$0xb];
	s18 =	sshrl.u32 s13, $0x3  }
0x22: {  	[dreg:$0x13] =	wrdreg s18  }
0x23: {  	[spmem:s18], [sflag:s14] =	dma.local [hbm:s19], $0x2800  }
0x24: {  	_ =	swait.ge [sflag:s15], $0x2800  }
0x25: {  	[sflag:s15] =	ssyncset.done $0x0  }
0x26: {  	[sflag:s15] =	ssyncadd.s32 $0xFFFFD800  }
0x27: {  	[bflag:$0x0] =	sbarrier.arrive $0xFFFF  }
0x28: {  	s23 =	rddreg [dreg:$0xa]  }
0x29: {  	s30 =	rddreg [dreg:$0x9];
	s13 =	sadd.s32 $0x0, s23  }
0x2a: {  	[tilespmem:s3], [sflag:$0x1] =	stream.linear.gather [hbm4b:s13+s3], $0x50, $0x38;
	[tilespmem:$0x1E400] =	vst v63  }
0x2b: {  	s16 =	simm.s32 $0x200;
	s1 =	rddreg [dreg:$0x8];
	s17 =	sadd.s32 $0x0, s30  }
0x2c: {  	[tilespmem:s16], [sflag:$0x5] =	stream.linear.gather [hbm4b:s17+s3], $0x50, $0x38;
	[tilespmem:$0x1E400] =	vst v63  }
0x2d: {  	s18 =	rddreg [dreg:$0x7];
	s19 =	sadd.s32 $0x0, s1;
	s17 =	simm.s32 $0x80  }
0x2e: {  	[tilespmem:s17], [sflag:$0x2] =	stream.linear.gather [hbm4b:s19+s3], $0x50, $0x38;
	[tilespmem:$0x1E400] =	vst v63  }
0x2f: {  	s23 =	rddreg [dreg:$0x6];
	s30 =	sadd.s32 $0x0, s18;
	s18 =	simm.s32 $0x280  }
0x30: {  	[tilespmem:s18], [sflag:$0x6] =	stream.linear.gather [hbm4b:s30+s3], $0x50, $0x38;
	[tilespmem:$0x1E400] =	vst v63  }
0x31: {  	s1 =	rddreg [dreg:$0x5];
	s23 =	sadd.s32 $0x0, s23;
	s19 =	simm.s32 $0x100  }
0x32: {  	[tilespmem:s19], [sflag:$0x3] =	stream.linear.gather [hbm4b:s23+s3], $0x50, $0x38;
	[tilespmem:$0x1E400] =	vst v63  }
0x33: {  	s14 =	sadd.s32 $0x0, s1;
	s1 =	simm.s32 $0x300;
	s30 =	rddreg [dreg:$0x4]  }
0x34: {  	[tilespmem:s1], [sflag:$0x7] =	stream.linear.gather [hbm4b:s14+s3], $0x50, $0x38;
	[tilespmem:$0x1E400] =	vst v63  }
0x35: {  	s15 =	simm.s32 $0x180;
	s30 =	sadd.s32 $0x0, s30;
	s23 =	rddreg [dreg:$0x3]  }
0x36: {  	[tilespmem:s15], [sflag:$0x4] =	stream.linear.gather [hbm4b:s30+s3], $0x50, $0x38;
	[tilespmem:$0x1E400] =	vst v63  }
0x37: {  	s23 =	sadd.s32 $0x0, s23;
	s14 =	simm.s32 $0x380  }
0x38: {  	[tilespmem:s14], [sflag:$0x8] =	stream.linear.gather [hbm4b:s23+s3], $0x50, $0x38;
	[tilespmem:$0x1E400] =	vst v63  }
0x39: {  	_ =	swait.ge [sflag:s20], $0x50  }
0x3a: {  	[sflag:s20] =	ssyncset.done $0x0  }
0x3b: {  	[sflag:s20] =	ssyncadd.s32 $0xFFFFFFB0  }
0x3c: {  	_ =	swait.ge [sflag:s21], $0x50  }
0x3d: {  	[sflag:s21] =	ssyncset.done $0x0  }
0x3e: {  	s13 =	simm.s32 $0x400;
	[sflag:s21] =	ssyncadd.s32 $0xFFFFFFB0  }
0x3f: {  	[tilespmem:s13], [sflag:$0x9] =	stream.indirect.gather [hbm4b:s4+s22], $0x80, s3, s22, $0xb8;
	[tilespmem:$0x1E400] =	vst v63  }
0x40: {  	_ =	swait.ge [sflag:s24], $0x50  }
0x41: {  	[sflag:s24] =	ssyncset.done $0x0  }
0x42: {  	[sflag:s24] =	ssyncadd.s32 $0xFFFFFFB0  }
0x43: {  	_ =	swait.ge [sflag:s25], $0x50  }
0x44: {  	[sflag:s25] =	ssyncset.done $0x0  }
0x45: {  	s23 =	simm.s32 $0x2C00;
	[sflag:s25] =	ssyncadd.s32 $0xFFFFFFB0  }
0x46: {  	[tilespmem:s23], [sflag:$0xA] =	stream.indirect.gather [hbm4b:s4+s22], $0x80, s17, s22, $0xb8;
	[tilespmem:$0x1E400] =	vst v63  }
0x47: {  	_ =	swait.ge [sflag:s28], $0x50  }
0x48: {  	[sflag:s28] =	ssyncset.done $0x0  }
0x49: {  	[sflag:s28] =	ssyncadd.s32 $0xFFFFFFB0  }
0x4a: {  	_ =	swait.ge [sflag:s29], $0x50  }
0x4b: {  	[sflag:s29] =	ssyncset.done $0x0  }
0x4c: {  	s17 =	simm.s32 $0x5400;
	[sflag:s29] =	ssyncadd.s32 $0xFFFFFFB0  }
0x4d: {  	[tilespmem:s17], [sflag:$0xB] =	stream.indirect.gather [hbm4b:s4+s22], $0x80, s19, s22, $0xb8;
	[tilespmem:$0x1E400] =	vst v63  }
0x4e: {  	_ =	swait.ge [sflag:s31], $0x50  }
0x4f: {  	[sflag:s31] =	ssyncset.done $0x0  }
0x50: {  	[sflag:s31] =	ssyncadd.s32 $0xFFFFFFB0  }
0x51: {  	_ =	swait.ge [sflag:s0], $0x50  }
0x52: {  	[sflag:s0] =	ssyncset.done $0x0  }
0x53: {  	s30 =	simm.s32 $0x7C00;
	[sflag:s0] =	ssyncadd.s32 $0xFFFFFFB0  }
0x54: {  	[tilespmem:s30], [sflag:$0xC] =	stream.indirect.gather [hbm4b:s4+s22], $0x80, s15, s22, $0xb8;
	[tilespmem:$0x1E400] =	vst v63  }
0x55: {  	_ =	swait.ge [sflag:s5], $0x2800  }
0x56: {  	[sflag:s5] =	ssyncset.done $0x0  }
0x57: {  	[sflag:s5] =	ssyncadd.s32 $0xFFFFD800  }
0x58: {  	[spmem:s2] =	stream.indirect.scatter.add.f32 [tilespmem:s13], [sflag:$0xD], $0x80, s16, s22, $0xb8;
	[tilespmem:$0x1E400] =	vst v63  }
0x59: {  	_ =	swait.ge [sflag:s6], $0x2800  }
0x5a: {  	[sflag:s6] =	ssyncset.done $0x0  }
0x5b: {  	[sflag:s6] =	ssyncadd.s32 $0xFFFFD800  }
0x5c: {  	[spmem:s2] =	stream.indirect.scatter.add.f32 [tilespmem:s23], [sflag:$0xE], $0x80, s18, s22, $0xb8;
	[tilespmem:$0x1E400] =	vst v63  }
0x5d: {  	_ =	swait.ge [sflag:s8], $0x2800  }
0x5e: {  	[sflag:s8] =	ssyncset.done $0x0  }
0x5f: {  	[sflag:s8] =	ssyncadd.s32 $0xFFFFD800  }
0x60: {  	[spmem:s2] =	stream.indirect.scatter.add.f32 [tilespmem:s17], [sflag:$0xF], $0x80, s1, s22, $0xb8;
	[tilespmem:$0x1E400] =	vst v63  }
0x61: {  	_ =	swait.ge [sflag:s9], $0x2800  }
0x62: {  	[sflag:s9] =	ssyncset.done $0x0  }
0x63: {  	[sflag:s9] =	ssyncadd.s32 $0xFFFFD800  }
0x64: {  	[spmem:s2] =	stream.indirect.scatter.add.f32 [tilespmem:s30], [sflag:$0x10], $0x80, s14, s22, $0xb8;
	[tilespmem:$0x1E400] =	vst v63  }
0x65: {  	_ =	swait.ge [sflag:s10], $0x2800  }
0x66: {  	[sflag:s10] =	ssyncset.done $0x0  }
0x67: {  	[sflag:s10] =	ssyncadd.s32 $0xFFFFD800  }
0x68: {  	_ =	swait.ge [sflag:s11], $0x2800  }
0x69: {  	[sflag:s11] =	ssyncset.done $0x0  }
0x6a: {  	[sflag:s11] =	ssyncadd.s32 $0xFFFFD800  }
0x6b: {  	_ =	swait.ge [sflag:s7], $0x2800  }
0x6c: {  	[sflag:s7] =	ssyncset.done $0x0  }
0x6d: {  	[sflag:s7] =	ssyncadd.s32 $0xFFFFD800  }
0x6e: {  	s13 =	simm.s32 $0x28;
	_ =	swait.ge [sflag:s12], $0x2800  }
0x6f: {  	s14 =	simm.s32 $0x50;
	s15 =	rddreg [dreg:$0xa];
	[sflag:s12] =	ssyncset.done $0x0  }
.LBB2_2:
0x70: {  	[sflag:s12] =	ssyncadd.s32 $0xFFFFD800;
	s17 =	rddreg [dreg:$0x9];
	s15 =	sadd.s32 s13, s15  }
0x71: {  	[tilespmem:s3], [sflag:$0x1] =	stream.linear.gather [hbm4b:s15+s3], $0x50, $0x38;
	[tilespmem:$0x1E400] =	vst v63  }
0x72: {  	s18 =	rddreg [dreg:$0x8];
	s19 =	simm.s32 $0x200;
	s23 =	sadd.s32 s13, s17  }
0x73: {  	[tilespmem:s19], [sflag:$0x5] =	stream.linear.gather [hbm4b:s23+s3], $0x50, $0x38;
	[tilespmem:$0x1E400] =	vst v63  }
0x74: {  	s17 =	rddreg [dreg:$0x7];
	s30 =	sadd.s32 s13, s18;
	s23 =	simm.s32 $0x80  }
0x75: {  	[tilespmem:s23], [sflag:$0x2] =	stream.linear.gather [hbm4b:s30+s3], $0x50, $0x38;
	[tilespmem:$0x1E400] =	vst v63  }
0x76: {  	s16 =	smov.u32 s14;
	s1 =	rddreg [dreg:$0x6];
	s30 =	sadd.s32 s13, s17  }
0x77: {  	[tilespmem:s26], [sflag:$0x6] =	stream.linear.gather [hbm4b:s30+s3], $0x50, $0x38;
	[tilespmem:$0x1E400] =	vst v63  }
0x78: {  	s1 =	sadd.s32 s13, s1;
	s17 =	rddreg [dreg:$0x5];
	s30 =	simm.s32 $0x100  }
0x79: {  	[tilespmem:s30], [sflag:$0x3] =	stream.linear.gather [hbm4b:s1+s3], $0x50, $0x38;
	[tilespmem:$0x1E400] =	vst v63  }
0x7a: {  	s18 =	rddreg [dreg:$0x4];
	s15 =	sadd.s32 s13, s17;
	s1 =	simm.s32 $0x300  }
0x7b: {  	[tilespmem:s1], [sflag:$0x7] =	stream.linear.gather [hbm4b:s15+s3], $0x50, $0x38;
	[tilespmem:$0x1E400] =	vst v63  }
0x7c: {  	s17 =	rddreg [dreg:$0x3];
	s15 =	sadd.s32 s13, s18;
	s18 =	simm.s32 $0x180  }
0x7d: {  	[tilespmem:s18], [sflag:$0x4] =	stream.linear.gather [hbm4b:s15+s3], $0x50, $0x38;
	[tilespmem:$0x1E400] =	vst v63  }
0x7e: {  	s17 =	sadd.s32 s13, s17;
	s13 =	smov.u32 s16;
	s16 =	simm.s32 $0x380  }
0x7f: {  	[tilespmem:s16], [sflag:$0x8] =	stream.linear.gather [hbm4b:s17+s3], $0x50, $0x38;
	[tilespmem:$0x1E400] =	vst v63  }
0x80: {  	_ =	swait.ge [sflag:s20], $0x50  }
0x81: {  	[sflag:s20] =	ssyncset.done $0x0  }
0x82: {  	[sflag:s20] =	ssyncadd.s32 $0xFFFFFFB0  }
0x83: {  	_ =	swait.ge [sflag:s21], $0x50  }
0x84: {  	[sflag:s21] =	ssyncset.done $0x0  }
0x85: {  	s15 =	simm.s32 $0x400;
	[sflag:s21] =	ssyncadd.s32 $0xFFFFFFB0  }
0x86: {  	[tilespmem:s15], [sflag:$0x9] =	stream.indirect.gather [hbm4b:s4+s22], $0x80, s3, s22, $0xb8;
	[tilespmem:$0x1E400] =	vst v63  }
0x87: {  	_ =	swait.ge [sflag:s24], $0x50  }
0x88: {  	[sflag:s24] =	ssyncset.done $0x0  }
0x89: {  	[sflag:s24] =	ssyncadd.s32 $0xFFFFFFB0  }
0x8a: {  	_ =	swait.ge [sflag:s25], $0x50  }
0x8b: {  	[sflag:s25] =	ssyncset.done $0x0  }
0x8c: {  	s17 =	simm.s32 $0x2C00;
	[sflag:s25] =	ssyncadd.s32 $0xFFFFFFB0  }
0x8d: {  	[tilespmem:s17], [sflag:$0xA] =	stream.indirect.gather [hbm4b:s4+s22], $0x80, s23, s22, $0xb8;
	[tilespmem:$0x1E400] =	vst v63  }
0x8e: {  	_ =	swait.ge [sflag:s28], $0x50  }
0x8f: {  	[sflag:s28] =	ssyncset.done $0x0  }
0x90: {  	[sflag:s28] =	ssyncadd.s32 $0xFFFFFFB0  }
0x91: {  	_ =	swait.ge [sflag:s29], $0x50  }
0x92: {  	[sflag:s29] =	ssyncset.done $0x0  }
0x93: {  	s23 =	simm.s32 $0x5400;
	[sflag:s29] =	ssyncadd.s32 $0xFFFFFFB0  }
0x94: {  	[tilespmem:s23], [sflag:$0xB] =	stream.indirect.gather [hbm4b:s4+s22], $0x80, s30, s22, $0xb8;
	[tilespmem:$0x1E400] =	vst v63  }
0x95: {  	_ =	swait.ge [sflag:s31], $0x50  }
0x96: {  	[sflag:s31] =	ssyncset.done $0x0  }
0x97: {  	[sflag:s31] =	ssyncadd.s32 $0xFFFFFFB0  }
0x98: {  	_ =	swait.ge [sflag:s0], $0x50  }
0x99: {  	[sflag:s0] =	ssyncset.done $0x0  }
0x9a: {  	s30 =	simm.s32 $0x7C00;
	[sflag:s0] =	ssyncadd.s32 $0xFFFFFFB0  }
0x9b: {  	[tilespmem:s30], [sflag:$0xC] =	stream.indirect.gather [hbm4b:s4+s22], $0x80, s18, s22, $0xb8;
	[tilespmem:$0x1E400] =	vst v63  }
0x9c: {  	_ =	swait.ge [sflag:s5], $0x2800  }
0x9d: {  	[sflag:s5] =	ssyncset.done $0x0  }
0x9e: {  	[sflag:s5] =	ssyncadd.s32 $0xFFFFD800  }
0x9f: {  	[spmem:s2] =	stream.indirect.scatter.add.f32 [tilespmem:s15], [sflag:$0xD], $0x80, s19, s22, $0xb8;
	[tilespmem:$0x1E400] =	vst v63  }
0xa0: {  	_ =	swait.ge [sflag:s6], $0x2800  }
0xa1: {  	[sflag:s6] =	ssyncset.done $0x0  }
0xa2: {  	[sflag:s6] =	ssyncadd.s32 $0xFFFFD800  }
0xa3: {  	[spmem:s2] =	stream.indirect.scatter.add.f32 [tilespmem:s17], [sflag:$0xE], $0x80, s26, s22, $0xb8;
	[tilespmem:$0x1E400] =	vst v63  }
0xa4: {  	_ =	swait.ge [sflag:s8], $0x2800  }
0xa5: {  	[sflag:s8] =	ssyncset.done $0x0  }
0xa6: {  	[sflag:s8] =	ssyncadd.s32 $0xFFFFD800  }
0xa7: {  	[spmem:s2] =	stream.indirect.scatter.add.f32 [tilespmem:s23], [sflag:$0xF], $0x80, s1, s22, $0xb8;
	[tilespmem:$0x1E400] =	vst v63  }
0xa8: {  	_ =	swait.ge [sflag:s9], $0x2800  }
0xa9: {  	[sflag:s9] =	ssyncset.done $0x0  }
0xaa: {  	[sflag:s9] =	ssyncadd.s32 $0xFFFFD800  }
0xab: {  	[spmem:s2] =	stream.indirect.scatter.add.f32 [tilespmem:s30], [sflag:$0x10], $0x80, s16, s22, $0xb8;
	[tilespmem:$0x1E400] =	vst v63  }
0xac: {  	_ =	swait.ge [sflag:s10], $0x2800  }
0xad: {  	[sflag:s10] =	ssyncset.done $0x0  }
0xae: {  	[sflag:s10] =	ssyncadd.s32 $0xFFFFD800  }
0xaf: {  	_ =	swait.ge [sflag:s11], $0x2800  }
0xb0: {  	[sflag:s11] =	ssyncset.done $0x0  }
0xb1: {  	p0 =	sne.s32 s14, $0x4B0;
	[sflag:s11] =	ssyncadd.s32 $0xFFFFD800  }
.Ltmp0:
0xb2: {  	_ =	swait.ge [sflag:s7], $0x2800;
	(pc) =	sbr.rel @p0 .LBB2_2-.Ltmp0, $4  }
0xb3: {  	[sflag:s7] =	ssyncset.done $0x0  }
0xb4: {  	[sflag:s7] =	ssyncadd.s32 $0xFFFFD800  }
0xb5: {  	_ =	swait.ge [sflag:s12], $0x2800  }
0xb6: {  	s14 =	sadd.s32 $0x28, s14;
	s15 =	rddreg [dreg:$0xa];
	[sflag:s12] =	ssyncset.done $0x0  }
0xb7: {  	s14 =	rddreg [dreg:$0x9];
	[sflag:s12] =	ssyncadd.s32 $0xFFFFD800;
	s15 =	sadd.s32 s13, s15  }
0xb8: {  	[tilespmem:s3], [sflag:$0x1] =	stream.linear.gather [hbm4b:s15+s3], $0x50, $0x38;
	[tilespmem:$0x1E400] =	vst v63  }
0xb9: {  	s19 =	rddreg [dreg:$0x8];
	s16 =	simm.s32 $0x200;
	s14 =	sadd.s32 s13, s14  }
0xba: {  	[tilespmem:s16], [sflag:$0x5] =	stream.linear.gather [hbm4b:s14+s3], $0x50, $0x38;
	[tilespmem:$0x1E400] =	vst v63  }
0xbb: {  	s23 =	rddreg [dreg:$0x7];
	s17 =	simm.s32 $0x80;
	s15 =	sadd.s32 s13, s19  }
0xbc: {  	[tilespmem:s17], [sflag:$0x2] =	stream.linear.gather [hbm4b:s15+s3], $0x50, $0x38;
	[tilespmem:$0x1E400] =	vst v63  }
0xbd: {  	s30 =	rddreg [dreg:$0x6];
	s18 =	simm.s32 $0x280;
	s14 =	sadd.s32 s13, s23  }
0xbe: {  	[tilespmem:s18], [sflag:$0x6] =	stream.linear.gather [hbm4b:s14+s3], $0x50, $0x38;
	[tilespmem:$0x1E400] =	vst v63  }
0xbf: {  	s1 =	rddreg [dreg:$0x5];
	s19 =	simm.s32 $0x100;
	s15 =	sadd.s32 s13, s30  }
0xc0: {  	[tilespmem:s19], [sflag:$0x3] =	stream.linear.gather [hbm4b:s15+s3], $0x50, $0x38;
	[tilespmem:$0x1E400] =	vst v63  }
0xc1: {  	s23 =	rddreg [dreg:$0x4];
	s14 =	sadd.s32 s13, s1;
	s1 =	simm.s32 $0x300  }
0xc2: {  	[tilespmem:s1], [sflag:$0x7] =	stream.linear.gather [hbm4b:s14+s3], $0x50, $0x38;
	[tilespmem:$0x1E400] =	vst v63  }
0xc3: {  	s30 =	rddreg [dreg:$0x3];
	s15 =	sadd.s32 s13, s23;
	s23 =	simm.s32 $0x180  }
0xc4: {  	[tilespmem:s23], [sflag:$0x4] =	stream.linear.gather [hbm4b:s15+s3], $0x50, $0x38;
	[tilespmem:$0x1E400] =	vst v63  }
0xc5: {  	s14 =	simm.s32 $0x380;
	s15 =	sadd.s32 s13, s30  }
0xc6: {  	[tilespmem:s14], [sflag:$0x8] =	stream.linear.gather [hbm4b:s15+s3], $0x50, $0x38;
	[tilespmem:$0x1E400] =	vst v63  }
0xc7: {  	_ =	swait.ge [sflag:s20], $0x50  }
0xc8: {  	[sflag:s20] =	ssyncset.done $0x0  }
0xc9: {  	[sflag:s20] =	ssyncadd.s32 $0xFFFFFFB0  }
0xca: {  	_ =	swait.ge [sflag:s21], $0x50  }
0xcb: {  	[sflag:s21] =	ssyncset.done $0x0  }
0xcc: {  	s15 =	simm.s32 $0x400;
	[sflag:s21] =	ssyncadd.s32 $0xFFFFFFB0  }
0xcd: {  	[tilespmem:s15], [sflag:$0x9] =	stream.indirect.gather [hbm4b:s4+s22], $0x80, s3, s22, $0xb8;
	[tilespmem:$0x1E400] =	vst v63  }
0xce: {  	_ =	swait.ge [sflag:s24], $0x50  }
0xcf: {  	[sflag:s24] =	ssyncset.done $0x0  }
0xd0: {  	[sflag:s24] =	ssyncadd.s32 $0xFFFFFFB0  }
0xd1: {  	_ =	swait.ge [sflag:s25], $0x50  }
0xd2: {  	[sflag:s25] =	ssyncset.done $0x0  }
0xd3: {  	s13 =	simm.s32 $0x2C00;
	[sflag:s25] =	ssyncadd.s32 $0xFFFFFFB0  }
0xd4: {  	[tilespmem:s13], [sflag:$0xA] =	stream.indirect.gather [hbm4b:s4+s22], $0x80, s17, s22, $0xb8;
	[tilespmem:$0x1E400] =	vst v63  }
0xd5: {  	_ =	swait.ge [sflag:s28], $0x50  }
0xd6: {  	[sflag:s28] =	ssyncset.done $0x0  }
0xd7: {  	[sflag:s28] =	ssyncadd.s32 $0xFFFFFFB0  }
0xd8: {  	_ =	swait.ge [sflag:s29], $0x50  }
0xd9: {  	[sflag:s29] =	ssyncset.done $0x0  }
0xda: {  	s17 =	simm.s32 $0x5400;
	[sflag:s29] =	ssyncadd.s32 $0xFFFFFFB0  }
0xdb: {  	[tilespmem:s17], [sflag:$0xB] =	stream.indirect.gather [hbm4b:s4+s22], $0x80, s19, s22, $0xb8;
	[tilespmem:$0x1E400] =	vst v63  }
0xdc: {  	_ =	swait.ge [sflag:s31], $0x50  }
0xdd: {  	[sflag:s31] =	ssyncset.done $0x0  }
0xde: {  	[sflag:s31] =	ssyncadd.s32 $0xFFFFFFB0  }
0xdf: {  	_ =	swait.ge [sflag:s0], $0x50  }
0xe0: {  	[sflag:s0] =	ssyncset.done $0x0  }
0xe1: {  	s30 =	simm.s32 $0x7C00;
	[sflag:s0] =	ssyncadd.s32 $0xFFFFFFB0  }
0xe2: {  	[tilespmem:s30], [sflag:$0xC] =	stream.indirect.gather [hbm4b:s4+s22], $0x80, s23, s22, $0xb8;
	[tilespmem:$0x1E400] =	vst v63  }
0xe3: {  	_ =	swait.ge [sflag:s5], $0x2800  }
0xe4: {  	[sflag:s5] =	ssyncset.done $0x0  }
0xe5: {  	[sflag:s5] =	ssyncadd.s32 $0xFFFFD800  }
0xe6: {  	[spmem:s2] =	stream.indirect.scatter.add.f32 [tilespmem:s15], [sflag:$0xD], $0x80, s16, s22, $0xb8;
	[tilespmem:$0x1E400] =	vst v63  }
0xe7: {  	_ =	swait.ge [sflag:s6], $0x2800  }
0xe8: {  	[sflag:s6] =	ssyncset.done $0x0  }
0xe9: {  	[sflag:s6] =	ssyncadd.s32 $0xFFFFD800  }
0xea: {  	[spmem:s2] =	stream.indirect.scatter.add.f32 [tilespmem:s13], [sflag:$0xE], $0x80, s18, s22, $0xb8;
	[tilespmem:$0x1E400] =	vst v63  }
0xeb: {  	_ =	swait.ge [sflag:s8], $0x2800  }
0xec: {  	[sflag:s8] =	ssyncset.done $0x0  }
0xed: {  	[sflag:s8] =	ssyncadd.s32 $0xFFFFD800  }
0xee: {  	[spmem:s2] =	stream.indirect.scatter.add.f32 [tilespmem:s17], [sflag:$0xF], $0x80, s1, s22, $0xb8;
	[tilespmem:$0x1E400] =	vst v63  }
0xef: {  	_ =	swait.ge [sflag:s9], $0x2800  }
0xf0: {  	[sflag:s9] =	ssyncset.done $0x0  }
0xf1: {  	[sflag:s9] =	ssyncadd.s32 $0xFFFFD800  }
0xf2: {  	[spmem:s2] =	stream.indirect.scatter.add.f32 [tilespmem:s30], [sflag:$0x10], $0x80, s14, s22, $0xb8;
	[tilespmem:$0x1E400] =	vst v63  }
0xf3: {  	_ =	swait.ge [sflag:s10], $0x2800  }
0xf4: {  	[sflag:s10] =	ssyncset.done $0x0  }
0xf5: {  	[sflag:s10] =	ssyncadd.s32 $0xFFFFD800  }
0xf6: {  	_ =	swait.ge [sflag:s11], $0x2800  }
0xf7: {  	[sflag:s11] =	ssyncset.done $0x0  }
0xf8: {  	[sflag:s11] =	ssyncadd.s32 $0xFFFFD800  }
0xf9: {  	_ =	swait.ge [sflag:s7], $0x2800  }
0xfa: {  	[sflag:s7] =	ssyncset.done $0x0  }
0xfb: {  	[sflag:s7] =	ssyncadd.s32 $0xFFFFD800  }
0xfc: {  	_ =	swait.ge [sflag:s12], $0x2800  }
0xfd: {  	[sflag:s12] =	ssyncset.done $0x0  }
0xfe: {  	s14 =	rddreg [dreg:$0xe];
	[sflag:s12] =	ssyncadd.s32 $0xFFFFD800  }
0xff: {  	[tilespmem:s3], [sflag:$0x1] =	stream.linear.gather [hbm4b:s14+s3], $0x50, $0x38;
	[tilespmem:$0x1E400] =	vst v63  }
0x100: {  	s17 =	rddreg [dreg:$0xf]  }
0x101: {  	[tilespmem:s16], [sflag:$0x5] =	stream.linear.gather [hbm4b:s17+s3], $0x50, $0x38;
	[tilespmem:$0x1E400] =	vst v63  }
0x102: {  	_ =	swait.ge [sflag:s20], $0x50  }
0x103: {  	[sflag:s20] =	ssyncset.done $0x0  }
0x104: {  	[sflag:s20] =	ssyncadd.s32 $0xFFFFFFB0  }
0x105: {  	_ =	swait.ge [sflag:s21], $0x50  }
0x106: {  	[sflag:s21] =	ssyncset.done $0x0  }
0x107: {  	[sflag:s21] =	ssyncadd.s32 $0xFFFFFFB0  }
0x108: {  	[tilespmem:s15], [sflag:$0x9] =	stream.indirect.gather [hbm4b:s4+s22], $0x80, s3, s22, $0xb8;
	[tilespmem:$0x1E400] =	vst v63  }
0x109: {  	_ =	swait.ge [sflag:s5], $0x2800  }
0x10a: {  	[sflag:s5] =	ssyncset.done $0x0  }
0x10b: {  	[sflag:s5] =	ssyncadd.s32 $0xFFFFD800  }
0x10c: {  	[spmem:s2] =	stream.indirect.scatter.add.f32 [tilespmem:s15], [sflag:$0xD], $0x80, s16, s22, $0xb8;
	[tilespmem:$0x1E400] =	vst v63  }
0x10d: {  	_ =	swait.ge [sflag:s10], $0x2800  }
0x10e: {  	[sflag:s10] =	ssyncset.done $0x0  }
0x10f: {  	[sflag:s10] =	ssyncadd.s32 $0xFFFFD800  }
0x110: {  	[bflag:$0x0] =	sbarrier.arrive $0xFFFF  }
0x111: {  	s14 =	rddreg [dreg:$0xd]  }
0x112: {  	s18 =	rddreg [dreg:$0x10]  }
0x113: {  	s15 =	simm.s32 $0x11;
	s19 =	rddreg [dreg:$0x13]  }
0x114: {  	[hbm:s18], [sflag:s14] =	dma.local [spmem:s19], $0x2800  }
0x115: {  	_ =	swait.ge [sflag:s15], $0x2800  }
0x116: {  	s23 =	rddreg [dreg:$0x12]  }
0x117: {  	s30 =	rddreg [dreg:$0x11];
	s1 =	sadd.s32 $0x1, s23  }
0x118: {  	p0 =	sne.s32 s1, s30  }
.Ltmp1:
0x119: {  	_ = 	snop;
	(pc) =	sbr.rel @p0 .LBB2_1-.Ltmp1, $3  }
0x11a: {  	_ =	sdelay $0x1  }
0x11b: {  	[sflag:s15] =	ssyncset.done $0x0  }
0x11c: {  	[sflag:s15] =	ssyncadd.s32 $0xFFFFD800  }
0x11d: {  	_ =	sfence.sel $0x180000  }
0x11e: {  	[bflag:$0x0] =	sbarrier.arrive $0xFFFF  }
0x11f: {  	_ =	strace $0x9000004D  }
0x120: {  	s0 =	stileid.u32;
	[bflag:$0x2] =	sbarrier.arrive $0xFFFF  }
0x121: {  	p0 =	sne.s32 s0, $0x0;
	s0 =	rddreg [dreg:$0x2]  }
0x122: {  	s0 =	sadd.s32 @!p0 $0x100000, s0  }
0x123: {  	[sflag:s0] =	ssyncadd.tile.s32 @!p0 $0x1;
	_ =	shalt  }
.Lfunc_end2:
_tile_overlayer_lowered:
.L_overlay_start_2:
0x124: {  	(tag) =	ssettag $0x2  }
0x125: {  	s0 =	rddreg [dreg:$0x0];
	s2 =	stileid.u32  }
0x126: {  	s1 =	rddreg [dreg:$0x1];
	p0 =	sne.s32 s2, $0x0  }
0x127: {  	s3 =	rddreg [dreg:$0x2];
	[bflag:$0x3] =	sbarrier.arrive $0xFFFF;
	s2 =	simm.s32 @!p0 $0x1C11  }
0x128: {  	[timem:s3], [sflag:s2] =	dma.local @!p0 [hbm:s0], s1  }
0x129: {  	s0 =	simm.s32 @!p0 $0x11  }
0x12a: {  	_ =	swait.ge @!p0 [sflag:s0], s1  }
0x12b: {  	s1 =	ssub.s32 @!p0 $0x0, s1;
	[sflag:s0] =	ssyncset.done @!p0 $0x0  }
0x12c: {  	[sflag:s0] =	ssyncadd.s32 @!p0 s1  }
0x12d: {  	[bflag:$0x3] =	sbarrier.arrive $0xFFFF  }
0x12e: {  	_ =	shalt  }

// kernel: kernel.8.cloned.1.call-start
scs
__scs_entry_jumppad:
0x0: {  	(pc) =	sbr.rel $0x88, $3  }
0x1: {  	(tag) =	ssettag $0x0;
	lr =	simm.s32 $0x1  }
0x2: {  	[smem:$0x3F97] =	sst lr;
	_ =	strace $0xD0000000  }
0x3: {  	_ = 	snop  }
0x4: {  	_ = 	snop  }
0x5: {  	_ = 	snop  }
0x6: {  	_ = 	snop  }
0x7: {  	_ = 	snop  }
__scs_overlays_trampoline_lowered:
0x8: {  	[smem:$0x3FA6] =	sst s0  }
0x9: {  	[smem:$0x3FA7] =	sst s1  }
0xa: {  	[smem:$0x3FA8] =	sst s2  }
0xb: {  	[smem:$0x3FA9] =	sst s3  }
0xc: {  	[smem:$0x3FAA] =	sst s4  }
0xd: {  	[smem:$0x3FAB] =	sst s5  }
0xe: {  	[smem:$0x3FAC] =	sst s6  }
0xf: {  	[smem:$0x3FAD] =	sst s7  }
0x10: {  	[smem:$0x3FAE] =	sst s8  }
0x11: {  	[smem:$0x3FAF] =	sst s9;
	s0 =	simm.s32 @!p0 $0x0  }
0x12: {  	s1 =	sld [smem:$0x3F95];
	s0 =	simm.s32 @p0 $0x1  }
0x13: {  	[smem:$0x3FB0] =	sst s0;
	s0 =	simm.s32 @!p1 $0x0  }
0x14: {  	s2 =	sld [smem:$0x3F94];
	s0 =	simm.s32 @p1 $0x1  }
0x15: {  	[smem:$0x3FB1] =	sst s0;
	s0 =	simm.s32 @!p2 $0x0  }
0x16: {  	s3 =	sld [smem:$0x3FDB];
	s0 =	simm.s32 @p2 $0x1  }
0x17: {  	s4 =	simm.s32 $0x1BF5;
	[smem:$0x3FB3] =	sst s0  }
0x18: {  	s0 =	sld [smem:$0x3F96];
	_ =	swait.ge [sflag:s4], $0x0  }
0x19: {  	s7 =	sld [smem:$0x3F97]  }
0x1a: {  	s8 =	sadd.s32 $0xFFFFE003, lr  }
0x1b: {  	s9 =	sadd.s32 $0xFFFFFEF7, lr;
	s5 =	simm.s32 $0xFFFFFFFF;
	p2 =	slt.u32 s8, $0xFFFFF086  }
0x1c: {  	p1 =	slt.u32 s9, $0xF7A;
	s5 =	simm.s32 @!p2 $0x0  }
0x1d: {  	s5 =	simm.s32 @p1 $0x1;
	p0 =	seq.s32 s7, s2  }
0x1e: {  	s7 =	smul.u32 @!p0 $0xF7A, s2;
	p2 =	seq.s32 @!p0 s5, $0x0  }
0x1f: {  	s9 =	smul.u32 $0xF7A, s1;
	s8 =	simm.s32 @!p0 $0x1BF5;
	p2 =	por !p2, p0  }
0x20: {  	[sflag:s8] =	ssyncset.s32 @!p0 $0xFFFFF086;
	s6 =	sadd.s32 @!p0 s3, s7;
	s7 =	simm.s32 @!p0 $0x108  }
0x21: {  	s3 =	sadd.s32 s3, s9;
	s6 =	sadd.s32 @!p0 $0x88, s6;
	s7 =	simm.s32 @p2 $0x1082  }
0x22: {  	[simem:s7], [sflag:s8] =	dma.local @!p0 [hbm:s6], $0xF7A  }
0x23: {  	s9 =	sor.u32 $0xD0000000, s2;
	s6 =	simm.s32 $0x108;
	_ =	swait.ge @!p0 [sflag:s8], $0x0  }
0x24: {  	s3 =	sadd.s32 $0x88, s3;
	s6 =	simm.s32 @!p1 $0x1082;
	[sflag:s4] =	ssyncset.s32 $0xFFFFF086  }
0x25: {  	[simem:s6], [sflag:s4] =	dma.local [hbm:s3], $0xF7A  }
0x26: {  	[smem:$0x3F97] =	sst s1;
	(tag) =	ssettag s2;
	_ =	strace s9  }
0x27: {  	s1 =	sld [smem:$0x3FA7]  }
0x28: {  	s2 =	sld [smem:$0x3FA8]  }
0x29: {  	s4 =	sld [smem:$0x3FAA]  }
0x2a: {  	p0 =	seq.s32 s5, $0x0;
	s5 =	sld [smem:$0x3FAB]  }
0x2b: {  	s6 =	sld [smem:$0x3FAC]  }
0x2c: {  	s7 =	sld [smem:$0x3FAD]  }
0x2d: {  	s3 =	simm.s32 $0x108;
	s8 =	sld [smem:$0x3FAE]  }
0x2e: {  	s3 =	simm.s32 @!p0 $0x1082;
	s9 =	sld [smem:$0x3FAF]  }
0x2f: {  	lr =	sadd.s32 s0, s3;
	s0 =	sld [smem:$0x3FA6]  }
0x30: {  	s3 =	sld [smem:$0x3FA9]  }
0x31: {  	[smem:$0x3FB2] =	sst s10  }
0x32: {  	s10 =	sld [smem:$0x3FB0];
	_ =	sdelay $0x3  }
0x33: {  	p0 =	seq.s32 s10, $0x1;
	s10 =	sld [smem:$0x3FB2];
	_ =	sdelay $0x3  }
0x34: {  	[smem:$0x3FB2] =	sst s10  }
0x35: {  	s10 =	sld [smem:$0x3FB1];
	_ =	sdelay $0x3  }
0x36: {  	p1 =	seq.s32 s10, $0x1;
	s10 =	sld [smem:$0x3FB2];
	_ =	sdelay $0x3  }
0x37: {  	[smem:$0x3FB2] =	sst s10  }
0x38: {  	s10 =	sld [smem:$0x3FB3]  }
0x39: {  	_ = 	snop;
	(pc) =	sbr.ind lr, $3  }
0x3a: {  	_ = 	snop  }
0x3b: {  	_ = 	snop  }
0x3c: {  	p2 =	seq.s32 s10, $0x1;
	s10 =	sld [smem:$0x3FB2]  }
0x3d: {  	_ =	shalt  }
0x3e: {  	_ =	shalt  }
0x3f: {  	_ =	shalt  }
0x40: {  	_ =	shalt  }
0x41: {  	_ =	shalt  }
0x42: {  	_ =	shalt  }
0x43: {  	_ =	shalt  }
0x44: {  	_ =	shalt  }
0x45: {  	_ =	shalt  }
0x46: {  	_ =	shalt  }
0x47: {  	_ =	shalt  }
0x48: {  	_ =	shalt  }
0x49: {  	_ =	shalt  }
0x4a: {  	_ =	shalt  }
0x4b: {  	_ =	shalt  }
0x4c: {  	_ =	shalt  }
0x4d: {  	_ =	shalt  }
0x4e: {  	_ =	shalt  }
0x4f: {  	_ =	shalt  }
0x50: {  	_ =	shalt  }
0x51: {  	_ =	shalt  }
0x52: {  	_ =	shalt  }
0x53: {  	_ =	shalt  }
0x54: {  	_ =	shalt  }
0x55: {  	_ =	shalt  }
0x56: {  	_ =	shalt  }
0x57: {  	_ =	shalt  }
0x58: {  	_ =	shalt  }
0x59: {  	_ =	shalt  }
0x5a: {  	_ =	shalt  }
0x5b: {  	_ =	shalt  }
0x5c: {  	_ =	shalt  }
0x5d: {  	_ =	shalt  }
0x5e: {  	_ =	shalt  }
0x5f: {  	_ =	shalt  }
0x60: {  	_ =	shalt  }
0x61: {  	_ =	shalt  }
0x62: {  	_ =	shalt  }
0x63: {  	_ =	shalt  }
0x64: {  	_ =	shalt  }
0x65: {  	_ =	shalt  }
0x66: {  	_ =	shalt  }
0x67: {  	_ =	shalt  }
0x68: {  	_ =	shalt  }
0x69: {  	_ =	shalt  }
0x6a: {  	_ =	shalt  }
0x6b: {  	_ =	shalt  }
0x6c: {  	_ =	shalt  }
0x6d: {  	_ =	shalt  }
0x6e: {  	_ =	shalt  }
0x6f: {  	_ =	shalt  }
0x70: {  	_ =	shalt  }
0x71: {  	_ =	shalt  }
0x72: {  	_ =	shalt  }
0x73: {  	_ =	shalt  }
0x74: {  	_ =	shalt  }
0x75: {  	_ =	shalt  }
0x76: {  	_ =	shalt  }
0x77: {  	_ =	shalt  }
0x78: {  	_ =	shalt  }
0x79: {  	_ =	shalt  }
0x7a: {  	_ =	shalt  }
0x7b: {  	_ =	shalt  }
0x7c: {  	_ =	shalt  }
0x7d: {  	_ =	shalt  }
0x7e: {  	_ =	shalt  }
0x7f: {  	_ =	shalt  }
0x80: {  	_ =	shalt  }
0x81: {  	_ =	shalt  }
0x82: {  	_ =	shalt  }
0x83: {  	_ =	shalt  }
0x84: {  	_ =	shalt  }
0x85: {  	_ =	shalt  }
0x86: {  	_ =	shalt  }
0x87: {  	_ =	shalt  }
.Lfunc_end0:
.L_simem_size_0:
called_computation_lowered:
.L_overlay_start_0:
0x88: {  	s2 =	sld [smem:$0x3FD9]  }
0x89: {  	s3 =	sld [smem:$0x3FFE];
	_ =	sdelay $0x1  }
0x8a: {  	s1 =	srdreg.scid  }
0x8b: {  	s0 =	sand.u32 $0x1, s1  }
0x8c: {  	s17 =	sshll.u32 s0, $0xA;
	s2 =	sadd.s32 s3, s2  }
0x8d: {  	s2 =	sadd.s32 s2, s17  }
0x8e: {  	[smem:$0x3FBE] =	sst s2  }
0x8f: {  	_ = 	snop  }
0x90: {  	s2 =	sld [smem:$0x3FD0];
	(tm) =	ssettm $0x1  }
0x91: {  	s18 =	sld [smem:$0x3FFB];
	_ =	sdelay $0x3  }
0x92: {  	_ =	strace s18  }
0x93: {  	s3 =	sld [smem:$0x3FFC];
	_ =	sdelay $0x3  }
0x94: {  	_ =	strace s3  }
0x95: {  	s3 =	sld [smem:$0x3FFD];
	_ =	sdelay $0x3  }
0x96: {  	_ =	strace s3  }
0x97: {  	_ =	strace $0x8FFFFFFF  }
0x98: {  	s19 =	sld [smem:$0x3FDB];
	_ =	sdelay $0x1  }
0x99: {  	s4 =	simm.s32 $_scs_section_size  }
0x9a: {  	s5 =	simm.s32 $_size__tile_overlayer_lowered;
	s6 =	simm.s32 $_tile_overlayer_lowered  }
0x9b: {  	s22 =	simm.s32 $0x1BFF;
	s21 =	sshll.u32 s6, $0x1;
	s3 =	sadd.s32 s4, s19  }
0x9c: {  	s7 =	simm.s32 $0x0;
	s20 =	sshll.u32 s5, $0x1;
	s5 =	sadd.s32 s21, s3  }
0x9d: {  	[timem:s7], [sflag:s22] =	dma.local [hbm:s5], s20  }
0x9e: {  	_ =	swait.ge [sflag:s22], s20  }
0x9f: {  	s4 =	ssub.s32 $0x0, s20;
	[sflag:s22] =	ssyncset.done $0x0  }
0xa0: {  	[sflag:s22] =	ssyncadd.s32 s4;
	_ =	sdelay $0x1  }
0xa1: {  	s23 =	simm.s32 $0x1B8B  }
0xa2: {  	_ =	swait.ge [sflag:s23], $0x1  }
0xa3: {  	[sflag:s23] =	ssyncset.done $0x0  }
0xa4: {  	s25 =	simm.s32 $0x1B8E;
	s24 =	sld [smem:$0x3FFE];
	[sflag:s23] =	ssyncadd.s32 $0xFFFFFFFF  }
0xa5: {  	s26 =	simm.s32 $execute0_lowered;
	[smem:$0x3FD2] =	sst s25  }
0xa6: {  	s5 =	sshll.u32 s26, $0x1;
	_ =	strace $0x80000046;
	[dreg:$0x1] =	wrdreg $0xFFFFFFFF  }
0xa7: {  	s28 =	simm.s32 $_size_execute0_lowered;
	s3 =	sadd.s32 s3, s5;
	[dreg:$0x0] =	wrdreg $0x0  }
0xa8: {  	s5 =	sshll.u32 s28, $0x1;
	[dreg:$0x2] =	wrdreg s3  }
0xa9: {  	[dreg:$0x3] =	wrdreg s5  }
0xaa: {  	[dreg:$0x4] =	wrdreg $0xC0  }
0xab: {  	_ =	task [dreg:s7], $0x5FFFF  }
0xac: {  	[dreg:$0x1] =	wrdreg $0xFFFFFFFF  }
0xad: {  	[dreg:$0x0] =	wrdreg $0x60  }
0xae: {  	[dreg:$0x2] =	wrdreg s24  }
0xaf: {  	[dreg:$0x3] =	wrdreg s2  }
0xb0: {  	[dreg:$0x4] =	wrdreg $0x8000  }
0xb1: {  	[dreg:$0x5] =	wrdreg $0x9  }
0xb2: {  	_ =	task.clear_ibuf [dreg:s7], $0x6FFFF;
	_ =	strace $0x90000046  }
0xb3: {  	s29 =	simm.s32 $0x9;
	_ =	strace $0x80000048  }
0xb4: {  	_ =	swait.ge [sflag:s29], $0x1  }
0xb5: {  	[sflag:s29] =	ssyncadd.s32 $0xFFFFFFFF  }
0xb6: {  	_ =	strace $0x90000048  }
0xb7: {  	_ =	sfence  }
0xb8: {  	s30 =	sld [smem:$0x0];
	_ =	sdelay $0x2  }
0xb9: {  	s31 =	sshll.u32 s1, $0xD;
	s1 =	sshrl.u32 s1, $0x2  }
0xba: {  	s3 =	sand.u32 $0x4000, s31;
	s1 =	sadd.s32 s1, s30  }
0xbb: {  	s0 =	sor.u32 s3, s0;
	s1 =	sshll.u32 s1, $0x11  }
0xbc: {  	s0 =	sor.u32 s1, s0  }
0xbd: {  	s0 =	sadd.s32 $0x8F2B, s0  }
0xbe: {  	[sflag:s0] =	ssyncadd.remote.s32 $0x1  }
0xbf: {  	_ =	sfence.sel $0xFFFF  }
0xc0: {  	[dreg:$0x0] =	wrdreg $0xFFFFFFFF;
	(pc) =	sbr.abs _section_cstart, $3  }
0xc1: {  	[dreg:$0x1] =	wrdreg $0xFFFFFFFF  }
0xc2: {  	_ =	task.clear_ibuf [dreg:s7], $0x2FFFF;
	_ =	strace $0x9FFFFFFF  }
0xc3: {  	(tm) =	ssettm $0x7FFFFFFF  }
tec
execute0_lowered:
.L_overlay_start_1:
0x0: {  	(tag) =	ssettag $0x1  }
0x1: {  	s1 =	rddreg [dreg:$0x0]  }
0x2: {  	s0 =	rddreg [dreg:$0x1]  }
0x3: {  	s13 =	stileid.u32;
	s3 =	srdreg.scid  }
0x4: {  	s2 =	rddreg [dreg:$0x2];
	s28 =	simm.s32 $0xB;
	s4 =	smul.u32 $0x280, s13  }
0x5: {  	s29 =	simm.s32 $0x10;
	s5 =	sand.u32 $0x1, s3;
	s7 =	smul.u32 $0x2710, s13  }
0x6: {  	s3 =	simm.s32 $0x0;
	s8 =	sadd.s32 $0x2C00, s1;
	s15 =	smul.u32 $0x5000, s13  }
0x7: {  	s9 =	sadd.s32 $0xCA00, s1;
	s23 =	sshll.u32 s13, $0x6;
	s6 =	smul.u32 $0x27100, s5  }
0x8: {  	[smem:$0x7FF] =	sst s3;
	s14 =	ssub.s32 $0x2, s5;
	s5 =	smul.u32 $0x2800, s5  }
0x9: {  	_ =	strace $0x80000047;
	[dreg:$0x1c] =	wrdreg s9;
	s4 =	sadd.s32 s4, s1  }
0xa: {  	s1 =	sadd.s32 $0x11E00, s1;
	s11 =	sshrl.u32 s14, $0x1;
	s9 =	sshrl.u32 s15, $0x2  }
0xb: {  	s6 =	sadd.s32 s7, s6;
	s7 =	ssub.s32 s14, s11;
	s9 =	sadd.s32 s9, s2  }
0xc: {  	s11 =	sor.u32 $0x1C15, s23;
	s4 =	sadd.s32 s5, s4;
	s23 =	simm.s32 $0x580  }
0xd: {  	s10 =	sadd.s32 $0x140, s6;
	s12 =	sadd.s32 $0xF0, s6;
	[dreg:$0x1d] =	wrdreg s9  }
0xe: {  	s26 =	sadd.s32 $0x50, s6;
	s4 =	sadd.s32 $0xCE00, s4;
	[dreg:$0x18] =	wrdreg s23  }
0xf: {  	[dreg:$0x1e] =	wrdreg s11;
	s10 =	sshrl.u32 s10, $0x3;
	s18 =	sshrl.u32 s12, $0x3  }
0x10: {  	s12 =	sshrl.u32 s26, $0x3;
	[dreg:$0x1f] =	wrdreg s4;
	s26 =	simm.s32 $0x700  }
0x11: {  	s30 =	simm.s32 $0xC;
	s16 =	sadd.s32 s10, s1;
	[dreg:$0x1b] =	wrdreg s26  }
0x12: {  	s31 =	simm.s32 $0x11;
	s17 =	sadd.s32 s10, s0;
	[dreg:$0x4] =	wrdreg s16  }
0x13: {  	s5 =	simm.s32 $0x13;
	s10 =	sadd.s32 s10, s8;
	[dreg:$0x5] =	wrdreg s17  }
0x14: {  	s21 =	sadd.s32 $0xA0, s6;
	s19 =	sadd.s32 s18, s1;
	[dreg:$0x6] =	wrdreg s10  }
0x15: {  	s6 =	sshrl.u32 s6, $0x3;
	s20 =	sadd.s32 s18, s0;
	[dreg:$0x7] =	wrdreg s19  }
0x16: {  	s9 =	simm.s32 $0x15;
	s22 =	sadd.s32 s18, s8;
	[dreg:$0x8] =	wrdreg s20  }
0x17: {  	s23 =	simm.s32 $0x4;
	s13 =	sadd.s32 s12, s1;
	[dreg:$0x9] =	wrdreg s22  }
0x18: {  	s4 =	simm.s32 $0xE;
	s14 =	sadd.s32 s12, s0;
	[dreg:$0xd] =	wrdreg s13  }
0x19: {  	s15 =	sadd.s32 s12, s8;
	s18 =	simm.s32 $0x80;
	[dreg:$0xe] =	wrdreg s14  }
0x1a: {  	s26 =	simm.s32 $0xA;
	s12 =	simm.s32 $0x480;
	[dreg:$0xf] =	wrdreg s15  }
0x1b: {  	s10 =	sshrl.u32 s21, $0x3;
	s16 =	smax.u32 s7, $0x1;
	[dreg:$0x13] =	wrdreg s18  }
0x1c: {  	s17 =	sadd.s32 s6, s8;
	s19 =	simm.s32 $0x100;
	[smem:$0x7FD] =	sst s16  }
0x1d: {  	s20 =	simm.s32 $0x180;
	s21 =	simm.s32 $0x200;
	[dreg:$0x12] =	wrdreg s17  }
0x1e: {  	s22 =	simm.s32 $0x500;
	s18 =	simm.s32 $0x780;
	[dreg:$0x14] =	wrdreg s19  }
0x1f: {  	s7 =	simm.s32 $0xF;
	s13 =	simm.s32 $0x300;
	[dreg:$0x15] =	wrdreg s20  }
0x20: {  	s14 =	simm.s32 $0x380;
	s15 =	simm.s32 $0x400;
	[dreg:$0x16] =	wrdreg s21  }
0x21: {  	s24 =	sadd.s32 s10, s1;
	s25 =	sadd.s32 s10, s0;
	[dreg:$0x17] =	wrdreg s22  }
0x22: {  	s10 =	sadd.s32 s10, s8;
	s1 =	sadd.s32 s6, s1;
	[dreg:$0xa] =	wrdreg s24  }
0x23: {  	s0 =	sadd.s32 s6, s0;
	s16 =	simm.s32 $0x6;
	[dreg:$0xb] =	wrdreg s25  }
0x24: {  	s17 =	simm.s32 $0x50;
	s19 =	simm.s32 $0x2;
	[dreg:$0xc] =	wrdreg s10  }
0x25: {  	s20 =	simm.s32 $0x7;
	s21 =	simm.s32 $0x3;
	[dreg:$0x10] =	wrdreg s1  }
0x26: {  	s22 =	simm.s32 $0x8;
	s8 =	simm.s32 $0x14;
	[dreg:$0x11] =	wrdreg s0  }
0x27: {  	s24 =	simm.s32 $0x600;
	s25 =	simm.s32 $0x680;
	s1 =	simm.s32 $0xD  }
0x28: {  	s0 =	simm.s32 $0x12;
	s10 =	simm.s32 $0x0;
	[dreg:$0x19] =	wrdreg s24  }
0x29: {  	v0 =	vimm.f32 $1.000000000e+00;
	[dreg:$0x1a] =	wrdreg s25;
	s24 =	simm.s32 $0x9;
	s25 =	simm.s32 $0x5  }
.LBB2_1:
0x2a: {  	[tilespmem:$0x780] =	vst v0  }
0x2b: {  	[smem:$0x7FB] =	sst s10;
	[tilespmem:$0x790] =	vst v0  }
0x2c: {  	[tilespmem:$0x7A0] =	vst v0;
	s6 =	rddreg [dreg:$0x1d]  }
0x2d: {  	[tilespmem:$0x7B0] =	vst v0;
	s10 =	sshrl.u32 s6, $0x3;
	s6 =	rddreg [dreg:$0x1c]  }
0x2e: {  	[tilespmem:$0x7C0] =	vst v0;
	[smem:$0x7FC] =	sst s10  }
0x2f: {  	[spmem:s10], [sflag:s11] =	dma.local [hbm:s6], $0x280  }
0x30: {  	_ =	swait.ge [sflag:s9], $0x280  }
0x31: {  	[sflag:s9] =	ssyncset.done $0x0  }
0x32: {  	[sflag:s9] =	ssyncadd.s32 $0xFFFFFD80  }
0x33: {  	s11 =	simm.s32 $0x280;
	s9 =	simm.s32 $0x0;
	[bflag:$0x0] =	sbarrier.arrive $0xFFFF  }
.LBB2_2:
0x34: {  	s6 =	rddreg [dreg:$0x12]  }
0x35: {  	s10 =	rddreg [dreg:$0x11];
	s6 =	sadd.s32 s9, s6  }
0x36: {  	[tilespmem:s3], [sflag:$0x1] =	stream.linear.gather [hbm4b:s6+s3], $0x50, $0x38;
	[tilespmem:$0x1C00] =	vst v63  }
0x37: {  	s10 =	sadd.s32 s9, s10;
	s6 =	rddreg [dreg:$0xf]  }
0x38: {  	[tilespmem:s11], [sflag:$0x6] =	stream.linear.gather [hbm4b:s10+s3], $0x50, $0x38;
	[tilespmem:$0x1C00] =	vst v63  }
0x39: {  	s10 =	rddreg [dreg:$0x13]  }
0x3a: {  	s6 =	sadd.s32 s9, s6;
	s11 =	rddreg [dreg:$0xe]  }
0x3b: {  	[tilespmem:s10], [sflag:$0x2] =	stream.linear.gather [hbm4b:s6+s3], $0x50, $0x38;
	[tilespmem:$0x1C00] =	vst v63  }
0x3c: {  	s6 =	rddreg [dreg:$0xc]  }
0x3d: {  	s11 =	sadd.s32 s9, s11;
	s10 =	rddreg [dreg:$0x14]  }
0x3e: {  	[tilespmem:s13], [sflag:$0x7] =	stream.linear.gather [hbm4b:s11+s3], $0x50, $0x38;
	[tilespmem:$0x1C00] =	vst v63  }
0x3f: {  	s6 =	sadd.s32 s9, s6;
	s11 =	rddreg [dreg:$0xb]  }
0x40: {  	[tilespmem:s10], [sflag:$0x3] =	stream.linear.gather [hbm4b:s6+s3], $0x50, $0x38;
	[tilespmem:$0x1C00] =	vst v63  }
0x41: {  	s6 =	rddreg [dreg:$0x9]  }
0x42: {  	s10 =	sadd.s32 s9, s11;
	s11 =	rddreg [dreg:$0x8]  }
0x43: {  	[tilespmem:s14], [sflag:$0x8] =	stream.linear.gather [hbm4b:s10+s3], $0x50, $0x38;
	[tilespmem:$0x1C00] =	vst v63  }
0x44: {  	s6 =	sadd.s32 s9, s6;
	s10 =	rddreg [dreg:$0x15]  }
0x45: {  	[tilespmem:s10], [sflag:$0x4] =	stream.linear.gather [hbm4b:s6+s3], $0x50, $0x38;
	[tilespmem:$0x1C00] =	vst v63  }
0x46: {  	s6 =	rddreg [dreg:$0x6]  }
0x47: {  	s11 =	sadd.s32 s9, s11;
	s10 =	rddreg [dreg:$0x16]  }
0x48: {  	[tilespmem:s15], [sflag:$0x9] =	stream.linear.gather [hbm4b:s11+s3], $0x50, $0x38;
	[tilespmem:$0x1C00] =	vst v63  }
0x49: {  	s6 =	sadd.s32 s9, s6;
	s11 =	rddreg [dreg:$0x5]  }
0x4a: {  	[tilespmem:s10], [sflag:$0x5] =	stream.linear.gather [hbm4b:s6+s3], $0x50, $0x38;
	[tilespmem:$0x1C00] =	vst v63  }
0x4b: {  	s10 =	sadd.s32 s9, s11  }
0x4c: {  	[tilespmem:s12], [sflag:$0xA] =	stream.linear.gather [hbm4b:s10+s3], $0x50, $0x38;
	[tilespmem:$0x1C00] =	vst v63  }
0x4d: {  	s10 =	simm.s32 $0x1  }
0x4e: {  	_ =	swait.ge [sflag:s10], $0x50  }
0x4f: {  	[sflag:s10] =	ssyncset.done $0x0  }
0x50: {  	[sflag:s10] =	ssyncadd.s32 $0xFFFFFFB0  }
0x51: {  	_ =	swait.ge [sflag:s16], $0x50  }
0x52: {  	[sflag:s16] =	ssyncset.done $0x0  }
0x53: {  	[sflag:s16] =	ssyncadd.s32 $0xFFFFFFB0  }
0x54: {  	v1 =	vld [tilespmem:$0x0]  }
0x55: {  	v2 =	vld [tilespmem:$0x280]  }
0x56: {  	v3 =	vld [tilespmem:$0x10]  }
0x57: {  	v4 =	vld [tilespmem:$0x290]  }
0x58: {  	v5 =	vld [tilespmem:$0x20]  }
0x59: {  	v6 =	vld [tilespmem:$0x2A0]  }
0x5a: {  	v7 =	vld [tilespmem:$0x2B0];
	vm0 =	veq.s32 v1, v2  }
0x5b: {  	v1 =	vld [tilespmem:$0x30];
	v2 =	vsel vm0, $0x2710, v2  }
0x5c: {  	v43 =	vld [tilespmem:$0x2C0];
	vm4 =	veq.s32 v3, v4;
	[tilespmem:$0x280] =	vst v2;
	v2 =	vshll.u32 v2, $0x3  }
0x5d: {  	v3 =	vld [tilespmem:$0x40];
	[tilespmem:$0x500] =	vst v2;
	v2 =	vsel vm4, $0x2710, v4  }
0x5e: {  	vm5 =	veq.s32 v5, v6;
	[tilespmem:$0x290] =	vst v2;
	v2 =	vshll.u32 v2, $0x3  }
0x5f: {  	[tilespmem:$0x510] =	vst v2;
	v2 =	vsel vm5, $0x2710, v6  }
0x60: {  	vm6 =	veq.s32 v1, v7;
	[tilespmem:$0x2A0] =	vst v2;
	v2 =	vshll.u32 v2, $0x3  }
0x61: {  	v1 =	vsel vm6, $0x2710, v7;
	[tilespmem:$0x520] =	vst v2  }
0x62: {  	vm7 =	veq.s32 v3, v43;
	[tilespmem:$0x2B0] =	vst v1;
	v1 =	vshll.u32 v1, $0x3  }
0x63: {  	[tilespmem:$0x530] =	vst v1;
	v1 =	vsel vm7, $0x2710, v43  }
0x64: {  	s6 =	rddreg [dreg:$0x17];
	[tilespmem:$0x2C0] =	vst v1;
	v1 =	vshll.u32 v1, $0x3  }
0x65: {  	s10 =	rddreg [dreg:$0x10];
	[tilespmem:$0x540] =	vst v1  }
0x66: {  	[spmem:s2] =	stream.indirect.scatter.add.f32 [tilespmem:s18], [sflag:$0xB], $0x1, s6, s17, $0xb8;
	[tilespmem:$0x1C00] =	vst v63  }
0x67: {  	s11 =	simm.s32 $0x280;
	s10 =	sadd.s32 s9, s10  }
0x68: {  	[hbm4b:s10+s3] =	stream.linear.scatter [tilespmem:s11], [sflag:$0x10], $0x50, $0x38;
	[tilespmem:$0x1C00] =	vst v63  }
0x69: {  	_ =	swait.ge [sflag:s19], $0x50  }
0x6a: {  	[sflag:s19] =	ssyncset.done $0x0  }
0x6b: {  	[sflag:s19] =	ssyncadd.s32 $0xFFFFFFB0  }
0x6c: {  	_ =	swait.ge [sflag:s20], $0x50  }
0x6d: {  	[sflag:s20] =	ssyncset.done $0x0  }
0x6e: {  	[sflag:s20] =	ssyncadd.s32 $0xFFFFFFB0  }
0x6f: {  	v1 =	vld [tilespmem:$0x80]  }
0x70: {  	v2 =	vld [tilespmem:$0x300]  }
0x71: {  	v3 =	vld [tilespmem:$0x90]  }
0x72: {  	v44 =	vld [tilespmem:$0x310]  }
0x73: {  	v45 =	vld [tilespmem:$0xA0]  }
0x74: {  	v46 =	vld [tilespmem:$0x320]  }
0x75: {  	v47 =	vld [tilespmem:$0x330];
	vm8 =	veq.s32 v1, v2  }
0x76: {  	v1 =	vld [tilespmem:$0xB0];
	v2 =	vsel vm8, $0x2710, v2  }
0x77: {  	v48 =	vld [tilespmem:$0x340];
	vm9 =	veq.s32 v3, v44;
	[tilespmem:$0x300] =	vst v2;
	v2 =	vshll.u32 v2, $0x3  }
0x78: {  	v3 =	vld [tilespmem:$0xC0];
	[tilespmem:$0x580] =	vst v2;
	v2 =	vsel vm9, $0x2710, v44  }
0x79: {  	vm10 =	veq.s32 v45, v46;
	[tilespmem:$0x310] =	vst v2;
	v2 =	vshll.u32 v2, $0x3  }
0x7a: {  	[tilespmem:$0x590] =	vst v2;
	v2 =	vsel vm10, $0x2710, v46  }
0x7b: {  	vm11 =	veq.s32 v1, v47;
	[tilespmem:$0x320] =	vst v2;
	v2 =	vshll.u32 v2, $0x3  }
0x7c: {  	v1 =	vsel vm11, $0x2710, v47;
	[tilespmem:$0x5A0] =	vst v2  }
0x7d: {  	vm12 =	veq.s32 v3, v48;
	[tilespmem:$0x330] =	vst v1;
	v1 =	vshll.u32 v1, $0x3  }
0x7e: {  	[tilespmem:$0x5B0] =	vst v1;
	v1 =	vsel vm12, $0x2710, v48  }
0x7f: {  	s6 =	rddreg [dreg:$0x18];
	[tilespmem:$0x340] =	vst v1;
	v1 =	vshll.u32 v1, $0x3  }
0x80: {  	s10 =	rddreg [dreg:$0xd];
	[tilespmem:$0x5C0] =	vst v1  }
0x81: {  	[spmem:s2] =	stream.indirect.scatter.add.f32 [tilespmem:s18], [sflag:$0xC], $0x1, s6, s17, $0xb8;
	[tilespmem:$0x1C00] =	vst v63  }
0x82: {  	s10 =	sadd.s32 s9, s10  }
0x83: {  	[hbm4b:s10+s3] =	stream.linear.scatter [tilespmem:s13], [sflag:$0x11], $0x50, $0x38;
	[tilespmem:$0x1C00] =	vst v63  }
0x84: {  	_ =	swait.ge [sflag:s21], $0x50  }
0x85: {  	[sflag:s21] =	ssyncset.done $0x0  }
0x86: {  	[sflag:s21] =	ssyncadd.s32 $0xFFFFFFB0  }
0x87: {  	_ =	swait.ge [sflag:s22], $0x50  }
0x88: {  	[sflag:s22] =	ssyncset.done $0x0  }
0x89: {  	[sflag:s22] =	ssyncadd.s32 $0xFFFFFFB0  }
0x8a: {  	v1 =	vld [tilespmem:$0x100]  }
0x8b: {  	v2 =	vld [tilespmem:$0x380]  }
0x8c: {  	v3 =	vld [tilespmem:$0x110]  }
0x8d: {  	v49 =	vld [tilespmem:$0x390]  }
0x8e: {  	v50 =	vld [tilespmem:$0x120]  }
0x8f: {  	v51 =	vld [tilespmem:$0x3A0]  }
0x90: {  	v52 =	vld [tilespmem:$0x3B0];
	vm13 =	veq.s32 v1, v2  }
0x91: {  	v1 =	vld [tilespmem:$0x130];
	v2 =	vsel vm13, $0x2710, v2  }
0x92: {  	v53 =	vld [tilespmem:$0x3C0];
	vm14 =	veq.s32 v3, v49;
	[tilespmem:$0x380] =	vst v2;
	v2 =	vshll.u32 v2, $0x3  }
0x93: {  	v3 =	vld [tilespmem:$0x140];
	[tilespmem:$0x600] =	vst v2;
	v2 =	vsel vm14, $0x2710, v49  }
0x94: {  	vm15 =	veq.s32 v50, v51;
	[tilespmem:$0x390] =	vst v2;
	v2 =	vshll.u32 v2, $0x3  }
0x95: {  	[tilespmem:$0x610] =	vst v2;
	v2 =	vsel vm15, $0x2710, v51  }
0x96: {  	vm4 =	veq.s32 v1, v52;
	[tilespmem:$0x3A0] =	vst v2;
	v2 =	vshll.u32 v2, $0x3  }
0x97: {  	v1 =	vsel vm4, $0x2710, v52;
	[tilespmem:$0x620] =	vst v2  }
0x98: {  	vm5 =	veq.s32 v3, v53;
	[tilespmem:$0x3B0] =	vst v1;
	v1 =	vshll.u32 v1, $0x3  }
0x99: {  	[tilespmem:$0x630] =	vst v1;
	v1 =	vsel vm5, $0x2710, v53  }
0x9a: {  	s6 =	rddreg [dreg:$0x19];
	[tilespmem:$0x3C0] =	vst v1;
	v1 =	vshll.u32 v1, $0x3  }
0x9b: {  	s10 =	rddreg [dreg:$0xa];
	[tilespmem:$0x640] =	vst v1  }
0x9c: {  	[spmem:s2] =	stream.indirect.scatter.add.f32 [tilespmem:s18], [sflag:$0xD], $0x1, s6, s17, $0xb8;
	[tilespmem:$0x1C00] =	vst v63  }
0x9d: {  	s10 =	sadd.s32 s9, s10  }
0x9e: {  	[hbm4b:s10+s3] =	stream.linear.scatter [tilespmem:s14], [sflag:$0x12], $0x50, $0x38;
	[tilespmem:$0x1C00] =	vst v63  }
0x9f: {  	_ =	swait.ge [sflag:s23], $0x50  }
0xa0: {  	[sflag:s23] =	ssyncset.done $0x0  }
0xa1: {  	[sflag:s23] =	ssyncadd.s32 $0xFFFFFFB0  }
0xa2: {  	_ =	swait.ge [sflag:s24], $0x50  }
0xa3: {  	[sflag:s24] =	ssyncset.done $0x0  }
0xa4: {  	[sflag:s24] =	ssyncadd.s32 $0xFFFFFFB0  }
0xa5: {  	v1 =	vld [tilespmem:$0x180]  }
0xa6: {  	v2 =	vld [tilespmem:$0x400]  }
0xa7: {  	v3 =	vld [tilespmem:$0x190]  }
0xa8: {  	v54 =	vld [tilespmem:$0x410]  }
0xa9: {  	v55 =	vld [tilespmem:$0x1A0]  }
0xaa: {  	v56 =	vld [tilespmem:$0x420]  }
0xab: {  	v57 =	vld [tilespmem:$0x430];
	vm6 =	veq.s32 v1, v2  }
0xac: {  	v1 =	vld [tilespmem:$0x1B0];
	v2 =	vsel vm6, $0x2710, v2  }
0xad: {  	v58 =	vld [tilespmem:$0x440];
	vm7 =	veq.s32 v3, v54;
	[tilespmem:$0x400] =	vst v2;
	v2 =	vshll.u32 v2, $0x3  }
0xae: {  	v3 =	vld [tilespmem:$0x1C0];
	[tilespmem:$0x680] =	vst v2;
	v2 =	vsel vm7, $0x2710, v54  }
0xaf: {  	vm8 =	veq.s32 v55, v56;
	[tilespmem:$0x410] =	vst v2;
	v2 =	vshll.u32 v2, $0x3  }
0xb0: {  	[tilespmem:$0x690] =	vst v2;
	v2 =	vsel vm8, $0x2710, v56  }
0xb1: {  	vm9 =	veq.s32 v1, v57;
	[tilespmem:$0x420] =	vst v2;
	v2 =	vshll.u32 v2, $0x3  }
0xb2: {  	v1 =	vsel vm9, $0x2710, v57;
	[tilespmem:$0x6A0] =	vst v2  }
0xb3: {  	vm10 =	veq.s32 v3, v58;
	[tilespmem:$0x430] =	vst v1;
	v1 =	vshll.u32 v1, $0x3  }
0xb4: {  	[tilespmem:$0x6B0] =	vst v1;
	v1 =	vsel vm10, $0x2710, v58  }
0xb5: {  	s6 =	rddreg [dreg:$0x1a];
	[tilespmem:$0x440] =	vst v1;
	v1 =	vshll.u32 v1, $0x3  }
0xb6: {  	s10 =	rddreg [dreg:$0x7];
	[tilespmem:$0x6C0] =	vst v1  }
0xb7: {  	[spmem:s2] =	stream.indirect.scatter.add.f32 [tilespmem:s18], [sflag:$0xE], $0x1, s6, s17, $0xb8;
	[tilespmem:$0x1C00] =	vst v63  }
0xb8: {  	s10 =	sadd.s32 s9, s10  }
0xb9: {  	[hbm4b:s10+s3] =	stream.linear.scatter [tilespmem:s15], [sflag:$0x13], $0x50, $0x38;
	[tilespmem:$0x1C00] =	vst v63  }
0xba: {  	_ =	swait.ge [sflag:s25], $0x50  }
0xbb: {  	[sflag:s25] =	ssyncset.done $0x0  }
0xbc: {  	[sflag:s25] =	ssyncadd.s32 $0xFFFFFFB0  }
0xbd: {  	_ =	swait.ge [sflag:s26], $0x50  }
0xbe: {  	[sflag:s26] =	ssyncset.done $0x0  }
0xbf: {  	[sflag:s26] =	ssyncadd.s32 $0xFFFFFFB0  }
0xc0: {  	v1 =	vld [tilespmem:$0x200]  }
0xc1: {  	v2 =	vld [tilespmem:$0x480]  }
0xc2: {  	v3 =	vld [tilespmem:$0x210]  }
0xc3: {  	v59 =	vld [tilespmem:$0x490]  }
0xc4: {  	v60 =	vld [tilespmem:$0x220]  }
0xc5: {  	v61 =	vld [tilespmem:$0x4A0]  }
0xc6: {  	v62 =	vld [tilespmem:$0x4B0];
	vm11 =	veq.s32 v1, v2  }
0xc7: {  	v1 =	vld [tilespmem:$0x230];
	v2 =	vsel vm11, $0x2710, v2  }
0xc8: {  	v63 =	vld [tilespmem:$0x4C0];
	vm12 =	veq.s32 v3, v59;
	[tilespmem:$0x480] =	vst v2;
	v2 =	vshll.u32 v2, $0x3  }
0xc9: {  	v3 =	vld [tilespmem:$0x240];
	[tilespmem:$0x700] =	vst v2;
	v2 =	vsel vm12, $0x2710, v59  }
0xca: {  	vm13 =	veq.s32 v60, v61;
	[tilespmem:$0x490] =	vst v2;
	v2 =	vshll.u32 v2, $0x3  }
0xcb: {  	[tilespmem:$0x710] =	vst v2;
	v2 =	vsel vm13, $0x2710, v61  }
0xcc: {  	vm14 =	veq.s32 v1, v62;
	[tilespmem:$0x4A0] =	vst v2;
	v1 =	vshll.u32 v2, $0x3  }
0xcd: {  	[tilespmem:$0x720] =	vst v1;
	v1 =	vsel vm14, $0x2710, v62  }
0xce: {  	vm15 =	veq.s32 v3, v63;
	[tilespmem:$0x4B0] =	vst v1;
	v1 =	vshll.u32 v1, $0x3  }
0xcf: {  	[tilespmem:$0x730] =	vst v1;
	v1 =	vsel vm15, $0x2710, v63  }
0xd0: {  	s6 =	rddreg [dreg:$0x1b];
	[tilespmem:$0x4C0] =	vst v1;
	v1 =	vshll.u32 v1, $0x3  }
0xd1: {  	s10 =	rddreg [dreg:$0x4];
	[tilespmem:$0x740] =	vst v1  }
0xd2: {  	[spmem:s2] =	stream.indirect.scatter.add.f32 [tilespmem:s18], [sflag:$0xF], $0x1, s6, s17, $0xb8;
	[tilespmem:$0x1C00] =	vst v63  }
0xd3: {  	s6 =	sadd.s32 s9, s10;
	s10 =	simm.s32 $0x480  }
0xd4: {  	[hbm4b:s6+s3] =	stream.linear.scatter [tilespmem:s10], [sflag:$0x14], $0x50, $0x38;
	[tilespmem:$0x1C00] =	vst v63  }
0xd5: {  	_ =	swait.ge [sflag:s28], $0x50  }
0xd6: {  	[sflag:s28] =	ssyncset.done $0x0  }
0xd7: {  	[sflag:s28] =	ssyncadd.s32 $0xFFFFFFB0  }
0xd8: {  	_ =	swait.ge [sflag:s29], $0x50  }
0xd9: {  	[sflag:s29] =	ssyncset.done $0x0  }
0xda: {  	[sflag:s29] =	ssyncadd.s32 $0xFFFFFFB0  }
0xdb: {  	_ =	swait.ge [sflag:s30], $0x50  }
0xdc: {  	[sflag:s30] =	ssyncset.done $0x0  }
0xdd: {  	[sflag:s30] =	ssyncadd.s32 $0xFFFFFFB0  }
0xde: {  	_ =	swait.ge [sflag:s31], $0x50  }
0xdf: {  	[sflag:s31] =	ssyncset.done $0x0  }
0xe0: {  	[sflag:s31] =	ssyncadd.s32 $0xFFFFFFB0  }
0xe1: {  	_ =	swait.ge [sflag:s1], $0x50  }
0xe2: {  	[sflag:s1] =	ssyncset.done $0x0  }
0xe3: {  	[sflag:s1] =	ssyncadd.s32 $0xFFFFFFB0  }
0xe4: {  	_ =	swait.ge [sflag:s0], $0x50  }
0xe5: {  	[sflag:s0] =	ssyncset.done $0x0  }
0xe6: {  	[sflag:s0] =	ssyncadd.s32 $0xFFFFFFB0  }
0xe7: {  	_ =	swait.ge [sflag:s4], $0x50  }
0xe8: {  	[sflag:s4] =	ssyncset.done $0x0  }
0xe9: {  	[sflag:s4] =	ssyncadd.s32 $0xFFFFFFB0  }
0xea: {  	_ =	swait.ge [sflag:s5], $0x50  }
0xeb: {  	[sflag:s5] =	ssyncset.done $0x0  }
0xec: {  	[sflag:s5] =	ssyncadd.s32 $0xFFFFFFB0  }
0xed: {  	p0 =	sne.s32 s9, $0x4B0;
	_ =	swait.ge [sflag:s7], $0x50  }
.Ltmp0:
0xee: {  	[sflag:s7] =	ssyncset.done $0x0;
	(pc) =	sbr.rel @p0 .LBB2_2-.Ltmp0, $4  }
0xef: {  	[sflag:s7] =	ssyncadd.s32 $0xFFFFFFB0  }
0xf0: {  	_ =	swait.ge [sflag:s8], $0x50  }
0xf1: {  	[sflag:s8] =	ssyncset.done $0x0  }
0xf2: {  	s9 =	sadd.s32 $0x32, s9;
	[sflag:s8] =	ssyncadd.s32 $0xFFFFFFB0  }
0xf3: {  	[bflag:$0x0] =	sbarrier.arrive $0xFFFF  }
0xf4: {  	s9 =	sld [smem:$0x7FC]  }
0xf5: {  	s11 =	rddreg [dreg:$0x1e]  }
0xf6: {  	s6 =	rddreg [dreg:$0x1f]  }
0xf7: {  	[hbm:s6], [sflag:s11] =	dma.local [spmem:s9], $0x280  }
0xf8: {  	s9 =	simm.s32 $0x15  }
0xf9: {  	_ =	swait.ge [sflag:s9], $0x280  }
0xfa: {  	s10 =	sld [smem:$0x7FB]  }
0xfb: {  	s6 =	sld [smem:$0x7FD];
	_ =	sdelay $0x1  }
0xfc: {  	s10 =	sadd.s32 $0x1, s10  }
0xfd: {  	p0 =	sne.s32 s10, s6  }
.Ltmp1:
0xfe: {  	_ = 	snop;
	(pc) =	sbr.rel @p0 .LBB2_1-.Ltmp1, $3  }
0xff: {  	_ =	sdelay $0x1  }
0x100: {  	[sflag:s9] =	ssyncset.done $0x0  }
0x101: {  	[sflag:s9] =	ssyncadd.s32 $0xFFFFFD80  }
0x102: {  	_ =	sfence.sel $0x180000  }
0x103: {  	[bflag:$0x0] =	sbarrier.arrive $0xFFFF  }
0x104: {  	_ =	strace $0x90000047  }
0x105: {  	s0 =	stileid.u32;
	[bflag:$0x2] =	sbarrier.arrive $0xFFFF  }
0x106: {  	p0 =	sne.s32 s0, $0x0;
	s0 =	rddreg [dreg:$0x3]  }
0x107: {  	s0 =	sadd.s32 @!p0 $0x100000, s0  }
0x108: {  	[sflag:s0] =	ssyncadd.tile.s32 @!p0 $0x1;
	_ =	shalt  }
.Lfunc_end2:
_tile_overlayer_lowered:
.L_overlay_start_2:
0x109: {  	(tag) =	ssettag $0x2  }
0x10a: {  	s0 =	rddreg [dreg:$0x0];
	s2 =	stileid.u32  }
0x10b: {  	s1 =	rddreg [dreg:$0x1];
	p0 =	sne.s32 s2, $0x0  }
0x10c: {  	s3 =	rddreg [dreg:$0x2];
	[bflag:$0x3] =	sbarrier.arrive $0xFFFF;
	s2 =	simm.s32 @!p0 $0x1C15  }
0x10d: {  	[timem:s3], [sflag:s2] =	dma.local @!p0 [hbm:s0], s1  }
0x10e: {  	s0 =	simm.s32 @!p0 $0x15  }
0x10f: {  	_ =	swait.ge @!p0 [sflag:s0], s1  }
0x110: {  	s1 =	ssub.s32 @!p0 $0x0, s1;
	[sflag:s0] =	ssyncset.done @!p0 $0x0  }
0x111: {  	[sflag:s0] =	ssyncadd.s32 @!p0 s1  }
0x112: {  	[bflag:$0x3] =	sbarrier.arrive $0xFFFF  }
0x113: {  	_ =	shalt  }

</sc_bundles>
